<compile_context>
chip_gen: v7x
topology: tpu7x:2x2x1
jax: 0.10.2.dev20260603
libtpu: 0.0.44.dev20260713+nightly
codegen_flags: <defaults>
</compile_context>

<pallas_src>
import functools

import jax
import jax.numpy as jnp
from jax import lax
from jax.experimental import pallas as pl
from jax.experimental.pallas import tpu as pltpu
from jax.experimental.pallas import tpu_sc as plsc

N = 10000
E = 160000
F_IN = 128
F_EDGE = 4
EMB = 8
G = 64
MSG_W = 16

NC = 2
NS = 16
NW = NC * NS
CH = 128
NCHUNK = 40
EPW = NCHUNK * CH
E_PAD = EPW * NW

NPAD = 10240
ROWS_PT = NPAD // NS

_MESH = dict(core_axis_name="c", subcore_axis_name="s",
             num_cores=NC, num_subcores=NS)


def _gather_rows(x, src):
    mesh = plsc.VectorSubcoreMesh(**_MESH)

    @functools.partial(
        pl.kernel,
        out_type=jax.ShapeDtypeStruct((E_PAD, F_IN), jnp.float32),
        mesh=mesh,
        scratch_types=[
            pltpu.VMEM((CH,), jnp.int32),
            pltpu.VMEM((CH, F_IN), jnp.float32),
            pltpu.SemaphoreType.DMA,
        ],
    )
    def k(x_hbm, src_hbm, out_hbm, idx_v, rows_v, sem):
        wid = lax.axis_index("s") * NC + lax.axis_index("c")
        base = wid * EPW

        def body(i, carry):
            off = base + i * CH
            pltpu.sync_copy(src_hbm.at[pl.ds(off, CH)], idx_v)
            pltpu.async_copy(x_hbm.at[idx_v], rows_v, sem).wait()
            pltpu.sync_copy(rows_v, out_hbm.at[pl.ds(off, CH)])
            return carry

        lax.fori_loop(0, NCHUNK, body, 0)

    return k(x, src)


BE = 2048


def _edge_block_kernel(xj_ref, attr_ref, wpm_ref, bp_ref, ones_ref, out_ref):
    z = jnp.broadcast_to(bp_ref[...], (BE, EMB * F_IN))
    for k in range(F_EDGE):
        z = z + attr_ref[:, k:k + 1] * wpm_ref[k:k + 1, :]
    xj = xj_ref[...]
    cols = []
    for o in range(EMB):
        prod = jnp.maximum(z[:, o * F_IN:(o + 1) * F_IN], 0.0) * xj
        cols.append(jnp.dot(prod, ones_ref[...],
                            preferred_element_type=jnp.float32))
    iota = lax.broadcasted_iota(jnp.int32, (BE, EMB), 1)
    deg_col = jnp.where(iota == 0, 1.0, 0.0)
    out_ref[...] = jnp.concatenate(cols + [deg_col], axis=1)


def _edge_messages(xj, edge_attr, wpm, bp):
    ones = jnp.ones((F_IN, 1), jnp.float32)
    return pl.pallas_call(
        _edge_block_kernel,
        grid=(E_PAD // BE,),
        in_specs=[
            pl.BlockSpec((BE, F_IN), lambda i: (i, 0)),
            pl.BlockSpec((BE, F_EDGE), lambda i: (i, 0)),
            pl.BlockSpec((F_EDGE, EMB * F_IN), lambda i: (0, 0)),
            pl.BlockSpec((1, EMB * F_IN), lambda i: (0, 0)),
            pl.BlockSpec((F_IN, 1), lambda i: (0, 0)),
        ],
        out_specs=pl.BlockSpec((BE, MSG_W), lambda i: (i, 0)),
        out_shape=jax.ShapeDtypeStruct((E_PAD, MSG_W), jnp.float32),
    )(xj, edge_attr, wpm, bp, ones)


def _scatter_msgs(msg_flat, dst, zeros_flat):
    mesh = plsc.VectorSubcoreMesh(**_MESH)

    @functools.partial(
        pl.kernel,
        out_type=(jax.ShapeDtypeStruct((NC, NS, NPAD * EMB), jnp.float32),
                  jax.ShapeDtypeStruct((NC, NS, NPAD), jnp.float32)),
        mesh=mesh,
        compiler_params=pltpu.CompilerParams(needs_layout_passes=False),
        scratch_types=[
            pltpu.VMEM((CH,), jnp.int32),
            pltpu.VMEM((CH * MSG_W,), jnp.float32),
            pltpu.VMEM((NPAD * EMB,), jnp.float32),
            pltpu.VMEM((NPAD,), jnp.float32),
        ],
    )
    def k(msg_hbm, dst_hbm, zeros_hbm, acc_out, deg_out, dst_v, msg_v,
          acc, deg):
        cid = lax.axis_index("c")
        sid = lax.axis_index("s")
        base = (sid * NC + cid) * EPW

        pltpu.sync_copy(zeros_hbm, acc)
        pltpu.sync_copy(zeros_hbm.at[pl.ds(0, NPAD)], deg)

        lane_i = lax.broadcasted_iota(jnp.int32, (16,), 0)
        mcol = lane_i < EMB
        mdeg = lane_i == EMB
        lane_c = [jnp.full((16,), l, jnp.int32) for l in range(16)]

        def body(i, carry):
            off = base + i * CH
            pltpu.sync_copy(dst_hbm.at[pl.ds(off, CH)], dst_v)
            pltpu.sync_copy(msg_hbm.at[pl.ds(off * MSG_W, CH * MSG_W)],
                            msg_v)
            for g in range(CH // 16):
                dstv = dst_v[pl.ds(g * 16, 16)]
                for lane in range(16):
                    rows = dstv.at[lane_c[lane]].get(
                        mode="promise_in_bounds")
                    vals = msg_v[pl.ds((g * 16 + lane) * MSG_W, 16)]
                    plsc.addupdate_scatter(acc, [rows * EMB + lane_i],
                                           vals, mask=mcol)
                    plsc.addupdate_scatter(deg, [rows], vals, mask=mdeg)
            return carry

        lax.fori_loop(0, NCHUNK, body, 0)

        pltpu.sync_copy(acc, acc_out.at[cid, sid])
        pltpu.sync_copy(deg, deg_out.at[cid, sid])

    return k(msg_flat, dst, zeros_flat)


def _reduce_kernel(acc_ref, deg_ref, accsum_ref, degsum_ref):
    p = pl.program_id(0)

    @pl.when(p == 0)
    def _():
        accsum_ref[...] = jnp.zeros_like(accsum_ref)
        degsum_ref[...] = jnp.zeros_like(degsum_ref)

    accsum_ref[...] += acc_ref[0]
    degsum_ref[...] += deg_ref[0, 0]


def _reduce_partials(acc32, deg32):
    return pl.pallas_call(
        _reduce_kernel,
        grid=(NW,),
        in_specs=[
            pl.BlockSpec((1, NPAD, EMB), lambda p: (p, 0, 0)),
            pl.BlockSpec((1, 1, NPAD), lambda p: (p, 0, 0)),
        ],
        out_specs=[
            pl.BlockSpec((NPAD, EMB), lambda p: (0, 0)),
            pl.BlockSpec((1, NPAD), lambda p: (0, 0)),
        ],
        out_shape=[jax.ShapeDtypeStruct((NPAD, EMB), jnp.float32),
                   jax.ShapeDtypeStruct((1, NPAD), jnp.float32)],
    )(acc32, deg32)


def _final_kernel(acc_ref, degrow_ref, x_ref, wr_ref, bc_ref, batch_ref,
                  w1_ref, b1_ref, w2_ref, b2_ref, out_ref):
    deg_col = jnp.transpose(degrow_ref[0:1, :N])
    agg = acc_ref[:N] / jnp.maximum(deg_col, 1.0)
    root = jnp.dot(x_ref[...], wr_ref[...],
                   preferred_element_type=jnp.float32,
                   precision=lax.Precision.HIGHEST)
    hidden = jnp.maximum(agg + root + bc_ref[...], 0.0)

    bvec = batch_ref[...]
    gids = lax.broadcasted_iota(jnp.int32, (G, N), 0)
    m = (bvec[None, :] == gids)
    mf = m.astype(jnp.float32)
    psum = jnp.dot(mf, hidden, preferred_element_type=jnp.float32,
                   precision=lax.Precision.HIGHEST)
    cnt = jnp.maximum(jnp.sum(mf, axis=1, keepdims=True), 1.0)
    pmean = psum / cnt

    hidden_t = hidden.T
    cols = []
    for o in range(EMB):
        v = jnp.where(m, hidden_t[o:o + 1, :], 0.0)
        cols.append(jnp.max(v, axis=1, keepdims=True))
    pmax = jnp.concatenate(cols, axis=1)

    h = jnp.concatenate([pmax, pmean], axis=1)
    h = jnp.maximum(jnp.dot(h, w1_ref[...],
                            preferred_element_type=jnp.float32,
                            precision=lax.Precision.HIGHEST)
                    + b1_ref[...], 0.0)
    out_ref[...] = jnp.dot(h, w2_ref[...],
                           preferred_element_type=jnp.float32,
                           precision=lax.Precision.HIGHEST) + b2_ref[...]


def _finish(accsum, degsum, x, W_root, b_conv, batch, W1, b1, W2, b2):
    return pl.pallas_call(
        _final_kernel,
        out_shape=jax.ShapeDtypeStruct((G, 1), jnp.float32),
    )(accsum, degsum, x, W_root, b_conv.reshape(1, EMB), batch, W1,
      b1.reshape(1, EMB), W2, b2.reshape(1, 1))


def kernel(x, edge_index, edge_attr, batch, W_nn, b_nn, W_root, b_conv,
           W1, b1, W2, b2):
    pad = E_PAD - E
    src = jnp.pad(edge_index[0], (0, pad))
    dst = jnp.pad(edge_index[1], (0, pad), constant_values=N)
    attr_p = jnp.pad(edge_attr, ((0, pad), (0, 0)))
    wpm = W_nn.reshape(F_EDGE, F_IN, EMB).transpose(0, 2, 1).reshape(
        F_EDGE, EMB * F_IN)
    bp = b_nn.reshape(F_IN, EMB).T.reshape(1, EMB * F_IN)

    xj = _gather_rows(x, src)
    msg = _edge_messages(xj, attr_p, wpm, bp)
    zeros_flat = jnp.zeros((NPAD * EMB,), jnp.float32)
    acc32, deg32 = _scatter_msgs(msg.reshape(E_PAD * MSG_W), dst,
                                 zeros_flat)
    accsum, degsum = _reduce_partials(acc32.reshape(NW, NPAD, EMB),
                                      deg32.reshape(NW, 1, NPAD))
    return _finish(accsum, degsum, x, W_root, b_conv, batch,
                   W1, b1, W2, b2)

# --- scband reference (transcript-rebuilt; emitter-appended) ---
"""Pipeline reference for scband-nn-model-70970039599311 (READ-ONLY COPY).

The authoritative reference and input builder live on the scoring server;
editing this copy changes nothing except your own understanding.
"""

import jax, jax.numpy as jnp
import numpy as np

N = 10000
E = 160000
F_IN = 128
F_EDGE = 4
EMB = 8
G = 64


def setup_inputs(seed: int = 0) -> dict:
    key = jax.random.key(seed)
    ks = jax.random.split(key, 16)
    x = jax.random.normal(ks[0], (N, F_IN), dtype=jnp.float32)
    edge_index = jax.random.randint(ks[1], (2, E), 0, N, dtype=jnp.int32)
    edge_attr = jax.random.normal(ks[2], (E, F_EDGE), dtype=jnp.float32)
    batch = jnp.sort(jax.random.randint(ks[3], (N,), 0, G, dtype=jnp.int32))
    # nn1: Linear(F_EDGE -> F_IN*EMB) + ReLU
    W_nn = jax.random.normal(ks[4], (F_EDGE, F_IN * EMB), dtype=jnp.float32) * 0.05
    b_nn = jax.random.normal(ks[5], (F_IN * EMB,), dtype=jnp.float32) * 0.01
    # NNConv root weight + bias
    W_root = jax.random.normal(ks[6], (F_IN, EMB), dtype=jnp.float32) * 0.05
    b_conv = jax.random.normal(ks[7], (EMB,), dtype=jnp.float32) * 0.01
    # lin1: Linear(2*EMB -> EMB)
    W1 = jax.random.normal(ks[8], (2 * EMB, EMB), dtype=jnp.float32) * 0.1
    b1 = jax.random.normal(ks[9], (EMB,), dtype=jnp.float32) * 0.01
    # lin2: Linear(EMB -> 1)
    W2 = jax.random.normal(ks[10], (EMB, 1), dtype=jnp.float32) * 0.1
    b2 = jax.random.normal(ks[11], (1,), dtype=jnp.float32) * 0.01
    return {"x": x, "edge_index": edge_index, "edge_attr": edge_attr, "batch": batch,
            "W_nn": W_nn, "b_nn": b_nn, "W_root": W_root, "b_conv": b_conv,
            "W1": W1, "b1": b1, "W2": W2, "b2": b2}


def reference(x, edge_index, edge_attr, batch, W_nn, b_nn, W_root, b_conv, W1, b1, W2, b2):
    src = edge_index[0]
    dst = edge_index[1]
    e = edge_attr.shape[0]
    # NNConv: per-edge weight matrix from edge features (nn1 = Linear + ReLU)
    edge_w = jax.nn.relu(edge_attr @ W_nn + b_nn).reshape(e, F_IN, EMB)
    x_j = jnp.take(x, src, axis=0)
    msg = jnp.einsum('ei,eio->eo', x_j, edge_w)
    # aggr='mean' over destination nodes
    deg = jax.ops.segment_sum(jnp.ones((e,), jnp.float32), dst, num_segments=N)
    agg = jax.ops.segment_sum(msg, dst, num_segments=N) / jnp.maximum(deg, 1.0)[:, None]
    conv = agg + x @ W_root + b_conv
    hidden = jax.nn.relu(conv)
    # global max pool + global mean pool over graph assignment `batch`
    pmax = jax.ops.segment_max(hidden, batch, num_segments=G)
    pmax = jnp.where(jnp.isfinite(pmax), pmax, 0.0)
    cnt = jax.ops.segment_sum(jnp.ones((N,), jnp.float32), batch, num_segments=G)
    pmean = jax.ops.segment_sum(hidden, batch, num_segments=G) / jnp.maximum(cnt, 1.0)[:, None]
    h = jnp.concatenate([pmax, pmean], axis=1)
    h = jax.nn.relu(h @ W1 + b1)
    out = h @ W2 + b2
    return out

if __name__ == "__main__":
    import jax
    _d = setup_inputs()
    print(jax.jit(kernel)(*tuple(_d.values())))

</pallas_src>

<mosaic_0001>
#map = affine_map<(d0, d1) -> (0, 0)>
#map1 = affine_map<(d0, d1) -> (0)>
module attributes {stable_mosaic.version = 14 : i64} {
  func.func @k(%arg0: i32, %arg1: i32, %arg2: memref<10000x128xf32, #tpu.memory_space<hbm>>, %arg3: memref<163840xi32, #tpu.memory_space<hbm>>, %arg4: memref<163840x128xf32, #tpu.memory_space<hbm>>, %arg5: memref<128xi32, #tpu.memory_space<vmem>>, %arg6: memref<128x128xf32, #tpu.memory_space<vmem>>, %arg7: memref<!tpu.dma_semaphore, #tpu.memory_space<semaphore_mem>>) attributes {dimension_semantics = [#tpu.dimension_semantics<core_parallel>, #tpu.dimension_semantics<subcore_parallel>], iteration_bounds = array<i64: 2, 16>, scalar_prefetch = 0 : i64, scratch_operands = 3 : i64, tpu.core_type = #tpu.core_type<sc_vector_subcore>, window_params = [{transform_indices = #map}, {transform_indices = #map1}, {transform_indices = #map}]} {
    %mul3A = arith.constant 2 : i32
    %mul3A_0 = arith.muli %arg1, %mul3A : i32
    %add3A = arith.addi %mul3A_0, %arg0 : i32
    %mul3A_1 = arith.constant 5120 : i32
    %mul3A_2 = arith.muli %add3A, %mul3A_1 : i32
    %scan3A = arith.constant 0 : i32
    %scan3A_3 = arith.constant 0 : i32
    %scan3A_4 = arith.constant 40 : i32
    %scan3A_5 = arith.addi %scan3A_3, %scan3A_4 : i32
    %scan3A_6 = arith.constant 1 : i32
    scf.for %scan3A_8 = %scan3A_3 to %scan3A_5 step %scan3A_6  : i32 {
      %mul3A_9 = arith.constant 128 : i32
      %mul3A_10 = arith.muli %scan3A_8, %mul3A_9 : i32
      %add3A_11 = arith.addi %mul3A_2, %mul3A_10 : i32
      "tpu.region"() ({
        %run_scoped3A = tpu.sem_alloc : memref<!tpu.dma_semaphore, #tpu.memory_space<semaphore_mem>>
        %dma_start3A_16 = tpu.memref_slice %arg3[%add3A_11] : memref<163840xi32, #tpu.memory_space<hbm>> -> memref<128xi32, #tpu.memory_space<hbm>>
        %dma_start3A_17 = tpu.memref_slice %arg3[%add3A_11] : memref<163840xi32, #tpu.memory_space<hbm>> -> memref<128xi32, #tpu.memory_space<hbm>>
        tpu.enqueue_dma source(%dma_start3A_17 : memref<128xi32, #tpu.memory_space<hbm>>) target(%arg5 : memref<128xi32, #tpu.memory_space<vmem>>) target_semaphore(%run_scoped3A : memref<!tpu.dma_semaphore, #tpu.memory_space<semaphore_mem>>)
        %dma_wait3A_18 = tpu.memref_slice %arg3[%add3A_11] : memref<163840xi32, #tpu.memory_space<hbm>> -> memref<128xi32, #tpu.memory_space<hbm>>
        %dma_wait3A_19 = tpu.memref_slice %arg3[%add3A_11] : memref<163840xi32, #tpu.memory_space<hbm>> -> memref<128xi32, #tpu.memory_space<hbm>>
        tpu.wait_dma2 semaphore(%run_scoped3A : memref<!tpu.dma_semaphore, #tpu.memory_space<semaphore_mem>>) src(%dma_wait3A_19 : memref<128xi32, #tpu.memory_space<hbm>>) dst(%arg5 : memref<128xi32, #tpu.memory_space<vmem>>)
        tpu.yield
      }) : () -> ()
      %dma_start3A = arith.constant 0 : i32
      %dma_start3A_12 = arith.constant 0 : i32
      %dma_start3A_13 = tpu.memref_slice %arg2[%dma_start3A, %dma_start3A_12] : memref<10000x128xf32, #tpu.memory_space<hbm>> -> memref<10000x128xf32, #tpu.memory_space<hbm>>
      tpu.enqueue_indirect_dma source(%dma_start3A_13 : memref<10000x128xf32, #tpu.memory_space<hbm>>) target(%arg6 : memref<128x128xf32, #tpu.memory_space<vmem>>) offsets(%arg5 : memref<128xi32, #tpu.memory_space<vmem>>) semaphore(%arg7 : memref<!tpu.dma_semaphore, #tpu.memory_space<semaphore_mem>>)
      %dma_wait3A = arith.constant 0 : i32
      %dma_wait3A_14 = arith.constant 0 : i32
      %dma_wait3A_15 = tpu.memref_slice %arg2[%dma_wait3A, %dma_wait3A_14] : memref<10000x128xf32, #tpu.memory_space<hbm>> -> memref<10000x128xf32, #tpu.memory_space<hbm>>
      tpu.wait_indirect_dma semaphore(%arg7 : memref<!tpu.dma_semaphore, #tpu.memory_space<semaphore_mem>>) src(%dma_wait3A_15 : memref<10000x128xf32, #tpu.memory_space<hbm>>) dst(%arg6 : memref<128x128xf32, #tpu.memory_space<vmem>>)
      "tpu.region"() ({
        %run_scoped3A = tpu.sem_alloc : memref<!tpu.dma_semaphore, #tpu.memory_space<semaphore_mem>>
        %dma_start3A_16 = arith.constant 0 : i32
        %dma_start3A_17 = tpu.memref_slice %arg4[%add3A_11, %dma_start3A_16] : memref<163840x128xf32, #tpu.memory_space<hbm>> -> memref<128x128xf32, #tpu.memory_space<hbm>>
        %dma_start3A_18 = arith.constant 0 : i32
        %dma_start3A_19 = tpu.memref_slice %arg4[%add3A_11, %dma_start3A_18] : memref<163840x128xf32, #tpu.memory_space<hbm>> -> memref<128x128xf32, #tpu.memory_space<hbm>>
        tpu.enqueue_dma source(%arg6 : memref<128x128xf32, #tpu.memory_space<vmem>>) target(%dma_start3A_19 : memref<128x128xf32, #tpu.memory_space<hbm>>) target_semaphore(%run_scoped3A : memref<!tpu.dma_semaphore, #tpu.memory_space<semaphore_mem>>)
        %dma_wait3A_20 = arith.constant 0 : i32
        %dma_wait3A_21 = tpu.memref_slice %arg4[%add3A_11, %dma_wait3A_20] : memref<163840x128xf32, #tpu.memory_space<hbm>> -> memref<128x128xf32, #tpu.memory_space<hbm>>
        %dma_wait3A_22 = arith.constant 0 : i32
        %dma_wait3A_23 = tpu.memref_slice %arg4[%add3A_11, %dma_wait3A_22] : memref<163840x128xf32, #tpu.memory_space<hbm>> -> memref<128x128xf32, #tpu.memory_space<hbm>>
        tpu.wait_dma2 semaphore(%run_scoped3A : memref<!tpu.dma_semaphore, #tpu.memory_space<semaphore_mem>>) src(%arg6 : memref<128x128xf32, #tpu.memory_space<vmem>>) dst(%dma_wait3A_23 : memref<128x128xf32, #tpu.memory_space<hbm>>)
        tpu.yield
      }) : () -> ()
    }
    %scan3A_7 = arith.constant 40 : i32
    return
  }
}

#map = affine_map<(d0, d1) -> (0)>
#map1 = affine_map<(d0, d1) -> (0, 0, 0)>
module attributes {stable_mosaic.version = 14 : i64} {
  func.func @k(%arg0: i32, %arg1: i32, %arg2: memref<2621440xf32, #tpu.memory_space<hbm>>, %arg3: memref<163840xi32, #tpu.memory_space<hbm>>, %arg4: memref<81920xf32, #tpu.memory_space<hbm>>, %arg5: memref<2x16x81920xf32, #tpu.memory_space<hbm>>, %arg6: memref<2x16x10240xf32, #tpu.memory_space<hbm>>, %arg7: memref<128xi32, #tpu.memory_space<vmem>>, %arg8: memref<2048xf32, #tpu.memory_space<vmem>>, %arg9: memref<81920xf32, #tpu.memory_space<vmem>>, %arg10: memref<10240xf32, #tpu.memory_space<vmem>>) attributes {dimension_semantics = [#tpu.dimension_semantics<core_parallel>, #tpu.dimension_semantics<subcore_parallel>], iteration_bounds = array<i64: 2, 16>, scalar_prefetch = 0 : i64, scratch_operands = 4 : i64, tpu.core_type = #tpu.core_type<sc_vector_subcore>, window_params = [{transform_indices = #map}, {transform_indices = #map}, {transform_indices = #map}, {transform_indices = #map1}, {transform_indices = #map1}]} {
    %mul3A = arith.constant 2 : i32
    %mul3A_0 = arith.muli %arg1, %mul3A : i32
    %add3A = arith.addi %mul3A_0, %arg0 : i32
    %mul3A_1 = arith.constant 5120 : i32
    %mul3A_2 = arith.muli %add3A, %mul3A_1 : i32
    "tpu.region"() ({
      %run_scoped3A = tpu.sem_alloc : memref<!tpu.dma_semaphore, #tpu.memory_space<semaphore_mem>>
      tpu.enqueue_dma source(%arg4 : memref<81920xf32, #tpu.memory_space<hbm>>) target(%arg9 : memref<81920xf32, #tpu.memory_space<vmem>>) target_semaphore(%run_scoped3A : memref<!tpu.dma_semaphore, #tpu.memory_space<semaphore_mem>>)
      tpu.wait_dma2 semaphore(%run_scoped3A : memref<!tpu.dma_semaphore, #tpu.memory_space<semaphore_mem>>) src(%arg4 : memref<81920xf32, #tpu.memory_space<hbm>>) dst(%arg9 : memref<81920xf32, #tpu.memory_space<vmem>>)
      tpu.yield
    }) : () -> ()
    "tpu.region"() ({
      %run_scoped3A = tpu.sem_alloc : memref<!tpu.dma_semaphore, #tpu.memory_space<semaphore_mem>>
      %dma_start3A = arith.constant 0 : i32
      %dma_start3A_43 = tpu.memref_slice %arg4[%dma_start3A] : memref<81920xf32, #tpu.memory_space<hbm>> -> memref<10240xf32, #tpu.memory_space<hbm>>
      %dma_start3A_44 = arith.constant 0 : i32
      %dma_start3A_45 = tpu.memref_slice %arg4[%dma_start3A_44] : memref<81920xf32, #tpu.memory_space<hbm>> -> memref<10240xf32, #tpu.memory_space<hbm>>
      tpu.enqueue_dma source(%dma_start3A_45 : memref<10240xf32, #tpu.memory_space<hbm>>) target(%arg10 : memref<10240xf32, #tpu.memory_space<vmem>>) target_semaphore(%run_scoped3A : memref<!tpu.dma_semaphore, #tpu.memory_space<semaphore_mem>>)
      %dma_wait3A = arith.constant 0 : i32
      %dma_wait3A_46 = tpu.memref_slice %arg4[%dma_wait3A] : memref<81920xf32, #tpu.memory_space<hbm>> -> memref<10240xf32, #tpu.memory_space<hbm>>
      %dma_wait3A_47 = arith.constant 0 : i32
      %dma_wait3A_48 = tpu.memref_slice %arg4[%dma_wait3A_47] : memref<81920xf32, #tpu.memory_space<hbm>> -> memref<10240xf32, #tpu.memory_space<hbm>>
      tpu.wait_dma2 semaphore(%run_scoped3A : memref<!tpu.dma_semaphore, #tpu.memory_space<semaphore_mem>>) src(%dma_wait3A_48 : memref<10240xf32, #tpu.memory_space<hbm>>) dst(%arg10 : memref<10240xf32, #tpu.memory_space<vmem>>)
      tpu.yield
    }) : () -> ()
    %iota3A = tpu.iota {dimensions = array<i32: 0>} : vector<16xi32>
    %lt3A = arith.constant 8 : i32
    %lt3A_3 = vector.broadcast %lt3A : i32 to vector<16xi32>
    %lt3A_4 = arith.cmpi slt, %iota3A, %lt3A_3 : vector<16xi32>
    %eq3A = arith.constant 8 : i32
    %eq3A_5 = vector.broadcast %eq3A : i32 to vector<16xi32>
    %eq3A_6 = arith.cmpi eq, %iota3A, %eq3A_5 : vector<16xi32>
    %broadcast_in_dim3A = arith.constant 0 : i32
    %broadcast_in_dim3A_7 = vector.broadcast %broadcast_in_dim3A : i32 to vector<16xi32>
    %broadcast_in_dim3A_8 = arith.constant 1 : i32
    %broadcast_in_dim3A_9 = vector.broadcast %broadcast_in_dim3A_8 : i32 to vector<16xi32>
    %broadcast_in_dim3A_10 = arith.constant 2 : i32
    %broadcast_in_dim3A_11 = vector.broadcast %broadcast_in_dim3A_10 : i32 to vector<16xi32>
    %broadcast_in_dim3A_12 = arith.constant 3 : i32
    %broadcast_in_dim3A_13 = vector.broadcast %broadcast_in_dim3A_12 : i32 to vector<16xi32>
    %broadcast_in_dim3A_14 = arith.constant 4 : i32
    %broadcast_in_dim3A_15 = vector.broadcast %broadcast_in_dim3A_14 : i32 to vector<16xi32>
    %broadcast_in_dim3A_16 = arith.constant 5 : i32
    %broadcast_in_dim3A_17 = vector.broadcast %broadcast_in_dim3A_16 : i32 to vector<16xi32>
    %broadcast_in_dim3A_18 = arith.constant 6 : i32
    %broadcast_in_dim3A_19 = vector.broadcast %broadcast_in_dim3A_18 : i32 to vector<16xi32>
    %broadcast_in_dim3A_20 = arith.constant 7 : i32
    %broadcast_in_dim3A_21 = vector.broadcast %broadcast_in_dim3A_20 : i32 to vector<16xi32>
    %broadcast_in_dim3A_22 = arith.constant 8 : i32
    %broadcast_in_dim3A_23 = vector.broadcast %broadcast_in_dim3A_22 : i32 to vector<16xi32>
    %broadcast_in_dim3A_24 = arith.constant 9 : i32
    %broadcast_in_dim3A_25 = vector.broadcast %broadcast_in_dim3A_24 : i32 to vector<16xi32>
    %broadcast_in_dim3A_26 = arith.constant 10 : i32
    %broadcast_in_dim3A_27 = vector.broadcast %broadcast_in_dim3A_26 : i32 to vector<16xi32>
    %broadcast_in_dim3A_28 = arith.constant 11 : i32
    %broadcast_in_dim3A_29 = vector.broadcast %broadcast_in_dim3A_28 : i32 to vector<16xi32>
    %broadcast_in_dim3A_30 = arith.constant 12 : i32
    %broadcast_in_dim3A_31 = vector.broadcast %broadcast_in_dim3A_30 : i32 to vector<16xi32>
    %broadcast_in_dim3A_32 = arith.constant 13 : i32
    %broadcast_in_dim3A_33 = vector.broadcast %broadcast_in_dim3A_32 : i32 to vector<16xi32>
    %broadcast_in_dim3A_34 = arith.constant 14 : i32
    %broadcast_in_dim3A_35 = vector.broadcast %broadcast_in_dim3A_34 : i32 to vector<16xi32>
    %broadcast_in_dim3A_36 = arith.constant 15 : i32
    %broadcast_in_dim3A_37 = vector.broadcast %broadcast_in_dim3A_36 : i32 to vector<16xi32>
    %scan3A = arith.constant 0 : i32
    %scan3A_38 = arith.constant 0 : i32
    %scan3A_39 = arith.constant 40 : i32
    %scan3A_40 = arith.addi %scan3A_38, %scan3A_39 : i32
    %scan3A_41 = arith.constant 1 : i32
    scf.for %scan3A_43 = %scan3A_38 to %scan3A_40 step %scan3A_41  : i32 {
      %mul3A_44 = arith.constant 128 : i32
      %mul3A_45 = arith.muli %scan3A_43, %mul3A_44 : i32
      %add3A_46 = arith.addi %mul3A_2, %mul3A_45 : i32
      "tpu.region"() ({
        %run_scoped3A = tpu.sem_alloc : memref<!tpu.dma_semaphore, #tpu.memory_space<semaphore_mem>>
        %dma_start3A = tpu.memref_slice %arg3[%add3A_46] : memref<163840xi32, #tpu.memory_space<hbm>> -> memref<128xi32, #tpu.memory_space<hbm>>
        %dma_start3A_2110 = tpu.memref_slice %arg3[%add3A_46] : memref<163840xi32, #tpu.memory_space<hbm>> -> memref<128xi32, #tpu.memory_space<hbm>>
        tpu.enqueue_dma source(%dma_start3A_2110 : memref<128xi32, #tpu.memory_space<hbm>>) target(%arg7 : memref<128xi32, #tpu.memory_space<vmem>>) target_semaphore(%run_scoped3A : memref<!tpu.dma_semaphore, #tpu.memory_space<semaphore_mem>>)
        %dma_wait3A = tpu.memref_slice %arg3[%add3A_46] : memref<163840xi32, #tpu.memory_space<hbm>> -> memref<128xi32, #tpu.memory_space<hbm>>
        %dma_wait3A_2111 = tpu.memref_slice %arg3[%add3A_46] : memref<163840xi32, #tpu.memory_space<hbm>> -> memref<128xi32, #tpu.memory_space<hbm>>
        tpu.wait_dma2 semaphore(%run_scoped3A : memref<!tpu.dma_semaphore, #tpu.memory_space<semaphore_mem>>) src(%dma_wait3A_2111 : memref<128xi32, #tpu.memory_space<hbm>>) dst(%arg7 : memref<128xi32, #tpu.memory_space<vmem>>)
        tpu.yield
      }) : () -> ()
      %mul3A_47 = arith.constant 16 : i32
      %mul3A_48 = arith.muli %add3A_46, %mul3A_47 : i32
      "tpu.region"() ({
        %run_scoped3A = tpu.sem_alloc : memref<!tpu.dma_semaphore, #tpu.memory_space<semaphore_mem>>
        %dma_start3A = tpu.memref_slice %arg2[%mul3A_48] : memref<2621440xf32, #tpu.memory_space<hbm>> -> memref<2048xf32, #tpu.memory_space<hbm>>
        %dma_start3A_2110 = tpu.memref_slice %arg2[%mul3A_48] : memref<2621440xf32, #tpu.memory_space<hbm>> -> memref<2048xf32, #tpu.memory_space<hbm>>
        tpu.enqueue_dma source(%dma_start3A_2110 : memref<2048xf32, #tpu.memory_space<hbm>>) target(%arg8 : memref<2048xf32, #tpu.memory_space<vmem>>) target_semaphore(%run_scoped3A : memref<!tpu.dma_semaphore, #tpu.memory_space<semaphore_mem>>)
        %dma_wait3A = tpu.memref_slice %arg2[%mul3A_48] : memref<2621440xf32, #tpu.memory_space<hbm>> -> memref<2048xf32, #tpu.memory_space<hbm>>
        %dma_wait3A_2111 = tpu.memref_slice %arg2[%mul3A_48] : memref<2621440xf32, #tpu.memory_space<hbm>> -> memref<2048xf32, #tpu.memory_space<hbm>>
        tpu.wait_dma2 semaphore(%run_scoped3A : memref<!tpu.dma_semaphore, #tpu.memory_space<semaphore_mem>>) src(%dma_wait3A_2111 : memref<2048xf32, #tpu.memory_space<hbm>>) dst(%arg8 : memref<2048xf32, #tpu.memory_space<vmem>>)
        tpu.yield
      }) : () -> ()
      %get3A = arith.constant 0 : index
      %get3A_49 = tpu.vector_load %arg7[%get3A] {strides = array<i32>} : memref<128xi32, #tpu.memory_space<vmem>>, vector<16xi32>,
      %lt3A_50 = arith.constant 0 : i32
      %lt3A_51 = vector.broadcast %lt3A_50 : i32 to vector<16xi32>
      %lt3A_52 = arith.cmpi slt, %broadcast_in_dim3A_7, %lt3A_51 : vector<16xi32>
      %add3A_53 = arith.constant 16 : i32
      %add3A_54 = vector.broadcast %add3A_53 : i32 to vector<16xi32>
      %add3A_55 = arith.addi %broadcast_in_dim3A_7, %add3A_54 : vector<16xi32>
      %select_n3A = arith.select %lt3A_52, %add3A_55, %broadcast_in_dim3A_7 : vector<16xi1>, vector<16xi32>
      %broadcast_in_dim3A_56 = vector.shape_cast %select_n3A : vector<16xi32> to vector<16x1xi32>
      %gather3A = vector.shape_cast %broadcast_in_dim3A_56 : vector<16x1xi32> to vector<16xi32>
      %gather3A_57 = tpu.dynamic_gather %get3A_49[%gather3A] in [0] : vector<16xi32>, vector<16xi32> -> vector<16xi32>
      %get3A_58 = arith.constant 0 : index
      %get3A_59 = tpu.vector_load %arg8[%get3A_58] {strides = array<i32>} : memref<2048xf32, #tpu.memory_space<vmem>>, vector<16xf32>,
      %mul3A_60 = arith.constant 8 : i32
      %mul3A_61 = vector.broadcast %mul3A_60 : i32 to vector<16xi32>
      %mul3A_62 = arith.muli %gather3A_57, %mul3A_61 : vector<16xi32>
      %add3A_63 = arith.addi %mul3A_62, %iota3A : vector<16xi32>
      tpu.vector_store_idx %arg9[%add3A_63], %get3A_59 masked %lt3A_4 {add = true} : memref<81920xf32, #tpu.memory_space<vmem>>[vector<16xi32>], vector<16xf32>, vector<16xi1>
      tpu.vector_store_idx %arg10[%gather3A_57], %get3A_59 masked %eq3A_6 {add = true} : memref<10240xf32, #tpu.memory_space<vmem>>[vector<16xi32>], vector<16xf32>, vector<16xi1>
      %lt3A_64 = arith.constant 0 : i32
      %lt3A_65 = vector.broadcast %lt3A_64 : i32 to vector<16xi32>
      %lt3A_66 = arith.cmpi slt, %broadcast_in_dim3A_9, %lt3A_65 : vector<16xi32>
      %add3A_67 = arith.constant 16 : i32
      %add3A_68 = vector.broadcast %add3A_67 : i32 to vector<16xi32>
      %add3A_69 = arith.addi %broadcast_in_dim3A_9, %add3A_68 : vector<16xi32>
      %select_n3A_70 = arith.select %lt3A_66, %add3A_69, %broadcast_in_dim3A_9 : vector<16xi1>, vector<16xi32>
      %broadcast_in_dim3A_71 = vector.shape_cast %select_n3A_70 : vector<16xi32> to vector<16x1xi32>
      %gather3A_72 = vector.shape_cast %broadcast_in_dim3A_71 : vector<16x1xi32> to vector<16xi32>
      %gather3A_73 = tpu.dynamic_gather %get3A_49[%gather3A_72] in [0] : vector<16xi32>, vector<16xi32> -> vector<16xi32>
      %get3A_74 = arith.constant 16 : index
      %get3A_75 = tpu.vector_load %arg8[%get3A_74] {strides = array<i32>} : memref<2048xf32, #tpu.memory_space<vmem>>, vector<16xf32>,
      %mul3A_76 = arith.constant 8 : i32
      %mul3A_77 = vector.broadcast %mul3A_76 : i32 to vector<16xi32>
      %mul3A_78 = arith.muli %gather3A_73, %mul3A_77 : vector<16xi32>
      %add3A_79 = arith.addi %mul3A_78, %iota3A : vector<16xi32>
      tpu.vector_store_idx %arg9[%add3A_79], %get3A_75 masked %lt3A_4 {add = true} : memref<81920xf32, #tpu.memory_space<vmem>>[vector<16xi32>], vector<16xf32>, vector<16xi1>
      tpu.vector_store_idx %arg10[%gather3A_73], %get3A_75 masked %eq3A_6 {add = true} : memref<10240xf32, #tpu.memory_space<vmem>>[vector<16xi32>], vector<16xf32>, vector<16xi1>
      %lt3A_80 = arith.constant 0 : i32
      %lt3A_81 = vector.broadcast %lt3A_80 : i32 to vector<16xi32>
      %lt3A_82 = arith.cmpi slt, %broadcast_in_dim3A_11, %lt3A_81 : vector<16xi32>
      %add3A_83 = arith.constant 16 : i32
      %add3A_84 = vector.broadcast %add3A_83 : i32 to vector<16xi32>
      %add3A_85 = arith.addi %broadcast_in_dim3A_11, %add3A_84 : vector<16xi32>
      %select_n3A_86 = arith.select %lt3A_82, %add3A_85, %broadcast_in_dim3A_11 : vector<16xi1>, vector<16xi32>
      %broadcast_in_dim3A_87 = vector.shape_cast %select_n3A_86 : vector<16xi32> to vector<16x1xi32>
      %gather3A_88 = vector.shape_cast %broadcast_in_dim3A_87 : vector<16x1xi32> to vector<16xi32>
      %gather3A_89 = tpu.dynamic_gather %get3A_49[%gather3A_88] in [0] : vector<16xi32>, vector<16xi32> -> vector<16xi32>
      %get3A_90 = arith.constant 32 : index
      %get3A_91 = tpu.vector_load %arg8[%get3A_90] {strides = array<i32>} : memref<2048xf32, #tpu.memory_space<vmem>>, vector<16xf32>,
      %mul3A_92 = arith.constant 8 : i32
      %mul3A_93 = vector.broadcast %mul3A_92 : i32 to vector<16xi32>
      %mul3A_94 = arith.muli %gather3A_89, %mul3A_93 : vector<16xi32>
      %add3A_95 = arith.addi %mul3A_94, %iota3A : vector<16xi32>
      tpu.vector_store_idx %arg9[%add3A_95], %get3A_91 masked %lt3A_4 {add = true} : memref<81920xf32, #tpu.memory_space<vmem>>[vector<16xi32>], vector<16xf32>, vector<16xi1>
      tpu.vector_store_idx %arg10[%gather3A_89], %get3A_91 masked %eq3A_6 {add = true} : memref<10240xf32, #tpu.memory_space<vmem>>[vector<16xi32>], vector<16xf32>, vector<16xi1>
      %lt3A_96 = arith.constant 0 : i32
      %lt3A_97 = vector.broadcast %lt3A_96 : i32 to vector<16xi32>
      %lt3A_98 = arith.cmpi slt, %broadcast_in_dim3A_13, %lt3A_97 : vector<16xi32>
      %add3A_99 = arith.constant 16 : i32
      %add3A_100 = vector.broadcast %add3A_99 : i32 to vector<16xi32>
      %add3A_101 = arith.addi %broadcast_in_dim3A_13, %add3A_100 : vector<16xi32>
      %select_n3A_102 = arith.select %lt3A_98, %add3A_101, %broadcast_in_dim3A_13 : vector<16xi1>, vector<16xi32>
      %broadcast_in_dim3A_103 = vector.shape_cast %select_n3A_102 : vector<16xi32> to vector<16x1xi32>
      %gather3A_104 = vector.shape_cast %broadcast_in_dim3A_103 : vector<16x1xi32> to vector<16xi32>
      %gather3A_105 = tpu.dynamic_gather %get3A_49[%gather3A_104] in [0] : vector<16xi32>, vector<16xi32> -> vector<16xi32>
      %get3A_106 = arith.constant 48 : index
      %get3A_107 = tpu.vector_load %arg8[%get3A_106] {strides = array<i32>} : memref<2048xf32, #tpu.memory_space<vmem>>, vector<16xf32>,
      %mul3A_108 = arith.constant 8 : i32
      %mul3A_109 = vector.broadcast %mul3A_108 : i32 to vector<16xi32>
      %mul3A_110 = arith.muli %gather3A_105, %mul3A_109 : vector<16xi32>
      %add3A_111 = arith.addi %mul3A_110, %iota3A : vector<16xi32>
      tpu.vector_store_idx %arg9[%add3A_111], %get3A_107 masked %lt3A_4 {add = true} : memref<81920xf32, #tpu.memory_space<vmem>>[vector<16xi32>], vector<16xf32>, vector<16xi1>
      tpu.vector_store_idx %arg10[%gather3A_105], %get3A_107 masked %eq3A_6 {add = true} : memref<10240xf32, #tpu.memory_space<vmem>>[vector<16xi32>], vector<16xf32>, vector<16xi1>
      %lt3A_112 = arith.constant 0 : i32
      %lt3A_113 = vector.broadcast %lt3A_112 : i32 to vector<16xi32>
      %lt3A_114 = arith.cmpi slt, %broadcast_in_dim3A_15, %lt3A_113 : vector<16xi32>
      %add3A_115 = arith.constant 16 : i32
      %add3A_116 = vector.broadcast %add3A_115 : i32 to vector<16xi32>
      %add3A_117 = arith.addi %broadcast_in_dim3A_15, %add3A_116 : vector<16xi32>
      %select_n3A_118 = arith.select %lt3A_114, %add3A_117, %broadcast_in_dim3A_15 : vector<16xi1>, vector<16xi32>
      %broadcast_in_dim3A_119 = vector.shape_cast %select_n3A_118 : vector<16xi32> to vector<16x1xi32>
      %gather3A_120 = vector.shape_cast %broadcast_in_dim3A_119 : vector<16x1xi32> to vector<16xi32>
      %gather3A_121 = tpu.dynamic_gather %get3A_49[%gather3A_120] in [0] : vector<16xi32>, vector<16xi32> -> vector<16xi32>
      %get3A_122 = arith.constant 64 : index
      %get3A_123 = tpu.vector_load %arg8[%get3A_122] {strides = array<i32>} : memref<2048xf32, #tpu.memory_space<vmem>>, vector<16xf32>,
      %mul3A_124 = arith.constant 8 : i32
      %mul3A_125 = vector.broadcast %mul3A_124 : i32 to vector<16xi32>
      %mul3A_126 = arith.muli %gather3A_121, %mul3A_125 : vector<16xi32>
      %add3A_127 = arith.addi %mul3A_126, %iota3A : vector<16xi32>
      tpu.vector_store_idx %arg9[%add3A_127], %get3A_123 masked %lt3A_4 {add = true} : memref<81920xf32, #tpu.memory_space<vmem>>[vector<16xi32>], vector<16xf32>, vector<16xi1>
      tpu.vector_store_idx %arg10[%gather3A_121], %get3A_123 masked %eq3A_6 {add = true} : memref<10240xf32, #tpu.memory_space<vmem>>[vector<16xi32>], vector<16xf32>, vector<16xi1>
      %lt3A_128 = arith.constant 0 : i32
      %lt3A_129 = vector.broadcast %lt3A_128 : i32 to vector<16xi32>
      %lt3A_130 = arith.cmpi slt, %broadcast_in_dim3A_17, %lt3A_129 : vector<16xi32>
      %add3A_131 = arith.constant 16 : i32
      %add3A_132 = vector.broadcast %add3A_131 : i32 to vector<16xi32>
      %add3A_133 = arith.addi %broadcast_in_dim3A_17, %add3A_132 : vector<16xi32>
      %select_n3A_134 = arith.select %lt3A_130, %add3A_133, %broadcast_in_dim3A_17 : vector<16xi1>, vector<16xi32>
      %broadcast_in_dim3A_135 = vector.shape_cast %select_n3A_134 : vector<16xi32> to vector<16x1xi32>
      %gather3A_136 = vector.shape_cast %broadcast_in_dim3A_135 : vector<16x1xi32> to vector<16xi32>
      %gather3A_137 = tpu.dynamic_gather %get3A_49[%gather3A_136] in [0] : vector<16xi32>, vector<16xi32> -> vector<16xi32>
      %get3A_138 = arith.constant 80 : index
      %get3A_139 = tpu.vector_load %arg8[%get3A_138] {strides = array<i32>} : memref<2048xf32, #tpu.memory_space<vmem>>, vector<16xf32>,
      %mul3A_140 = arith.constant 8 : i32
      %mul3A_141 = vector.broadcast %mul3A_140 : i32 to vector<16xi32>
      %mul3A_142 = arith.muli %gather3A_137, %mul3A_141 : vector<16xi32>
      %add3A_143 = arith.addi %mul3A_142, %iota3A : vector<16xi32>
      tpu.vector_store_idx %arg9[%add3A_143], %get3A_139 masked %lt3A_4 {add = true} : memref<81920xf32, #tpu.memory_space<vmem>>[vector<16xi32>], vector<16xf32>, vector<16xi1>
      tpu.vector_store_idx %arg10[%gather3A_137], %get3A_139 masked %eq3A_6 {add = true} : memref<10240xf32, #tpu.memory_space<vmem>>[vector<16xi32>], vector<16xf32>, vector<16xi1>
      %lt3A_144 = arith.constant 0 : i32
      %lt3A_145 = vector.broadcast %lt3A_144 : i32 to vector<16xi32>
      %lt3A_146 = arith.cmpi slt, %broadcast_in_dim3A_19, %lt3A_145 : vector<16xi32>
      %add3A_147 = arith.constant 16 : i32
      %add3A_148 = vector.broadcast %add3A_147 : i32 to vector<16xi32>
      %add3A_149 = arith.addi %broadcast_in_dim3A_19, %add3A_148 : vector<16xi32>
      %select_n3A_150 = arith.select %lt3A_146, %add3A_149, %broadcast_in_dim3A_19 : vector<16xi1>, vector<16xi32>
      %broadcast_in_dim3A_151 = vector.shape_cast %select_n3A_150 : vector<16xi32> to vector<16x1xi32>
      %gather3A_152 = vector.shape_cast %broadcast_in_dim3A_151 : vector<16x1xi32> to vector<16xi32>
      %gather3A_153 = tpu.dynamic_gather %get3A_49[%gather3A_152] in [0] : vector<16xi32>, vector<16xi32> -> vector<16xi32>
      %get3A_154 = arith.constant 96 : index
      %get3A_155 = tpu.vector_load %arg8[%get3A_154] {strides = array<i32>} : memref<2048xf32, #tpu.memory_space<vmem>>, vector<16xf32>,
      %mul3A_156 = arith.constant 8 : i32
      %mul3A_157 = vector.broadcast %mul3A_156 : i32 to vector<16xi32>
      %mul3A_158 = arith.muli %gather3A_153, %mul3A_157 : vector<16xi32>
      %add3A_159 = arith.addi %mul3A_158, %iota3A : vector<16xi32>
      tpu.vector_store_idx %arg9[%add3A_159], %get3A_155 masked %lt3A_4 {add = true} : memref<81920xf32, #tpu.memory_space<vmem>>[vector<16xi32>], vector<16xf32>, vector<16xi1>
      tpu.vector_store_idx %arg10[%gather3A_153], %get3A_155 masked %eq3A_6 {add = true} : memref<10240xf32, #tpu.memory_space<vmem>>[vector<16xi32>], vector<16xf32>, vector<16xi1>
      %lt3A_160 = arith.constant 0 : i32
      %lt3A_161 = vector.broadcast %lt3A_160 : i32 to vector<16xi32>
      %lt3A_162 = arith.cmpi slt, %broadcast_in_dim3A_21, %lt3A_161 : vector<16xi32>
      %add3A_163 = arith.constant 16 : i32
      %add3A_164 = vector.broadcast %add3A_163 : i32 to vector<16xi32>
      %add3A_165 = arith.addi %broadcast_in_dim3A_21, %add3A_164 : vector<16xi32>
      %select_n3A_166 = arith.select %lt3A_162, %add3A_165, %broadcast_in_dim3A_21 : vector<16xi1>, vector<16xi32>
      %broadcast_in_dim3A_167 = vector.shape_cast %select_n3A_166 : vector<16xi32> to vector<16x1xi32>
      %gather3A_168 = vector.shape_cast %broadcast_in_dim3A_167 : vector<16x1xi32> to vector<16xi32>
      %gather3A_169 = tpu.dynamic_gather %get3A_49[%gather3A_168] in [0] : vector<16xi32>, vector<16xi32> -> vector<16xi32>
      %get3A_170 = arith.constant 112 : index
      %get3A_171 = tpu.vector_load %arg8[%get3A_170] {strides = array<i32>} : memref<2048xf32, #tpu.memory_space<vmem>>, vector<16xf32>,
      %mul3A_172 = arith.constant 8 : i32
      %mul3A_173 = vector.broadcast %mul3A_172 : i32 to vector<16xi32>
      %mul3A_174 = arith.muli %gather3A_169, %mul3A_173 : vector<16xi32>
      %add3A_175 = arith.addi %mul3A_174, %iota3A : vector<16xi32>
      tpu.vector_store_idx %arg9[%add3A_175], %get3A_171 masked %lt3A_4 {add = true} : memref<81920xf32, #tpu.memory_space<vmem>>[vector<16xi32>], vector<16xf32>, vector<16xi1>
      tpu.vector_store_idx %arg10[%gather3A_169], %get3A_171 masked %eq3A_6 {add = true} : memref<10240xf32, #tpu.memory_space<vmem>>[vector<16xi32>], vector<16xf32>, vector<16xi1>
      %lt3A_176 = arith.constant 0 : i32
      %lt3A_177 = vector.broadcast %lt3A_176 : i32 to vector<16xi32>
      %lt3A_178 = arith.cmpi slt, %broadcast_in_dim3A_23, %lt3A_177 : vector<16xi32>
      %add3A_179 = arith.constant 16 : i32
      %add3A_180 = vector.broadcast %add3A_179 : i32 to vector<16xi32>
      %add3A_181 = arith.addi %broadcast_in_dim3A_23, %add3A_180 : vector<16xi32>
      %select_n3A_182 = arith.select %lt3A_178, %add3A_181, %broadcast_in_dim3A_23 : vector<16xi1>, vector<16xi32>
      %broadcast_in_dim3A_183 = vector.shape_cast %select_n3A_182 : vector<16xi32> to vector<16x1xi32>
      %gather3A_184 = vector.shape_cast %broadcast_in_dim3A_183 : vector<16x1xi32> to vector<16xi32>
      %gather3A_185 = tpu.dynamic_gather %get3A_49[%gather3A_184] in [0] : vector<16xi32>, vector<16xi32> -> vector<16xi32>
      %get3A_186 = arith.constant 128 : index
      %get3A_187 = tpu.vector_load %arg8[%get3A_186] {strides = array<i32>} : memref<2048xf32, #tpu.memory_space<vmem>>, vector<16xf32>,
      %mul3A_188 = arith.constant 8 : i32
      %mul3A_189 = vector.broadcast %mul3A_188 : i32 to vector<16xi32>
      %mul3A_190 = arith.muli %gather3A_185, %mul3A_189 : vector<16xi32>
      %add3A_191 = arith.addi %mul3A_190, %iota3A : vector<16xi32>
      tpu.vector_store_idx %arg9[%add3A_191], %get3A_187 masked %lt3A_4 {add = true} : memref<81920xf32, #tpu.memory_space<vmem>>[vector<16xi32>], vector<16xf32>, vector<16xi1>
      tpu.vector_store_idx %arg10[%gather3A_185], %get3A_187 masked %eq3A_6 {add = true} : memref<10240xf32, #tpu.memory_space<vmem>>[vector<16xi32>], vector<16xf32>, vector<16xi1>
      %lt3A_192 = arith.constant 0 : i32
      %lt3A_193 = vector.broadcast %lt3A_192 : i32 to vector<16xi32>
      %lt3A_194 = arith.cmpi slt, %broadcast_in_dim3A_25, %lt3A_193 : vector<16xi32>
      %add3A_195 = arith.constant 16 : i32
      %add3A_196 = vector.broadcast %add3A_195 : i32 to vector<16xi32>
      %add3A_197 = arith.addi %broadcast_in_dim3A_25, %add3A_196 : vector<16xi32>
      %select_n3A_198 = arith.select %lt3A_194, %add3A_197, %broadcast_in_dim3A_25 : vector<16xi1>, vector<16xi32>
      %broadcast_in_dim3A_199 = vector.shape_cast %select_n3A_198 : vector<16xi32> to vector<16x1xi32>
      %gather3A_200 = vector.shape_cast %broadcast_in_dim3A_199 : vector<16x1xi32> to vector<16xi32>
      %gather3A_201 = tpu.dynamic_gather %get3A_49[%gather3A_200] in [0] : vector<16xi32>, vector<16xi32> -> vector<16xi32>
      %get3A_202 = arith.constant 144 : index
      %get3A_203 = tpu.vector_load %arg8[%get3A_202] {strides = array<i32>} : memref<2048xf32, #tpu.memory_space<vmem>>, vector<16xf32>,
      %mul3A_204 = arith.constant 8 : i32
      %mul3A_205 = vector.broadcast %mul3A_204 : i32 to vector<16xi32>
      %mul3A_206 = arith.muli %gather3A_201, %mul3A_205 : vector<16xi32>
      %add3A_207 = arith.addi %mul3A_206, %iota3A : vector<16xi32>
      tpu.vector_store_idx %arg9[%add3A_207], %get3A_203 masked %lt3A_4 {add = true} : memref<81920xf32, #tpu.memory_space<vmem>>[vector<16xi32>], vector<16xf32>, vector<16xi1>
      tpu.vector_store_idx %arg10[%gather3A_201], %get3A_203 masked %eq3A_6 {add = true} : memref<10240xf32, #tpu.memory_space<vmem>>[vector<16xi32>], vector<16xf32>, vector<16xi1>
      %lt3A_208 = arith.constant 0 : i32
      %lt3A_209 = vector.broadcast %lt3A_208 : i32 to vector<16xi32>
      %lt3A_210 = arith.cmpi slt, %broadcast_in_dim3A_27, %lt3A_209 : vector<16xi32>
      %add3A_211 = arith.constant 16 : i32
      %add3A_212 = vector.broadcast %add3A_211 : i32 to vector<16xi32>
      %add3A_213 = arith.addi %broadcast_in_dim3A_27, %add3A_212 : vector<16xi32>
      %select_n3A_214 = arith.select %lt3A_210, %add3A_213, %broadcast_in_dim3A_27 : vector<16xi1>, vector<16xi32>
      %broadcast_in_dim3A_215 = vector.shape_cast %select_n3A_214 : vector<16xi32> to vector<16x1xi32>
      %gather3A_216 = vector.shape_cast %broadcast_in_dim3A_215 : vector<16x1xi32> to vector<16xi32>
      %gather3A_217 = tpu.dynamic_gather %get3A_49[%gather3A_216] in [0] : vector<16xi32>, vector<16xi32> -> vector<16xi32>
      %get3A_218 = arith.constant 160 : index
      %get3A_219 = tpu.vector_load %arg8[%get3A_218] {strides = array<i32>} : memref<2048xf32, #tpu.memory_space<vmem>>, vector<16xf32>,
      %mul3A_220 = arith.constant 8 : i32
      %mul3A_221 = vector.broadcast %mul3A_220 : i32 to vector<16xi32>
      %mul3A_222 = arith.muli %gather3A_217, %mul3A_221 : vector<16xi32>
      %add3A_223 = arith.addi %mul3A_222, %iota3A : vector<16xi32>
      tpu.vector_store_idx %arg9[%add3A_223], %get3A_219 masked %lt3A_4 {add = true} : memref<81920xf32, #tpu.memory_space<vmem>>[vector<16xi32>], vector<16xf32>, vector<16xi1>
      tpu.vector_store_idx %arg10[%gather3A_217], %get3A_219 masked %eq3A_6 {add = true} : memref<10240xf32, #tpu.memory_space<vmem>>[vector<16xi32>], vector<16xf32>, vector<16xi1>
      %lt3A_224 = arith.constant 0 : i32
      %lt3A_225 = vector.broadcast %lt3A_224 : i32 to vector<16xi32>
      %lt3A_226 = arith.cmpi slt, %broadcast_in_dim3A_29, %lt3A_225 : vector<16xi32>
      %add3A_227 = arith.constant 16 : i32
      %add3A_228 = vector.broadcast %add3A_227 : i32 to vector<16xi32>
      %add3A_229 = arith.addi %broadcast_in_dim3A_29, %add3A_228 : vector<16xi32>
      %select_n3A_230 = arith.select %lt3A_226, %add3A_229, %broadcast_in_dim3A_29 : vector<16xi1>, vector<16xi32>
      %broadcast_in_dim3A_231 = vector.shape_cast %select_n3A_230 : vector<16xi32> to vector<16x1xi32>
      %gather3A_232 = vector.shape_cast %broadcast_in_dim3A_231 : vector<16x1xi32> to vector<16xi32>
      %gather3A_233 = tpu.dynamic_gather %get3A_49[%gather3A_232] in [0] : vector<16xi32>, vector<16xi32> -> vector<16xi32>
      %get3A_234 = arith.constant 176 : index
      %get3A_235 = tpu.vector_load %arg8[%get3A_234] {strides = array<i32>} : memref<2048xf32, #tpu.memory_space<vmem>>, vector<16xf32>,
      %mul3A_236 = arith.constant 8 : i32
      %mul3A_237 = vector.broadcast %mul3A_236 : i32 to vector<16xi32>
      %mul3A_238 = arith.muli %gather3A_233, %mul3A_237 : vector<16xi32>
      %add3A_239 = arith.addi %mul3A_238, %iota3A : vector<16xi32>
      tpu.vector_store_idx %arg9[%add3A_239], %get3A_235 masked %lt3A_4 {add = true} : memref<81920xf32, #tpu.memory_space<vmem>>[vector<16xi32>], vector<16xf32>, vector<16xi1>
      tpu.vector_store_idx %arg10[%gather3A_233], %get3A_235 masked %eq3A_6 {add = true} : memref<10240xf32, #tpu.memory_space<vmem>>[vector<16xi32>], vector<16xf32>, vector<16xi1>
      %lt3A_240 = arith.constant 0 : i32
      %lt3A_241 = vector.broadcast %lt3A_240 : i32 to vector<16xi32>
      %lt3A_242 = arith.cmpi slt, %broadcast_in_dim3A_31, %lt3A_241 : vector<16xi32>
      %add3A_243 = arith.constant 16 : i32
      %add3A_244 = vector.broadcast %add3A_243 : i32 to vector<16xi32>
      %add3A_245 = arith.addi %broadcast_in_dim3A_31, %add3A_244 : vector<16xi32>
      %select_n3A_246 = arith.select %lt3A_242, %add3A_245, %broadcast_in_dim3A_31 : vector<16xi1>, vector<16xi32>
      %broadcast_in_dim3A_247 = vector.shape_cast %select_n3A_246 : vector<16xi32> to vector<16x1xi32>
      %gather3A_248 = vector.shape_cast %broadcast_in_dim3A_247 : vector<16x1xi32> to vector<16xi32>
      %gather3A_249 = tpu.dynamic_gather %get3A_49[%gather3A_248] in [0] : vector<16xi32>, vector<16xi32> -> vector<16xi32>
      %get3A_250 = arith.constant 192 : index
      %get3A_251 = tpu.vector_load %arg8[%get3A_250] {strides = array<i32>} : memref<2048xf32, #tpu.memory_space<vmem>>, vector<16xf32>,
      %mul3A_252 = arith.constant 8 : i32
      %mul3A_253 = vector.broadcast %mul3A_252 : i32 to vector<16xi32>
      %mul3A_254 = arith.muli %gather3A_249, %mul3A_253 : vector<16xi32>
      %add3A_255 = arith.addi %mul3A_254, %iota3A : vector<16xi32>
      tpu.vector_store_idx %arg9[%add3A_255], %get3A_251 masked %lt3A_4 {add = true} : memref<81920xf32, #tpu.memory_space<vmem>>[vector<16xi32>], vector<16xf32>, vector<16xi1>
      tpu.vector_store_idx %arg10[%gather3A_249], %get3A_251 masked %eq3A_6 {add = true} : memref<10240xf32, #tpu.memory_space<vmem>>[vector<16xi32>], vector<16xf32>, vector<16xi1>
      %lt3A_256 = arith.constant 0 : i32
      %lt3A_257 = vector.broadcast %lt3A_256 : i32 to vector<16xi32>
      %lt3A_258 = arith.cmpi slt, %broadcast_in_dim3A_33, %lt3A_257 : vector<16xi32>
      %add3A_259 = arith.constant 16 : i32
      %add3A_260 = vector.broadcast %add3A_259 : i32 to vector<16xi32>
      %add3A_261 = arith.addi %broadcast_in_dim3A_33, %add3A_260 : vector<16xi32>
      %select_n3A_262 = arith.select %lt3A_258, %add3A_261, %broadcast_in_dim3A_33 : vector<16xi1>, vector<16xi32>
      %broadcast_in_dim3A_263 = vector.shape_cast %select_n3A_262 : vector<16xi32> to vector<16x1xi32>
      %gather3A_264 = vector.shape_cast %broadcast_in_dim3A_263 : vector<16x1xi32> to vector<16xi32>
      %gather3A_265 = tpu.dynamic_gather %get3A_49[%gather3A_264] in [0] : vector<16xi32>, vector<16xi32> -> vector<16xi32>
      %get3A_266 = arith.constant 208 : index
      %get3A_267 = tpu.vector_load %arg8[%get3A_266] {strides = array<i32>} : memref<2048xf32, #tpu.memory_space<vmem>>, vector<16xf32>,
      %mul3A_268 = arith.constant 8 : i32
      %mul3A_269 = vector.broadcast %mul3A_268 : i32 to vector<16xi32>
      %mul3A_270 = arith.muli %gather3A_265, %mul3A_269 : vector<16xi32>
      %add3A_271 = arith.addi %mul3A_270, %iota3A : vector<16xi32>
      tpu.vector_store_idx %arg9[%add3A_271], %get3A_267 masked %lt3A_4 {add = true} : memref<81920xf32, #tpu.memory_space<vmem>>[vector<16xi32>], vector<16xf32>, vector<16xi1>
      tpu.vector_store_idx %arg10[%gather3A_265], %get3A_267 masked %eq3A_6 {add = true} : memref<10240xf32, #tpu.memory_space<vmem>>[vector<16xi32>], vector<16xf32>, vector<16xi1>
      %lt3A_272 = arith.constant 0 : i32
      %lt3A_273 = vector.broadcast %lt3A_272 : i32 to vector<16xi32>
      %lt3A_274 = arith.cmpi slt, %broadcast_in_dim3A_35, %lt3A_273 : vector<16xi32>
      %add3A_275 = arith.constant 16 : i32
      %add3A_276 = vector.broadcast %add3A_275 : i32 to vector<16xi32>
      %add3A_277 = arith.addi %broadcast_in_dim3A_35, %add3A_276 : vector<16xi32>
      %select_n3A_278 = arith.select %lt3A_274, %add3A_277, %broadcast_in_dim3A_35 : vector<16xi1>, vector<16xi32>
      %broadcast_in_dim3A_279 = vector.shape_cast %select_n3A_278 : vector<16xi32> to vector<16x1xi32>
      %gather3A_280 = vector.shape_cast %broadcast_in_dim3A_279 : vector<16x1xi32> to vector<16xi32>
      %gather3A_281 = tpu.dynamic_gather %get3A_49[%gather3A_280] in [0] : vector<16xi32>, vector<16xi32> -> vector<16xi32>
      %get3A_282 = arith.constant 224 : index
      %get3A_283 = tpu.vector_load %arg8[%get3A_282] {strides = array<i32>} : memref<2048xf32, #tpu.memory_space<vmem>>, vector<16xf32>,
      %mul3A_284 = arith.constant 8 : i32
      %mul3A_285 = vector.broadcast %mul3A_284 : i32 to vector<16xi32>
      %mul3A_286 = arith.muli %gather3A_281, %mul3A_285 : vector<16xi32>
      %add3A_287 = arith.addi %mul3A_286, %iota3A : vector<16xi32>
      tpu.vector_store_idx %arg9[%add3A_287], %get3A_283 masked %lt3A_4 {add = true} : memref<81920xf32, #tpu.memory_space<vmem>>[vector<16xi32>], vector<16xf32>, vector<16xi1>
      tpu.vector_store_idx %arg10[%gather3A_281], %get3A_283 masked %eq3A_6 {add = true} : memref<10240xf32, #tpu.memory_space<vmem>>[vector<16xi32>], vector<16xf32>, vector<16xi1>
      %lt3A_288 = arith.constant 0 : i32
      %lt3A_289 = vector.broadcast %lt3A_288 : i32 to vector<16xi32>
      %lt3A_290 = arith.cmpi slt, %broadcast_in_dim3A_37, %lt3A_289 : vector<16xi32>
      %add3A_291 = arith.constant 16 : i32
      %add3A_292 = vector.broadcast %add3A_291 : i32 to vector<16xi32>
      %add3A_293 = arith.addi %broadcast_in_dim3A_37, %add3A_292 : vector<16xi32>
      %select_n3A_294 = arith.select %lt3A_290, %add3A_293, %broadcast_in_dim3A_37 : vector<16xi1>, vector<16xi32>
      %broadcast_in_dim3A_295 = vector.shape_cast %select_n3A_294 : vector<16xi32> to vector<16x1xi32>
      %gather3A_296 = vector.shape_cast %broadcast_in_dim3A_295 : vector<16x1xi32> to vector<16xi32>
      %gather3A_297 = tpu.dynamic_gather %get3A_49[%gather3A_296] in [0] : vector<16xi32>, vector<16xi32> -> vector<16xi32>
      %get3A_298 = arith.constant 240 : index
      %get3A_299 = tpu.vector_load %arg8[%get3A_298] {strides = array<i32>} : memref<2048xf32, #tpu.memory_space<vmem>>, vector<16xf32>,
      %mul3A_300 = arith.constant 8 : i32
      %mul3A_301 = vector.broadcast %mul3A_300 : i32 to vector<16xi32>
      %mul3A_302 = arith.muli %gather3A_297, %mul3A_301 : vector<16xi32>
      %add3A_303 = arith.addi %mul3A_302, %iota3A : vector<16xi32>
      tpu.vector_store_idx %arg9[%add3A_303], %get3A_299 masked %lt3A_4 {add = true} : memref<81920xf32, #tpu.memory_space<vmem>>[vector<16xi32>], vector<16xf32>, vector<16xi1>
      tpu.vector_store_idx %arg10[%gather3A_297], %get3A_299 masked %eq3A_6 {add = true} : memref<10240xf32, #tpu.memory_space<vmem>>[vector<16xi32>], vector<16xf32>, vector<16xi1>
      %get3A_304 = arith.constant 16 : index
      %get3A_305 = tpu.vector_load %arg7[%get3A_304] {strides = array<i32>} : memref<128xi32, #tpu.memory_space<vmem>>, vector<16xi32>,
      %lt3A_306 = arith.constant 0 : i32
      %lt3A_307 = vector.broadcast %lt3A_306 : i32 to vector<16xi32>
      %lt3A_308 = arith.cmpi slt, %broadcast_in_dim3A_7, %lt3A_307 : vector<16xi32>
      %add3A_309 = arith.constant 16 : i32
      %add3A_310 = vector.broadcast %add3A_309 : i32 to vector<16xi32>
      %add3A_311 = arith.addi %broadcast_in_dim3A_7, %add3A_310 : vector<16xi32>
      %select_n3A_312 = arith.select %lt3A_308, %add3A_311, %broadcast_in_dim3A_7 : vector<16xi1>, vector<16xi32>
      %broadcast_in_dim3A_313 = vector.shape_cast %select_n3A_312 : vector<16xi32> to vector<16x1xi32>
      %gather3A_314 = vector.shape_cast %broadcast_in_dim3A_313 : vector<16x1xi32> to vector<16xi32>
      %gather3A_315 = tpu.dynamic_gather %get3A_305[%gather3A_314] in [0] : vector<16xi32>, vector<16xi32> -> vector<16xi32>
      %get3A_316 = arith.constant 256 : index
      %get3A_317 = tpu.vector_load %arg8[%get3A_316] {strides = array<i32>} : memref<2048xf32, #tpu.memory_space<vmem>>, vector<16xf32>,
      %mul3A_318 = arith.constant 8 : i32
      %mul3A_319 = vector.broadcast %mul3A_318 : i32 to vector<16xi32>
      %mul3A_320 = arith.muli %gather3A_315, %mul3A_319 : vector<16xi32>
      %add3A_321 = arith.addi %mul3A_320, %iota3A : vector<16xi32>
      tpu.vector_store_idx %arg9[%add3A_321], %get3A_317 masked %lt3A_4 {add = true} : memref<81920xf32, #tpu.memory_space<vmem>>[vector<16xi32>], vector<16xf32>, vector<16xi1>
      tpu.vector_store_idx %arg10[%gather3A_315], %get3A_317 masked %eq3A_6 {add = true} : memref<10240xf32, #tpu.memory_space<vmem>>[vector<16xi32>], vector<16xf32>, vector<16xi1>
      %lt3A_322 = arith.constant 0 : i32
      %lt3A_323 = vector.broadcast %lt3A_322 : i32 to vector<16xi32>
      %lt3A_324 = arith.cmpi slt, %broadcast_in_dim3A_9, %lt3A_323 : vector<16xi32>
      %add3A_325 = arith.constant 16 : i32
      %add3A_326 = vector.broadcast %add3A_325 : i32 to vector<16xi32>
      %add3A_327 = arith.addi %broadcast_in_dim3A_9, %add3A_326 : vector<16xi32>
      %select_n3A_328 = arith.select %lt3A_324, %add3A_327, %broadcast_in_dim3A_9 : vector<16xi1>, vector<16xi32>
      %broadcast_in_dim3A_329 = vector.shape_cast %select_n3A_328 : vector<16xi32> to vector<16x1xi32>
      %gather3A_330 = vector.shape_cast %broadcast_in_dim3A_329 : vector<16x1xi32> to vector<16xi32>
      %gather3A_331 = tpu.dynamic_gather %get3A_305[%gather3A_330] in [0] : vector<16xi32>, vector<16xi32> -> vector<16xi32>
      %get3A_332 = arith.constant 272 : index
      %get3A_333 = tpu.vector_load %arg8[%get3A_332] {strides = array<i32>} : memref<2048xf32, #tpu.memory_space<vmem>>, vector<16xf32>,
      %mul3A_334 = arith.constant 8 : i32
      %mul3A_335 = vector.broadcast %mul3A_334 : i32 to vector<16xi32>
      %mul3A_336 = arith.muli %gather3A_331, %mul3A_335 : vector<16xi32>
      %add3A_337 = arith.addi %mul3A_336, %iota3A : vector<16xi32>
      tpu.vector_store_idx %arg9[%add3A_337], %get3A_333 masked %lt3A_4 {add = true} : memref<81920xf32, #tpu.memory_space<vmem>>[vector<16xi32>], vector<16xf32>, vector<16xi1>
      tpu.vector_store_idx %arg10[%gather3A_331], %get3A_333 masked %eq3A_6 {add = true} : memref<10240xf32, #tpu.memory_space<vmem>>[vector<16xi32>], vector<16xf32>, vector<16xi1>
      %lt3A_338 = arith.constant 0 : i32
      %lt3A_339 = vector.broadcast %lt3A_338 : i32 to vector<16xi32>
      %lt3A_340 = arith.cmpi slt, %broadcast_in_dim3A_11, %lt3A_339 : vector<16xi32>
      %add3A_341 = arith.constant 16 : i32
      %add3A_342 = vector.broadcast %add3A_341 : i32 to vector<16xi32>
      %add3A_343 = arith.addi %broadcast_in_dim3A_11, %add3A_342 : vector<16xi32>
      %select_n3A_344 = arith.select %lt3A_340, %add3A_343, %broadcast_in_dim3A_11 : vector<16xi1>, vector<16xi32>
      %broadcast_in_dim3A_345 = vector.shape_cast %select_n3A_344 : vector<16xi32> to vector<16x1xi32>
      %gather3A_346 = vector.shape_cast %broadcast_in_dim3A_345 : vector<16x1xi32> to vector<16xi32>
      %gather3A_347 = tpu.dynamic_gather %get3A_305[%gather3A_346] in [0] : vector<16xi32>, vector<16xi32> -> vector<16xi32>
      %get3A_348 = arith.constant 288 : index
      %get3A_349 = tpu.vector_load %arg8[%get3A_348] {strides = array<i32>} : memref<2048xf32, #tpu.memory_space<vmem>>, vector<16xf32>,
      %mul3A_350 = arith.constant 8 : i32
      %mul3A_351 = vector.broadcast %mul3A_350 : i32 to vector<16xi32>
      %mul3A_352 = arith.muli %gather3A_347, %mul3A_351 : vector<16xi32>
      %add3A_353 = arith.addi %mul3A_352, %iota3A : vector<16xi32>
      tpu.vector_store_idx %arg9[%add3A_353], %get3A_349 masked %lt3A_4 {add = true} : memref<81920xf32, #tpu.memory_space<vmem>>[vector<16xi32>], vector<16xf32>, vector<16xi1>
      tpu.vector_store_idx %arg10[%gather3A_347], %get3A_349 masked %eq3A_6 {add = true} : memref<10240xf32, #tpu.memory_space<vmem>>[vector<16xi32>], vector<16xf32>, vector<16xi1>
      %lt3A_354 = arith.constant 0 : i32
      %lt3A_355 = vector.broadcast %lt3A_354 : i32 to vector<16xi32>
      %lt3A_356 = arith.cmpi slt, %broadcast_in_dim3A_13, %lt3A_355 : vector<16xi32>
      %add3A_357 = arith.constant 16 : i32
      %add3A_358 = vector.broadcast %add3A_357 : i32 to vector<16xi32>
      %add3A_359 = arith.addi %broadcast_in_dim3A_13, %add3A_358 : vector<16xi32>
      %select_n3A_360 = arith.select %lt3A_356, %add3A_359, %broadcast_in_dim3A_13 : vector<16xi1>, vector<16xi32>
      %broadcast_in_dim3A_361 = vector.shape_cast %select_n3A_360 : vector<16xi32> to vector<16x1xi32>
      %gather3A_362 = vector.shape_cast %broadcast_in_dim3A_361 : vector<16x1xi32> to vector<16xi32>
      %gather3A_363 = tpu.dynamic_gather %get3A_305[%gather3A_362] in [0] : vector<16xi32>, vector<16xi32> -> vector<16xi32>
      %get3A_364 = arith.constant 304 : index
      %get3A_365 = tpu.vector_load %arg8[%get3A_364] {strides = array<i32>} : memref<2048xf32, #tpu.memory_space<vmem>>, vector<16xf32>,
      %mul3A_366 = arith.constant 8 : i32
      %mul3A_367 = vector.broadcast %mul3A_366 : i32 to vector<16xi32>
      %mul3A_368 = arith.muli %gather3A_363, %mul3A_367 : vector<16xi32>
      %add3A_369 = arith.addi %mul3A_368, %iota3A : vector<16xi32>
      tpu.vector_store_idx %arg9[%add3A_369], %get3A_365 masked %lt3A_4 {add = true} : memref<81920xf32, #tpu.memory_space<vmem>>[vector<16xi32>], vector<16xf32>, vector<16xi1>
      tpu.vector_store_idx %arg10[%gather3A_363], %get3A_365 masked %eq3A_6 {add = true} : memref<10240xf32, #tpu.memory_space<vmem>>[vector<16xi32>], vector<16xf32>, vector<16xi1>
      %lt3A_370 = arith.constant 0 : i32
      %lt3A_371 = vector.broadcast %lt3A_370 : i32 to vector<16xi32>
      %lt3A_372 = arith.cmpi slt, %broadcast_in_dim3A_15, %lt3A_371 : vector<16xi32>
      %add3A_373 = arith.constant 16 : i32
      %add3A_374 = vector.broadcast %add3A_373 : i32 to vector<16xi32>
      %add3A_375 = arith.addi %broadcast_in_dim3A_15, %add3A_374 : vector<16xi32>
      %select_n3A_376 = arith.select %lt3A_372, %add3A_375, %broadcast_in_dim3A_15 : vector<16xi1>, vector<16xi32>
      %broadcast_in_dim3A_377 = vector.shape_cast %select_n3A_376 : vector<16xi32> to vector<16x1xi32>
      %gather3A_378 = vector.shape_cast %broadcast_in_dim3A_377 : vector<16x1xi32> to vector<16xi32>
      %gather3A_379 = tpu.dynamic_gather %get3A_305[%gather3A_378] in [0] : vector<16xi32>, vector<16xi32> -> vector<16xi32>
      %get3A_380 = arith.constant 320 : index
      %get3A_381 = tpu.vector_load %arg8[%get3A_380] {strides = array<i32>} : memref<2048xf32, #tpu.memory_space<vmem>>, vector<16xf32>,
      %mul3A_382 = arith.constant 8 : i32
      %mul3A_383 = vector.broadcast %mul3A_382 : i32 to vector<16xi32>
      %mul3A_384 = arith.muli %gather3A_379, %mul3A_383 : vector<16xi32>
      %add3A_385 = arith.addi %mul3A_384, %iota3A : vector<16xi32>
      tpu.vector_store_idx %arg9[%add3A_385], %get3A_381 masked %lt3A_4 {add = true} : memref<81920xf32, #tpu.memory_space<vmem>>[vector<16xi32>], vector<16xf32>, vector<16xi1>
      tpu.vector_store_idx %arg10[%gather3A_379], %get3A_381 masked %eq3A_6 {add = true} : memref<10240xf32, #tpu.memory_space<vmem>>[vector<16xi32>], vector<16xf32>, vector<16xi1>
      %lt3A_386 = arith.constant 0 : i32
      %lt3A_387 = vector.broadcast %lt3A_386 : i32 to vector<16xi32>
      %lt3A_388 = arith.cmpi slt, %broadcast_in_dim3A_17, %lt3A_387 : vector<16xi32>
      %add3A_389 = arith.constant 16 : i32
      %add3A_390 = vector.broadcast %add3A_389 : i32 to vector<16xi32>
      %add3A_391 = arith.addi %broadcast_in_dim3A_17, %add3A_390 : vector<16xi32>
      %select_n3A_392 = arith.select %lt3A_388, %add3A_391, %broadcast_in_dim3A_17 : vector<16xi1>, vector<16xi32>
      %broadcast_in_dim3A_393 = vector.shape_cast %select_n3A_392 : vector<16xi32> to vector<16x1xi32>
      %gather3A_394 = vector.shape_cast %broadcast_in_dim3A_393 : vector<16x1xi32> to vector<16xi32>
      %gather3A_395 = tpu.dynamic_gather %get3A_305[%gather3A_394] in [0] : vector<16xi32>, vector<16xi32> -> vector<16xi32>
      %get3A_396 = arith.constant 336 : index
      %get3A_397 = tpu.vector_load %arg8[%get3A_396] {strides = array<i32>} : memref<2048xf32, #tpu.memory_space<vmem>>, vector<16xf32>,
      %mul3A_398 = arith.constant 8 : i32
      %mul3A_399 = vector.broadcast %mul3A_398 : i32 to vector<16xi32>
      %mul3A_400 = arith.muli %gather3A_395, %mul3A_399 : vector<16xi32>
      %add3A_401 = arith.addi %mul3A_400, %iota3A : vector<16xi32>
      tpu.vector_store_idx %arg9[%add3A_401], %get3A_397 masked %lt3A_4 {add = true} : memref<81920xf32, #tpu.memory_space<vmem>>[vector<16xi32>], vector<16xf32>, vector<16xi1>
      tpu.vector_store_idx %arg10[%gather3A_395], %get3A_397 masked %eq3A_6 {add = true} : memref<10240xf32, #tpu.memory_space<vmem>>[vector<16xi32>], vector<16xf32>, vector<16xi1>
      %lt3A_402 = arith.constant 0 : i32
      %lt3A_403 = vector.broadcast %lt3A_402 : i32 to vector<16xi32>
      %lt3A_404 = arith.cmpi slt, %broadcast_in_dim3A_19, %lt3A_403 : vector<16xi32>
      %add3A_405 = arith.constant 16 : i32
      %add3A_406 = vector.broadcast %add3A_405 : i32 to vector<16xi32>
      %add3A_407 = arith.addi %broadcast_in_dim3A_19, %add3A_406 : vector<16xi32>
      %select_n3A_408 = arith.select %lt3A_404, %add3A_407, %broadcast_in_dim3A_19 : vector<16xi1>, vector<16xi32>
      %broadcast_in_dim3A_409 = vector.shape_cast %select_n3A_408 : vector<16xi32> to vector<16x1xi32>
      %gather3A_410 = vector.shape_cast %broadcast_in_dim3A_409 : vector<16x1xi32> to vector<16xi32>
      %gather3A_411 = tpu.dynamic_gather %get3A_305[%gather3A_410] in [0] : vector<16xi32>, vector<16xi32> -> vector<16xi32>
      %get3A_412 = arith.constant 352 : index
      %get3A_413 = tpu.vector_load %arg8[%get3A_412] {strides = array<i32>} : memref<2048xf32, #tpu.memory_space<vmem>>, vector<16xf32>,
      %mul3A_414 = arith.constant 8 : i32
      %mul3A_415 = vector.broadcast %mul3A_414 : i32 to vector<16xi32>
      %mul3A_416 = arith.muli %gather3A_411, %mul3A_415 : vector<16xi32>
      %add3A_417 = arith.addi %mul3A_416, %iota3A : vector<16xi32>
      tpu.vector_store_idx %arg9[%add3A_417], %get3A_413 masked %lt3A_4 {add = true} : memref<81920xf32, #tpu.memory_space<vmem>>[vector<16xi32>], vector<16xf32>, vector<16xi1>
      tpu.vector_store_idx %arg10[%gather3A_411], %get3A_413 masked %eq3A_6 {add = true} : memref<10240xf32, #tpu.memory_space<vmem>>[vector<16xi32>], vector<16xf32>, vector<16xi1>
      %lt3A_418 = arith.constant 0 : i32
      %lt3A_419 = vector.broadcast %lt3A_418 : i32 to vector<16xi32>
      %lt3A_420 = arith.cmpi slt, %broadcast_in_dim3A_21, %lt3A_419 : vector<16xi32>
      %add3A_421 = arith.constant 16 : i32
      %add3A_422 = vector.broadcast %add3A_421 : i32 to vector<16xi32>
      %add3A_423 = arith.addi %broadcast_in_dim3A_21, %add3A_422 : vector<16xi32>
      %select_n3A_424 = arith.select %lt3A_420, %add3A_423, %broadcast_in_dim3A_21 : vector<16xi1>, vector<16xi32>
      %broadcast_in_dim3A_425 = vector.shape_cast %select_n3A_424 : vector<16xi32> to vector<16x1xi32>
      %gather3A_426 = vector.shape_cast %broadcast_in_dim3A_425 : vector<16x1xi32> to vector<16xi32>
      %gather3A_427 = tpu.dynamic_gather %get3A_305[%gather3A_426] in [0] : vector<16xi32>, vector<16xi32> -> vector<16xi32>
      %get3A_428 = arith.constant 368 : index
      %get3A_429 = tpu.vector_load %arg8[%get3A_428] {strides = array<i32>} : memref<2048xf32, #tpu.memory_space<vmem>>, vector<16xf32>,
      %mul3A_430 = arith.constant 8 : i32
      %mul3A_431 = vector.broadcast %mul3A_430 : i32 to vector<16xi32>
      %mul3A_432 = arith.muli %gather3A_427, %mul3A_431 : vector<16xi32>
      %add3A_433 = arith.addi %mul3A_432, %iota3A : vector<16xi32>
      tpu.vector_store_idx %arg9[%add3A_433], %get3A_429 masked %lt3A_4 {add = true} : memref<81920xf32, #tpu.memory_space<vmem>>[vector<16xi32>], vector<16xf32>, vector<16xi1>
      tpu.vector_store_idx %arg10[%gather3A_427], %get3A_429 masked %eq3A_6 {add = true} : memref<10240xf32, #tpu.memory_space<vmem>>[vector<16xi32>], vector<16xf32>, vector<16xi1>
      %lt3A_434 = arith.constant 0 : i32
      %lt3A_435 = vector.broadcast %lt3A_434 : i32 to vector<16xi32>
      %lt3A_436 = arith.cmpi slt, %broadcast_in_dim3A_23, %lt3A_435 : vector<16xi32>
      %add3A_437 = arith.constant 16 : i32
      %add3A_438 = vector.broadcast %add3A_437 : i32 to vector<16xi32>
      %add3A_439 = arith.addi %broadcast_in_dim3A_23, %add3A_438 : vector<16xi32>
      %select_n3A_440 = arith.select %lt3A_436, %add3A_439, %broadcast_in_dim3A_23 : vector<16xi1>, vector<16xi32>
      %broadcast_in_dim3A_441 = vector.shape_cast %select_n3A_440 : vector<16xi32> to vector<16x1xi32>
      %gather3A_442 = vector.shape_cast %broadcast_in_dim3A_441 : vector<16x1xi32> to vector<16xi32>
      %gather3A_443 = tpu.dynamic_gather %get3A_305[%gather3A_442] in [0] : vector<16xi32>, vector<16xi32> -> vector<16xi32>
      %get3A_444 = arith.constant 384 : index
      %get3A_445 = tpu.vector_load %arg8[%get3A_444] {strides = array<i32>} : memref<2048xf32, #tpu.memory_space<vmem>>, vector<16xf32>,
      %mul3A_446 = arith.constant 8 : i32
      %mul3A_447 = vector.broadcast %mul3A_446 : i32 to vector<16xi32>
      %mul3A_448 = arith.muli %gather3A_443, %mul3A_447 : vector<16xi32>
      %add3A_449 = arith.addi %mul3A_448, %iota3A : vector<16xi32>
      tpu.vector_store_idx %arg9[%add3A_449], %get3A_445 masked %lt3A_4 {add = true} : memref<81920xf32, #tpu.memory_space<vmem>>[vector<16xi32>], vector<16xf32>, vector<16xi1>
      tpu.vector_store_idx %arg10[%gather3A_443], %get3A_445 masked %eq3A_6 {add = true} : memref<10240xf32, #tpu.memory_space<vmem>>[vector<16xi32>], vector<16xf32>, vector<16xi1>
      %lt3A_450 = arith.constant 0 : i32
      %lt3A_451 = vector.broadcast %lt3A_450 : i32 to vector<16xi32>
      %lt3A_452 = arith.cmpi slt, %broadcast_in_dim3A_25, %lt3A_451 : vector<16xi32>
      %add3A_453 = arith.constant 16 : i32
      %add3A_454 = vector.broadcast %add3A_453 : i32 to vector<16xi32>
      %add3A_455 = arith.addi %broadcast_in_dim3A_25, %add3A_454 : vector<16xi32>
      %select_n3A_456 = arith.select %lt3A_452, %add3A_455, %broadcast_in_dim3A_25 : vector<16xi1>, vector<16xi32>
      %broadcast_in_dim3A_457 = vector.shape_cast %select_n3A_456 : vector<16xi32> to vector<16x1xi32>
      %gather3A_458 = vector.shape_cast %broadcast_in_dim3A_457 : vector<16x1xi32> to vector<16xi32>
      %gather3A_459 = tpu.dynamic_gather %get3A_305[%gather3A_458] in [0] : vector<16xi32>, vector<16xi32> -> vector<16xi32>
      %get3A_460 = arith.constant 400 : index
      %get3A_461 = tpu.vector_load %arg8[%get3A_460] {strides = array<i32>} : memref<2048xf32, #tpu.memory_space<vmem>>, vector<16xf32>,
      %mul3A_462 = arith.constant 8 : i32
      %mul3A_463 = vector.broadcast %mul3A_462 : i32 to vector<16xi32>
      %mul3A_464 = arith.muli %gather3A_459, %mul3A_463 : vector<16xi32>
      %add3A_465 = arith.addi %mul3A_464, %iota3A : vector<16xi32>
      tpu.vector_store_idx %arg9[%add3A_465], %get3A_461 masked %lt3A_4 {add = true} : memref<81920xf32, #tpu.memory_space<vmem>>[vector<16xi32>], vector<16xf32>, vector<16xi1>
      tpu.vector_store_idx %arg10[%gather3A_459], %get3A_461 masked %eq3A_6 {add = true} : memref<10240xf32, #tpu.memory_space<vmem>>[vector<16xi32>], vector<16xf32>, vector<16xi1>
      %lt3A_466 = arith.constant 0 : i32
      %lt3A_467 = vector.broadcast %lt3A_466 : i32 to vector<16xi32>
      %lt3A_468 = arith.cmpi slt, %broadcast_in_dim3A_27, %lt3A_467 : vector<16xi32>
      %add3A_469 = arith.constant 16 : i32
      %add3A_470 = vector.broadcast %add3A_469 : i32 to vector<16xi32>
      %add3A_471 = arith.addi %broadcast_in_dim3A_27, %add3A_470 : vector<16xi32>
      %select_n3A_472 = arith.select %lt3A_468, %add3A_471, %broadcast_in_dim3A_27 : vector<16xi1>, vector<16xi32>
      %broadcast_in_dim3A_473 = vector.shape_cast %select_n3A_472 : vector<16xi32> to vector<16x1xi32>
      %gather3A_474 = vector.shape_cast %broadcast_in_dim3A_473 : vector<16x1xi32> to vector<16xi32>
      %gather3A_475 = tpu.dynamic_gather %get3A_305[%gather3A_474] in [0] : vector<16xi32>, vector<16xi32> -> vector<16xi32>
      %get3A_476 = arith.constant 416 : index
      %get3A_477 = tpu.vector_load %arg8[%get3A_476] {strides = array<i32>} : memref<2048xf32, #tpu.memory_space<vmem>>, vector<16xf32>,
      %mul3A_478 = arith.constant 8 : i32
      %mul3A_479 = vector.broadcast %mul3A_478 : i32 to vector<16xi32>
      %mul3A_480 = arith.muli %gather3A_475, %mul3A_479 : vector<16xi32>
      %add3A_481 = arith.addi %mul3A_480, %iota3A : vector<16xi32>
      tpu.vector_store_idx %arg9[%add3A_481], %get3A_477 masked %lt3A_4 {add = true} : memref<81920xf32, #tpu.memory_space<vmem>>[vector<16xi32>], vector<16xf32>, vector<16xi1>
      tpu.vector_store_idx %arg10[%gather3A_475], %get3A_477 masked %eq3A_6 {add = true} : memref<10240xf32, #tpu.memory_space<vmem>>[vector<16xi32>], vector<16xf32>, vector<16xi1>
      %lt3A_482 = arith.constant 0 : i32
      %lt3A_483 = vector.broadcast %lt3A_482 : i32 to vector<16xi32>
      %lt3A_484 = arith.cmpi slt, %broadcast_in_dim3A_29, %lt3A_483 : vector<16xi32>
      %add3A_485 = arith.constant 16 : i32
      %add3A_486 = vector.broadcast %add3A_485 : i32 to vector<16xi32>
      %add3A_487 = arith.addi %broadcast_in_dim3A_29, %add3A_486 : vector<16xi32>
      %select_n3A_488 = arith.select %lt3A_484, %add3A_487, %broadcast_in_dim3A_29 : vector<16xi1>, vector<16xi32>
      %broadcast_in_dim3A_489 = vector.shape_cast %select_n3A_488 : vector<16xi32> to vector<16x1xi32>
      %gather3A_490 = vector.shape_cast %broadcast_in_dim3A_489 : vector<16x1xi32> to vector<16xi32>
      %gather3A_491 = tpu.dynamic_gather %get3A_305[%gather3A_490] in [0] : vector<16xi32>, vector<16xi32> -> vector<16xi32>
      %get3A_492 = arith.constant 432 : index
      %get3A_493 = tpu.vector_load %arg8[%get3A_492] {strides = array<i32>} : memref<2048xf32, #tpu.memory_space<vmem>>, vector<16xf32>,
      %mul3A_494 = arith.constant 8 : i32
      %mul3A_495 = vector.broadcast %mul3A_494 : i32 to vector<16xi32>
      %mul3A_496 = arith.muli %gather3A_491, %mul3A_495 : vector<16xi32>
      %add3A_497 = arith.addi %mul3A_496, %iota3A : vector<16xi32>
      tpu.vector_store_idx %arg9[%add3A_497], %get3A_493 masked %lt3A_4 {add = true} : memref<81920xf32, #tpu.memory_space<vmem>>[vector<16xi32>], vector<16xf32>, vector<16xi1>
      tpu.vector_store_idx %arg10[%gather3A_491], %get3A_493 masked %eq3A_6 {add = true} : memref<10240xf32, #tpu.memory_space<vmem>>[vector<16xi32>], vector<16xf32>, vector<16xi1>
      %lt3A_498 = arith.constant 0 : i32
      %lt3A_499 = vector.broadcast %lt3A_498 : i32 to vector<16xi32>
      %lt3A_500 = arith.cmpi slt, %broadcast_in_dim3A_31, %lt3A_499 : vector<16xi32>
      %add3A_501 = arith.constant 16 : i32
      %add3A_502 = vector.broadcast %add3A_501 : i32 to vector<16xi32>
      %add3A_503 = arith.addi %broadcast_in_dim3A_31, %add3A_502 : vector<16xi32>
      %select_n3A_504 = arith.select %lt3A_500, %add3A_503, %broadcast_in_dim3A_31 : vector<16xi1>, vector<16xi32>
      %broadcast_in_dim3A_505 = vector.shape_cast %select_n3A_504 : vector<16xi32> to vector<16x1xi32>
      %gather3A_506 = vector.shape_cast %broadcast_in_dim3A_505 : vector<16x1xi32> to vector<16xi32>
      %gather3A_507 = tpu.dynamic_gather %get3A_305[%gather3A_506] in [0] : vector<16xi32>, vector<16xi32> -> vector<16xi32>
      %get3A_508 = arith.constant 448 : index
      %get3A_509 = tpu.vector_load %arg8[%get3A_508] {strides = array<i32>} : memref<2048xf32, #tpu.memory_space<vmem>>, vector<16xf32>,
      %mul3A_510 = arith.constant 8 : i32
      %mul3A_511 = vector.broadcast %mul3A_510 : i32 to vector<16xi32>
      %mul3A_512 = arith.muli %gather3A_507, %mul3A_511 : vector<16xi32>
      %add3A_513 = arith.addi %mul3A_512, %iota3A : vector<16xi32>
      tpu.vector_store_idx %arg9[%add3A_513], %get3A_509 masked %lt3A_4 {add = true} : memref<81920xf32, #tpu.memory_space<vmem>>[vector<16xi32>], vector<16xf32>, vector<16xi1>
      tpu.vector_store_idx %arg10[%gather3A_507], %get3A_509 masked %eq3A_6 {add = true} : memref<10240xf32, #tpu.memory_space<vmem>>[vector<16xi32>], vector<16xf32>, vector<16xi1>
      %lt3A_514 = arith.constant 0 : i32
      %lt3A_515 = vector.broadcast %lt3A_514 : i32 to vector<16xi32>
      %lt3A_516 = arith.cmpi slt, %broadcast_in_dim3A_33, %lt3A_515 : vector<16xi32>
      %add3A_517 = arith.constant 16 : i32
      %add3A_518 = vector.broadcast %add3A_517 : i32 to vector<16xi32>
      %add3A_519 = arith.addi %broadcast_in_dim3A_33, %add3A_518 : vector<16xi32>
      %select_n3A_520 = arith.select %lt3A_516, %add3A_519, %broadcast_in_dim3A_33 : vector<16xi1>, vector<16xi32>
      %broadcast_in_dim3A_521 = vector.shape_cast %select_n3A_520 : vector<16xi32> to vector<16x1xi32>
      %gather3A_522 = vector.shape_cast %broadcast_in_dim3A_521 : vector<16x1xi32> to vector<16xi32>
      %gather3A_523 = tpu.dynamic_gather %get3A_305[%gather3A_522] in [0] : vector<16xi32>, vector<16xi32> -> vector<16xi32>
      %get3A_524 = arith.constant 464 : index
      %get3A_525 = tpu.vector_load %arg8[%get3A_524] {strides = array<i32>} : memref<2048xf32, #tpu.memory_space<vmem>>, vector<16xf32>,
      %mul3A_526 = arith.constant 8 : i32
      %mul3A_527 = vector.broadcast %mul3A_526 : i32 to vector<16xi32>
      %mul3A_528 = arith.muli %gather3A_523, %mul3A_527 : vector<16xi32>
      %add3A_529 = arith.addi %mul3A_528, %iota3A : vector<16xi32>
      tpu.vector_store_idx %arg9[%add3A_529], %get3A_525 masked %lt3A_4 {add = true} : memref<81920xf32, #tpu.memory_space<vmem>>[vector<16xi32>], vector<16xf32>, vector<16xi1>
      tpu.vector_store_idx %arg10[%gather3A_523], %get3A_525 masked %eq3A_6 {add = true} : memref<10240xf32, #tpu.memory_space<vmem>>[vector<16xi32>], vector<16xf32>, vector<16xi1>
      %lt3A_530 = arith.constant 0 : i32
      %lt3A_531 = vector.broadcast %lt3A_530 : i32 to vector<16xi32>
      %lt3A_532 = arith.cmpi slt, %broadcast_in_dim3A_35, %lt3A_531 : vector<16xi32>
      %add3A_533 = arith.constant 16 : i32
      %add3A_534 = vector.broadcast %add3A_533 : i32 to vector<16xi32>
      %add3A_535 = arith.addi %broadcast_in_dim3A_35, %add3A_534 : vector<16xi32>
      %select_n3A_536 = arith.select %lt3A_532, %add3A_535, %broadcast_in_dim3A_35 : vector<16xi1>, vector<16xi32>
      %broadcast_in_dim3A_537 = vector.shape_cast %select_n3A_536 : vector<16xi32> to vector<16x1xi32>
      %gather3A_538 = vector.shape_cast %broadcast_in_dim3A_537 : vector<16x1xi32> to vector<16xi32>
      %gather3A_539 = tpu.dynamic_gather %get3A_305[%gather3A_538] in [0] : vector<16xi32>, vector<16xi32> -> vector<16xi32>
      %get3A_540 = arith.constant 480 : index
      %get3A_541 = tpu.vector_load %arg8[%get3A_540] {strides = array<i32>} : memref<2048xf32, #tpu.memory_space<vmem>>, vector<16xf32>,
      %mul3A_542 = arith.constant 8 : i32
      %mul3A_543 = vector.broadcast %mul3A_542 : i32 to vector<16xi32>
      %mul3A_544 = arith.muli %gather3A_539, %mul3A_543 : vector<16xi32>
      %add3A_545 = arith.addi %mul3A_544, %iota3A : vector<16xi32>
      tpu.vector_store_idx %arg9[%add3A_545], %get3A_541 masked %lt3A_4 {add = true} : memref<81920xf32, #tpu.memory_space<vmem>>[vector<16xi32>], vector<16xf32>, vector<16xi1>
      tpu.vector_store_idx %arg10[%gather3A_539], %get3A_541 masked %eq3A_6 {add = true} : memref<10240xf32, #tpu.memory_space<vmem>>[vector<16xi32>], vector<16xf32>, vector<16xi1>
      %lt3A_546 = arith.constant 0 : i32
      %lt3A_547 = vector.broadcast %lt3A_546 : i32 to vector<16xi32>
      %lt3A_548 = arith.cmpi slt, %broadcast_in_dim3A_37, %lt3A_547 : vector<16xi32>
      %add3A_549 = arith.constant 16 : i32
      %add3A_550 = vector.broadcast %add3A_549 : i32 to vector<16xi32>
      %add3A_551 = arith.addi %broadcast_in_dim3A_37, %add3A_550 : vector<16xi32>
      %select_n3A_552 = arith.select %lt3A_548, %add3A_551, %broadcast_in_dim3A_37 : vector<16xi1>, vector<16xi32>
      %broadcast_in_dim3A_553 = vector.shape_cast %select_n3A_552 : vector<16xi32> to vector<16x1xi32>
      %gather3A_554 = vector.shape_cast %broadcast_in_dim3A_553 : vector<16x1xi32> to vector<16xi32>
      %gather3A_555 = tpu.dynamic_gather %get3A_305[%gather3A_554] in [0] : vector<16xi32>, vector<16xi32> -> vector<16xi32>
      %get3A_556 = arith.constant 496 : index
      %get3A_557 = tpu.vector_load %arg8[%get3A_556] {strides = array<i32>} : memref<2048xf32, #tpu.memory_space<vmem>>, vector<16xf32>,
      %mul3A_558 = arith.constant 8 : i32
      %mul3A_559 = vector.broadcast %mul3A_558 : i32 to vector<16xi32>
      %mul3A_560 = arith.muli %gather3A_555, %mul3A_559 : vector<16xi32>
      %add3A_561 = arith.addi %mul3A_560, %iota3A : vector<16xi32>
      tpu.vector_store_idx %arg9[%add3A_561], %get3A_557 masked %lt3A_4 {add = true} : memref<81920xf32, #tpu.memory_space<vmem>>[vector<16xi32>], vector<16xf32>, vector<16xi1>
      tpu.vector_store_idx %arg10[%gather3A_555], %get3A_557 masked %eq3A_6 {add = true} : memref<10240xf32, #tpu.memory_space<vmem>>[vector<16xi32>], vector<16xf32>, vector<16xi1>
      %get3A_562 = arith.constant 32 : index
      %get3A_563 = tpu.vector_load %arg7[%get3A_562] {strides = array<i32>} : memref<128xi32, #tpu.memory_space<vmem>>, vector<16xi32>,
      %lt3A_564 = arith.constant 0 : i32
      %lt3A_565 = vector.broadcast %lt3A_564 : i32 to vector<16xi32>
      %lt3A_566 = arith.cmpi slt, %broadcast_in_dim3A_7, %lt3A_565 : vector<16xi32>
      %add3A_567 = arith.constant 16 : i32
      %add3A_568 = vector.broadcast %add3A_567 : i32 to vector<16xi32>
      %add3A_569 = arith.addi %broadcast_in_dim3A_7, %add3A_568 : vector<16xi32>
      %select_n3A_570 = arith.select %lt3A_566, %add3A_569, %broadcast_in_dim3A_7 : vector<16xi1>, vector<16xi32>
      %broadcast_in_dim3A_571 = vector.shape_cast %select_n3A_570 : vector<16xi32> to vector<16x1xi32>
      %gather3A_572 = vector.shape_cast %broadcast_in_dim3A_571 : vector<16x1xi32> to vector<16xi32>
      %gather3A_573 = tpu.dynamic_gather %get3A_563[%gather3A_572] in [0] : vector<16xi32>, vector<16xi32> -> vector<16xi32>
      %get3A_574 = arith.constant 512 : index
      %get3A_575 = tpu.vector_load %arg8[%get3A_574] {strides = array<i32>} : memref<2048xf32, #tpu.memory_space<vmem>>, vector<16xf32>,
      %mul3A_576 = arith.constant 8 : i32
      %mul3A_577 = vector.broadcast %mul3A_576 : i32 to vector<16xi32>
      %mul3A_578 = arith.muli %gather3A_573, %mul3A_577 : vector<16xi32>
      %add3A_579 = arith.addi %mul3A_578, %iota3A : vector<16xi32>
      tpu.vector_store_idx %arg9[%add3A_579], %get3A_575 masked %lt3A_4 {add = true} : memref<81920xf32, #tpu.memory_space<vmem>>[vector<16xi32>], vector<16xf32>, vector<16xi1>
      tpu.vector_store_idx %arg10[%gather3A_573], %get3A_575 masked %eq3A_6 {add = true} : memref<10240xf32, #tpu.memory_space<vmem>>[vector<16xi32>], vector<16xf32>, vector<16xi1>
      %lt3A_580 = arith.constant 0 : i32
      %lt3A_581 = vector.broadcast %lt3A_580 : i32 to vector<16xi32>
      %lt3A_582 = arith.cmpi slt, %broadcast_in_dim3A_9, %lt3A_581 : vector<16xi32>
      %add3A_583 = arith.constant 16 : i32
      %add3A_584 = vector.broadcast %add3A_583 : i32 to vector<16xi32>
      %add3A_585 = arith.addi %broadcast_in_dim3A_9, %add3A_584 : vector<16xi32>
      %select_n3A_586 = arith.select %lt3A_582, %add3A_585, %broadcast_in_dim3A_9 : vector<16xi1>, vector<16xi32>
      %broadcast_in_dim3A_587 = vector.shape_cast %select_n3A_586 : vector<16xi32> to vector<16x1xi32>
      %gather3A_588 = vector.shape_cast %broadcast_in_dim3A_587 : vector<16x1xi32> to vector<16xi32>
      %gather3A_589 = tpu.dynamic_gather %get3A_563[%gather3A_588] in [0] : vector<16xi32>, vector<16xi32> -> vector<16xi32>
      %get3A_590 = arith.constant 528 : index
      %get3A_591 = tpu.vector_load %arg8[%get3A_590] {strides = array<i32>} : memref<2048xf32, #tpu.memory_space<vmem>>, vector<16xf32>,
      %mul3A_592 = arith.constant 8 : i32
      %mul3A_593 = vector.broadcast %mul3A_592 : i32 to vector<16xi32>
      %mul3A_594 = arith.muli %gather3A_589, %mul3A_593 : vector<16xi32>
      %add3A_595 = arith.addi %mul3A_594, %iota3A : vector<16xi32>
      tpu.vector_store_idx %arg9[%add3A_595], %get3A_591 masked %lt3A_4 {add = true} : memref<81920xf32, #tpu.memory_space<vmem>>[vector<16xi32>], vector<16xf32>, vector<16xi1>
      tpu.vector_store_idx %arg10[%gather3A_589], %get3A_591 masked %eq3A_6 {add = true} : memref<10240xf32, #tpu.memory_space<vmem>>[vector<16xi32>], vector<16xf32>, vector<16xi1>
      %lt3A_596 = arith.constant 0 : i32
      %lt3A_597 = vector.broadcast %lt3A_596 : i32 to vector<16xi32>
      %lt3A_598 = arith.cmpi slt, %broadcast_in_dim3A_11, %lt3A_597 : vector<16xi32>
      %add3A_599 = arith.constant 16 : i32
      %add3A_600 = vector.broadcast %add3A_599 : i32 to vector<16xi32>
      %add3A_601 = arith.addi %broadcast_in_dim3A_11, %add3A_600 : vector<16xi32>
      %select_n3A_602 = arith.select %lt3A_598, %add3A_601, %broadcast_in_dim3A_11 : vector<16xi1>, vector<16xi32>
      %broadcast_in_dim3A_603 = vector.shape_cast %select_n3A_602 : vector<16xi32> to vector<16x1xi32>
      %gather3A_604 = vector.shape_cast %broadcast_in_dim3A_603 : vector<16x1xi32> to vector<16xi32>
      %gather3A_605 = tpu.dynamic_gather %get3A_563[%gather3A_604] in [0] : vector<16xi32>, vector<16xi32> -> vector<16xi32>
      %get3A_606 = arith.constant 544 : index
      %get3A_607 = tpu.vector_load %arg8[%get3A_606] {strides = array<i32>} : memref<2048xf32, #tpu.memory_space<vmem>>, vector<16xf32>,
      %mul3A_608 = arith.constant 8 : i32
      %mul3A_609 = vector.broadcast %mul3A_608 : i32 to vector<16xi32>
      %mul3A_610 = arith.muli %gather3A_605, %mul3A_609 : vector<16xi32>
      %add3A_611 = arith.addi %mul3A_610, %iota3A : vector<16xi32>
      tpu.vector_store_idx %arg9[%add3A_611], %get3A_607 masked %lt3A_4 {add = true} : memref<81920xf32, #tpu.memory_space<vmem>>[vector<16xi32>], vector<16xf32>, vector<16xi1>
      tpu.vector_store_idx %arg10[%gather3A_605], %get3A_607 masked %eq3A_6 {add = true} : memref<10240xf32, #tpu.memory_space<vmem>>[vector<16xi32>], vector<16xf32>, vector<16xi1>
      %lt3A_612 = arith.constant 0 : i32
      %lt3A_613 = vector.broadcast %lt3A_612 : i32 to vector<16xi32>
      %lt3A_614 = arith.cmpi slt, %broadcast_in_dim3A_13, %lt3A_613 : vector<16xi32>
      %add3A_615 = arith.constant 16 : i32
      %add3A_616 = vector.broadcast %add3A_615 : i32 to vector<16xi32>
      %add3A_617 = arith.addi %broadcast_in_dim3A_13, %add3A_616 : vector<16xi32>
      %select_n3A_618 = arith.select %lt3A_614, %add3A_617, %broadcast_in_dim3A_13 : vector<16xi1>, vector<16xi32>
      %broadcast_in_dim3A_619 = vector.shape_cast %select_n3A_618 : vector<16xi32> to vector<16x1xi32>
      %gather3A_620 = vector.shape_cast %broadcast_in_dim3A_619 : vector<16x1xi32> to vector<16xi32>
      %gather3A_621 = tpu.dynamic_gather %get3A_563[%gather3A_620] in [0] : vector<16xi32>, vector<16xi32> -> vector<16xi32>
      %get3A_622 = arith.constant 560 : index
      %get3A_623 = tpu.vector_load %arg8[%get3A_622] {strides = array<i32>} : memref<2048xf32, #tpu.memory_space<vmem>>, vector<16xf32>,
      %mul3A_624 = arith.constant 8 : i32
      %mul3A_625 = vector.broadcast %mul3A_624 : i32 to vector<16xi32>
      %mul3A_626 = arith.muli %gather3A_621, %mul3A_625 : vector<16xi32>
      %add3A_627 = arith.addi %mul3A_626, %iota3A : vector<16xi32>
      tpu.vector_store_idx %arg9[%add3A_627], %get3A_623 masked %lt3A_4 {add = true} : memref<81920xf32, #tpu.memory_space<vmem>>[vector<16xi32>], vector<16xf32>, vector<16xi1>
      tpu.vector_store_idx %arg10[%gather3A_621], %get3A_623 masked %eq3A_6 {add = true} : memref<10240xf32, #tpu.memory_space<vmem>>[vector<16xi32>], vector<16xf32>, vector<16xi1>
      %lt3A_628 = arith.constant 0 : i32
      %lt3A_629 = vector.broadcast %lt3A_628 : i32 to vector<16xi32>
      %lt3A_630 = arith.cmpi slt, %broadcast_in_dim3A_15, %lt3A_629 : vector<16xi32>
      %add3A_631 = arith.constant 16 : i32
      %add3A_632 = vector.broadcast %add3A_631 : i32 to vector<16xi32>
      %add3A_633 = arith.addi %broadcast_in_dim3A_15, %add3A_632 : vector<16xi32>
      %select_n3A_634 = arith.select %lt3A_630, %add3A_633, %broadcast_in_dim3A_15 : vector<16xi1>, vector<16xi32>
      %broadcast_in_dim3A_635 = vector.shape_cast %select_n3A_634 : vector<16xi32> to vector<16x1xi32>
      %gather3A_636 = vector.shape_cast %broadcast_in_dim3A_635 : vector<16x1xi32> to vector<16xi32>
      %gather3A_637 = tpu.dynamic_gather %get3A_563[%gather3A_636] in [0] : vector<16xi32>, vector<16xi32> -> vector<16xi32>
      %get3A_638 = arith.constant 576 : index
      %get3A_639 = tpu.vector_load %arg8[%get3A_638] {strides = array<i32>} : memref<2048xf32, #tpu.memory_space<vmem>>, vector<16xf32>,
      %mul3A_640 = arith.constant 8 : i32
      %mul3A_641 = vector.broadcast %mul3A_640 : i32 to vector<16xi32>
      %mul3A_642 = arith.muli %gather3A_637, %mul3A_641 : vector<16xi32>
      %add3A_643 = arith.addi %mul3A_642, %iota3A : vector<16xi32>
      tpu.vector_store_idx %arg9[%add3A_643], %get3A_639 masked %lt3A_4 {add = true} : memref<81920xf32, #tpu.memory_space<vmem>>[vector<16xi32>], vector<16xf32>, vector<16xi1>
      tpu.vector_store_idx %arg10[%gather3A_637], %get3A_639 masked %eq3A_6 {add = true} : memref<10240xf32, #tpu.memory_space<vmem>>[vector<16xi32>], vector<16xf32>, vector<16xi1>
      %lt3A_644 = arith.constant 0 : i32
      %lt3A_645 = vector.broadcast %lt3A_644 : i32 to vector<16xi32>
      %lt3A_646 = arith.cmpi slt, %broadcast_in_dim3A_17, %lt3A_645 : vector<16xi32>
      %add3A_647 = arith.constant 16 : i32
      %add3A_648 = vector.broadcast %add3A_647 : i32 to vector<16xi32>
      %add3A_649 = arith.addi %broadcast_in_dim3A_17, %add3A_648 : vector<16xi32>
      %select_n3A_650 = arith.select %lt3A_646, %add3A_649, %broadcast_in_dim3A_17 : vector<16xi1>, vector<16xi32>
      %broadcast_in_dim3A_651 = vector.shape_cast %select_n3A_650 : vector<16xi32> to vector<16x1xi32>
      %gather3A_652 = vector.shape_cast %broadcast_in_dim3A_651 : vector<16x1xi32> to vector<16xi32>
      %gather3A_653 = tpu.dynamic_gather %get3A_563[%gather3A_652] in [0] : vector<16xi32>, vector<16xi32> -> vector<16xi32>
      %get3A_654 = arith.constant 592 : index
      %get3A_655 = tpu.vector_load %arg8[%get3A_654] {strides = array<i32>} : memref<2048xf32, #tpu.memory_space<vmem>>, vector<16xf32>,
      %mul3A_656 = arith.constant 8 : i32
      %mul3A_657 = vector.broadcast %mul3A_656 : i32 to vector<16xi32>
      %mul3A_658 = arith.muli %gather3A_653, %mul3A_657 : vector<16xi32>
      %add3A_659 = arith.addi %mul3A_658, %iota3A : vector<16xi32>
      tpu.vector_store_idx %arg9[%add3A_659], %get3A_655 masked %lt3A_4 {add = true} : memref<81920xf32, #tpu.memory_space<vmem>>[vector<16xi32>], vector<16xf32>, vector<16xi1>
      tpu.vector_store_idx %arg10[%gather3A_653], %get3A_655 masked %eq3A_6 {add = true} : memref<10240xf32, #tpu.memory_space<vmem>>[vector<16xi32>], vector<16xf32>, vector<16xi1>
      %lt3A_660 = arith.constant 0 : i32
      %lt3A_661 = vector.broadcast %lt3A_660 : i32 to vector<16xi32>
      %lt3A_662 = arith.cmpi slt, %broadcast_in_dim3A_19, %lt3A_661 : vector<16xi32>
      %add3A_663 = arith.constant 16 : i32
      %add3A_664 = vector.broadcast %add3A_663 : i32 to vector<16xi32>
      %add3A_665 = arith.addi %broadcast_in_dim3A_19, %add3A_664 : vector<16xi32>
      %select_n3A_666 = arith.select %lt3A_662, %add3A_665, %broadcast_in_dim3A_19 : vector<16xi1>, vector<16xi32>
      %broadcast_in_dim3A_667 = vector.shape_cast %select_n3A_666 : vector<16xi32> to vector<16x1xi32>
      %gather3A_668 = vector.shape_cast %broadcast_in_dim3A_667 : vector<16x1xi32> to vector<16xi32>
      %gather3A_669 = tpu.dynamic_gather %get3A_563[%gather3A_668] in [0] : vector<16xi32>, vector<16xi32> -> vector<16xi32>
      %get3A_670 = arith.constant 608 : index
      %get3A_671 = tpu.vector_load %arg8[%get3A_670] {strides = array<i32>} : memref<2048xf32, #tpu.memory_space<vmem>>, vector<16xf32>,
      %mul3A_672 = arith.constant 8 : i32
      %mul3A_673 = vector.broadcast %mul3A_672 : i32 to vector<16xi32>
      %mul3A_674 = arith.muli %gather3A_669, %mul3A_673 : vector<16xi32>
      %add3A_675 = arith.addi %mul3A_674, %iota3A : vector<16xi32>
      tpu.vector_store_idx %arg9[%add3A_675], %get3A_671 masked %lt3A_4 {add = true} : memref<81920xf32, #tpu.memory_space<vmem>>[vector<16xi32>], vector<16xf32>, vector<16xi1>
      tpu.vector_store_idx %arg10[%gather3A_669], %get3A_671 masked %eq3A_6 {add = true} : memref<10240xf32, #tpu.memory_space<vmem>>[vector<16xi32>], vector<16xf32>, vector<16xi1>
      %lt3A_676 = arith.constant 0 : i32
      %lt3A_677 = vector.broadcast %lt3A_676 : i32 to vector<16xi32>
      %lt3A_678 = arith.cmpi slt, %broadcast_in_dim3A_21, %lt3A_677 : vector<16xi32>
      %add3A_679 = arith.constant 16 : i32
      %add3A_680 = vector.broadcast %add3A_679 : i32 to vector<16xi32>
      %add3A_681 = arith.addi %broadcast_in_dim3A_21, %add3A_680 : vector<16xi32>
      %select_n3A_682 = arith.select %lt3A_678, %add3A_681, %broadcast_in_dim3A_21 : vector<16xi1>, vector<16xi32>
      %broadcast_in_dim3A_683 = vector.shape_cast %select_n3A_682 : vector<16xi32> to vector<16x1xi32>
      %gather3A_684 = vector.shape_cast %broadcast_in_dim3A_683 : vector<16x1xi32> to vector<16xi32>
      %gather3A_685 = tpu.dynamic_gather %get3A_563[%gather3A_684] in [0] : vector<16xi32>, vector<16xi32> -> vector<16xi32>
      %get3A_686 = arith.constant 624 : index
      %get3A_687 = tpu.vector_load %arg8[%get3A_686] {strides = array<i32>} : memref<2048xf32, #tpu.memory_space<vmem>>, vector<16xf32>,
      %mul3A_688 = arith.constant 8 : i32
      %mul3A_689 = vector.broadcast %mul3A_688 : i32 to vector<16xi32>
      %mul3A_690 = arith.muli %gather3A_685, %mul3A_689 : vector<16xi32>
      %add3A_691 = arith.addi %mul3A_690, %iota3A : vector<16xi32>
      tpu.vector_store_idx %arg9[%add3A_691], %get3A_687 masked %lt3A_4 {add = true} : memref<81920xf32, #tpu.memory_space<vmem>>[vector<16xi32>], vector<16xf32>, vector<16xi1>
      tpu.vector_store_idx %arg10[%gather3A_685], %get3A_687 masked %eq3A_6 {add = true} : memref<10240xf32, #tpu.memory_space<vmem>>[vector<16xi32>], vector<16xf32>, vector<16xi1>
      %lt3A_692 = arith.constant 0 : i32
      %lt3A_693 = vector.broadcast %lt3A_692 : i32 to vector<16xi32>
      %lt3A_694 = arith.cmpi slt, %broadcast_in_dim3A_23, %lt3A_693 : vector<16xi32>
      %add3A_695 = arith.constant 16 : i32
      %add3A_696 = vector.broadcast %add3A_695 : i32 to vector<16xi32>
      %add3A_697 = arith.addi %broadcast_in_dim3A_23, %add3A_696 : vector<16xi32>
      %select_n3A_698 = arith.select %lt3A_694, %add3A_697, %broadcast_in_dim3A_23 : vector<16xi1>, vector<16xi32>
      %broadcast_in_dim3A_699 = vector.shape_cast %select_n3A_698 : vector<16xi32> to vector<16x1xi32>
      %gather3A_700 = vector.shape_cast %broadcast_in_dim3A_699 : vector<16x1xi32> to vector<16xi32>
      %gather3A_701 = tpu.dynamic_gather %get3A_563[%gather3A_700] in [0] : vector<16xi32>, vector<16xi32> -> vector<16xi32>
      %get3A_702 = arith.constant 640 : index
      %get3A_703 = tpu.vector_load %arg8[%get3A_702] {strides = array<i32>} : memref<2048xf32, #tpu.memory_space<vmem>>, vector<16xf32>,
      %mul3A_704 = arith.constant 8 : i32
      %mul3A_705 = vector.broadcast %mul3A_704 : i32 to vector<16xi32>
      %mul3A_706 = arith.muli %gather3A_701, %mul3A_705 : vector<16xi32>
      %add3A_707 = arith.addi %mul3A_706, %iota3A : vector<16xi32>
      tpu.vector_store_idx %arg9[%add3A_707], %get3A_703 masked %lt3A_4 {add = true} : memref<81920xf32, #tpu.memory_space<vmem>>[vector<16xi32>], vector<16xf32>, vector<16xi1>
      tpu.vector_store_idx %arg10[%gather3A_701], %get3A_703 masked %eq3A_6 {add = true} : memref<10240xf32, #tpu.memory_space<vmem>>[vector<16xi32>], vector<16xf32>, vector<16xi1>
      %lt3A_708 = arith.constant 0 : i32
      %lt3A_709 = vector.broadcast %lt3A_708 : i32 to vector<16xi32>
      %lt3A_710 = arith.cmpi slt, %broadcast_in_dim3A_25, %lt3A_709 : vector<16xi32>
      %add3A_711 = arith.constant 16 : i32
      %add3A_712 = vector.broadcast %add3A_711 : i32 to vector<16xi32>
      %add3A_713 = arith.addi %broadcast_in_dim3A_25, %add3A_712 : vector<16xi32>
      %select_n3A_714 = arith.select %lt3A_710, %add3A_713, %broadcast_in_dim3A_25 : vector<16xi1>, vector<16xi32>
      %broadcast_in_dim3A_715 = vector.shape_cast %select_n3A_714 : vector<16xi32> to vector<16x1xi32>
      %gather3A_716 = vector.shape_cast %broadcast_in_dim3A_715 : vector<16x1xi32> to vector<16xi32>
      %gather3A_717 = tpu.dynamic_gather %get3A_563[%gather3A_716] in [0] : vector<16xi32>, vector<16xi32> -> vector<16xi32>
      %get3A_718 = arith.constant 656 : index
      %get3A_719 = tpu.vector_load %arg8[%get3A_718] {strides = array<i32>} : memref<2048xf32, #tpu.memory_space<vmem>>, vector<16xf32>,
      %mul3A_720 = arith.constant 8 : i32
      %mul3A_721 = vector.broadcast %mul3A_720 : i32 to vector<16xi32>
      %mul3A_722 = arith.muli %gather3A_717, %mul3A_721 : vector<16xi32>
      %add3A_723 = arith.addi %mul3A_722, %iota3A : vector<16xi32>
      tpu.vector_store_idx %arg9[%add3A_723], %get3A_719 masked %lt3A_4 {add = true} : memref<81920xf32, #tpu.memory_space<vmem>>[vector<16xi32>], vector<16xf32>, vector<16xi1>
      tpu.vector_store_idx %arg10[%gather3A_717], %get3A_719 masked %eq3A_6 {add = true} : memref<10240xf32, #tpu.memory_space<vmem>>[vector<16xi32>], vector<16xf32>, vector<16xi1>
      %lt3A_724 = arith.constant 0 : i32
      %lt3A_725 = vector.broadcast %lt3A_724 : i32 to vector<16xi32>
      %lt3A_726 = arith.cmpi slt, %broadcast_in_dim3A_27, %lt3A_725 : vector<16xi32>
      %add3A_727 = arith.constant 16 : i32
      %add3A_728 = vector.broadcast %add3A_727 : i32 to vector<16xi32>
      %add3A_729 = arith.addi %broadcast_in_dim3A_27, %add3A_728 : vector<16xi32>
      %select_n3A_730 = arith.select %lt3A_726, %add3A_729, %broadcast_in_dim3A_27 : vector<16xi1>, vector<16xi32>
      %broadcast_in_dim3A_731 = vector.shape_cast %select_n3A_730 : vector<16xi32> to vector<16x1xi32>
      %gather3A_732 = vector.shape_cast %broadcast_in_dim3A_731 : vector<16x1xi32> to vector<16xi32>
      %gather3A_733 = tpu.dynamic_gather %get3A_563[%gather3A_732] in [0] : vector<16xi32>, vector<16xi32> -> vector<16xi32>
      %get3A_734 = arith.constant 672 : index
      %get3A_735 = tpu.vector_load %arg8[%get3A_734] {strides = array<i32>} : memref<2048xf32, #tpu.memory_space<vmem>>, vector<16xf32>,
      %mul3A_736 = arith.constant 8 : i32
      %mul3A_737 = vector.broadcast %mul3A_736 : i32 to vector<16xi32>
      %mul3A_738 = arith.muli %gather3A_733, %mul3A_737 : vector<16xi32>
      %add3A_739 = arith.addi %mul3A_738, %iota3A : vector<16xi32>
      tpu.vector_store_idx %arg9[%add3A_739], %get3A_735 masked %lt3A_4 {add = true} : memref<81920xf32, #tpu.memory_space<vmem>>[vector<16xi32>], vector<16xf32>, vector<16xi1>
      tpu.vector_store_idx %arg10[%gather3A_733], %get3A_735 masked %eq3A_6 {add = true} : memref<10240xf32, #tpu.memory_space<vmem>>[vector<16xi32>], vector<16xf32>, vector<16xi1>
      %lt3A_740 = arith.constant 0 : i32
      %lt3A_741 = vector.broadcast %lt3A_740 : i32 to vector<16xi32>
      %lt3A_742 = arith.cmpi slt, %broadcast_in_dim3A_29, %lt3A_741 : vector<16xi32>
      %add3A_743 = arith.constant 16 : i32
      %add3A_744 = vector.broadcast %add3A_743 : i32 to vector<16xi32>
      %add3A_745 = arith.addi %broadcast_in_dim3A_29, %add3A_744 : vector<16xi32>
      %select_n3A_746 = arith.select %lt3A_742, %add3A_745, %broadcast_in_dim3A_29 : vector<16xi1>, vector<16xi32>
      %broadcast_in_dim3A_747 = vector.shape_cast %select_n3A_746 : vector<16xi32> to vector<16x1xi32>
      %gather3A_748 = vector.shape_cast %broadcast_in_dim3A_747 : vector<16x1xi32> to vector<16xi32>
      %gather3A_749 = tpu.dynamic_gather %get3A_563[%gather3A_748] in [0] : vector<16xi32>, vector<16xi32> -> vector<16xi32>
      %get3A_750 = arith.constant 688 : index
      %get3A_751 = tpu.vector_load %arg8[%get3A_750] {strides = array<i32>} : memref<2048xf32, #tpu.memory_space<vmem>>, vector<16xf32>,
      %mul3A_752 = arith.constant 8 : i32
      %mul3A_753 = vector.broadcast %mul3A_752 : i32 to vector<16xi32>
      %mul3A_754 = arith.muli %gather3A_749, %mul3A_753 : vector<16xi32>
      %add3A_755 = arith.addi %mul3A_754, %iota3A : vector<16xi32>
      tpu.vector_store_idx %arg9[%add3A_755], %get3A_751 masked %lt3A_4 {add = true} : memref<81920xf32, #tpu.memory_space<vmem>>[vector<16xi32>], vector<16xf32>, vector<16xi1>
      tpu.vector_store_idx %arg10[%gather3A_749], %get3A_751 masked %eq3A_6 {add = true} : memref<10240xf32, #tpu.memory_space<vmem>>[vector<16xi32>], vector<16xf32>, vector<16xi1>
      %lt3A_756 = arith.constant 0 : i32
      %lt3A_757 = vector.broadcast %lt3A_756 : i32 to vector<16xi32>
      %lt3A_758 = arith.cmpi slt, %broadcast_in_dim3A_31, %lt3A_757 : vector<16xi32>
      %add3A_759 = arith.constant 16 : i32
      %add3A_760 = vector.broadcast %add3A_759 : i32 to vector<16xi32>
      %add3A_761 = arith.addi %broadcast_in_dim3A_31, %add3A_760 : vector<16xi32>
      %select_n3A_762 = arith.select %lt3A_758, %add3A_761, %broadcast_in_dim3A_31 : vector<16xi1>, vector<16xi32>
      %broadcast_in_dim3A_763 = vector.shape_cast %select_n3A_762 : vector<16xi32> to vector<16x1xi32>
      %gather3A_764 = vector.shape_cast %broadcast_in_dim3A_763 : vector<16x1xi32> to vector<16xi32>
      %gather3A_765 = tpu.dynamic_gather %get3A_563[%gather3A_764] in [0] : vector<16xi32>, vector<16xi32> -> vector<16xi32>
      %get3A_766 = arith.constant 704 : index
      %get3A_767 = tpu.vector_load %arg8[%get3A_766] {strides = array<i32>} : memref<2048xf32, #tpu.memory_space<vmem>>, vector<16xf32>,
      %mul3A_768 = arith.constant 8 : i32
      %mul3A_769 = vector.broadcast %mul3A_768 : i32 to vector<16xi32>
      %mul3A_770 = arith.muli %gather3A_765, %mul3A_769 : vector<16xi32>
      %add3A_771 = arith.addi %mul3A_770, %iota3A : vector<16xi32>
      tpu.vector_store_idx %arg9[%add3A_771], %get3A_767 masked %lt3A_4 {add = true} : memref<81920xf32, #tpu.memory_space<vmem>>[vector<16xi32>], vector<16xf32>, vector<16xi1>
      tpu.vector_store_idx %arg10[%gather3A_765], %get3A_767 masked %eq3A_6 {add = true} : memref<10240xf32, #tpu.memory_space<vmem>>[vector<16xi32>], vector<16xf32>, vector<16xi1>
      %lt3A_772 = arith.constant 0 : i32
      %lt3A_773 = vector.broadcast %lt3A_772 : i32 to vector<16xi32>
      %lt3A_774 = arith.cmpi slt, %broadcast_in_dim3A_33, %lt3A_773 : vector<16xi32>
      %add3A_775 = arith.constant 16 : i32
      %add3A_776 = vector.broadcast %add3A_775 : i32 to vector<16xi32>
      %add3A_777 = arith.addi %broadcast_in_dim3A_33, %add3A_776 : vector<16xi32>
      %select_n3A_778 = arith.select %lt3A_774, %add3A_777, %broadcast_in_dim3A_33 : vector<16xi1>, vector<16xi32>
      %broadcast_in_dim3A_779 = vector.shape_cast %select_n3A_778 : vector<16xi32> to vector<16x1xi32>
      %gather3A_780 = vector.shape_cast %broadcast_in_dim3A_779 : vector<16x1xi32> to vector<16xi32>
      %gather3A_781 = tpu.dynamic_gather %get3A_563[%gather3A_780] in [0] : vector<16xi32>, vector<16xi32> -> vector<16xi32>
      %get3A_782 = arith.constant 720 : index
      %get3A_783 = tpu.vector_load %arg8[%get3A_782] {strides = array<i32>} : memref<2048xf32, #tpu.memory_space<vmem>>, vector<16xf32>,
      %mul3A_784 = arith.constant 8 : i32
      %mul3A_785 = vector.broadcast %mul3A_784 : i32 to vector<16xi32>
      %mul3A_786 = arith.muli %gather3A_781, %mul3A_785 : vector<16xi32>
      %add3A_787 = arith.addi %mul3A_786, %iota3A : vector<16xi32>
      tpu.vector_store_idx %arg9[%add3A_787], %get3A_783 masked %lt3A_4 {add = true} : memref<81920xf32, #tpu.memory_space<vmem>>[vector<16xi32>], vector<16xf32>, vector<16xi1>
      tpu.vector_store_idx %arg10[%gather3A_781], %get3A_783 masked %eq3A_6 {add = true} : memref<10240xf32, #tpu.memory_space<vmem>>[vector<16xi32>], vector<16xf32>, vector<16xi1>
      %lt3A_788 = arith.constant 0 : i32
      %lt3A_789 = vector.broadcast %lt3A_788 : i32 to vector<16xi32>
      %lt3A_790 = arith.cmpi slt, %broadcast_in_dim3A_35, %lt3A_789 : vector<16xi32>
      %add3A_791 = arith.constant 16 : i32
      %add3A_792 = vector.broadcast %add3A_791 : i32 to vector<16xi32>
      %add3A_793 = arith.addi %broadcast_in_dim3A_35, %add3A_792 : vector<16xi32>
      %select_n3A_794 = arith.select %lt3A_790, %add3A_793, %broadcast_in_dim3A_35 : vector<16xi1>, vector<16xi32>
      %broadcast_in_dim3A_795 = vector.shape_cast %select_n3A_794 : vector<16xi32> to vector<16x1xi32>
      %gather3A_796 = vector.shape_cast %broadcast_in_dim3A_795 : vector<16x1xi32> to vector<16xi32>
      %gather3A_797 = tpu.dynamic_gather %get3A_563[%gather3A_796] in [0] : vector<16xi32>, vector<16xi32> -> vector<16xi32>
      %get3A_798 = arith.constant 736 : index
      %get3A_799 = tpu.vector_load %arg8[%get3A_798] {strides = array<i32>} : memref<2048xf32, #tpu.memory_space<vmem>>, vector<16xf32>,
      %mul3A_800 = arith.constant 8 : i32
      %mul3A_801 = vector.broadcast %mul3A_800 : i32 to vector<16xi32>
      %mul3A_802 = arith.muli %gather3A_797, %mul3A_801 : vector<16xi32>
      %add3A_803 = arith.addi %mul3A_802, %iota3A : vector<16xi32>
      tpu.vector_store_idx %arg9[%add3A_803], %get3A_799 masked %lt3A_4 {add = true} : memref<81920xf32, #tpu.memory_space<vmem>>[vector<16xi32>], vector<16xf32>, vector<16xi1>
      tpu.vector_store_idx %arg10[%gather3A_797], %get3A_799 masked %eq3A_6 {add = true} : memref<10240xf32, #tpu.memory_space<vmem>>[vector<16xi32>], vector<16xf32>, vector<16xi1>
      %lt3A_804 = arith.constant 0 : i32
      %lt3A_805 = vector.broadcast %lt3A_804 : i32 to vector<16xi32>
      %lt3A_806 = arith.cmpi slt, %broadcast_in_dim3A_37, %lt3A_805 : vector<16xi32>
      %add3A_807 = arith.constant 16 : i32
      %add3A_808 = vector.broadcast %add3A_807 : i32 to vector<16xi32>
      %add3A_809 = arith.addi %broadcast_in_dim3A_37, %add3A_808 : vector<16xi32>
      %select_n3A_810 = arith.select %lt3A_806, %add3A_809, %broadcast_in_dim3A_37 : vector<16xi1>, vector<16xi32>
      %broadcast_in_dim3A_811 = vector.shape_cast %select_n3A_810 : vector<16xi32> to vector<16x1xi32>
      %gather3A_812 = vector.shape_cast %broadcast_in_dim3A_811 : vector<16x1xi32> to vector<16xi32>
      %gather3A_813 = tpu.dynamic_gather %get3A_563[%gather3A_812] in [0] : vector<16xi32>, vector<16xi32> -> vector<16xi32>
      %get3A_814 = arith.constant 752 : index
      %get3A_815 = tpu.vector_load %arg8[%get3A_814] {strides = array<i32>} : memref<2048xf32, #tpu.memory_space<vmem>>, vector<16xf32>,
      %mul3A_816 = arith.constant 8 : i32
      %mul3A_817 = vector.broadcast %mul3A_816 : i32 to vector<16xi32>
      %mul3A_818 = arith.muli %gather3A_813, %mul3A_817 : vector<16xi32>
      %add3A_819 = arith.addi %mul3A_818, %iota3A : vector<16xi32>
      tpu.vector_store_idx %arg9[%add3A_819], %get3A_815 masked %lt3A_4 {add = true} : memref<81920xf32, #tpu.memory_space<vmem>>[vector<16xi32>], vector<16xf32>, vector<16xi1>
      tpu.vector_store_idx %arg10[%gather3A_813], %get3A_815 masked %eq3A_6 {add = true} : memref<10240xf32, #tpu.memory_space<vmem>>[vector<16xi32>], vector<16xf32>, vector<16xi1>
      %get3A_820 = arith.constant 48 : index
      %get3A_821 = tpu.vector_load %arg7[%get3A_820] {strides = array<i32>} : memref<128xi32, #tpu.memory_space<vmem>>, vector<16xi32>,
      %lt3A_822 = arith.constant 0 : i32
      %lt3A_823 = vector.broadcast %lt3A_822 : i32 to vector<16xi32>
      %lt3A_824 = arith.cmpi slt, %broadcast_in_dim3A_7, %lt3A_823 : vector<16xi32>
      %add3A_825 = arith.constant 16 : i32
      %add3A_826 = vector.broadcast %add3A_825 : i32 to vector<16xi32>
      %add3A_827 = arith.addi %broadcast_in_dim3A_7, %add3A_826 : vector<16xi32>
      %select_n3A_828 = arith.select %lt3A_824, %add3A_827, %broadcast_in_dim3A_7 : vector<16xi1>, vector<16xi32>
      %broadcast_in_dim3A_829 = vector.shape_cast %select_n3A_828 : vector<16xi32> to vector<16x1xi32>
      %gather3A_830 = vector.shape_cast %broadcast_in_dim3A_829 : vector<16x1xi32> to vector<16xi32>
      %gather3A_831 = tpu.dynamic_gather %get3A_821[%gather3A_830] in [0] : vector<16xi32>, vector<16xi32> -> vector<16xi32>
      %get3A_832 = arith.constant 768 : index
      %get3A_833 = tpu.vector_load %arg8[%get3A_832] {strides = array<i32>} : memref<2048xf32, #tpu.memory_space<vmem>>, vector<16xf32>,
      %mul3A_834 = arith.constant 8 : i32
      %mul3A_835 = vector.broadcast %mul3A_834 : i32 to vector<16xi32>
      %mul3A_836 = arith.muli %gather3A_831, %mul3A_835 : vector<16xi32>
      %add3A_837 = arith.addi %mul3A_836, %iota3A : vector<16xi32>
      tpu.vector_store_idx %arg9[%add3A_837], %get3A_833 masked %lt3A_4 {add = true} : memref<81920xf32, #tpu.memory_space<vmem>>[vector<16xi32>], vector<16xf32>, vector<16xi1>
      tpu.vector_store_idx %arg10[%gather3A_831], %get3A_833 masked %eq3A_6 {add = true} : memref<10240xf32, #tpu.memory_space<vmem>>[vector<16xi32>], vector<16xf32>, vector<16xi1>
      %lt3A_838 = arith.constant 0 : i32
      %lt3A_839 = vector.broadcast %lt3A_838 : i32 to vector<16xi32>
      %lt3A_840 = arith.cmpi slt, %broadcast_in_dim3A_9, %lt3A_839 : vector<16xi32>
      %add3A_841 = arith.constant 16 : i32
      %add3A_842 = vector.broadcast %add3A_841 : i32 to vector<16xi32>
      %add3A_843 = arith.addi %broadcast_in_dim3A_9, %add3A_842 : vector<16xi32>
      %select_n3A_844 = arith.select %lt3A_840, %add3A_843, %broadcast_in_dim3A_9 : vector<16xi1>, vector<16xi32>
      %broadcast_in_dim3A_845 = vector.shape_cast %select_n3A_844 : vector<16xi32> to vector<16x1xi32>
      %gather3A_846 = vector.shape_cast %broadcast_in_dim3A_845 : vector<16x1xi32> to vector<16xi32>
      %gather3A_847 = tpu.dynamic_gather %get3A_821[%gather3A_846] in [0] : vector<16xi32>, vector<16xi32> -> vector<16xi32>
      %get3A_848 = arith.constant 784 : index
      %get3A_849 = tpu.vector_load %arg8[%get3A_848] {strides = array<i32>} : memref<2048xf32, #tpu.memory_space<vmem>>, vector<16xf32>,
      %mul3A_850 = arith.constant 8 : i32
      %mul3A_851 = vector.broadcast %mul3A_850 : i32 to vector<16xi32>
      %mul3A_852 = arith.muli %gather3A_847, %mul3A_851 : vector<16xi32>
      %add3A_853 = arith.addi %mul3A_852, %iota3A : vector<16xi32>
      tpu.vector_store_idx %arg9[%add3A_853], %get3A_849 masked %lt3A_4 {add = true} : memref<81920xf32, #tpu.memory_space<vmem>>[vector<16xi32>], vector<16xf32>, vector<16xi1>
      tpu.vector_store_idx %arg10[%gather3A_847], %get3A_849 masked %eq3A_6 {add = true} : memref<10240xf32, #tpu.memory_space<vmem>>[vector<16xi32>], vector<16xf32>, vector<16xi1>
      %lt3A_854 = arith.constant 0 : i32
      %lt3A_855 = vector.broadcast %lt3A_854 : i32 to vector<16xi32>
      %lt3A_856 = arith.cmpi slt, %broadcast_in_dim3A_11, %lt3A_855 : vector<16xi32>
      %add3A_857 = arith.constant 16 : i32
      %add3A_858 = vector.broadcast %add3A_857 : i32 to vector<16xi32>
      %add3A_859 = arith.addi %broadcast_in_dim3A_11, %add3A_858 : vector<16xi32>
      %select_n3A_860 = arith.select %lt3A_856, %add3A_859, %broadcast_in_dim3A_11 : vector<16xi1>, vector<16xi32>
      %broadcast_in_dim3A_861 = vector.shape_cast %select_n3A_860 : vector<16xi32> to vector<16x1xi32>
      %gather3A_862 = vector.shape_cast %broadcast_in_dim3A_861 : vector<16x1xi32> to vector<16xi32>
      %gather3A_863 = tpu.dynamic_gather %get3A_821[%gather3A_862] in [0] : vector<16xi32>, vector<16xi32> -> vector<16xi32>
      %get3A_864 = arith.constant 800 : index
      %get3A_865 = tpu.vector_load %arg8[%get3A_864] {strides = array<i32>} : memref<2048xf32, #tpu.memory_space<vmem>>, vector<16xf32>,
      %mul3A_866 = arith.constant 8 : i32
      %mul3A_867 = vector.broadcast %mul3A_866 : i32 to vector<16xi32>
      %mul3A_868 = arith.muli %gather3A_863, %mul3A_867 : vector<16xi32>
      %add3A_869 = arith.addi %mul3A_868, %iota3A : vector<16xi32>
      tpu.vector_store_idx %arg9[%add3A_869], %get3A_865 masked %lt3A_4 {add = true} : memref<81920xf32, #tpu.memory_space<vmem>>[vector<16xi32>], vector<16xf32>, vector<16xi1>
      tpu.vector_store_idx %arg10[%gather3A_863], %get3A_865 masked %eq3A_6 {add = true} : memref<10240xf32, #tpu.memory_space<vmem>>[vector<16xi32>], vector<16xf32>, vector<16xi1>
      %lt3A_870 = arith.constant 0 : i32
      %lt3A_871 = vector.broadcast %lt3A_870 : i32 to vector<16xi32>
      %lt3A_872 = arith.cmpi slt, %broadcast_in_dim3A_13, %lt3A_871 : vector<16xi32>
      %add3A_873 = arith.constant 16 : i32
      %add3A_874 = vector.broadcast %add3A_873 : i32 to vector<16xi32>
      %add3A_875 = arith.addi %broadcast_in_dim3A_13, %add3A_874 : vector<16xi32>
      %select_n3A_876 = arith.select %lt3A_872, %add3A_875, %broadcast_in_dim3A_13 : vector<16xi1>, vector<16xi32>
      %broadcast_in_dim3A_877 = vector.shape_cast %select_n3A_876 : vector<16xi32> to vector<16x1xi32>
      %gather3A_878 = vector.shape_cast %broadcast_in_dim3A_877 : vector<16x1xi32> to vector<16xi32>
      %gather3A_879 = tpu.dynamic_gather %get3A_821[%gather3A_878] in [0] : vector<16xi32>, vector<16xi32> -> vector<16xi32>
      %get3A_880 = arith.constant 816 : index
      %get3A_881 = tpu.vector_load %arg8[%get3A_880] {strides = array<i32>} : memref<2048xf32, #tpu.memory_space<vmem>>, vector<16xf32>,
      %mul3A_882 = arith.constant 8 : i32
      %mul3A_883 = vector.broadcast %mul3A_882 : i32 to vector<16xi32>
      %mul3A_884 = arith.muli %gather3A_879, %mul3A_883 : vector<16xi32>
      %add3A_885 = arith.addi %mul3A_884, %iota3A : vector<16xi32>
      tpu.vector_store_idx %arg9[%add3A_885], %get3A_881 masked %lt3A_4 {add = true} : memref<81920xf32, #tpu.memory_space<vmem>>[vector<16xi32>], vector<16xf32>, vector<16xi1>
      tpu.vector_store_idx %arg10[%gather3A_879], %get3A_881 masked %eq3A_6 {add = true} : memref<10240xf32, #tpu.memory_space<vmem>>[vector<16xi32>], vector<16xf32>, vector<16xi1>
      %lt3A_886 = arith.constant 0 : i32
      %lt3A_887 = vector.broadcast %lt3A_886 : i32 to vector<16xi32>
      %lt3A_888 = arith.cmpi slt, %broadcast_in_dim3A_15, %lt3A_887 : vector<16xi32>
      %add3A_889 = arith.constant 16 : i32
      %add3A_890 = vector.broadcast %add3A_889 : i32 to vector<16xi32>
      %add3A_891 = arith.addi %broadcast_in_dim3A_15, %add3A_890 : vector<16xi32>
      %select_n3A_892 = arith.select %lt3A_888, %add3A_891, %broadcast_in_dim3A_15 : vector<16xi1>, vector<16xi32>
      %broadcast_in_dim3A_893 = vector.shape_cast %select_n3A_892 : vector<16xi32> to vector<16x1xi32>
      %gather3A_894 = vector.shape_cast %broadcast_in_dim3A_893 : vector<16x1xi32> to vector<16xi32>
      %gather3A_895 = tpu.dynamic_gather %get3A_821[%gather3A_894] in [0] : vector<16xi32>, vector<16xi32> -> vector<16xi32>
      %get3A_896 = arith.constant 832 : index
      %get3A_897 = tpu.vector_load %arg8[%get3A_896] {strides = array<i32>} : memref<2048xf32, #tpu.memory_space<vmem>>, vector<16xf32>,
      %mul3A_898 = arith.constant 8 : i32
      %mul3A_899 = vector.broadcast %mul3A_898 : i32 to vector<16xi32>
      %mul3A_900 = arith.muli %gather3A_895, %mul3A_899 : vector<16xi32>
      %add3A_901 = arith.addi %mul3A_900, %iota3A : vector<16xi32>
      tpu.vector_store_idx %arg9[%add3A_901], %get3A_897 masked %lt3A_4 {add = true} : memref<81920xf32, #tpu.memory_space<vmem>>[vector<16xi32>], vector<16xf32>, vector<16xi1>
      tpu.vector_store_idx %arg10[%gather3A_895], %get3A_897 masked %eq3A_6 {add = true} : memref<10240xf32, #tpu.memory_space<vmem>>[vector<16xi32>], vector<16xf32>, vector<16xi1>
      %lt3A_902 = arith.constant 0 : i32
      %lt3A_903 = vector.broadcast %lt3A_902 : i32 to vector<16xi32>
      %lt3A_904 = arith.cmpi slt, %broadcast_in_dim3A_17, %lt3A_903 : vector<16xi32>
      %add3A_905 = arith.constant 16 : i32
      %add3A_906 = vector.broadcast %add3A_905 : i32 to vector<16xi32>
      %add3A_907 = arith.addi %broadcast_in_dim3A_17, %add3A_906 : vector<16xi32>
      %select_n3A_908 = arith.select %lt3A_904, %add3A_907, %broadcast_in_dim3A_17 : vector<16xi1>, vector<16xi32>
      %broadcast_in_dim3A_909 = vector.shape_cast %select_n3A_908 : vector<16xi32> to vector<16x1xi32>
      %gather3A_910 = vector.shape_cast %broadcast_in_dim3A_909 : vector<16x1xi32> to vector<16xi32>
      %gather3A_911 = tpu.dynamic_gather %get3A_821[%gather3A_910] in [0] : vector<16xi32>, vector<16xi32> -> vector<16xi32>
      %get3A_912 = arith.constant 848 : index
      %get3A_913 = tpu.vector_load %arg8[%get3A_912] {strides = array<i32>} : memref<2048xf32, #tpu.memory_space<vmem>>, vector<16xf32>,
      %mul3A_914 = arith.constant 8 : i32
      %mul3A_915 = vector.broadcast %mul3A_914 : i32 to vector<16xi32>
      %mul3A_916 = arith.muli %gather3A_911, %mul3A_915 : vector<16xi32>
      %add3A_917 = arith.addi %mul3A_916, %iota3A : vector<16xi32>
      tpu.vector_store_idx %arg9[%add3A_917], %get3A_913 masked %lt3A_4 {add = true} : memref<81920xf32, #tpu.memory_space<vmem>>[vector<16xi32>], vector<16xf32>, vector<16xi1>
      tpu.vector_store_idx %arg10[%gather3A_911], %get3A_913 masked %eq3A_6 {add = true} : memref<10240xf32, #tpu.memory_space<vmem>>[vector<16xi32>], vector<16xf32>, vector<16xi1>
      %lt3A_918 = arith.constant 0 : i32
      %lt3A_919 = vector.broadcast %lt3A_918 : i32 to vector<16xi32>
      %lt3A_920 = arith.cmpi slt, %broadcast_in_dim3A_19, %lt3A_919 : vector<16xi32>
      %add3A_921 = arith.constant 16 : i32
      %add3A_922 = vector.broadcast %add3A_921 : i32 to vector<16xi32>
      %add3A_923 = arith.addi %broadcast_in_dim3A_19, %add3A_922 : vector<16xi32>
      %select_n3A_924 = arith.select %lt3A_920, %add3A_923, %broadcast_in_dim3A_19 : vector<16xi1>, vector<16xi32>
      %broadcast_in_dim3A_925 = vector.shape_cast %select_n3A_924 : vector<16xi32> to vector<16x1xi32>
      %gather3A_926 = vector.shape_cast %broadcast_in_dim3A_925 : vector<16x1xi32> to vector<16xi32>
      %gather3A_927 = tpu.dynamic_gather %get3A_821[%gather3A_926] in [0] : vector<16xi32>, vector<16xi32> -> vector<16xi32>
      %get3A_928 = arith.constant 864 : index
      %get3A_929 = tpu.vector_load %arg8[%get3A_928] {strides = array<i32>} : memref<2048xf32, #tpu.memory_space<vmem>>, vector<16xf32>,
      %mul3A_930 = arith.constant 8 : i32
      %mul3A_931 = vector.broadcast %mul3A_930 : i32 to vector<16xi32>
      %mul3A_932 = arith.muli %gather3A_927, %mul3A_931 : vector<16xi32>
      %add3A_933 = arith.addi %mul3A_932, %iota3A : vector<16xi32>
      tpu.vector_store_idx %arg9[%add3A_933], %get3A_929 masked %lt3A_4 {add = true} : memref<81920xf32, #tpu.memory_space<vmem>>[vector<16xi32>], vector<16xf32>, vector<16xi1>
      tpu.vector_store_idx %arg10[%gather3A_927], %get3A_929 masked %eq3A_6 {add = true} : memref<10240xf32, #tpu.memory_space<vmem>>[vector<16xi32>], vector<16xf32>, vector<16xi1>
      %lt3A_934 = arith.constant 0 : i32
      %lt3A_935 = vector.broadcast %lt3A_934 : i32 to vector<16xi32>
      %lt3A_936 = arith.cmpi slt, %broadcast_in_dim3A_21, %lt3A_935 : vector<16xi32>
      %add3A_937 = arith.constant 16 : i32
      %add3A_938 = vector.broadcast %add3A_937 : i32 to vector<16xi32>
      %add3A_939 = arith.addi %broadcast_in_dim3A_21, %add3A_938 : vector<16xi32>
      %select_n3A_940 = arith.select %lt3A_936, %add3A_939, %broadcast_in_dim3A_21 : vector<16xi1>, vector<16xi32>
      %broadcast_in_dim3A_941 = vector.shape_cast %select_n3A_940 : vector<16xi32> to vector<16x1xi32>
      %gather3A_942 = vector.shape_cast %broadcast_in_dim3A_941 : vector<16x1xi32> to vector<16xi32>
      %gather3A_943 = tpu.dynamic_gather %get3A_821[%gather3A_942] in [0] : vector<16xi32>, vector<16xi32> -> vector<16xi32>
      %get3A_944 = arith.constant 880 : index
      %get3A_945 = tpu.vector_load %arg8[%get3A_944] {strides = array<i32>} : memref<2048xf32, #tpu.memory_space<vmem>>, vector<16xf32>,
      %mul3A_946 = arith.constant 8 : i32
      %mul3A_947 = vector.broadcast %mul3A_946 : i32 to vector<16xi32>
      %mul3A_948 = arith.muli %gather3A_943, %mul3A_947 : vector<16xi32>
      %add3A_949 = arith.addi %mul3A_948, %iota3A : vector<16xi32>
      tpu.vector_store_idx %arg9[%add3A_949], %get3A_945 masked %lt3A_4 {add = true} : memref<81920xf32, #tpu.memory_space<vmem>>[vector<16xi32>], vector<16xf32>, vector<16xi1>
      tpu.vector_store_idx %arg10[%gather3A_943], %get3A_945 masked %eq3A_6 {add = true} : memref<10240xf32, #tpu.memory_space<vmem>>[vector<16xi32>], vector<16xf32>, vector<16xi1>
      %lt3A_950 = arith.constant 0 : i32
      %lt3A_951 = vector.broadcast %lt3A_950 : i32 to vector<16xi32>
      %lt3A_952 = arith.cmpi slt, %broadcast_in_dim3A_23, %lt3A_951 : vector<16xi32>
      %add3A_953 = arith.constant 16 : i32
      %add3A_954 = vector.broadcast %add3A_953 : i32 to vector<16xi32>
      %add3A_955 = arith.addi %broadcast_in_dim3A_23, %add3A_954 : vector<16xi32>
      %select_n3A_956 = arith.select %lt3A_952, %add3A_955, %broadcast_in_dim3A_23 : vector<16xi1>, vector<16xi32>
      %broadcast_in_dim3A_957 = vector.shape_cast %select_n3A_956 : vector<16xi32> to vector<16x1xi32>
      %gather3A_958 = vector.shape_cast %broadcast_in_dim3A_957 : vector<16x1xi32> to vector<16xi32>
      %gather3A_959 = tpu.dynamic_gather %get3A_821[%gather3A_958] in [0] : vector<16xi32>, vector<16xi32> -> vector<16xi32>
      %get3A_960 = arith.constant 896 : index
      %get3A_961 = tpu.vector_load %arg8[%get3A_960] {strides = array<i32>} : memref<2048xf32, #tpu.memory_space<vmem>>, vector<16xf32>,
      %mul3A_962 = arith.constant 8 : i32
      %mul3A_963 = vector.broadcast %mul3A_962 : i32 to vector<16xi32>
      %mul3A_964 = arith.muli %gather3A_959, %mul3A_963 : vector<16xi32>
      %add3A_965 = arith.addi %mul3A_964, %iota3A : vector<16xi32>
      tpu.vector_store_idx %arg9[%add3A_965], %get3A_961 masked %lt3A_4 {add = true} : memref<81920xf32, #tpu.memory_space<vmem>>[vector<16xi32>], vector<16xf32>, vector<16xi1>
      tpu.vector_store_idx %arg10[%gather3A_959], %get3A_961 masked %eq3A_6 {add = true} : memref<10240xf32, #tpu.memory_space<vmem>>[vector<16xi32>], vector<16xf32>, vector<16xi1>
      %lt3A_966 = arith.constant 0 : i32
      %lt3A_967 = vector.broadcast %lt3A_966 : i32 to vector<16xi32>
      %lt3A_968 = arith.cmpi slt, %broadcast_in_dim3A_25, %lt3A_967 : vector<16xi32>
      %add3A_969 = arith.constant 16 : i32
      %add3A_970 = vector.broadcast %add3A_969 : i32 to vector<16xi32>
      %add3A_971 = arith.addi %broadcast_in_dim3A_25, %add3A_970 : vector<16xi32>
      %select_n3A_972 = arith.select %lt3A_968, %add3A_971, %broadcast_in_dim3A_25 : vector<16xi1>, vector<16xi32>
      %broadcast_in_dim3A_973 = vector.shape_cast %select_n3A_972 : vector<16xi32> to vector<16x1xi32>
      %gather3A_974 = vector.shape_cast %broadcast_in_dim3A_973 : vector<16x1xi32> to vector<16xi32>
      %gather3A_975 = tpu.dynamic_gather %get3A_821[%gather3A_974] in [0] : vector<16xi32>, vector<16xi32> -> vector<16xi32>
      %get3A_976 = arith.constant 912 : index
      %get3A_977 = tpu.vector_load %arg8[%get3A_976] {strides = array<i32>} : memref<2048xf32, #tpu.memory_space<vmem>>, vector<16xf32>,
      %mul3A_978 = arith.constant 8 : i32
      %mul3A_979 = vector.broadcast %mul3A_978 : i32 to vector<16xi32>
      %mul3A_980 = arith.muli %gather3A_975, %mul3A_979 : vector<16xi32>
      %add3A_981 = arith.addi %mul3A_980, %iota3A : vector<16xi32>
      tpu.vector_store_idx %arg9[%add3A_981], %get3A_977 masked %lt3A_4 {add = true} : memref<81920xf32, #tpu.memory_space<vmem>>[vector<16xi32>], vector<16xf32>, vector<16xi1>
      tpu.vector_store_idx %arg10[%gather3A_975], %get3A_977 masked %eq3A_6 {add = true} : memref<10240xf32, #tpu.memory_space<vmem>>[vector<16xi32>], vector<16xf32>, vector<16xi1>
      %lt3A_982 = arith.constant 0 : i32
      %lt3A_983 = vector.broadcast %lt3A_982 : i32 to vector<16xi32>
      %lt3A_984 = arith.cmpi slt, %broadcast_in_dim3A_27, %lt3A_983 : vector<16xi32>
      %add3A_985 = arith.constant 16 : i32
      %add3A_986 = vector.broadcast %add3A_985 : i32 to vector<16xi32>
      %add3A_987 = arith.addi %broadcast_in_dim3A_27, %add3A_986 : vector<16xi32>
      %select_n3A_988 = arith.select %lt3A_984, %add3A_987, %broadcast_in_dim3A_27 : vector<16xi1>, vector<16xi32>
      %broadcast_in_dim3A_989 = vector.shape_cast %select_n3A_988 : vector<16xi32> to vector<16x1xi32>
      %gather3A_990 = vector.shape_cast %broadcast_in_dim3A_989 : vector<16x1xi32> to vector<16xi32>
      %gather3A_991 = tpu.dynamic_gather %get3A_821[%gather3A_990] in [0] : vector<16xi32>, vector<16xi32> -> vector<16xi32>
      %get3A_992 = arith.constant 928 : index
      %get3A_993 = tpu.vector_load %arg8[%get3A_992] {strides = array<i32>} : memref<2048xf32, #tpu.memory_space<vmem>>, vector<16xf32>,
      %mul3A_994 = arith.constant 8 : i32
      %mul3A_995 = vector.broadcast %mul3A_994 : i32 to vector<16xi32>
      %mul3A_996 = arith.muli %gather3A_991, %mul3A_995 : vector<16xi32>
      %add3A_997 = arith.addi %mul3A_996, %iota3A : vector<16xi32>
      tpu.vector_store_idx %arg9[%add3A_997], %get3A_993 masked %lt3A_4 {add = true} : memref<81920xf32, #tpu.memory_space<vmem>>[vector<16xi32>], vector<16xf32>, vector<16xi1>
      tpu.vector_store_idx %arg10[%gather3A_991], %get3A_993 masked %eq3A_6 {add = true} : memref<10240xf32, #tpu.memory_space<vmem>>[vector<16xi32>], vector<16xf32>, vector<16xi1>
      %lt3A_998 = arith.constant 0 : i32
      %lt3A_999 = vector.broadcast %lt3A_998 : i32 to vector<16xi32>
      %lt3A_1000 = arith.cmpi slt, %broadcast_in_dim3A_29, %lt3A_999 : vector<16xi32>
      %add3A_1001 = arith.constant 16 : i32
      %add3A_1002 = vector.broadcast %add3A_1001 : i32 to vector<16xi32>
      %add3A_1003 = arith.addi %broadcast_in_dim3A_29, %add3A_1002 : vector<16xi32>
      %select_n3A_1004 = arith.select %lt3A_1000, %add3A_1003, %broadcast_in_dim3A_29 : vector<16xi1>, vector<16xi32>
      %broadcast_in_dim3A_1005 = vector.shape_cast %select_n3A_1004 : vector<16xi32> to vector<16x1xi32>
      %gather3A_1006 = vector.shape_cast %broadcast_in_dim3A_1005 : vector<16x1xi32> to vector<16xi32>
      %gather3A_1007 = tpu.dynamic_gather %get3A_821[%gather3A_1006] in [0] : vector<16xi32>, vector<16xi32> -> vector<16xi32>
      %get3A_1008 = arith.constant 944 : index
      %get3A_1009 = tpu.vector_load %arg8[%get3A_1008] {strides = array<i32>} : memref<2048xf32, #tpu.memory_space<vmem>>, vector<16xf32>,
      %mul3A_1010 = arith.constant 8 : i32
      %mul3A_1011 = vector.broadcast %mul3A_1010 : i32 to vector<16xi32>
      %mul3A_1012 = arith.muli %gather3A_1007, %mul3A_1011 : vector<16xi32>
      %add3A_1013 = arith.addi %mul3A_1012, %iota3A : vector<16xi32>
      tpu.vector_store_idx %arg9[%add3A_1013], %get3A_1009 masked %lt3A_4 {add = true} : memref<81920xf32, #tpu.memory_space<vmem>>[vector<16xi32>], vector<16xf32>, vector<16xi1>
      tpu.vector_store_idx %arg10[%gather3A_1007], %get3A_1009 masked %eq3A_6 {add = true} : memref<10240xf32, #tpu.memory_space<vmem>>[vector<16xi32>], vector<16xf32>, vector<16xi1>
      %lt3A_1014 = arith.constant 0 : i32
      %lt3A_1015 = vector.broadcast %lt3A_1014 : i32 to vector<16xi32>
      %lt3A_1016 = arith.cmpi slt, %broadcast_in_dim3A_31, %lt3A_1015 : vector<16xi32>
      %add3A_1017 = arith.constant 16 : i32
      %add3A_1018 = vector.broadcast %add3A_1017 : i32 to vector<16xi32>
      %add3A_1019 = arith.addi %broadcast_in_dim3A_31, %add3A_1018 : vector<16xi32>
      %select_n3A_1020 = arith.select %lt3A_1016, %add3A_1019, %broadcast_in_dim3A_31 : vector<16xi1>, vector<16xi32>
      %broadcast_in_dim3A_1021 = vector.shape_cast %select_n3A_1020 : vector<16xi32> to vector<16x1xi32>
      %gather3A_1022 = vector.shape_cast %broadcast_in_dim3A_1021 : vector<16x1xi32> to vector<16xi32>
      %gather3A_1023 = tpu.dynamic_gather %get3A_821[%gather3A_1022] in [0] : vector<16xi32>, vector<16xi32> -> vector<16xi32>
      %get3A_1024 = arith.constant 960 : index
      %get3A_1025 = tpu.vector_load %arg8[%get3A_1024] {strides = array<i32>} : memref<2048xf32, #tpu.memory_space<vmem>>, vector<16xf32>,
      %mul3A_1026 = arith.constant 8 : i32
      %mul3A_1027 = vector.broadcast %mul3A_1026 : i32 to vector<16xi32>
      %mul3A_1028 = arith.muli %gather3A_1023, %mul3A_1027 : vector<16xi32>
      %add3A_1029 = arith.addi %mul3A_1028, %iota3A : vector<16xi32>
      tpu.vector_store_idx %arg9[%add3A_1029], %get3A_1025 masked %lt3A_4 {add = true} : memref<81920xf32, #tpu.memory_space<vmem>>[vector<16xi32>], vector<16xf32>, vector<16xi1>
      tpu.vector_store_idx %arg10[%gather3A_1023], %get3A_1025 masked %eq3A_6 {add = true} : memref<10240xf32, #tpu.memory_space<vmem>>[vector<16xi32>], vector<16xf32>, vector<16xi1>
      %lt3A_1030 = arith.constant 0 : i32
      %lt3A_1031 = vector.broadcast %lt3A_1030 : i32 to vector<16xi32>
      %lt3A_1032 = arith.cmpi slt, %broadcast_in_dim3A_33, %lt3A_1031 : vector<16xi32>
      %add3A_1033 = arith.constant 16 : i32
      %add3A_1034 = vector.broadcast %add3A_1033 : i32 to vector<16xi32>
      %add3A_1035 = arith.addi %broadcast_in_dim3A_33, %add3A_1034 : vector<16xi32>
      %select_n3A_1036 = arith.select %lt3A_1032, %add3A_1035, %broadcast_in_dim3A_33 : vector<16xi1>, vector<16xi32>
      %broadcast_in_dim3A_1037 = vector.shape_cast %select_n3A_1036 : vector<16xi32> to vector<16x1xi32>
      %gather3A_1038 = vector.shape_cast %broadcast_in_dim3A_1037 : vector<16x1xi32> to vector<16xi32>
      %gather3A_1039 = tpu.dynamic_gather %get3A_821[%gather3A_1038] in [0] : vector<16xi32>, vector<16xi32> -> vector<16xi32>
      %get3A_1040 = arith.constant 976 : index
      %get3A_1041 = tpu.vector_load %arg8[%get3A_1040] {strides = array<i32>} : memref<2048xf32, #tpu.memory_space<vmem>>, vector<16xf32>,
      %mul3A_1042 = arith.constant 8 : i32
      %mul3A_1043 = vector.broadcast %mul3A_1042 : i32 to vector<16xi32>
      %mul3A_1044 = arith.muli %gather3A_1039, %mul3A_1043 : vector<16xi32>
      %add3A_1045 = arith.addi %mul3A_1044, %iota3A : vector<16xi32>
      tpu.vector_store_idx %arg9[%add3A_1045], %get3A_1041 masked %lt3A_4 {add = true} : memref<81920xf32, #tpu.memory_space<vmem>>[vector<16xi32>], vector<16xf32>, vector<16xi1>
      tpu.vector_store_idx %arg10[%gather3A_1039], %get3A_1041 masked %eq3A_6 {add = true} : memref<10240xf32, #tpu.memory_space<vmem>>[vector<16xi32>], vector<16xf32>, vector<16xi1>
      %lt3A_1046 = arith.constant 0 : i32
      %lt3A_1047 = vector.broadcast %lt3A_1046 : i32 to vector<16xi32>
      %lt3A_1048 = arith.cmpi slt, %broadcast_in_dim3A_35, %lt3A_1047 : vector<16xi32>
      %add3A_1049 = arith.constant 16 : i32
      %add3A_1050 = vector.broadcast %add3A_1049 : i32 to vector<16xi32>
      %add3A_1051 = arith.addi %broadcast_in_dim3A_35, %add3A_1050 : vector<16xi32>
      %select_n3A_1052 = arith.select %lt3A_1048, %add3A_1051, %broadcast_in_dim3A_35 : vector<16xi1>, vector<16xi32>
      %broadcast_in_dim3A_1053 = vector.shape_cast %select_n3A_1052 : vector<16xi32> to vector<16x1xi32>
      %gather3A_1054 = vector.shape_cast %broadcast_in_dim3A_1053 : vector<16x1xi32> to vector<16xi32>
      %gather3A_1055 = tpu.dynamic_gather %get3A_821[%gather3A_1054] in [0] : vector<16xi32>, vector<16xi32> -> vector<16xi32>
      %get3A_1056 = arith.constant 992 : index
      %get3A_1057 = tpu.vector_load %arg8[%get3A_1056] {strides = array<i32>} : memref<2048xf32, #tpu.memory_space<vmem>>, vector<16xf32>,
      %mul3A_1058 = arith.constant 8 : i32
      %mul3A_1059 = vector.broadcast %mul3A_1058 : i32 to vector<16xi32>
      %mul3A_1060 = arith.muli %gather3A_1055, %mul3A_1059 : vector<16xi32>
      %add3A_1061 = arith.addi %mul3A_1060, %iota3A : vector<16xi32>
      tpu.vector_store_idx %arg9[%add3A_1061], %get3A_1057 masked %lt3A_4 {add = true} : memref<81920xf32, #tpu.memory_space<vmem>>[vector<16xi32>], vector<16xf32>, vector<16xi1>
      tpu.vector_store_idx %arg10[%gather3A_1055], %get3A_1057 masked %eq3A_6 {add = true} : memref<10240xf32, #tpu.memory_space<vmem>>[vector<16xi32>], vector<16xf32>, vector<16xi1>
      %lt3A_1062 = arith.constant 0 : i32
      %lt3A_1063 = vector.broadcast %lt3A_1062 : i32 to vector<16xi32>
      %lt3A_1064 = arith.cmpi slt, %broadcast_in_dim3A_37, %lt3A_1063 : vector<16xi32>
      %add3A_1065 = arith.constant 16 : i32
      %add3A_1066 = vector.broadcast %add3A_1065 : i32 to vector<16xi32>
      %add3A_1067 = arith.addi %broadcast_in_dim3A_37, %add3A_1066 : vector<16xi32>
      %select_n3A_1068 = arith.select %lt3A_1064, %add3A_1067, %broadcast_in_dim3A_37 : vector<16xi1>, vector<16xi32>
      %broadcast_in_dim3A_1069 = vector.shape_cast %select_n3A_1068 : vector<16xi32> to vector<16x1xi32>
      %gather3A_1070 = vector.shape_cast %broadcast_in_dim3A_1069 : vector<16x1xi32> to vector<16xi32>
      %gather3A_1071 = tpu.dynamic_gather %get3A_821[%gather3A_1070] in [0] : vector<16xi32>, vector<16xi32> -> vector<16xi32>
      %get3A_1072 = arith.constant 1008 : index
      %get3A_1073 = tpu.vector_load %arg8[%get3A_1072] {strides = array<i32>} : memref<2048xf32, #tpu.memory_space<vmem>>, vector<16xf32>,
      %mul3A_1074 = arith.constant 8 : i32
      %mul3A_1075 = vector.broadcast %mul3A_1074 : i32 to vector<16xi32>
      %mul3A_1076 = arith.muli %gather3A_1071, %mul3A_1075 : vector<16xi32>
      %add3A_1077 = arith.addi %mul3A_1076, %iota3A : vector<16xi32>
      tpu.vector_store_idx %arg9[%add3A_1077], %get3A_1073 masked %lt3A_4 {add = true} : memref<81920xf32, #tpu.memory_space<vmem>>[vector<16xi32>], vector<16xf32>, vector<16xi1>
      tpu.vector_store_idx %arg10[%gather3A_1071], %get3A_1073 masked %eq3A_6 {add = true} : memref<10240xf32, #tpu.memory_space<vmem>>[vector<16xi32>], vector<16xf32>, vector<16xi1>
      %get3A_1078 = arith.constant 64 : index
      %get3A_1079 = tpu.vector_load %arg7[%get3A_1078] {strides = array<i32>} : memref<128xi32, #tpu.memory_space<vmem>>, vector<16xi32>,
      %lt3A_1080 = arith.constant 0 : i32
      %lt3A_1081 = vector.broadcast %lt3A_1080 : i32 to vector<16xi32>
      %lt3A_1082 = arith.cmpi slt, %broadcast_in_dim3A_7, %lt3A_1081 : vector<16xi32>
      %add3A_1083 = arith.constant 16 : i32
      %add3A_1084 = vector.broadcast %add3A_1083 : i32 to vector<16xi32>
      %add3A_1085 = arith.addi %broadcast_in_dim3A_7, %add3A_1084 : vector<16xi32>
      %select_n3A_1086 = arith.select %lt3A_1082, %add3A_1085, %broadcast_in_dim3A_7 : vector<16xi1>, vector<16xi32>
      %broadcast_in_dim3A_1087 = vector.shape_cast %select_n3A_1086 : vector<16xi32> to vector<16x1xi32>
      %gather3A_1088 = vector.shape_cast %broadcast_in_dim3A_1087 : vector<16x1xi32> to vector<16xi32>
      %gather3A_1089 = tpu.dynamic_gather %get3A_1079[%gather3A_1088] in [0] : vector<16xi32>, vector<16xi32> -> vector<16xi32>
      %get3A_1090 = arith.constant 1024 : index
      %get3A_1091 = tpu.vector_load %arg8[%get3A_1090] {strides = array<i32>} : memref<2048xf32, #tpu.memory_space<vmem>>, vector<16xf32>,
      %mul3A_1092 = arith.constant 8 : i32
      %mul3A_1093 = vector.broadcast %mul3A_1092 : i32 to vector<16xi32>
      %mul3A_1094 = arith.muli %gather3A_1089, %mul3A_1093 : vector<16xi32>
      %add3A_1095 = arith.addi %mul3A_1094, %iota3A : vector<16xi32>
      tpu.vector_store_idx %arg9[%add3A_1095], %get3A_1091 masked %lt3A_4 {add = true} : memref<81920xf32, #tpu.memory_space<vmem>>[vector<16xi32>], vector<16xf32>, vector<16xi1>
      tpu.vector_store_idx %arg10[%gather3A_1089], %get3A_1091 masked %eq3A_6 {add = true} : memref<10240xf32, #tpu.memory_space<vmem>>[vector<16xi32>], vector<16xf32>, vector<16xi1>
      %lt3A_1096 = arith.constant 0 : i32
      %lt3A_1097 = vector.broadcast %lt3A_1096 : i32 to vector<16xi32>
      %lt3A_1098 = arith.cmpi slt, %broadcast_in_dim3A_9, %lt3A_1097 : vector<16xi32>
      %add3A_1099 = arith.constant 16 : i32
      %add3A_1100 = vector.broadcast %add3A_1099 : i32 to vector<16xi32>
      %add3A_1101 = arith.addi %broadcast_in_dim3A_9, %add3A_1100 : vector<16xi32>
      %select_n3A_1102 = arith.select %lt3A_1098, %add3A_1101, %broadcast_in_dim3A_9 : vector<16xi1>, vector<16xi32>
      %broadcast_in_dim3A_1103 = vector.shape_cast %select_n3A_1102 : vector<16xi32> to vector<16x1xi32>
      %gather3A_1104 = vector.shape_cast %broadcast_in_dim3A_1103 : vector<16x1xi32> to vector<16xi32>
      %gather3A_1105 = tpu.dynamic_gather %get3A_1079[%gather3A_1104] in [0] : vector<16xi32>, vector<16xi32> -> vector<16xi32>
      %get3A_1106 = arith.constant 1040 : index
      %get3A_1107 = tpu.vector_load %arg8[%get3A_1106] {strides = array<i32>} : memref<2048xf32, #tpu.memory_space<vmem>>, vector<16xf32>,
      %mul3A_1108 = arith.constant 8 : i32
      %mul3A_1109 = vector.broadcast %mul3A_1108 : i32 to vector<16xi32>
      %mul3A_1110 = arith.muli %gather3A_1105, %mul3A_1109 : vector<16xi32>
      %add3A_1111 = arith.addi %mul3A_1110, %iota3A : vector<16xi32>
      tpu.vector_store_idx %arg9[%add3A_1111], %get3A_1107 masked %lt3A_4 {add = true} : memref<81920xf32, #tpu.memory_space<vmem>>[vector<16xi32>], vector<16xf32>, vector<16xi1>
      tpu.vector_store_idx %arg10[%gather3A_1105], %get3A_1107 masked %eq3A_6 {add = true} : memref<10240xf32, #tpu.memory_space<vmem>>[vector<16xi32>], vector<16xf32>, vector<16xi1>
      %lt3A_1112 = arith.constant 0 : i32
      %lt3A_1113 = vector.broadcast %lt3A_1112 : i32 to vector<16xi32>
      %lt3A_1114 = arith.cmpi slt, %broadcast_in_dim3A_11, %lt3A_1113 : vector<16xi32>
      %add3A_1115 = arith.constant 16 : i32
      %add3A_1116 = vector.broadcast %add3A_1115 : i32 to vector<16xi32>
      %add3A_1117 = arith.addi %broadcast_in_dim3A_11, %add3A_1116 : vector<16xi32>
      %select_n3A_1118 = arith.select %lt3A_1114, %add3A_1117, %broadcast_in_dim3A_11 : vector<16xi1>, vector<16xi32>
      %broadcast_in_dim3A_1119 = vector.shape_cast %select_n3A_1118 : vector<16xi32> to vector<16x1xi32>
      %gather3A_1120 = vector.shape_cast %broadcast_in_dim3A_1119 : vector<16x1xi32> to vector<16xi32>
      %gather3A_1121 = tpu.dynamic_gather %get3A_1079[%gather3A_1120] in [0] : vector<16xi32>, vector<16xi32> -> vector<16xi32>
      %get3A_1122 = arith.constant 1056 : index
      %get3A_1123 = tpu.vector_load %arg8[%get3A_1122] {strides = array<i32>} : memref<2048xf32, #tpu.memory_space<vmem>>, vector<16xf32>,
      %mul3A_1124 = arith.constant 8 : i32
      %mul3A_1125 = vector.broadcast %mul3A_1124 : i32 to vector<16xi32>
      %mul3A_1126 = arith.muli %gather3A_1121, %mul3A_1125 : vector<16xi32>
      %add3A_1127 = arith.addi %mul3A_1126, %iota3A : vector<16xi32>
      tpu.vector_store_idx %arg9[%add3A_1127], %get3A_1123 masked %lt3A_4 {add = true} : memref<81920xf32, #tpu.memory_space<vmem>>[vector<16xi32>], vector<16xf32>, vector<16xi1>
      tpu.vector_store_idx %arg10[%gather3A_1121], %get3A_1123 masked %eq3A_6 {add = true} : memref<10240xf32, #tpu.memory_space<vmem>>[vector<16xi32>], vector<16xf32>, vector<16xi1>
      %lt3A_1128 = arith.constant 0 : i32
      %lt3A_1129 = vector.broadcast %lt3A_1128 : i32 to vector<16xi32>
      %lt3A_1130 = arith.cmpi slt, %broadcast_in_dim3A_13, %lt3A_1129 : vector<16xi32>
      %add3A_1131 = arith.constant 16 : i32
      %add3A_1132 = vector.broadcast %add3A_1131 : i32 to vector<16xi32>
      %add3A_1133 = arith.addi %broadcast_in_dim3A_13, %add3A_1132 : vector<16xi32>
      %select_n3A_1134 = arith.select %lt3A_1130, %add3A_1133, %broadcast_in_dim3A_13 : vector<16xi1>, vector<16xi32>
      %broadcast_in_dim3A_1135 = vector.shape_cast %select_n3A_1134 : vector<16xi32> to vector<16x1xi32>
      %gather3A_1136 = vector.shape_cast %broadcast_in_dim3A_1135 : vector<16x1xi32> to vector<16xi32>
      %gather3A_1137 = tpu.dynamic_gather %get3A_1079[%gather3A_1136] in [0] : vector<16xi32>, vector<16xi32> -> vector<16xi32>
      %get3A_1138 = arith.constant 1072 : index
      %get3A_1139 = tpu.vector_load %arg8[%get3A_1138] {strides = array<i32>} : memref<2048xf32, #tpu.memory_space<vmem>>, vector<16xf32>,
      %mul3A_1140 = arith.constant 8 : i32
      %mul3A_1141 = vector.broadcast %mul3A_1140 : i32 to vector<16xi32>
      %mul3A_1142 = arith.muli %gather3A_1137, %mul3A_1141 : vector<16xi32>
      %add3A_1143 = arith.addi %mul3A_1142, %iota3A : vector<16xi32>
      tpu.vector_store_idx %arg9[%add3A_1143], %get3A_1139 masked %lt3A_4 {add = true} : memref<81920xf32, #tpu.memory_space<vmem>>[vector<16xi32>], vector<16xf32>, vector<16xi1>
      tpu.vector_store_idx %arg10[%gather3A_1137], %get3A_1139 masked %eq3A_6 {add = true} : memref<10240xf32, #tpu.memory_space<vmem>>[vector<16xi32>], vector<16xf32>, vector<16xi1>
      %lt3A_1144 = arith.constant 0 : i32
      %lt3A_1145 = vector.broadcast %lt3A_1144 : i32 to vector<16xi32>
      %lt3A_1146 = arith.cmpi slt, %broadcast_in_dim3A_15, %lt3A_1145 : vector<16xi32>
      %add3A_1147 = arith.constant 16 : i32
      %add3A_1148 = vector.broadcast %add3A_1147 : i32 to vector<16xi32>
      %add3A_1149 = arith.addi %broadcast_in_dim3A_15, %add3A_1148 : vector<16xi32>
      %select_n3A_1150 = arith.select %lt3A_1146, %add3A_1149, %broadcast_in_dim3A_15 : vector<16xi1>, vector<16xi32>
      %broadcast_in_dim3A_1151 = vector.shape_cast %select_n3A_1150 : vector<16xi32> to vector<16x1xi32>
      %gather3A_1152 = vector.shape_cast %broadcast_in_dim3A_1151 : vector<16x1xi32> to vector<16xi32>
      %gather3A_1153 = tpu.dynamic_gather %get3A_1079[%gather3A_1152] in [0] : vector<16xi32>, vector<16xi32> -> vector<16xi32>
      %get3A_1154 = arith.constant 1088 : index
      %get3A_1155 = tpu.vector_load %arg8[%get3A_1154] {strides = array<i32>} : memref<2048xf32, #tpu.memory_space<vmem>>, vector<16xf32>,
      %mul3A_1156 = arith.constant 8 : i32
      %mul3A_1157 = vector.broadcast %mul3A_1156 : i32 to vector<16xi32>
      %mul3A_1158 = arith.muli %gather3A_1153, %mul3A_1157 : vector<16xi32>
      %add3A_1159 = arith.addi %mul3A_1158, %iota3A : vector<16xi32>
      tpu.vector_store_idx %arg9[%add3A_1159], %get3A_1155 masked %lt3A_4 {add = true} : memref<81920xf32, #tpu.memory_space<vmem>>[vector<16xi32>], vector<16xf32>, vector<16xi1>
      tpu.vector_store_idx %arg10[%gather3A_1153], %get3A_1155 masked %eq3A_6 {add = true} : memref<10240xf32, #tpu.memory_space<vmem>>[vector<16xi32>], vector<16xf32>, vector<16xi1>
      %lt3A_1160 = arith.constant 0 : i32
      %lt3A_1161 = vector.broadcast %lt3A_1160 : i32 to vector<16xi32>
      %lt3A_1162 = arith.cmpi slt, %broadcast_in_dim3A_17, %lt3A_1161 : vector<16xi32>
      %add3A_1163 = arith.constant 16 : i32
      %add3A_1164 = vector.broadcast %add3A_1163 : i32 to vector<16xi32>
      %add3A_1165 = arith.addi %broadcast_in_dim3A_17, %add3A_1164 : vector<16xi32>
      %select_n3A_1166 = arith.select %lt3A_1162, %add3A_1165, %broadcast_in_dim3A_17 : vector<16xi1>, vector<16xi32>
      %broadcast_in_dim3A_1167 = vector.shape_cast %select_n3A_1166 : vector<16xi32> to vector<16x1xi32>
      %gather3A_1168 = vector.shape_cast %broadcast_in_dim3A_1167 : vector<16x1xi32> to vector<16xi32>
      %gather3A_1169 = tpu.dynamic_gather %get3A_1079[%gather3A_1168] in [0] : vector<16xi32>, vector<16xi32> -> vector<16xi32>
      %get3A_1170 = arith.constant 1104 : index
      %get3A_1171 = tpu.vector_load %arg8[%get3A_1170] {strides = array<i32>} : memref<2048xf32, #tpu.memory_space<vmem>>, vector<16xf32>,
      %mul3A_1172 = arith.constant 8 : i32
      %mul3A_1173 = vector.broadcast %mul3A_1172 : i32 to vector<16xi32>
      %mul3A_1174 = arith.muli %gather3A_1169, %mul3A_1173 : vector<16xi32>
      %add3A_1175 = arith.addi %mul3A_1174, %iota3A : vector<16xi32>
      tpu.vector_store_idx %arg9[%add3A_1175], %get3A_1171 masked %lt3A_4 {add = true} : memref<81920xf32, #tpu.memory_space<vmem>>[vector<16xi32>], vector<16xf32>, vector<16xi1>
      tpu.vector_store_idx %arg10[%gather3A_1169], %get3A_1171 masked %eq3A_6 {add = true} : memref<10240xf32, #tpu.memory_space<vmem>>[vector<16xi32>], vector<16xf32>, vector<16xi1>
      %lt3A_1176 = arith.constant 0 : i32
      %lt3A_1177 = vector.broadcast %lt3A_1176 : i32 to vector<16xi32>
      %lt3A_1178 = arith.cmpi slt, %broadcast_in_dim3A_19, %lt3A_1177 : vector<16xi32>
      %add3A_1179 = arith.constant 16 : i32
      %add3A_1180 = vector.broadcast %add3A_1179 : i32 to vector<16xi32>
      %add3A_1181 = arith.addi %broadcast_in_dim3A_19, %add3A_1180 : vector<16xi32>
      %select_n3A_1182 = arith.select %lt3A_1178, %add3A_1181, %broadcast_in_dim3A_19 : vector<16xi1>, vector<16xi32>
      %broadcast_in_dim3A_1183 = vector.shape_cast %select_n3A_1182 : vector<16xi32> to vector<16x1xi32>
      %gather3A_1184 = vector.shape_cast %broadcast_in_dim3A_1183 : vector<16x1xi32> to vector<16xi32>
      %gather3A_1185 = tpu.dynamic_gather %get3A_1079[%gather3A_1184] in [0] : vector<16xi32>, vector<16xi32> -> vector<16xi32>
      %get3A_1186 = arith.constant 1120 : index
      %get3A_1187 = tpu.vector_load %arg8[%get3A_1186] {strides = array<i32>} : memref<2048xf32, #tpu.memory_space<vmem>>, vector<16xf32>,
      %mul3A_1188 = arith.constant 8 : i32
      %mul3A_1189 = vector.broadcast %mul3A_1188 : i32 to vector<16xi32>
      %mul3A_1190 = arith.muli %gather3A_1185, %mul3A_1189 : vector<16xi32>
      %add3A_1191 = arith.addi %mul3A_1190, %iota3A : vector<16xi32>
      tpu.vector_store_idx %arg9[%add3A_1191], %get3A_1187 masked %lt3A_4 {add = true} : memref<81920xf32, #tpu.memory_space<vmem>>[vector<16xi32>], vector<16xf32>, vector<16xi1>
      tpu.vector_store_idx %arg10[%gather3A_1185], %get3A_1187 masked %eq3A_6 {add = true} : memref<10240xf32, #tpu.memory_space<vmem>>[vector<16xi32>], vector<16xf32>, vector<16xi1>
      %lt3A_1192 = arith.constant 0 : i32
      %lt3A_1193 = vector.broadcast %lt3A_1192 : i32 to vector<16xi32>
      %lt3A_1194 = arith.cmpi slt, %broadcast_in_dim3A_21, %lt3A_1193 : vector<16xi32>
      %add3A_1195 = arith.constant 16 : i32
      %add3A_1196 = vector.broadcast %add3A_1195 : i32 to vector<16xi32>
      %add3A_1197 = arith.addi %broadcast_in_dim3A_21, %add3A_1196 : vector<16xi32>
      %select_n3A_1198 = arith.select %lt3A_1194, %add3A_1197, %broadcast_in_dim3A_21 : vector<16xi1>, vector<16xi32>
      %broadcast_in_dim3A_1199 = vector.shape_cast %select_n3A_1198 : vector<16xi32> to vector<16x1xi32>
      %gather3A_1200 = vector.shape_cast %broadcast_in_dim3A_1199 : vector<16x1xi32> to vector<16xi32>
      %gather3A_1201 = tpu.dynamic_gather %get3A_1079[%gather3A_1200] in [0] : vector<16xi32>, vector<16xi32> -> vector<16xi32>
      %get3A_1202 = arith.constant 1136 : index
      %get3A_1203 = tpu.vector_load %arg8[%get3A_1202] {strides = array<i32>} : memref<2048xf32, #tpu.memory_space<vmem>>, vector<16xf32>,
      %mul3A_1204 = arith.constant 8 : i32
      %mul3A_1205 = vector.broadcast %mul3A_1204 : i32 to vector<16xi32>
      %mul3A_1206 = arith.muli %gather3A_1201, %mul3A_1205 : vector<16xi32>
      %add3A_1207 = arith.addi %mul3A_1206, %iota3A : vector<16xi32>
      tpu.vector_store_idx %arg9[%add3A_1207], %get3A_1203 masked %lt3A_4 {add = true} : memref<81920xf32, #tpu.memory_space<vmem>>[vector<16xi32>], vector<16xf32>, vector<16xi1>
      tpu.vector_store_idx %arg10[%gather3A_1201], %get3A_1203 masked %eq3A_6 {add = true} : memref<10240xf32, #tpu.memory_space<vmem>>[vector<16xi32>], vector<16xf32>, vector<16xi1>
      %lt3A_1208 = arith.constant 0 : i32
      %lt3A_1209 = vector.broadcast %lt3A_1208 : i32 to vector<16xi32>
      %lt3A_1210 = arith.cmpi slt, %broadcast_in_dim3A_23, %lt3A_1209 : vector<16xi32>
      %add3A_1211 = arith.constant 16 : i32
      %add3A_1212 = vector.broadcast %add3A_1211 : i32 to vector<16xi32>
      %add3A_1213 = arith.addi %broadcast_in_dim3A_23, %add3A_1212 : vector<16xi32>
      %select_n3A_1214 = arith.select %lt3A_1210, %add3A_1213, %broadcast_in_dim3A_23 : vector<16xi1>, vector<16xi32>
      %broadcast_in_dim3A_1215 = vector.shape_cast %select_n3A_1214 : vector<16xi32> to vector<16x1xi32>
      %gather3A_1216 = vector.shape_cast %broadcast_in_dim3A_1215 : vector<16x1xi32> to vector<16xi32>
      %gather3A_1217 = tpu.dynamic_gather %get3A_1079[%gather3A_1216] in [0] : vector<16xi32>, vector<16xi32> -> vector<16xi32>
      %get3A_1218 = arith.constant 1152 : index
      %get3A_1219 = tpu.vector_load %arg8[%get3A_1218] {strides = array<i32>} : memref<2048xf32, #tpu.memory_space<vmem>>, vector<16xf32>,
      %mul3A_1220 = arith.constant 8 : i32
      %mul3A_1221 = vector.broadcast %mul3A_1220 : i32 to vector<16xi32>
      %mul3A_1222 = arith.muli %gather3A_1217, %mul3A_1221 : vector<16xi32>
      %add3A_1223 = arith.addi %mul3A_1222, %iota3A : vector<16xi32>
      tpu.vector_store_idx %arg9[%add3A_1223], %get3A_1219 masked %lt3A_4 {add = true} : memref<81920xf32, #tpu.memory_space<vmem>>[vector<16xi32>], vector<16xf32>, vector<16xi1>
      tpu.vector_store_idx %arg10[%gather3A_1217], %get3A_1219 masked %eq3A_6 {add = true} : memref<10240xf32, #tpu.memory_space<vmem>>[vector<16xi32>], vector<16xf32>, vector<16xi1>
      %lt3A_1224 = arith.constant 0 : i32
      %lt3A_1225 = vector.broadcast %lt3A_1224 : i32 to vector<16xi32>
      %lt3A_1226 = arith.cmpi slt, %broadcast_in_dim3A_25, %lt3A_1225 : vector<16xi32>
      %add3A_1227 = arith.constant 16 : i32
      %add3A_1228 = vector.broadcast %add3A_1227 : i32 to vector<16xi32>
      %add3A_1229 = arith.addi %broadcast_in_dim3A_25, %add3A_1228 : vector<16xi32>
      %select_n3A_1230 = arith.select %lt3A_1226, %add3A_1229, %broadcast_in_dim3A_25 : vector<16xi1>, vector<16xi32>
      %broadcast_in_dim3A_1231 = vector.shape_cast %select_n3A_1230 : vector<16xi32> to vector<16x1xi32>
      %gather3A_1232 = vector.shape_cast %broadcast_in_dim3A_1231 : vector<16x1xi32> to vector<16xi32>
      %gather3A_1233 = tpu.dynamic_gather %get3A_1079[%gather3A_1232] in [0] : vector<16xi32>, vector<16xi32> -> vector<16xi32>
      %get3A_1234 = arith.constant 1168 : index
      %get3A_1235 = tpu.vector_load %arg8[%get3A_1234] {strides = array<i32>} : memref<2048xf32, #tpu.memory_space<vmem>>, vector<16xf32>,
      %mul3A_1236 = arith.constant 8 : i32
      %mul3A_1237 = vector.broadcast %mul3A_1236 : i32 to vector<16xi32>
      %mul3A_1238 = arith.muli %gather3A_1233, %mul3A_1237 : vector<16xi32>
      %add3A_1239 = arith.addi %mul3A_1238, %iota3A : vector<16xi32>
      tpu.vector_store_idx %arg9[%add3A_1239], %get3A_1235 masked %lt3A_4 {add = true} : memref<81920xf32, #tpu.memory_space<vmem>>[vector<16xi32>], vector<16xf32>, vector<16xi1>
      tpu.vector_store_idx %arg10[%gather3A_1233], %get3A_1235 masked %eq3A_6 {add = true} : memref<10240xf32, #tpu.memory_space<vmem>>[vector<16xi32>], vector<16xf32>, vector<16xi1>
      %lt3A_1240 = arith.constant 0 : i32
      %lt3A_1241 = vector.broadcast %lt3A_1240 : i32 to vector<16xi32>
      %lt3A_1242 = arith.cmpi slt, %broadcast_in_dim3A_27, %lt3A_1241 : vector<16xi32>
      %add3A_1243 = arith.constant 16 : i32
      %add3A_1244 = vector.broadcast %add3A_1243 : i32 to vector<16xi32>
      %add3A_1245 = arith.addi %broadcast_in_dim3A_27, %add3A_1244 : vector<16xi32>
      %select_n3A_1246 = arith.select %lt3A_1242, %add3A_1245, %broadcast_in_dim3A_27 : vector<16xi1>, vector<16xi32>
      %broadcast_in_dim3A_1247 = vector.shape_cast %select_n3A_1246 : vector<16xi32> to vector<16x1xi32>
      %gather3A_1248 = vector.shape_cast %broadcast_in_dim3A_1247 : vector<16x1xi32> to vector<16xi32>
      %gather3A_1249 = tpu.dynamic_gather %get3A_1079[%gather3A_1248] in [0] : vector<16xi32>, vector<16xi32> -> vector<16xi32>
      %get3A_1250 = arith.constant 1184 : index
      %get3A_1251 = tpu.vector_load %arg8[%get3A_1250] {strides = array<i32>} : memref<2048xf32, #tpu.memory_space<vmem>>, vector<16xf32>,
      %mul3A_1252 = arith.constant 8 : i32
      %mul3A_1253 = vector.broadcast %mul3A_1252 : i32 to vector<16xi32>
      %mul3A_1254 = arith.muli %gather3A_1249, %mul3A_1253 : vector<16xi32>
      %add3A_1255 = arith.addi %mul3A_1254, %iota3A : vector<16xi32>
      tpu.vector_store_idx %arg9[%add3A_1255], %get3A_1251 masked %lt3A_4 {add = true} : memref<81920xf32, #tpu.memory_space<vmem>>[vector<16xi32>], vector<16xf32>, vector<16xi1>
      tpu.vector_store_idx %arg10[%gather3A_1249], %get3A_1251 masked %eq3A_6 {add = true} : memref<10240xf32, #tpu.memory_space<vmem>>[vector<16xi32>], vector<16xf32>, vector<16xi1>
      %lt3A_1256 = arith.constant 0 : i32
      %lt3A_1257 = vector.broadcast %lt3A_1256 : i32 to vector<16xi32>
      %lt3A_1258 = arith.cmpi slt, %broadcast_in_dim3A_29, %lt3A_1257 : vector<16xi32>
      %add3A_1259 = arith.constant 16 : i32
      %add3A_1260 = vector.broadcast %add3A_1259 : i32 to vector<16xi32>
      %add3A_1261 = arith.addi %broadcast_in_dim3A_29, %add3A_1260 : vector<16xi32>
      %select_n3A_1262 = arith.select %lt3A_1258, %add3A_1261, %broadcast_in_dim3A_29 : vector<16xi1>, vector<16xi32>
      %broadcast_in_dim3A_1263 = vector.shape_cast %select_n3A_1262 : vector<16xi32> to vector<16x1xi32>
      %gather3A_1264 = vector.shape_cast %broadcast_in_dim3A_1263 : vector<16x1xi32> to vector<16xi32>
      %gather3A_1265 = tpu.dynamic_gather %get3A_1079[%gather3A_1264] in [0] : vector<16xi32>, vector<16xi32> -> vector<16xi32>
      %get3A_1266 = arith.constant 1200 : index
      %get3A_1267 = tpu.vector_load %arg8[%get3A_1266] {strides = array<i32>} : memref<2048xf32, #tpu.memory_space<vmem>>, vector<16xf32>,
      %mul3A_1268 = arith.constant 8 : i32
      %mul3A_1269 = vector.broadcast %mul3A_1268 : i32 to vector<16xi32>
      %mul3A_1270 = arith.muli %gather3A_1265, %mul3A_1269 : vector<16xi32>
      %add3A_1271 = arith.addi %mul3A_1270, %iota3A : vector<16xi32>
      tpu.vector_store_idx %arg9[%add3A_1271], %get3A_1267 masked %lt3A_4 {add = true} : memref<81920xf32, #tpu.memory_space<vmem>>[vector<16xi32>], vector<16xf32>, vector<16xi1>
      tpu.vector_store_idx %arg10[%gather3A_1265], %get3A_1267 masked %eq3A_6 {add = true} : memref<10240xf32, #tpu.memory_space<vmem>>[vector<16xi32>], vector<16xf32>, vector<16xi1>
      %lt3A_1272 = arith.constant 0 : i32
      %lt3A_1273 = vector.broadcast %lt3A_1272 : i32 to vector<16xi32>
      %lt3A_1274 = arith.cmpi slt, %broadcast_in_dim3A_31, %lt3A_1273 : vector<16xi32>
      %add3A_1275 = arith.constant 16 : i32
      %add3A_1276 = vector.broadcast %add3A_1275 : i32 to vector<16xi32>
      %add3A_1277 = arith.addi %broadcast_in_dim3A_31, %add3A_1276 : vector<16xi32>
      %select_n3A_1278 = arith.select %lt3A_1274, %add3A_1277, %broadcast_in_dim3A_31 : vector<16xi1>, vector<16xi32>
      %broadcast_in_dim3A_1279 = vector.shape_cast %select_n3A_1278 : vector<16xi32> to vector<16x1xi32>
      %gather3A_1280 = vector.shape_cast %broadcast_in_dim3A_1279 : vector<16x1xi32> to vector<16xi32>
      %gather3A_1281 = tpu.dynamic_gather %get3A_1079[%gather3A_1280] in [0] : vector<16xi32>, vector<16xi32> -> vector<16xi32>
      %get3A_1282 = arith.constant 1216 : index
      %get3A_1283 = tpu.vector_load %arg8[%get3A_1282] {strides = array<i32>} : memref<2048xf32, #tpu.memory_space<vmem>>, vector<16xf32>,
      %mul3A_1284 = arith.constant 8 : i32
      %mul3A_1285 = vector.broadcast %mul3A_1284 : i32 to vector<16xi32>
      %mul3A_1286 = arith.muli %gather3A_1281, %mul3A_1285 : vector<16xi32>
      %add3A_1287 = arith.addi %mul3A_1286, %iota3A : vector<16xi32>
      tpu.vector_store_idx %arg9[%add3A_1287], %get3A_1283 masked %lt3A_4 {add = true} : memref<81920xf32, #tpu.memory_space<vmem>>[vector<16xi32>], vector<16xf32>, vector<16xi1>
      tpu.vector_store_idx %arg10[%gather3A_1281], %get3A_1283 masked %eq3A_6 {add = true} : memref<10240xf32, #tpu.memory_space<vmem>>[vector<16xi32>], vector<16xf32>, vector<16xi1>
      %lt3A_1288 = arith.constant 0 : i32
      %lt3A_1289 = vector.broadcast %lt3A_1288 : i32 to vector<16xi32>
      %lt3A_1290 = arith.cmpi slt, %broadcast_in_dim3A_33, %lt3A_1289 : vector<16xi32>
      %add3A_1291 = arith.constant 16 : i32
      %add3A_1292 = vector.broadcast %add3A_1291 : i32 to vector<16xi32>
      %add3A_1293 = arith.addi %broadcast_in_dim3A_33, %add3A_1292 : vector<16xi32>
      %select_n3A_1294 = arith.select %lt3A_1290, %add3A_1293, %broadcast_in_dim3A_33 : vector<16xi1>, vector<16xi32>
      %broadcast_in_dim3A_1295 = vector.shape_cast %select_n3A_1294 : vector<16xi32> to vector<16x1xi32>
      %gather3A_1296 = vector.shape_cast %broadcast_in_dim3A_1295 : vector<16x1xi32> to vector<16xi32>
      %gather3A_1297 = tpu.dynamic_gather %get3A_1079[%gather3A_1296] in [0] : vector<16xi32>, vector<16xi32> -> vector<16xi32>
      %get3A_1298 = arith.constant 1232 : index
      %get3A_1299 = tpu.vector_load %arg8[%get3A_1298] {strides = array<i32>} : memref<2048xf32, #tpu.memory_space<vmem>>, vector<16xf32>,
      %mul3A_1300 = arith.constant 8 : i32
      %mul3A_1301 = vector.broadcast %mul3A_1300 : i32 to vector<16xi32>
      %mul3A_1302 = arith.muli %gather3A_1297, %mul3A_1301 : vector<16xi32>
      %add3A_1303 = arith.addi %mul3A_1302, %iota3A : vector<16xi32>
      tpu.vector_store_idx %arg9[%add3A_1303], %get3A_1299 masked %lt3A_4 {add = true} : memref<81920xf32, #tpu.memory_space<vmem>>[vector<16xi32>], vector<16xf32>, vector<16xi1>
      tpu.vector_store_idx %arg10[%gather3A_1297], %get3A_1299 masked %eq3A_6 {add = true} : memref<10240xf32, #tpu.memory_space<vmem>>[vector<16xi32>], vector<16xf32>, vector<16xi1>
      %lt3A_1304 = arith.constant 0 : i32
      %lt3A_1305 = vector.broadcast %lt3A_1304 : i32 to vector<16xi32>
      %lt3A_1306 = arith.cmpi slt, %broadcast_in_dim3A_35, %lt3A_1305 : vector<16xi32>
      %add3A_1307 = arith.constant 16 : i32
      %add3A_1308 = vector.broadcast %add3A_1307 : i32 to vector<16xi32>
      %add3A_1309 = arith.addi %broadcast_in_dim3A_35, %add3A_1308 : vector<16xi32>
      %select_n3A_1310 = arith.select %lt3A_1306, %add3A_1309, %broadcast_in_dim3A_35 : vector<16xi1>, vector<16xi32>
      %broadcast_in_dim3A_1311 = vector.shape_cast %select_n3A_1310 : vector<16xi32> to vector<16x1xi32>
      %gather3A_1312 = vector.shape_cast %broadcast_in_dim3A_1311 : vector<16x1xi32> to vector<16xi32>
      %gather3A_1313 = tpu.dynamic_gather %get3A_1079[%gather3A_1312] in [0] : vector<16xi32>, vector<16xi32> -> vector<16xi32>
      %get3A_1314 = arith.constant 1248 : index
      %get3A_1315 = tpu.vector_load %arg8[%get3A_1314] {strides = array<i32>} : memref<2048xf32, #tpu.memory_space<vmem>>, vector<16xf32>,
      %mul3A_1316 = arith.constant 8 : i32
      %mul3A_1317 = vector.broadcast %mul3A_1316 : i32 to vector<16xi32>
      %mul3A_1318 = arith.muli %gather3A_1313, %mul3A_1317 : vector<16xi32>
      %add3A_1319 = arith.addi %mul3A_1318, %iota3A : vector<16xi32>
      tpu.vector_store_idx %arg9[%add3A_1319], %get3A_1315 masked %lt3A_4 {add = true} : memref<81920xf32, #tpu.memory_space<vmem>>[vector<16xi32>], vector<16xf32>, vector<16xi1>
      tpu.vector_store_idx %arg10[%gather3A_1313], %get3A_1315 masked %eq3A_6 {add = true} : memref<10240xf32, #tpu.memory_space<vmem>>[vector<16xi32>], vector<16xf32>, vector<16xi1>
      %lt3A_1320 = arith.constant 0 : i32
      %lt3A_1321 = vector.broadcast %lt3A_1320 : i32 to vector<16xi32>
      %lt3A_1322 = arith.cmpi slt, %broadcast_in_dim3A_37, %lt3A_1321 : vector<16xi32>
      %add3A_1323 = arith.constant 16 : i32
      %add3A_1324 = vector.broadcast %add3A_1323 : i32 to vector<16xi32>
      %add3A_1325 = arith.addi %broadcast_in_dim3A_37, %add3A_1324 : vector<16xi32>
      %select_n3A_1326 = arith.select %lt3A_1322, %add3A_1325, %broadcast_in_dim3A_37 : vector<16xi1>, vector<16xi32>
      %broadcast_in_dim3A_1327 = vector.shape_cast %select_n3A_1326 : vector<16xi32> to vector<16x1xi32>
      %gather3A_1328 = vector.shape_cast %broadcast_in_dim3A_1327 : vector<16x1xi32> to vector<16xi32>
      %gather3A_1329 = tpu.dynamic_gather %get3A_1079[%gather3A_1328] in [0] : vector<16xi32>, vector<16xi32> -> vector<16xi32>
      %get3A_1330 = arith.constant 1264 : index
      %get3A_1331 = tpu.vector_load %arg8[%get3A_1330] {strides = array<i32>} : memref<2048xf32, #tpu.memory_space<vmem>>, vector<16xf32>,
      %mul3A_1332 = arith.constant 8 : i32
      %mul3A_1333 = vector.broadcast %mul3A_1332 : i32 to vector<16xi32>
      %mul3A_1334 = arith.muli %gather3A_1329, %mul3A_1333 : vector<16xi32>
      %add3A_1335 = arith.addi %mul3A_1334, %iota3A : vector<16xi32>
      tpu.vector_store_idx %arg9[%add3A_1335], %get3A_1331 masked %lt3A_4 {add = true} : memref<81920xf32, #tpu.memory_space<vmem>>[vector<16xi32>], vector<16xf32>, vector<16xi1>
      tpu.vector_store_idx %arg10[%gather3A_1329], %get3A_1331 masked %eq3A_6 {add = true} : memref<10240xf32, #tpu.memory_space<vmem>>[vector<16xi32>], vector<16xf32>, vector<16xi1>
      %get3A_1336 = arith.constant 80 : index
      %get3A_1337 = tpu.vector_load %arg7[%get3A_1336] {strides = array<i32>} : memref<128xi32, #tpu.memory_space<vmem>>, vector<16xi32>,
      %lt3A_1338 = arith.constant 0 : i32
      %lt3A_1339 = vector.broadcast %lt3A_1338 : i32 to vector<16xi32>
      %lt3A_1340 = arith.cmpi slt, %broadcast_in_dim3A_7, %lt3A_1339 : vector<16xi32>
      %add3A_1341 = arith.constant 16 : i32
      %add3A_1342 = vector.broadcast %add3A_1341 : i32 to vector<16xi32>
      %add3A_1343 = arith.addi %broadcast_in_dim3A_7, %add3A_1342 : vector<16xi32>
      %select_n3A_1344 = arith.select %lt3A_1340, %add3A_1343, %broadcast_in_dim3A_7 : vector<16xi1>, vector<16xi32>
      %broadcast_in_dim3A_1345 = vector.shape_cast %select_n3A_1344 : vector<16xi32> to vector<16x1xi32>
      %gather3A_1346 = vector.shape_cast %broadcast_in_dim3A_1345 : vector<16x1xi32> to vector<16xi32>
      %gather3A_1347 = tpu.dynamic_gather %get3A_1337[%gather3A_1346] in [0] : vector<16xi32>, vector<16xi32> -> vector<16xi32>
      %get3A_1348 = arith.constant 1280 : index
      %get3A_1349 = tpu.vector_load %arg8[%get3A_1348] {strides = array<i32>} : memref<2048xf32, #tpu.memory_space<vmem>>, vector<16xf32>,
      %mul3A_1350 = arith.constant 8 : i32
      %mul3A_1351 = vector.broadcast %mul3A_1350 : i32 to vector<16xi32>
      %mul3A_1352 = arith.muli %gather3A_1347, %mul3A_1351 : vector<16xi32>
      %add3A_1353 = arith.addi %mul3A_1352, %iota3A : vector<16xi32>
      tpu.vector_store_idx %arg9[%add3A_1353], %get3A_1349 masked %lt3A_4 {add = true} : memref<81920xf32, #tpu.memory_space<vmem>>[vector<16xi32>], vector<16xf32>, vector<16xi1>
      tpu.vector_store_idx %arg10[%gather3A_1347], %get3A_1349 masked %eq3A_6 {add = true} : memref<10240xf32, #tpu.memory_space<vmem>>[vector<16xi32>], vector<16xf32>, vector<16xi1>
      %lt3A_1354 = arith.constant 0 : i32
      %lt3A_1355 = vector.broadcast %lt3A_1354 : i32 to vector<16xi32>
      %lt3A_1356 = arith.cmpi slt, %broadcast_in_dim3A_9, %lt3A_1355 : vector<16xi32>
      %add3A_1357 = arith.constant 16 : i32
      %add3A_1358 = vector.broadcast %add3A_1357 : i32 to vector<16xi32>
      %add3A_1359 = arith.addi %broadcast_in_dim3A_9, %add3A_1358 : vector<16xi32>
      %select_n3A_1360 = arith.select %lt3A_1356, %add3A_1359, %broadcast_in_dim3A_9 : vector<16xi1>, vector<16xi32>
      %broadcast_in_dim3A_1361 = vector.shape_cast %select_n3A_1360 : vector<16xi32> to vector<16x1xi32>
      %gather3A_1362 = vector.shape_cast %broadcast_in_dim3A_1361 : vector<16x1xi32> to vector<16xi32>
      %gather3A_1363 = tpu.dynamic_gather %get3A_1337[%gather3A_1362] in [0] : vector<16xi32>, vector<16xi32> -> vector<16xi32>
      %get3A_1364 = arith.constant 1296 : index
      %get3A_1365 = tpu.vector_load %arg8[%get3A_1364] {strides = array<i32>} : memref<2048xf32, #tpu.memory_space<vmem>>, vector<16xf32>,
      %mul3A_1366 = arith.constant 8 : i32
      %mul3A_1367 = vector.broadcast %mul3A_1366 : i32 to vector<16xi32>
      %mul3A_1368 = arith.muli %gather3A_1363, %mul3A_1367 : vector<16xi32>
      %add3A_1369 = arith.addi %mul3A_1368, %iota3A : vector<16xi32>
      tpu.vector_store_idx %arg9[%add3A_1369], %get3A_1365 masked %lt3A_4 {add = true} : memref<81920xf32, #tpu.memory_space<vmem>>[vector<16xi32>], vector<16xf32>, vector<16xi1>
      tpu.vector_store_idx %arg10[%gather3A_1363], %get3A_1365 masked %eq3A_6 {add = true} : memref<10240xf32, #tpu.memory_space<vmem>>[vector<16xi32>], vector<16xf32>, vector<16xi1>
      %lt3A_1370 = arith.constant 0 : i32
      %lt3A_1371 = vector.broadcast %lt3A_1370 : i32 to vector<16xi32>
      %lt3A_1372 = arith.cmpi slt, %broadcast_in_dim3A_11, %lt3A_1371 : vector<16xi32>
      %add3A_1373 = arith.constant 16 : i32
      %add3A_1374 = vector.broadcast %add3A_1373 : i32 to vector<16xi32>
      %add3A_1375 = arith.addi %broadcast_in_dim3A_11, %add3A_1374 : vector<16xi32>
      %select_n3A_1376 = arith.select %lt3A_1372, %add3A_1375, %broadcast_in_dim3A_11 : vector<16xi1>, vector<16xi32>
      %broadcast_in_dim3A_1377 = vector.shape_cast %select_n3A_1376 : vector<16xi32> to vector<16x1xi32>
      %gather3A_1378 = vector.shape_cast %broadcast_in_dim3A_1377 : vector<16x1xi32> to vector<16xi32>
      %gather3A_1379 = tpu.dynamic_gather %get3A_1337[%gather3A_1378] in [0] : vector<16xi32>, vector<16xi32> -> vector<16xi32>
      %get3A_1380 = arith.constant 1312 : index
      %get3A_1381 = tpu.vector_load %arg8[%get3A_1380] {strides = array<i32>} : memref<2048xf32, #tpu.memory_space<vmem>>, vector<16xf32>,
      %mul3A_1382 = arith.constant 8 : i32
      %mul3A_1383 = vector.broadcast %mul3A_1382 : i32 to vector<16xi32>
      %mul3A_1384 = arith.muli %gather3A_1379, %mul3A_1383 : vector<16xi32>
      %add3A_1385 = arith.addi %mul3A_1384, %iota3A : vector<16xi32>
      tpu.vector_store_idx %arg9[%add3A_1385], %get3A_1381 masked %lt3A_4 {add = true} : memref<81920xf32, #tpu.memory_space<vmem>>[vector<16xi32>], vector<16xf32>, vector<16xi1>
      tpu.vector_store_idx %arg10[%gather3A_1379], %get3A_1381 masked %eq3A_6 {add = true} : memref<10240xf32, #tpu.memory_space<vmem>>[vector<16xi32>], vector<16xf32>, vector<16xi1>
      %lt3A_1386 = arith.constant 0 : i32
      %lt3A_1387 = vector.broadcast %lt3A_1386 : i32 to vector<16xi32>
      %lt3A_1388 = arith.cmpi slt, %broadcast_in_dim3A_13, %lt3A_1387 : vector<16xi32>
      %add3A_1389 = arith.constant 16 : i32
      %add3A_1390 = vector.broadcast %add3A_1389 : i32 to vector<16xi32>
      %add3A_1391 = arith.addi %broadcast_in_dim3A_13, %add3A_1390 : vector<16xi32>
      %select_n3A_1392 = arith.select %lt3A_1388, %add3A_1391, %broadcast_in_dim3A_13 : vector<16xi1>, vector<16xi32>
      %broadcast_in_dim3A_1393 = vector.shape_cast %select_n3A_1392 : vector<16xi32> to vector<16x1xi32>
      %gather3A_1394 = vector.shape_cast %broadcast_in_dim3A_1393 : vector<16x1xi32> to vector<16xi32>
      %gather3A_1395 = tpu.dynamic_gather %get3A_1337[%gather3A_1394] in [0] : vector<16xi32>, vector<16xi32> -> vector<16xi32>
      %get3A_1396 = arith.constant 1328 : index
      %get3A_1397 = tpu.vector_load %arg8[%get3A_1396] {strides = array<i32>} : memref<2048xf32, #tpu.memory_space<vmem>>, vector<16xf32>,
      %mul3A_1398 = arith.constant 8 : i32
      %mul3A_1399 = vector.broadcast %mul3A_1398 : i32 to vector<16xi32>
      %mul3A_1400 = arith.muli %gather3A_1395, %mul3A_1399 : vector<16xi32>
      %add3A_1401 = arith.addi %mul3A_1400, %iota3A : vector<16xi32>
      tpu.vector_store_idx %arg9[%add3A_1401], %get3A_1397 masked %lt3A_4 {add = true} : memref<81920xf32, #tpu.memory_space<vmem>>[vector<16xi32>], vector<16xf32>, vector<16xi1>
      tpu.vector_store_idx %arg10[%gather3A_1395], %get3A_1397 masked %eq3A_6 {add = true} : memref<10240xf32, #tpu.memory_space<vmem>>[vector<16xi32>], vector<16xf32>, vector<16xi1>
      %lt3A_1402 = arith.constant 0 : i32
      %lt3A_1403 = vector.broadcast %lt3A_1402 : i32 to vector<16xi32>
      %lt3A_1404 = arith.cmpi slt, %broadcast_in_dim3A_15, %lt3A_1403 : vector<16xi32>
      %add3A_1405 = arith.constant 16 : i32
      %add3A_1406 = vector.broadcast %add3A_1405 : i32 to vector<16xi32>
      %add3A_1407 = arith.addi %broadcast_in_dim3A_15, %add3A_1406 : vector<16xi32>
      %select_n3A_1408 = arith.select %lt3A_1404, %add3A_1407, %broadcast_in_dim3A_15 : vector<16xi1>, vector<16xi32>
      %broadcast_in_dim3A_1409 = vector.shape_cast %select_n3A_1408 : vector<16xi32> to vector<16x1xi32>
      %gather3A_1410 = vector.shape_cast %broadcast_in_dim3A_1409 : vector<16x1xi32> to vector<16xi32>
      %gather3A_1411 = tpu.dynamic_gather %get3A_1337[%gather3A_1410] in [0] : vector<16xi32>, vector<16xi32> -> vector<16xi32>
      %get3A_1412 = arith.constant 1344 : index
      %get3A_1413 = tpu.vector_load %arg8[%get3A_1412] {strides = array<i32>} : memref<2048xf32, #tpu.memory_space<vmem>>, vector<16xf32>,
      %mul3A_1414 = arith.constant 8 : i32
      %mul3A_1415 = vector.broadcast %mul3A_1414 : i32 to vector<16xi32>
      %mul3A_1416 = arith.muli %gather3A_1411, %mul3A_1415 : vector<16xi32>
      %add3A_1417 = arith.addi %mul3A_1416, %iota3A : vector<16xi32>
      tpu.vector_store_idx %arg9[%add3A_1417], %get3A_1413 masked %lt3A_4 {add = true} : memref<81920xf32, #tpu.memory_space<vmem>>[vector<16xi32>], vector<16xf32>, vector<16xi1>
      tpu.vector_store_idx %arg10[%gather3A_1411], %get3A_1413 masked %eq3A_6 {add = true} : memref<10240xf32, #tpu.memory_space<vmem>>[vector<16xi32>], vector<16xf32>, vector<16xi1>
      %lt3A_1418 = arith.constant 0 : i32
      %lt3A_1419 = vector.broadcast %lt3A_1418 : i32 to vector<16xi32>
      %lt3A_1420 = arith.cmpi slt, %broadcast_in_dim3A_17, %lt3A_1419 : vector<16xi32>
      %add3A_1421 = arith.constant 16 : i32
      %add3A_1422 = vector.broadcast %add3A_1421 : i32 to vector<16xi32>
      %add3A_1423 = arith.addi %broadcast_in_dim3A_17, %add3A_1422 : vector<16xi32>
      %select_n3A_1424 = arith.select %lt3A_1420, %add3A_1423, %broadcast_in_dim3A_17 : vector<16xi1>, vector<16xi32>
      %broadcast_in_dim3A_1425 = vector.shape_cast %select_n3A_1424 : vector<16xi32> to vector<16x1xi32>
      %gather3A_1426 = vector.shape_cast %broadcast_in_dim3A_1425 : vector<16x1xi32> to vector<16xi32>
      %gather3A_1427 = tpu.dynamic_gather %get3A_1337[%gather3A_1426] in [0] : vector<16xi32>, vector<16xi32> -> vector<16xi32>
      %get3A_1428 = arith.constant 1360 : index
      %get3A_1429 = tpu.vector_load %arg8[%get3A_1428] {strides = array<i32>} : memref<2048xf32, #tpu.memory_space<vmem>>, vector<16xf32>,
      %mul3A_1430 = arith.constant 8 : i32
      %mul3A_1431 = vector.broadcast %mul3A_1430 : i32 to vector<16xi32>
      %mul3A_1432 = arith.muli %gather3A_1427, %mul3A_1431 : vector<16xi32>
      %add3A_1433 = arith.addi %mul3A_1432, %iota3A : vector<16xi32>
      tpu.vector_store_idx %arg9[%add3A_1433], %get3A_1429 masked %lt3A_4 {add = true} : memref<81920xf32, #tpu.memory_space<vmem>>[vector<16xi32>], vector<16xf32>, vector<16xi1>
      tpu.vector_store_idx %arg10[%gather3A_1427], %get3A_1429 masked %eq3A_6 {add = true} : memref<10240xf32, #tpu.memory_space<vmem>>[vector<16xi32>], vector<16xf32>, vector<16xi1>
      %lt3A_1434 = arith.constant 0 : i32
      %lt3A_1435 = vector.broadcast %lt3A_1434 : i32 to vector<16xi32>
      %lt3A_1436 = arith.cmpi slt, %broadcast_in_dim3A_19, %lt3A_1435 : vector<16xi32>
      %add3A_1437 = arith.constant 16 : i32
      %add3A_1438 = vector.broadcast %add3A_1437 : i32 to vector<16xi32>
      %add3A_1439 = arith.addi %broadcast_in_dim3A_19, %add3A_1438 : vector<16xi32>
      %select_n3A_1440 = arith.select %lt3A_1436, %add3A_1439, %broadcast_in_dim3A_19 : vector<16xi1>, vector<16xi32>
      %broadcast_in_dim3A_1441 = vector.shape_cast %select_n3A_1440 : vector<16xi32> to vector<16x1xi32>
      %gather3A_1442 = vector.shape_cast %broadcast_in_dim3A_1441 : vector<16x1xi32> to vector<16xi32>
      %gather3A_1443 = tpu.dynamic_gather %get3A_1337[%gather3A_1442] in [0] : vector<16xi32>, vector<16xi32> -> vector<16xi32>
      %get3A_1444 = arith.constant 1376 : index
      %get3A_1445 = tpu.vector_load %arg8[%get3A_1444] {strides = array<i32>} : memref<2048xf32, #tpu.memory_space<vmem>>, vector<16xf32>,
      %mul3A_1446 = arith.constant 8 : i32
      %mul3A_1447 = vector.broadcast %mul3A_1446 : i32 to vector<16xi32>
      %mul3A_1448 = arith.muli %gather3A_1443, %mul3A_1447 : vector<16xi32>
      %add3A_1449 = arith.addi %mul3A_1448, %iota3A : vector<16xi32>
      tpu.vector_store_idx %arg9[%add3A_1449], %get3A_1445 masked %lt3A_4 {add = true} : memref<81920xf32, #tpu.memory_space<vmem>>[vector<16xi32>], vector<16xf32>, vector<16xi1>
      tpu.vector_store_idx %arg10[%gather3A_1443], %get3A_1445 masked %eq3A_6 {add = true} : memref<10240xf32, #tpu.memory_space<vmem>>[vector<16xi32>], vector<16xf32>, vector<16xi1>
      %lt3A_1450 = arith.constant 0 : i32
      %lt3A_1451 = vector.broadcast %lt3A_1450 : i32 to vector<16xi32>
      %lt3A_1452 = arith.cmpi slt, %broadcast_in_dim3A_21, %lt3A_1451 : vector<16xi32>
      %add3A_1453 = arith.constant 16 : i32
      %add3A_1454 = vector.broadcast %add3A_1453 : i32 to vector<16xi32>
      %add3A_1455 = arith.addi %broadcast_in_dim3A_21, %add3A_1454 : vector<16xi32>
      %select_n3A_1456 = arith.select %lt3A_1452, %add3A_1455, %broadcast_in_dim3A_21 : vector<16xi1>, vector<16xi32>
      %broadcast_in_dim3A_1457 = vector.shape_cast %select_n3A_1456 : vector<16xi32> to vector<16x1xi32>
      %gather3A_1458 = vector.shape_cast %broadcast_in_dim3A_1457 : vector<16x1xi32> to vector<16xi32>
      %gather3A_1459 = tpu.dynamic_gather %get3A_1337[%gather3A_1458] in [0] : vector<16xi32>, vector<16xi32> -> vector<16xi32>
      %get3A_1460 = arith.constant 1392 : index
      %get3A_1461 = tpu.vector_load %arg8[%get3A_1460] {strides = array<i32>} : memref<2048xf32, #tpu.memory_space<vmem>>, vector<16xf32>,
      %mul3A_1462 = arith.constant 8 : i32
      %mul3A_1463 = vector.broadcast %mul3A_1462 : i32 to vector<16xi32>
      %mul3A_1464 = arith.muli %gather3A_1459, %mul3A_1463 : vector<16xi32>
      %add3A_1465 = arith.addi %mul3A_1464, %iota3A : vector<16xi32>
      tpu.vector_store_idx %arg9[%add3A_1465], %get3A_1461 masked %lt3A_4 {add = true} : memref<81920xf32, #tpu.memory_space<vmem>>[vector<16xi32>], vector<16xf32>, vector<16xi1>
      tpu.vector_store_idx %arg10[%gather3A_1459], %get3A_1461 masked %eq3A_6 {add = true} : memref<10240xf32, #tpu.memory_space<vmem>>[vector<16xi32>], vector<16xf32>, vector<16xi1>
      %lt3A_1466 = arith.constant 0 : i32
      %lt3A_1467 = vector.broadcast %lt3A_1466 : i32 to vector<16xi32>
      %lt3A_1468 = arith.cmpi slt, %broadcast_in_dim3A_23, %lt3A_1467 : vector<16xi32>
      %add3A_1469 = arith.constant 16 : i32
      %add3A_1470 = vector.broadcast %add3A_1469 : i32 to vector<16xi32>
      %add3A_1471 = arith.addi %broadcast_in_dim3A_23, %add3A_1470 : vector<16xi32>
      %select_n3A_1472 = arith.select %lt3A_1468, %add3A_1471, %broadcast_in_dim3A_23 : vector<16xi1>, vector<16xi32>
      %broadcast_in_dim3A_1473 = vector.shape_cast %select_n3A_1472 : vector<16xi32> to vector<16x1xi32>
      %gather3A_1474 = vector.shape_cast %broadcast_in_dim3A_1473 : vector<16x1xi32> to vector<16xi32>
      %gather3A_1475 = tpu.dynamic_gather %get3A_1337[%gather3A_1474] in [0] : vector<16xi32>, vector<16xi32> -> vector<16xi32>
      %get3A_1476 = arith.constant 1408 : index
      %get3A_1477 = tpu.vector_load %arg8[%get3A_1476] {strides = array<i32>} : memref<2048xf32, #tpu.memory_space<vmem>>, vector<16xf32>,
      %mul3A_1478 = arith.constant 8 : i32
      %mul3A_1479 = vector.broadcast %mul3A_1478 : i32 to vector<16xi32>
      %mul3A_1480 = arith.muli %gather3A_1475, %mul3A_1479 : vector<16xi32>
      %add3A_1481 = arith.addi %mul3A_1480, %iota3A : vector<16xi32>
      tpu.vector_store_idx %arg9[%add3A_1481], %get3A_1477 masked %lt3A_4 {add = true} : memref<81920xf32, #tpu.memory_space<vmem>>[vector<16xi32>], vector<16xf32>, vector<16xi1>
      tpu.vector_store_idx %arg10[%gather3A_1475], %get3A_1477 masked %eq3A_6 {add = true} : memref<10240xf32, #tpu.memory_space<vmem>>[vector<16xi32>], vector<16xf32>, vector<16xi1>
      %lt3A_1482 = arith.constant 0 : i32
      %lt3A_1483 = vector.broadcast %lt3A_1482 : i32 to vector<16xi32>
      %lt3A_1484 = arith.cmpi slt, %broadcast_in_dim3A_25, %lt3A_1483 : vector<16xi32>
      %add3A_1485 = arith.constant 16 : i32
      %add3A_1486 = vector.broadcast %add3A_1485 : i32 to vector<16xi32>
      %add3A_1487 = arith.addi %broadcast_in_dim3A_25, %add3A_1486 : vector<16xi32>
      %select_n3A_1488 = arith.select %lt3A_1484, %add3A_1487, %broadcast_in_dim3A_25 : vector<16xi1>, vector<16xi32>
      %broadcast_in_dim3A_1489 = vector.shape_cast %select_n3A_1488 : vector<16xi32> to vector<16x1xi32>
      %gather3A_1490 = vector.shape_cast %broadcast_in_dim3A_1489 : vector<16x1xi32> to vector<16xi32>
      %gather3A_1491 = tpu.dynamic_gather %get3A_1337[%gather3A_1490] in [0] : vector<16xi32>, vector<16xi32> -> vector<16xi32>
      %get3A_1492 = arith.constant 1424 : index
      %get3A_1493 = tpu.vector_load %arg8[%get3A_1492] {strides = array<i32>} : memref<2048xf32, #tpu.memory_space<vmem>>, vector<16xf32>,
      %mul3A_1494 = arith.constant 8 : i32
      %mul3A_1495 = vector.broadcast %mul3A_1494 : i32 to vector<16xi32>
      %mul3A_1496 = arith.muli %gather3A_1491, %mul3A_1495 : vector<16xi32>
      %add3A_1497 = arith.addi %mul3A_1496, %iota3A : vector<16xi32>
      tpu.vector_store_idx %arg9[%add3A_1497], %get3A_1493 masked %lt3A_4 {add = true} : memref<81920xf32, #tpu.memory_space<vmem>>[vector<16xi32>], vector<16xf32>, vector<16xi1>
      tpu.vector_store_idx %arg10[%gather3A_1491], %get3A_1493 masked %eq3A_6 {add = true} : memref<10240xf32, #tpu.memory_space<vmem>>[vector<16xi32>], vector<16xf32>, vector<16xi1>
      %lt3A_1498 = arith.constant 0 : i32
      %lt3A_1499 = vector.broadcast %lt3A_1498 : i32 to vector<16xi32>
      %lt3A_1500 = arith.cmpi slt, %broadcast_in_dim3A_27, %lt3A_1499 : vector<16xi32>
      %add3A_1501 = arith.constant 16 : i32
      %add3A_1502 = vector.broadcast %add3A_1501 : i32 to vector<16xi32>
      %add3A_1503 = arith.addi %broadcast_in_dim3A_27, %add3A_1502 : vector<16xi32>
      %select_n3A_1504 = arith.select %lt3A_1500, %add3A_1503, %broadcast_in_dim3A_27 : vector<16xi1>, vector<16xi32>
      %broadcast_in_dim3A_1505 = vector.shape_cast %select_n3A_1504 : vector<16xi32> to vector<16x1xi32>
      %gather3A_1506 = vector.shape_cast %broadcast_in_dim3A_1505 : vector<16x1xi32> to vector<16xi32>
      %gather3A_1507 = tpu.dynamic_gather %get3A_1337[%gather3A_1506] in [0] : vector<16xi32>, vector<16xi32> -> vector<16xi32>
      %get3A_1508 = arith.constant 1440 : index
      %get3A_1509 = tpu.vector_load %arg8[%get3A_1508] {strides = array<i32>} : memref<2048xf32, #tpu.memory_space<vmem>>, vector<16xf32>,
      %mul3A_1510 = arith.constant 8 : i32
      %mul3A_1511 = vector.broadcast %mul3A_1510 : i32 to vector<16xi32>
      %mul3A_1512 = arith.muli %gather3A_1507, %mul3A_1511 : vector<16xi32>
      %add3A_1513 = arith.addi %mul3A_1512, %iota3A : vector<16xi32>
      tpu.vector_store_idx %arg9[%add3A_1513], %get3A_1509 masked %lt3A_4 {add = true} : memref<81920xf32, #tpu.memory_space<vmem>>[vector<16xi32>], vector<16xf32>, vector<16xi1>
      tpu.vector_store_idx %arg10[%gather3A_1507], %get3A_1509 masked %eq3A_6 {add = true} : memref<10240xf32, #tpu.memory_space<vmem>>[vector<16xi32>], vector<16xf32>, vector<16xi1>
      %lt3A_1514 = arith.constant 0 : i32
      %lt3A_1515 = vector.broadcast %lt3A_1514 : i32 to vector<16xi32>
      %lt3A_1516 = arith.cmpi slt, %broadcast_in_dim3A_29, %lt3A_1515 : vector<16xi32>
      %add3A_1517 = arith.constant 16 : i32
      %add3A_1518 = vector.broadcast %add3A_1517 : i32 to vector<16xi32>
      %add3A_1519 = arith.addi %broadcast_in_dim3A_29, %add3A_1518 : vector<16xi32>
      %select_n3A_1520 = arith.select %lt3A_1516, %add3A_1519, %broadcast_in_dim3A_29 : vector<16xi1>, vector<16xi32>
      %broadcast_in_dim3A_1521 = vector.shape_cast %select_n3A_1520 : vector<16xi32> to vector<16x1xi32>
      %gather3A_1522 = vector.shape_cast %broadcast_in_dim3A_1521 : vector<16x1xi32> to vector<16xi32>
      %gather3A_1523 = tpu.dynamic_gather %get3A_1337[%gather3A_1522] in [0] : vector<16xi32>, vector<16xi32> -> vector<16xi32>
      %get3A_1524 = arith.constant 1456 : index
      %get3A_1525 = tpu.vector_load %arg8[%get3A_1524] {strides = array<i32>} : memref<2048xf32, #tpu.memory_space<vmem>>, vector<16xf32>,
      %mul3A_1526 = arith.constant 8 : i32
      %mul3A_1527 = vector.broadcast %mul3A_1526 : i32 to vector<16xi32>
      %mul3A_1528 = arith.muli %gather3A_1523, %mul3A_1527 : vector<16xi32>
      %add3A_1529 = arith.addi %mul3A_1528, %iota3A : vector<16xi32>
      tpu.vector_store_idx %arg9[%add3A_1529], %get3A_1525 masked %lt3A_4 {add = true} : memref<81920xf32, #tpu.memory_space<vmem>>[vector<16xi32>], vector<16xf32>, vector<16xi1>
      tpu.vector_store_idx %arg10[%gather3A_1523], %get3A_1525 masked %eq3A_6 {add = true} : memref<10240xf32, #tpu.memory_space<vmem>>[vector<16xi32>], vector<16xf32>, vector<16xi1>
      %lt3A_1530 = arith.constant 0 : i32
      %lt3A_1531 = vector.broadcast %lt3A_1530 : i32 to vector<16xi32>
      %lt3A_1532 = arith.cmpi slt, %broadcast_in_dim3A_31, %lt3A_1531 : vector<16xi32>
      %add3A_1533 = arith.constant 16 : i32
      %add3A_1534 = vector.broadcast %add3A_1533 : i32 to vector<16xi32>
      %add3A_1535 = arith.addi %broadcast_in_dim3A_31, %add3A_1534 : vector<16xi32>
      %select_n3A_1536 = arith.select %lt3A_1532, %add3A_1535, %broadcast_in_dim3A_31 : vector<16xi1>, vector<16xi32>
      %broadcast_in_dim3A_1537 = vector.shape_cast %select_n3A_1536 : vector<16xi32> to vector<16x1xi32>
      %gather3A_1538 = vector.shape_cast %broadcast_in_dim3A_1537 : vector<16x1xi32> to vector<16xi32>
      %gather3A_1539 = tpu.dynamic_gather %get3A_1337[%gather3A_1538] in [0] : vector<16xi32>, vector<16xi32> -> vector<16xi32>
      %get3A_1540 = arith.constant 1472 : index
      %get3A_1541 = tpu.vector_load %arg8[%get3A_1540] {strides = array<i32>} : memref<2048xf32, #tpu.memory_space<vmem>>, vector<16xf32>,
      %mul3A_1542 = arith.constant 8 : i32
      %mul3A_1543 = vector.broadcast %mul3A_1542 : i32 to vector<16xi32>
      %mul3A_1544 = arith.muli %gather3A_1539, %mul3A_1543 : vector<16xi32>
      %add3A_1545 = arith.addi %mul3A_1544, %iota3A : vector<16xi32>
      tpu.vector_store_idx %arg9[%add3A_1545], %get3A_1541 masked %lt3A_4 {add = true} : memref<81920xf32, #tpu.memory_space<vmem>>[vector<16xi32>], vector<16xf32>, vector<16xi1>
      tpu.vector_store_idx %arg10[%gather3A_1539], %get3A_1541 masked %eq3A_6 {add = true} : memref<10240xf32, #tpu.memory_space<vmem>>[vector<16xi32>], vector<16xf32>, vector<16xi1>
      %lt3A_1546 = arith.constant 0 : i32
      %lt3A_1547 = vector.broadcast %lt3A_1546 : i32 to vector<16xi32>
      %lt3A_1548 = arith.cmpi slt, %broadcast_in_dim3A_33, %lt3A_1547 : vector<16xi32>
      %add3A_1549 = arith.constant 16 : i32
      %add3A_1550 = vector.broadcast %add3A_1549 : i32 to vector<16xi32>
      %add3A_1551 = arith.addi %broadcast_in_dim3A_33, %add3A_1550 : vector<16xi32>
      %select_n3A_1552 = arith.select %lt3A_1548, %add3A_1551, %broadcast_in_dim3A_33 : vector<16xi1>, vector<16xi32>
      %broadcast_in_dim3A_1553 = vector.shape_cast %select_n3A_1552 : vector<16xi32> to vector<16x1xi32>
      %gather3A_1554 = vector.shape_cast %broadcast_in_dim3A_1553 : vector<16x1xi32> to vector<16xi32>
      %gather3A_1555 = tpu.dynamic_gather %get3A_1337[%gather3A_1554] in [0] : vector<16xi32>, vector<16xi32> -> vector<16xi32>
      %get3A_1556 = arith.constant 1488 : index
      %get3A_1557 = tpu.vector_load %arg8[%get3A_1556] {strides = array<i32>} : memref<2048xf32, #tpu.memory_space<vmem>>, vector<16xf32>,
      %mul3A_1558 = arith.constant 8 : i32
      %mul3A_1559 = vector.broadcast %mul3A_1558 : i32 to vector<16xi32>
      %mul3A_1560 = arith.muli %gather3A_1555, %mul3A_1559 : vector<16xi32>
      %add3A_1561 = arith.addi %mul3A_1560, %iota3A : vector<16xi32>
      tpu.vector_store_idx %arg9[%add3A_1561], %get3A_1557 masked %lt3A_4 {add = true} : memref<81920xf32, #tpu.memory_space<vmem>>[vector<16xi32>], vector<16xf32>, vector<16xi1>
      tpu.vector_store_idx %arg10[%gather3A_1555], %get3A_1557 masked %eq3A_6 {add = true} : memref<10240xf32, #tpu.memory_space<vmem>>[vector<16xi32>], vector<16xf32>, vector<16xi1>
      %lt3A_1562 = arith.constant 0 : i32
      %lt3A_1563 = vector.broadcast %lt3A_1562 : i32 to vector<16xi32>
      %lt3A_1564 = arith.cmpi slt, %broadcast_in_dim3A_35, %lt3A_1563 : vector<16xi32>
      %add3A_1565 = arith.constant 16 : i32
      %add3A_1566 = vector.broadcast %add3A_1565 : i32 to vector<16xi32>
      %add3A_1567 = arith.addi %broadcast_in_dim3A_35, %add3A_1566 : vector<16xi32>
      %select_n3A_1568 = arith.select %lt3A_1564, %add3A_1567, %broadcast_in_dim3A_35 : vector<16xi1>, vector<16xi32>
      %broadcast_in_dim3A_1569 = vector.shape_cast %select_n3A_1568 : vector<16xi32> to vector<16x1xi32>
      %gather3A_1570 = vector.shape_cast %broadcast_in_dim3A_1569 : vector<16x1xi32> to vector<16xi32>
      %gather3A_1571 = tpu.dynamic_gather %get3A_1337[%gather3A_1570] in [0] : vector<16xi32>, vector<16xi32> -> vector<16xi32>
      %get3A_1572 = arith.constant 1504 : index
      %get3A_1573 = tpu.vector_load %arg8[%get3A_1572] {strides = array<i32>} : memref<2048xf32, #tpu.memory_space<vmem>>, vector<16xf32>,
      %mul3A_1574 = arith.constant 8 : i32
      %mul3A_1575 = vector.broadcast %mul3A_1574 : i32 to vector<16xi32>
      %mul3A_1576 = arith.muli %gather3A_1571, %mul3A_1575 : vector<16xi32>
      %add3A_1577 = arith.addi %mul3A_1576, %iota3A : vector<16xi32>
      tpu.vector_store_idx %arg9[%add3A_1577], %get3A_1573 masked %lt3A_4 {add = true} : memref<81920xf32, #tpu.memory_space<vmem>>[vector<16xi32>], vector<16xf32>, vector<16xi1>
      tpu.vector_store_idx %arg10[%gather3A_1571], %get3A_1573 masked %eq3A_6 {add = true} : memref<10240xf32, #tpu.memory_space<vmem>>[vector<16xi32>], vector<16xf32>, vector<16xi1>
      %lt3A_1578 = arith.constant 0 : i32
      %lt3A_1579 = vector.broadcast %lt3A_1578 : i32 to vector<16xi32>
      %lt3A_1580 = arith.cmpi slt, %broadcast_in_dim3A_37, %lt3A_1579 : vector<16xi32>
      %add3A_1581 = arith.constant 16 : i32
      %add3A_1582 = vector.broadcast %add3A_1581 : i32 to vector<16xi32>
      %add3A_1583 = arith.addi %broadcast_in_dim3A_37, %add3A_1582 : vector<16xi32>
      %select_n3A_1584 = arith.select %lt3A_1580, %add3A_1583, %broadcast_in_dim3A_37 : vector<16xi1>, vector<16xi32>
      %broadcast_in_dim3A_1585 = vector.shape_cast %select_n3A_1584 : vector<16xi32> to vector<16x1xi32>
      %gather3A_1586 = vector.shape_cast %broadcast_in_dim3A_1585 : vector<16x1xi32> to vector<16xi32>
      %gather3A_1587 = tpu.dynamic_gather %get3A_1337[%gather3A_1586] in [0] : vector<16xi32>, vector<16xi32> -> vector<16xi32>
      %get3A_1588 = arith.constant 1520 : index
      %get3A_1589 = tpu.vector_load %arg8[%get3A_1588] {strides = array<i32>} : memref<2048xf32, #tpu.memory_space<vmem>>, vector<16xf32>,
      %mul3A_1590 = arith.constant 8 : i32
      %mul3A_1591 = vector.broadcast %mul3A_1590 : i32 to vector<16xi32>
      %mul3A_1592 = arith.muli %gather3A_1587, %mul3A_1591 : vector<16xi32>
      %add3A_1593 = arith.addi %mul3A_1592, %iota3A : vector<16xi32>
      tpu.vector_store_idx %arg9[%add3A_1593], %get3A_1589 masked %lt3A_4 {add = true} : memref<81920xf32, #tpu.memory_space<vmem>>[vector<16xi32>], vector<16xf32>, vector<16xi1>
      tpu.vector_store_idx %arg10[%gather3A_1587], %get3A_1589 masked %eq3A_6 {add = true} : memref<10240xf32, #tpu.memory_space<vmem>>[vector<16xi32>], vector<16xf32>, vector<16xi1>
      %get3A_1594 = arith.constant 96 : index
      %get3A_1595 = tpu.vector_load %arg7[%get3A_1594] {strides = array<i32>} : memref<128xi32, #tpu.memory_space<vmem>>, vector<16xi32>,
      %lt3A_1596 = arith.constant 0 : i32
      %lt3A_1597 = vector.broadcast %lt3A_1596 : i32 to vector<16xi32>
      %lt3A_1598 = arith.cmpi slt, %broadcast_in_dim3A_7, %lt3A_1597 : vector<16xi32>
      %add3A_1599 = arith.constant 16 : i32
      %add3A_1600 = vector.broadcast %add3A_1599 : i32 to vector<16xi32>
      %add3A_1601 = arith.addi %broadcast_in_dim3A_7, %add3A_1600 : vector<16xi32>
      %select_n3A_1602 = arith.select %lt3A_1598, %add3A_1601, %broadcast_in_dim3A_7 : vector<16xi1>, vector<16xi32>
      %broadcast_in_dim3A_1603 = vector.shape_cast %select_n3A_1602 : vector<16xi32> to vector<16x1xi32>
      %gather3A_1604 = vector.shape_cast %broadcast_in_dim3A_1603 : vector<16x1xi32> to vector<16xi32>
      %gather3A_1605 = tpu.dynamic_gather %get3A_1595[%gather3A_1604] in [0] : vector<16xi32>, vector<16xi32> -> vector<16xi32>
      %get3A_1606 = arith.constant 1536 : index
      %get3A_1607 = tpu.vector_load %arg8[%get3A_1606] {strides = array<i32>} : memref<2048xf32, #tpu.memory_space<vmem>>, vector<16xf32>,
      %mul3A_1608 = arith.constant 8 : i32
      %mul3A_1609 = vector.broadcast %mul3A_1608 : i32 to vector<16xi32>
      %mul3A_1610 = arith.muli %gather3A_1605, %mul3A_1609 : vector<16xi32>
      %add3A_1611 = arith.addi %mul3A_1610, %iota3A : vector<16xi32>
      tpu.vector_store_idx %arg9[%add3A_1611], %get3A_1607 masked %lt3A_4 {add = true} : memref<81920xf32, #tpu.memory_space<vmem>>[vector<16xi32>], vector<16xf32>, vector<16xi1>
      tpu.vector_store_idx %arg10[%gather3A_1605], %get3A_1607 masked %eq3A_6 {add = true} : memref<10240xf32, #tpu.memory_space<vmem>>[vector<16xi32>], vector<16xf32>, vector<16xi1>
      %lt3A_1612 = arith.constant 0 : i32
      %lt3A_1613 = vector.broadcast %lt3A_1612 : i32 to vector<16xi32>
      %lt3A_1614 = arith.cmpi slt, %broadcast_in_dim3A_9, %lt3A_1613 : vector<16xi32>
      %add3A_1615 = arith.constant 16 : i32
      %add3A_1616 = vector.broadcast %add3A_1615 : i32 to vector<16xi32>
      %add3A_1617 = arith.addi %broadcast_in_dim3A_9, %add3A_1616 : vector<16xi32>
      %select_n3A_1618 = arith.select %lt3A_1614, %add3A_1617, %broadcast_in_dim3A_9 : vector<16xi1>, vector<16xi32>
      %broadcast_in_dim3A_1619 = vector.shape_cast %select_n3A_1618 : vector<16xi32> to vector<16x1xi32>
      %gather3A_1620 = vector.shape_cast %broadcast_in_dim3A_1619 : vector<16x1xi32> to vector<16xi32>
      %gather3A_1621 = tpu.dynamic_gather %get3A_1595[%gather3A_1620] in [0] : vector<16xi32>, vector<16xi32> -> vector<16xi32>
      %get3A_1622 = arith.constant 1552 : index
      %get3A_1623 = tpu.vector_load %arg8[%get3A_1622] {strides = array<i32>} : memref<2048xf32, #tpu.memory_space<vmem>>, vector<16xf32>,
      %mul3A_1624 = arith.constant 8 : i32
      %mul3A_1625 = vector.broadcast %mul3A_1624 : i32 to vector<16xi32>
      %mul3A_1626 = arith.muli %gather3A_1621, %mul3A_1625 : vector<16xi32>
      %add3A_1627 = arith.addi %mul3A_1626, %iota3A : vector<16xi32>
      tpu.vector_store_idx %arg9[%add3A_1627], %get3A_1623 masked %lt3A_4 {add = true} : memref<81920xf32, #tpu.memory_space<vmem>>[vector<16xi32>], vector<16xf32>, vector<16xi1>
      tpu.vector_store_idx %arg10[%gather3A_1621], %get3A_1623 masked %eq3A_6 {add = true} : memref<10240xf32, #tpu.memory_space<vmem>>[vector<16xi32>], vector<16xf32>, vector<16xi1>
      %lt3A_1628 = arith.constant 0 : i32
      %lt3A_1629 = vector.broadcast %lt3A_1628 : i32 to vector<16xi32>
      %lt3A_1630 = arith.cmpi slt, %broadcast_in_dim3A_11, %lt3A_1629 : vector<16xi32>
      %add3A_1631 = arith.constant 16 : i32
      %add3A_1632 = vector.broadcast %add3A_1631 : i32 to vector<16xi32>
      %add3A_1633 = arith.addi %broadcast_in_dim3A_11, %add3A_1632 : vector<16xi32>
      %select_n3A_1634 = arith.select %lt3A_1630, %add3A_1633, %broadcast_in_dim3A_11 : vector<16xi1>, vector<16xi32>
      %broadcast_in_dim3A_1635 = vector.shape_cast %select_n3A_1634 : vector<16xi32> to vector<16x1xi32>
      %gather3A_1636 = vector.shape_cast %broadcast_in_dim3A_1635 : vector<16x1xi32> to vector<16xi32>
      %gather3A_1637 = tpu.dynamic_gather %get3A_1595[%gather3A_1636] in [0] : vector<16xi32>, vector<16xi32> -> vector<16xi32>
      %get3A_1638 = arith.constant 1568 : index
      %get3A_1639 = tpu.vector_load %arg8[%get3A_1638] {strides = array<i32>} : memref<2048xf32, #tpu.memory_space<vmem>>, vector<16xf32>,
      %mul3A_1640 = arith.constant 8 : i32
      %mul3A_1641 = vector.broadcast %mul3A_1640 : i32 to vector<16xi32>
      %mul3A_1642 = arith.muli %gather3A_1637, %mul3A_1641 : vector<16xi32>
      %add3A_1643 = arith.addi %mul3A_1642, %iota3A : vector<16xi32>
      tpu.vector_store_idx %arg9[%add3A_1643], %get3A_1639 masked %lt3A_4 {add = true} : memref<81920xf32, #tpu.memory_space<vmem>>[vector<16xi32>], vector<16xf32>, vector<16xi1>
      tpu.vector_store_idx %arg10[%gather3A_1637], %get3A_1639 masked %eq3A_6 {add = true} : memref<10240xf32, #tpu.memory_space<vmem>>[vector<16xi32>], vector<16xf32>, vector<16xi1>
      %lt3A_1644 = arith.constant 0 : i32
      %lt3A_1645 = vector.broadcast %lt3A_1644 : i32 to vector<16xi32>
      %lt3A_1646 = arith.cmpi slt, %broadcast_in_dim3A_13, %lt3A_1645 : vector<16xi32>
      %add3A_1647 = arith.constant 16 : i32
      %add3A_1648 = vector.broadcast %add3A_1647 : i32 to vector<16xi32>
      %add3A_1649 = arith.addi %broadcast_in_dim3A_13, %add3A_1648 : vector<16xi32>
      %select_n3A_1650 = arith.select %lt3A_1646, %add3A_1649, %broadcast_in_dim3A_13 : vector<16xi1>, vector<16xi32>
      %broadcast_in_dim3A_1651 = vector.shape_cast %select_n3A_1650 : vector<16xi32> to vector<16x1xi32>
      %gather3A_1652 = vector.shape_cast %broadcast_in_dim3A_1651 : vector<16x1xi32> to vector<16xi32>
      %gather3A_1653 = tpu.dynamic_gather %get3A_1595[%gather3A_1652] in [0] : vector<16xi32>, vector<16xi32> -> vector<16xi32>
      %get3A_1654 = arith.constant 1584 : index
      %get3A_1655 = tpu.vector_load %arg8[%get3A_1654] {strides = array<i32>} : memref<2048xf32, #tpu.memory_space<vmem>>, vector<16xf32>,
      %mul3A_1656 = arith.constant 8 : i32
      %mul3A_1657 = vector.broadcast %mul3A_1656 : i32 to vector<16xi32>
      %mul3A_1658 = arith.muli %gather3A_1653, %mul3A_1657 : vector<16xi32>
      %add3A_1659 = arith.addi %mul3A_1658, %iota3A : vector<16xi32>
      tpu.vector_store_idx %arg9[%add3A_1659], %get3A_1655 masked %lt3A_4 {add = true} : memref<81920xf32, #tpu.memory_space<vmem>>[vector<16xi32>], vector<16xf32>, vector<16xi1>
      tpu.vector_store_idx %arg10[%gather3A_1653], %get3A_1655 masked %eq3A_6 {add = true} : memref<10240xf32, #tpu.memory_space<vmem>>[vector<16xi32>], vector<16xf32>, vector<16xi1>
      %lt3A_1660 = arith.constant 0 : i32
      %lt3A_1661 = vector.broadcast %lt3A_1660 : i32 to vector<16xi32>
      %lt3A_1662 = arith.cmpi slt, %broadcast_in_dim3A_15, %lt3A_1661 : vector<16xi32>
      %add3A_1663 = arith.constant 16 : i32
      %add3A_1664 = vector.broadcast %add3A_1663 : i32 to vector<16xi32>
      %add3A_1665 = arith.addi %broadcast_in_dim3A_15, %add3A_1664 : vector<16xi32>
      %select_n3A_1666 = arith.select %lt3A_1662, %add3A_1665, %broadcast_in_dim3A_15 : vector<16xi1>, vector<16xi32>
      %broadcast_in_dim3A_1667 = vector.shape_cast %select_n3A_1666 : vector<16xi32> to vector<16x1xi32>
      %gather3A_1668 = vector.shape_cast %broadcast_in_dim3A_1667 : vector<16x1xi32> to vector<16xi32>
      %gather3A_1669 = tpu.dynamic_gather %get3A_1595[%gather3A_1668] in [0] : vector<16xi32>, vector<16xi32> -> vector<16xi32>
      %get3A_1670 = arith.constant 1600 : index
      %get3A_1671 = tpu.vector_load %arg8[%get3A_1670] {strides = array<i32>} : memref<2048xf32, #tpu.memory_space<vmem>>, vector<16xf32>,
      %mul3A_1672 = arith.constant 8 : i32
      %mul3A_1673 = vector.broadcast %mul3A_1672 : i32 to vector<16xi32>
      %mul3A_1674 = arith.muli %gather3A_1669, %mul3A_1673 : vector<16xi32>
      %add3A_1675 = arith.addi %mul3A_1674, %iota3A : vector<16xi32>
      tpu.vector_store_idx %arg9[%add3A_1675], %get3A_1671 masked %lt3A_4 {add = true} : memref<81920xf32, #tpu.memory_space<vmem>>[vector<16xi32>], vector<16xf32>, vector<16xi1>
      tpu.vector_store_idx %arg10[%gather3A_1669], %get3A_1671 masked %eq3A_6 {add = true} : memref<10240xf32, #tpu.memory_space<vmem>>[vector<16xi32>], vector<16xf32>, vector<16xi1>
      %lt3A_1676 = arith.constant 0 : i32
      %lt3A_1677 = vector.broadcast %lt3A_1676 : i32 to vector<16xi32>
      %lt3A_1678 = arith.cmpi slt, %broadcast_in_dim3A_17, %lt3A_1677 : vector<16xi32>
      %add3A_1679 = arith.constant 16 : i32
      %add3A_1680 = vector.broadcast %add3A_1679 : i32 to vector<16xi32>
      %add3A_1681 = arith.addi %broadcast_in_dim3A_17, %add3A_1680 : vector<16xi32>
      %select_n3A_1682 = arith.select %lt3A_1678, %add3A_1681, %broadcast_in_dim3A_17 : vector<16xi1>, vector<16xi32>
      %broadcast_in_dim3A_1683 = vector.shape_cast %select_n3A_1682 : vector<16xi32> to vector<16x1xi32>
      %gather3A_1684 = vector.shape_cast %broadcast_in_dim3A_1683 : vector<16x1xi32> to vector<16xi32>
      %gather3A_1685 = tpu.dynamic_gather %get3A_1595[%gather3A_1684] in [0] : vector<16xi32>, vector<16xi32> -> vector<16xi32>
      %get3A_1686 = arith.constant 1616 : index
      %get3A_1687 = tpu.vector_load %arg8[%get3A_1686] {strides = array<i32>} : memref<2048xf32, #tpu.memory_space<vmem>>, vector<16xf32>,
      %mul3A_1688 = arith.constant 8 : i32
      %mul3A_1689 = vector.broadcast %mul3A_1688 : i32 to vector<16xi32>
      %mul3A_1690 = arith.muli %gather3A_1685, %mul3A_1689 : vector<16xi32>
      %add3A_1691 = arith.addi %mul3A_1690, %iota3A : vector<16xi32>
      tpu.vector_store_idx %arg9[%add3A_1691], %get3A_1687 masked %lt3A_4 {add = true} : memref<81920xf32, #tpu.memory_space<vmem>>[vector<16xi32>], vector<16xf32>, vector<16xi1>
      tpu.vector_store_idx %arg10[%gather3A_1685], %get3A_1687 masked %eq3A_6 {add = true} : memref<10240xf32, #tpu.memory_space<vmem>>[vector<16xi32>], vector<16xf32>, vector<16xi1>
      %lt3A_1692 = arith.constant 0 : i32
      %lt3A_1693 = vector.broadcast %lt3A_1692 : i32 to vector<16xi32>
      %lt3A_1694 = arith.cmpi slt, %broadcast_in_dim3A_19, %lt3A_1693 : vector<16xi32>
      %add3A_1695 = arith.constant 16 : i32
      %add3A_1696 = vector.broadcast %add3A_1695 : i32 to vector<16xi32>
      %add3A_1697 = arith.addi %broadcast_in_dim3A_19, %add3A_1696 : vector<16xi32>
      %select_n3A_1698 = arith.select %lt3A_1694, %add3A_1697, %broadcast_in_dim3A_19 : vector<16xi1>, vector<16xi32>
      %broadcast_in_dim3A_1699 = vector.shape_cast %select_n3A_1698 : vector<16xi32> to vector<16x1xi32>
      %gather3A_1700 = vector.shape_cast %broadcast_in_dim3A_1699 : vector<16x1xi32> to vector<16xi32>
      %gather3A_1701 = tpu.dynamic_gather %get3A_1595[%gather3A_1700] in [0] : vector<16xi32>, vector<16xi32> -> vector<16xi32>
      %get3A_1702 = arith.constant 1632 : index
      %get3A_1703 = tpu.vector_load %arg8[%get3A_1702] {strides = array<i32>} : memref<2048xf32, #tpu.memory_space<vmem>>, vector<16xf32>,
      %mul3A_1704 = arith.constant 8 : i32
      %mul3A_1705 = vector.broadcast %mul3A_1704 : i32 to vector<16xi32>
      %mul3A_1706 = arith.muli %gather3A_1701, %mul3A_1705 : vector<16xi32>
      %add3A_1707 = arith.addi %mul3A_1706, %iota3A : vector<16xi32>
      tpu.vector_store_idx %arg9[%add3A_1707], %get3A_1703 masked %lt3A_4 {add = true} : memref<81920xf32, #tpu.memory_space<vmem>>[vector<16xi32>], vector<16xf32>, vector<16xi1>
      tpu.vector_store_idx %arg10[%gather3A_1701], %get3A_1703 masked %eq3A_6 {add = true} : memref<10240xf32, #tpu.memory_space<vmem>>[vector<16xi32>], vector<16xf32>, vector<16xi1>
      %lt3A_1708 = arith.constant 0 : i32
      %lt3A_1709 = vector.broadcast %lt3A_1708 : i32 to vector<16xi32>
      %lt3A_1710 = arith.cmpi slt, %broadcast_in_dim3A_21, %lt3A_1709 : vector<16xi32>
      %add3A_1711 = arith.constant 16 : i32
      %add3A_1712 = vector.broadcast %add3A_1711 : i32 to vector<16xi32>
      %add3A_1713 = arith.addi %broadcast_in_dim3A_21, %add3A_1712 : vector<16xi32>
      %select_n3A_1714 = arith.select %lt3A_1710, %add3A_1713, %broadcast_in_dim3A_21 : vector<16xi1>, vector<16xi32>
      %broadcast_in_dim3A_1715 = vector.shape_cast %select_n3A_1714 : vector<16xi32> to vector<16x1xi32>
      %gather3A_1716 = vector.shape_cast %broadcast_in_dim3A_1715 : vector<16x1xi32> to vector<16xi32>
      %gather3A_1717 = tpu.dynamic_gather %get3A_1595[%gather3A_1716] in [0] : vector<16xi32>, vector<16xi32> -> vector<16xi32>
      %get3A_1718 = arith.constant 1648 : index
      %get3A_1719 = tpu.vector_load %arg8[%get3A_1718] {strides = array<i32>} : memref<2048xf32, #tpu.memory_space<vmem>>, vector<16xf32>,
      %mul3A_1720 = arith.constant 8 : i32
      %mul3A_1721 = vector.broadcast %mul3A_1720 : i32 to vector<16xi32>
      %mul3A_1722 = arith.muli %gather3A_1717, %mul3A_1721 : vector<16xi32>
      %add3A_1723 = arith.addi %mul3A_1722, %iota3A : vector<16xi32>
      tpu.vector_store_idx %arg9[%add3A_1723], %get3A_1719 masked %lt3A_4 {add = true} : memref<81920xf32, #tpu.memory_space<vmem>>[vector<16xi32>], vector<16xf32>, vector<16xi1>
      tpu.vector_store_idx %arg10[%gather3A_1717], %get3A_1719 masked %eq3A_6 {add = true} : memref<10240xf32, #tpu.memory_space<vmem>>[vector<16xi32>], vector<16xf32>, vector<16xi1>
      %lt3A_1724 = arith.constant 0 : i32
      %lt3A_1725 = vector.broadcast %lt3A_1724 : i32 to vector<16xi32>
      %lt3A_1726 = arith.cmpi slt, %broadcast_in_dim3A_23, %lt3A_1725 : vector<16xi32>
      %add3A_1727 = arith.constant 16 : i32
      %add3A_1728 = vector.broadcast %add3A_1727 : i32 to vector<16xi32>
      %add3A_1729 = arith.addi %broadcast_in_dim3A_23, %add3A_1728 : vector<16xi32>
      %select_n3A_1730 = arith.select %lt3A_1726, %add3A_1729, %broadcast_in_dim3A_23 : vector<16xi1>, vector<16xi32>
      %broadcast_in_dim3A_1731 = vector.shape_cast %select_n3A_1730 : vector<16xi32> to vector<16x1xi32>
      %gather3A_1732 = vector.shape_cast %broadcast_in_dim3A_1731 : vector<16x1xi32> to vector<16xi32>
      %gather3A_1733 = tpu.dynamic_gather %get3A_1595[%gather3A_1732] in [0] : vector<16xi32>, vector<16xi32> -> vector<16xi32>
      %get3A_1734 = arith.constant 1664 : index
      %get3A_1735 = tpu.vector_load %arg8[%get3A_1734] {strides = array<i32>} : memref<2048xf32, #tpu.memory_space<vmem>>, vector<16xf32>,
      %mul3A_1736 = arith.constant 8 : i32
      %mul3A_1737 = vector.broadcast %mul3A_1736 : i32 to vector<16xi32>
      %mul3A_1738 = arith.muli %gather3A_1733, %mul3A_1737 : vector<16xi32>
      %add3A_1739 = arith.addi %mul3A_1738, %iota3A : vector<16xi32>
      tpu.vector_store_idx %arg9[%add3A_1739], %get3A_1735 masked %lt3A_4 {add = true} : memref<81920xf32, #tpu.memory_space<vmem>>[vector<16xi32>], vector<16xf32>, vector<16xi1>
      tpu.vector_store_idx %arg10[%gather3A_1733], %get3A_1735 masked %eq3A_6 {add = true} : memref<10240xf32, #tpu.memory_space<vmem>>[vector<16xi32>], vector<16xf32>, vector<16xi1>
      %lt3A_1740 = arith.constant 0 : i32
      %lt3A_1741 = vector.broadcast %lt3A_1740 : i32 to vector<16xi32>
      %lt3A_1742 = arith.cmpi slt, %broadcast_in_dim3A_25, %lt3A_1741 : vector<16xi32>
      %add3A_1743 = arith.constant 16 : i32
      %add3A_1744 = vector.broadcast %add3A_1743 : i32 to vector<16xi32>
      %add3A_1745 = arith.addi %broadcast_in_dim3A_25, %add3A_1744 : vector<16xi32>
      %select_n3A_1746 = arith.select %lt3A_1742, %add3A_1745, %broadcast_in_dim3A_25 : vector<16xi1>, vector<16xi32>
      %broadcast_in_dim3A_1747 = vector.shape_cast %select_n3A_1746 : vector<16xi32> to vector<16x1xi32>
      %gather3A_1748 = vector.shape_cast %broadcast_in_dim3A_1747 : vector<16x1xi32> to vector<16xi32>
      %gather3A_1749 = tpu.dynamic_gather %get3A_1595[%gather3A_1748] in [0] : vector<16xi32>, vector<16xi32> -> vector<16xi32>
      %get3A_1750 = arith.constant 1680 : index
      %get3A_1751 = tpu.vector_load %arg8[%get3A_1750] {strides = array<i32>} : memref<2048xf32, #tpu.memory_space<vmem>>, vector<16xf32>,
      %mul3A_1752 = arith.constant 8 : i32
      %mul3A_1753 = vector.broadcast %mul3A_1752 : i32 to vector<16xi32>
      %mul3A_1754 = arith.muli %gather3A_1749, %mul3A_1753 : vector<16xi32>
      %add3A_1755 = arith.addi %mul3A_1754, %iota3A : vector<16xi32>
      tpu.vector_store_idx %arg9[%add3A_1755], %get3A_1751 masked %lt3A_4 {add = true} : memref<81920xf32, #tpu.memory_space<vmem>>[vector<16xi32>], vector<16xf32>, vector<16xi1>
      tpu.vector_store_idx %arg10[%gather3A_1749], %get3A_1751 masked %eq3A_6 {add = true} : memref<10240xf32, #tpu.memory_space<vmem>>[vector<16xi32>], vector<16xf32>, vector<16xi1>
      %lt3A_1756 = arith.constant 0 : i32
      %lt3A_1757 = vector.broadcast %lt3A_1756 : i32 to vector<16xi32>
      %lt3A_1758 = arith.cmpi slt, %broadcast_in_dim3A_27, %lt3A_1757 : vector<16xi32>
      %add3A_1759 = arith.constant 16 : i32
      %add3A_1760 = vector.broadcast %add3A_1759 : i32 to vector<16xi32>
      %add3A_1761 = arith.addi %broadcast_in_dim3A_27, %add3A_1760 : vector<16xi32>
      %select_n3A_1762 = arith.select %lt3A_1758, %add3A_1761, %broadcast_in_dim3A_27 : vector<16xi1>, vector<16xi32>
      %broadcast_in_dim3A_1763 = vector.shape_cast %select_n3A_1762 : vector<16xi32> to vector<16x1xi32>
      %gather3A_1764 = vector.shape_cast %broadcast_in_dim3A_1763 : vector<16x1xi32> to vector<16xi32>
      %gather3A_1765 = tpu.dynamic_gather %get3A_1595[%gather3A_1764] in [0] : vector<16xi32>, vector<16xi32> -> vector<16xi32>
      %get3A_1766 = arith.constant 1696 : index
      %get3A_1767 = tpu.vector_load %arg8[%get3A_1766] {strides = array<i32>} : memref<2048xf32, #tpu.memory_space<vmem>>, vector<16xf32>,
      %mul3A_1768 = arith.constant 8 : i32
      %mul3A_1769 = vector.broadcast %mul3A_1768 : i32 to vector<16xi32>
      %mul3A_1770 = arith.muli %gather3A_1765, %mul3A_1769 : vector<16xi32>
      %add3A_1771 = arith.addi %mul3A_1770, %iota3A : vector<16xi32>
      tpu.vector_store_idx %arg9[%add3A_1771], %get3A_1767 masked %lt3A_4 {add = true} : memref<81920xf32, #tpu.memory_space<vmem>>[vector<16xi32>], vector<16xf32>, vector<16xi1>
      tpu.vector_store_idx %arg10[%gather3A_1765], %get3A_1767 masked %eq3A_6 {add = true} : memref<10240xf32, #tpu.memory_space<vmem>>[vector<16xi32>], vector<16xf32>, vector<16xi1>
      %lt3A_1772 = arith.constant 0 : i32
      %lt3A_1773 = vector.broadcast %lt3A_1772 : i32 to vector<16xi32>
      %lt3A_1774 = arith.cmpi slt, %broadcast_in_dim3A_29, %lt3A_1773 : vector<16xi32>
      %add3A_1775 = arith.constant 16 : i32
      %add3A_1776 = vector.broadcast %add3A_1775 : i32 to vector<16xi32>
      %add3A_1777 = arith.addi %broadcast_in_dim3A_29, %add3A_1776 : vector<16xi32>
      %select_n3A_1778 = arith.select %lt3A_1774, %add3A_1777, %broadcast_in_dim3A_29 : vector<16xi1>, vector<16xi32>
      %broadcast_in_dim3A_1779 = vector.shape_cast %select_n3A_1778 : vector<16xi32> to vector<16x1xi32>
      %gather3A_1780 = vector.shape_cast %broadcast_in_dim3A_1779 : vector<16x1xi32> to vector<16xi32>
      %gather3A_1781 = tpu.dynamic_gather %get3A_1595[%gather3A_1780] in [0] : vector<16xi32>, vector<16xi32> -> vector<16xi32>
      %get3A_1782 = arith.constant 1712 : index
      %get3A_1783 = tpu.vector_load %arg8[%get3A_1782] {strides = array<i32>} : memref<2048xf32, #tpu.memory_space<vmem>>, vector<16xf32>,
      %mul3A_1784 = arith.constant 8 : i32
      %mul3A_1785 = vector.broadcast %mul3A_1784 : i32 to vector<16xi32>
      %mul3A_1786 = arith.muli %gather3A_1781, %mul3A_1785 : vector<16xi32>
      %add3A_1787 = arith.addi %mul3A_1786, %iota3A : vector<16xi32>
      tpu.vector_store_idx %arg9[%add3A_1787], %get3A_1783 masked %lt3A_4 {add = true} : memref<81920xf32, #tpu.memory_space<vmem>>[vector<16xi32>], vector<16xf32>, vector<16xi1>
      tpu.vector_store_idx %arg10[%gather3A_1781], %get3A_1783 masked %eq3A_6 {add = true} : memref<10240xf32, #tpu.memory_space<vmem>>[vector<16xi32>], vector<16xf32>, vector<16xi1>
      %lt3A_1788 = arith.constant 0 : i32
      %lt3A_1789 = vector.broadcast %lt3A_1788 : i32 to vector<16xi32>
      %lt3A_1790 = arith.cmpi slt, %broadcast_in_dim3A_31, %lt3A_1789 : vector<16xi32>
      %add3A_1791 = arith.constant 16 : i32
      %add3A_1792 = vector.broadcast %add3A_1791 : i32 to vector<16xi32>
      %add3A_1793 = arith.addi %broadcast_in_dim3A_31, %add3A_1792 : vector<16xi32>
      %select_n3A_1794 = arith.select %lt3A_1790, %add3A_1793, %broadcast_in_dim3A_31 : vector<16xi1>, vector<16xi32>
      %broadcast_in_dim3A_1795 = vector.shape_cast %select_n3A_1794 : vector<16xi32> to vector<16x1xi32>
      %gather3A_1796 = vector.shape_cast %broadcast_in_dim3A_1795 : vector<16x1xi32> to vector<16xi32>
      %gather3A_1797 = tpu.dynamic_gather %get3A_1595[%gather3A_1796] in [0] : vector<16xi32>, vector<16xi32> -> vector<16xi32>
      %get3A_1798 = arith.constant 1728 : index
      %get3A_1799 = tpu.vector_load %arg8[%get3A_1798] {strides = array<i32>} : memref<2048xf32, #tpu.memory_space<vmem>>, vector<16xf32>,
      %mul3A_1800 = arith.constant 8 : i32
      %mul3A_1801 = vector.broadcast %mul3A_1800 : i32 to vector<16xi32>
      %mul3A_1802 = arith.muli %gather3A_1797, %mul3A_1801 : vector<16xi32>
      %add3A_1803 = arith.addi %mul3A_1802, %iota3A : vector<16xi32>
      tpu.vector_store_idx %arg9[%add3A_1803], %get3A_1799 masked %lt3A_4 {add = true} : memref<81920xf32, #tpu.memory_space<vmem>>[vector<16xi32>], vector<16xf32>, vector<16xi1>
      tpu.vector_store_idx %arg10[%gather3A_1797], %get3A_1799 masked %eq3A_6 {add = true} : memref<10240xf32, #tpu.memory_space<vmem>>[vector<16xi32>], vector<16xf32>, vector<16xi1>
      %lt3A_1804 = arith.constant 0 : i32
      %lt3A_1805 = vector.broadcast %lt3A_1804 : i32 to vector<16xi32>
      %lt3A_1806 = arith.cmpi slt, %broadcast_in_dim3A_33, %lt3A_1805 : vector<16xi32>
      %add3A_1807 = arith.constant 16 : i32
      %add3A_1808 = vector.broadcast %add3A_1807 : i32 to vector<16xi32>
      %add3A_1809 = arith.addi %broadcast_in_dim3A_33, %add3A_1808 : vector<16xi32>
      %select_n3A_1810 = arith.select %lt3A_1806, %add3A_1809, %broadcast_in_dim3A_33 : vector<16xi1>, vector<16xi32>
      %broadcast_in_dim3A_1811 = vector.shape_cast %select_n3A_1810 : vector<16xi32> to vector<16x1xi32>
      %gather3A_1812 = vector.shape_cast %broadcast_in_dim3A_1811 : vector<16x1xi32> to vector<16xi32>
      %gather3A_1813 = tpu.dynamic_gather %get3A_1595[%gather3A_1812] in [0] : vector<16xi32>, vector<16xi32> -> vector<16xi32>
      %get3A_1814 = arith.constant 1744 : index
      %get3A_1815 = tpu.vector_load %arg8[%get3A_1814] {strides = array<i32>} : memref<2048xf32, #tpu.memory_space<vmem>>, vector<16xf32>,
      %mul3A_1816 = arith.constant 8 : i32
      %mul3A_1817 = vector.broadcast %mul3A_1816 : i32 to vector<16xi32>
      %mul3A_1818 = arith.muli %gather3A_1813, %mul3A_1817 : vector<16xi32>
      %add3A_1819 = arith.addi %mul3A_1818, %iota3A : vector<16xi32>
      tpu.vector_store_idx %arg9[%add3A_1819], %get3A_1815 masked %lt3A_4 {add = true} : memref<81920xf32, #tpu.memory_space<vmem>>[vector<16xi32>], vector<16xf32>, vector<16xi1>
      tpu.vector_store_idx %arg10[%gather3A_1813], %get3A_1815 masked %eq3A_6 {add = true} : memref<10240xf32, #tpu.memory_space<vmem>>[vector<16xi32>], vector<16xf32>, vector<16xi1>
      %lt3A_1820 = arith.constant 0 : i32
      %lt3A_1821 = vector.broadcast %lt3A_1820 : i32 to vector<16xi32>
      %lt3A_1822 = arith.cmpi slt, %broadcast_in_dim3A_35, %lt3A_1821 : vector<16xi32>
      %add3A_1823 = arith.constant 16 : i32
      %add3A_1824 = vector.broadcast %add3A_1823 : i32 to vector<16xi32>
      %add3A_1825 = arith.addi %broadcast_in_dim3A_35, %add3A_1824 : vector<16xi32>
      %select_n3A_1826 = arith.select %lt3A_1822, %add3A_1825, %broadcast_in_dim3A_35 : vector<16xi1>, vector<16xi32>
      %broadcast_in_dim3A_1827 = vector.shape_cast %select_n3A_1826 : vector<16xi32> to vector<16x1xi32>
      %gather3A_1828 = vector.shape_cast %broadcast_in_dim3A_1827 : vector<16x1xi32> to vector<16xi32>
      %gather3A_1829 = tpu.dynamic_gather %get3A_1595[%gather3A_1828] in [0] : vector<16xi32>, vector<16xi32> -> vector<16xi32>
      %get3A_1830 = arith.constant 1760 : index
      %get3A_1831 = tpu.vector_load %arg8[%get3A_1830] {strides = array<i32>} : memref<2048xf32, #tpu.memory_space<vmem>>, vector<16xf32>,
      %mul3A_1832 = arith.constant 8 : i32
      %mul3A_1833 = vector.broadcast %mul3A_1832 : i32 to vector<16xi32>
      %mul3A_1834 = arith.muli %gather3A_1829, %mul3A_1833 : vector<16xi32>
      %add3A_1835 = arith.addi %mul3A_1834, %iota3A : vector<16xi32>
      tpu.vector_store_idx %arg9[%add3A_1835], %get3A_1831 masked %lt3A_4 {add = true} : memref<81920xf32, #tpu.memory_space<vmem>>[vector<16xi32>], vector<16xf32>, vector<16xi1>
      tpu.vector_store_idx %arg10[%gather3A_1829], %get3A_1831 masked %eq3A_6 {add = true} : memref<10240xf32, #tpu.memory_space<vmem>>[vector<16xi32>], vector<16xf32>, vector<16xi1>
      %lt3A_1836 = arith.constant 0 : i32
      %lt3A_1837 = vector.broadcast %lt3A_1836 : i32 to vector<16xi32>
      %lt3A_1838 = arith.cmpi slt, %broadcast_in_dim3A_37, %lt3A_1837 : vector<16xi32>
      %add3A_1839 = arith.constant 16 : i32
      %add3A_1840 = vector.broadcast %add3A_1839 : i32 to vector<16xi32>
      %add3A_1841 = arith.addi %broadcast_in_dim3A_37, %add3A_1840 : vector<16xi32>
      %select_n3A_1842 = arith.select %lt3A_1838, %add3A_1841, %broadcast_in_dim3A_37 : vector<16xi1>, vector<16xi32>
      %broadcast_in_dim3A_1843 = vector.shape_cast %select_n3A_1842 : vector<16xi32> to vector<16x1xi32>
      %gather3A_1844 = vector.shape_cast %broadcast_in_dim3A_1843 : vector<16x1xi32> to vector<16xi32>
      %gather3A_1845 = tpu.dynamic_gather %get3A_1595[%gather3A_1844] in [0] : vector<16xi32>, vector<16xi32> -> vector<16xi32>
      %get3A_1846 = arith.constant 1776 : index
      %get3A_1847 = tpu.vector_load %arg8[%get3A_1846] {strides = array<i32>} : memref<2048xf32, #tpu.memory_space<vmem>>, vector<16xf32>,
      %mul3A_1848 = arith.constant 8 : i32
      %mul3A_1849 = vector.broadcast %mul3A_1848 : i32 to vector<16xi32>
      %mul3A_1850 = arith.muli %gather3A_1845, %mul3A_1849 : vector<16xi32>
      %add3A_1851 = arith.addi %mul3A_1850, %iota3A : vector<16xi32>
      tpu.vector_store_idx %arg9[%add3A_1851], %get3A_1847 masked %lt3A_4 {add = true} : memref<81920xf32, #tpu.memory_space<vmem>>[vector<16xi32>], vector<16xf32>, vector<16xi1>
      tpu.vector_store_idx %arg10[%gather3A_1845], %get3A_1847 masked %eq3A_6 {add = true} : memref<10240xf32, #tpu.memory_space<vmem>>[vector<16xi32>], vector<16xf32>, vector<16xi1>
      %get3A_1852 = arith.constant 112 : index
      %get3A_1853 = tpu.vector_load %arg7[%get3A_1852] {strides = array<i32>} : memref<128xi32, #tpu.memory_space<vmem>>, vector<16xi32>,
      %lt3A_1854 = arith.constant 0 : i32
      %lt3A_1855 = vector.broadcast %lt3A_1854 : i32 to vector<16xi32>
      %lt3A_1856 = arith.cmpi slt, %broadcast_in_dim3A_7, %lt3A_1855 : vector<16xi32>
      %add3A_1857 = arith.constant 16 : i32
      %add3A_1858 = vector.broadcast %add3A_1857 : i32 to vector<16xi32>
      %add3A_1859 = arith.addi %broadcast_in_dim3A_7, %add3A_1858 : vector<16xi32>
      %select_n3A_1860 = arith.select %lt3A_1856, %add3A_1859, %broadcast_in_dim3A_7 : vector<16xi1>, vector<16xi32>
      %broadcast_in_dim3A_1861 = vector.shape_cast %select_n3A_1860 : vector<16xi32> to vector<16x1xi32>
      %gather3A_1862 = vector.shape_cast %broadcast_in_dim3A_1861 : vector<16x1xi32> to vector<16xi32>
      %gather3A_1863 = tpu.dynamic_gather %get3A_1853[%gather3A_1862] in [0] : vector<16xi32>, vector<16xi32> -> vector<16xi32>
      %get3A_1864 = arith.constant 1792 : index
      %get3A_1865 = tpu.vector_load %arg8[%get3A_1864] {strides = array<i32>} : memref<2048xf32, #tpu.memory_space<vmem>>, vector<16xf32>,
      %mul3A_1866 = arith.constant 8 : i32
      %mul3A_1867 = vector.broadcast %mul3A_1866 : i32 to vector<16xi32>
      %mul3A_1868 = arith.muli %gather3A_1863, %mul3A_1867 : vector<16xi32>
      %add3A_1869 = arith.addi %mul3A_1868, %iota3A : vector<16xi32>
      tpu.vector_store_idx %arg9[%add3A_1869], %get3A_1865 masked %lt3A_4 {add = true} : memref<81920xf32, #tpu.memory_space<vmem>>[vector<16xi32>], vector<16xf32>, vector<16xi1>
      tpu.vector_store_idx %arg10[%gather3A_1863], %get3A_1865 masked %eq3A_6 {add = true} : memref<10240xf32, #tpu.memory_space<vmem>>[vector<16xi32>], vector<16xf32>, vector<16xi1>
      %lt3A_1870 = arith.constant 0 : i32
      %lt3A_1871 = vector.broadcast %lt3A_1870 : i32 to vector<16xi32>
      %lt3A_1872 = arith.cmpi slt, %broadcast_in_dim3A_9, %lt3A_1871 : vector<16xi32>
      %add3A_1873 = arith.constant 16 : i32
      %add3A_1874 = vector.broadcast %add3A_1873 : i32 to vector<16xi32>
      %add3A_1875 = arith.addi %broadcast_in_dim3A_9, %add3A_1874 : vector<16xi32>
      %select_n3A_1876 = arith.select %lt3A_1872, %add3A_1875, %broadcast_in_dim3A_9 : vector<16xi1>, vector<16xi32>
      %broadcast_in_dim3A_1877 = vector.shape_cast %select_n3A_1876 : vector<16xi32> to vector<16x1xi32>
      %gather3A_1878 = vector.shape_cast %broadcast_in_dim3A_1877 : vector<16x1xi32> to vector<16xi32>
      %gather3A_1879 = tpu.dynamic_gather %get3A_1853[%gather3A_1878] in [0] : vector<16xi32>, vector<16xi32> -> vector<16xi32>
      %get3A_1880 = arith.constant 1808 : index
      %get3A_1881 = tpu.vector_load %arg8[%get3A_1880] {strides = array<i32>} : memref<2048xf32, #tpu.memory_space<vmem>>, vector<16xf32>,
      %mul3A_1882 = arith.constant 8 : i32
      %mul3A_1883 = vector.broadcast %mul3A_1882 : i32 to vector<16xi32>
      %mul3A_1884 = arith.muli %gather3A_1879, %mul3A_1883 : vector<16xi32>
      %add3A_1885 = arith.addi %mul3A_1884, %iota3A : vector<16xi32>
      tpu.vector_store_idx %arg9[%add3A_1885], %get3A_1881 masked %lt3A_4 {add = true} : memref<81920xf32, #tpu.memory_space<vmem>>[vector<16xi32>], vector<16xf32>, vector<16xi1>
      tpu.vector_store_idx %arg10[%gather3A_1879], %get3A_1881 masked %eq3A_6 {add = true} : memref<10240xf32, #tpu.memory_space<vmem>>[vector<16xi32>], vector<16xf32>, vector<16xi1>
      %lt3A_1886 = arith.constant 0 : i32
      %lt3A_1887 = vector.broadcast %lt3A_1886 : i32 to vector<16xi32>
      %lt3A_1888 = arith.cmpi slt, %broadcast_in_dim3A_11, %lt3A_1887 : vector<16xi32>
      %add3A_1889 = arith.constant 16 : i32
      %add3A_1890 = vector.broadcast %add3A_1889 : i32 to vector<16xi32>
      %add3A_1891 = arith.addi %broadcast_in_dim3A_11, %add3A_1890 : vector<16xi32>
      %select_n3A_1892 = arith.select %lt3A_1888, %add3A_1891, %broadcast_in_dim3A_11 : vector<16xi1>, vector<16xi32>
      %broadcast_in_dim3A_1893 = vector.shape_cast %select_n3A_1892 : vector<16xi32> to vector<16x1xi32>
      %gather3A_1894 = vector.shape_cast %broadcast_in_dim3A_1893 : vector<16x1xi32> to vector<16xi32>
      %gather3A_1895 = tpu.dynamic_gather %get3A_1853[%gather3A_1894] in [0] : vector<16xi32>, vector<16xi32> -> vector<16xi32>
      %get3A_1896 = arith.constant 1824 : index
      %get3A_1897 = tpu.vector_load %arg8[%get3A_1896] {strides = array<i32>} : memref<2048xf32, #tpu.memory_space<vmem>>, vector<16xf32>,
      %mul3A_1898 = arith.constant 8 : i32
      %mul3A_1899 = vector.broadcast %mul3A_1898 : i32 to vector<16xi32>
      %mul3A_1900 = arith.muli %gather3A_1895, %mul3A_1899 : vector<16xi32>
      %add3A_1901 = arith.addi %mul3A_1900, %iota3A : vector<16xi32>
      tpu.vector_store_idx %arg9[%add3A_1901], %get3A_1897 masked %lt3A_4 {add = true} : memref<81920xf32, #tpu.memory_space<vmem>>[vector<16xi32>], vector<16xf32>, vector<16xi1>
      tpu.vector_store_idx %arg10[%gather3A_1895], %get3A_1897 masked %eq3A_6 {add = true} : memref<10240xf32, #tpu.memory_space<vmem>>[vector<16xi32>], vector<16xf32>, vector<16xi1>
      %lt3A_1902 = arith.constant 0 : i32
      %lt3A_1903 = vector.broadcast %lt3A_1902 : i32 to vector<16xi32>
      %lt3A_1904 = arith.cmpi slt, %broadcast_in_dim3A_13, %lt3A_1903 : vector<16xi32>
      %add3A_1905 = arith.constant 16 : i32
      %add3A_1906 = vector.broadcast %add3A_1905 : i32 to vector<16xi32>
      %add3A_1907 = arith.addi %broadcast_in_dim3A_13, %add3A_1906 : vector<16xi32>
      %select_n3A_1908 = arith.select %lt3A_1904, %add3A_1907, %broadcast_in_dim3A_13 : vector<16xi1>, vector<16xi32>
      %broadcast_in_dim3A_1909 = vector.shape_cast %select_n3A_1908 : vector<16xi32> to vector<16x1xi32>
      %gather3A_1910 = vector.shape_cast %broadcast_in_dim3A_1909 : vector<16x1xi32> to vector<16xi32>
      %gather3A_1911 = tpu.dynamic_gather %get3A_1853[%gather3A_1910] in [0] : vector<16xi32>, vector<16xi32> -> vector<16xi32>
      %get3A_1912 = arith.constant 1840 : index
      %get3A_1913 = tpu.vector_load %arg8[%get3A_1912] {strides = array<i32>} : memref<2048xf32, #tpu.memory_space<vmem>>, vector<16xf32>,
      %mul3A_1914 = arith.constant 8 : i32
      %mul3A_1915 = vector.broadcast %mul3A_1914 : i32 to vector<16xi32>
      %mul3A_1916 = arith.muli %gather3A_1911, %mul3A_1915 : vector<16xi32>
      %add3A_1917 = arith.addi %mul3A_1916, %iota3A : vector<16xi32>
      tpu.vector_store_idx %arg9[%add3A_1917], %get3A_1913 masked %lt3A_4 {add = true} : memref<81920xf32, #tpu.memory_space<vmem>>[vector<16xi32>], vector<16xf32>, vector<16xi1>
      tpu.vector_store_idx %arg10[%gather3A_1911], %get3A_1913 masked %eq3A_6 {add = true} : memref<10240xf32, #tpu.memory_space<vmem>>[vector<16xi32>], vector<16xf32>, vector<16xi1>
      %lt3A_1918 = arith.constant 0 : i32
      %lt3A_1919 = vector.broadcast %lt3A_1918 : i32 to vector<16xi32>
      %lt3A_1920 = arith.cmpi slt, %broadcast_in_dim3A_15, %lt3A_1919 : vector<16xi32>
      %add3A_1921 = arith.constant 16 : i32
      %add3A_1922 = vector.broadcast %add3A_1921 : i32 to vector<16xi32>
      %add3A_1923 = arith.addi %broadcast_in_dim3A_15, %add3A_1922 : vector<16xi32>
      %select_n3A_1924 = arith.select %lt3A_1920, %add3A_1923, %broadcast_in_dim3A_15 : vector<16xi1>, vector<16xi32>
      %broadcast_in_dim3A_1925 = vector.shape_cast %select_n3A_1924 : vector<16xi32> to vector<16x1xi32>
      %gather3A_1926 = vector.shape_cast %broadcast_in_dim3A_1925 : vector<16x1xi32> to vector<16xi32>
      %gather3A_1927 = tpu.dynamic_gather %get3A_1853[%gather3A_1926] in [0] : vector<16xi32>, vector<16xi32> -> vector<16xi32>
      %get3A_1928 = arith.constant 1856 : index
      %get3A_1929 = tpu.vector_load %arg8[%get3A_1928] {strides = array<i32>} : memref<2048xf32, #tpu.memory_space<vmem>>, vector<16xf32>,
      %mul3A_1930 = arith.constant 8 : i32
      %mul3A_1931 = vector.broadcast %mul3A_1930 : i32 to vector<16xi32>
      %mul3A_1932 = arith.muli %gather3A_1927, %mul3A_1931 : vector<16xi32>
      %add3A_1933 = arith.addi %mul3A_1932, %iota3A : vector<16xi32>
      tpu.vector_store_idx %arg9[%add3A_1933], %get3A_1929 masked %lt3A_4 {add = true} : memref<81920xf32, #tpu.memory_space<vmem>>[vector<16xi32>], vector<16xf32>, vector<16xi1>
      tpu.vector_store_idx %arg10[%gather3A_1927], %get3A_1929 masked %eq3A_6 {add = true} : memref<10240xf32, #tpu.memory_space<vmem>>[vector<16xi32>], vector<16xf32>, vector<16xi1>
      %lt3A_1934 = arith.constant 0 : i32
      %lt3A_1935 = vector.broadcast %lt3A_1934 : i32 to vector<16xi32>
      %lt3A_1936 = arith.cmpi slt, %broadcast_in_dim3A_17, %lt3A_1935 : vector<16xi32>
      %add3A_1937 = arith.constant 16 : i32
      %add3A_1938 = vector.broadcast %add3A_1937 : i32 to vector<16xi32>
      %add3A_1939 = arith.addi %broadcast_in_dim3A_17, %add3A_1938 : vector<16xi32>
      %select_n3A_1940 = arith.select %lt3A_1936, %add3A_1939, %broadcast_in_dim3A_17 : vector<16xi1>, vector<16xi32>
      %broadcast_in_dim3A_1941 = vector.shape_cast %select_n3A_1940 : vector<16xi32> to vector<16x1xi32>
      %gather3A_1942 = vector.shape_cast %broadcast_in_dim3A_1941 : vector<16x1xi32> to vector<16xi32>
      %gather3A_1943 = tpu.dynamic_gather %get3A_1853[%gather3A_1942] in [0] : vector<16xi32>, vector<16xi32> -> vector<16xi32>
      %get3A_1944 = arith.constant 1872 : index
      %get3A_1945 = tpu.vector_load %arg8[%get3A_1944] {strides = array<i32>} : memref<2048xf32, #tpu.memory_space<vmem>>, vector<16xf32>,
      %mul3A_1946 = arith.constant 8 : i32
      %mul3A_1947 = vector.broadcast %mul3A_1946 : i32 to vector<16xi32>
      %mul3A_1948 = arith.muli %gather3A_1943, %mul3A_1947 : vector<16xi32>
      %add3A_1949 = arith.addi %mul3A_1948, %iota3A : vector<16xi32>
      tpu.vector_store_idx %arg9[%add3A_1949], %get3A_1945 masked %lt3A_4 {add = true} : memref<81920xf32, #tpu.memory_space<vmem>>[vector<16xi32>], vector<16xf32>, vector<16xi1>
      tpu.vector_store_idx %arg10[%gather3A_1943], %get3A_1945 masked %eq3A_6 {add = true} : memref<10240xf32, #tpu.memory_space<vmem>>[vector<16xi32>], vector<16xf32>, vector<16xi1>
      %lt3A_1950 = arith.constant 0 : i32
      %lt3A_1951 = vector.broadcast %lt3A_1950 : i32 to vector<16xi32>
      %lt3A_1952 = arith.cmpi slt, %broadcast_in_dim3A_19, %lt3A_1951 : vector<16xi32>
      %add3A_1953 = arith.constant 16 : i32
      %add3A_1954 = vector.broadcast %add3A_1953 : i32 to vector<16xi32>
      %add3A_1955 = arith.addi %broadcast_in_dim3A_19, %add3A_1954 : vector<16xi32>
      %select_n3A_1956 = arith.select %lt3A_1952, %add3A_1955, %broadcast_in_dim3A_19 : vector<16xi1>, vector<16xi32>
      %broadcast_in_dim3A_1957 = vector.shape_cast %select_n3A_1956 : vector<16xi32> to vector<16x1xi32>
      %gather3A_1958 = vector.shape_cast %broadcast_in_dim3A_1957 : vector<16x1xi32> to vector<16xi32>
      %gather3A_1959 = tpu.dynamic_gather %get3A_1853[%gather3A_1958] in [0] : vector<16xi32>, vector<16xi32> -> vector<16xi32>
      %get3A_1960 = arith.constant 1888 : index
      %get3A_1961 = tpu.vector_load %arg8[%get3A_1960] {strides = array<i32>} : memref<2048xf32, #tpu.memory_space<vmem>>, vector<16xf32>,
      %mul3A_1962 = arith.constant 8 : i32
      %mul3A_1963 = vector.broadcast %mul3A_1962 : i32 to vector<16xi32>
      %mul3A_1964 = arith.muli %gather3A_1959, %mul3A_1963 : vector<16xi32>
      %add3A_1965 = arith.addi %mul3A_1964, %iota3A : vector<16xi32>
      tpu.vector_store_idx %arg9[%add3A_1965], %get3A_1961 masked %lt3A_4 {add = true} : memref<81920xf32, #tpu.memory_space<vmem>>[vector<16xi32>], vector<16xf32>, vector<16xi1>
      tpu.vector_store_idx %arg10[%gather3A_1959], %get3A_1961 masked %eq3A_6 {add = true} : memref<10240xf32, #tpu.memory_space<vmem>>[vector<16xi32>], vector<16xf32>, vector<16xi1>
      %lt3A_1966 = arith.constant 0 : i32
      %lt3A_1967 = vector.broadcast %lt3A_1966 : i32 to vector<16xi32>
      %lt3A_1968 = arith.cmpi slt, %broadcast_in_dim3A_21, %lt3A_1967 : vector<16xi32>
      %add3A_1969 = arith.constant 16 : i32
      %add3A_1970 = vector.broadcast %add3A_1969 : i32 to vector<16xi32>
      %add3A_1971 = arith.addi %broadcast_in_dim3A_21, %add3A_1970 : vector<16xi32>
      %select_n3A_1972 = arith.select %lt3A_1968, %add3A_1971, %broadcast_in_dim3A_21 : vector<16xi1>, vector<16xi32>
      %broadcast_in_dim3A_1973 = vector.shape_cast %select_n3A_1972 : vector<16xi32> to vector<16x1xi32>
      %gather3A_1974 = vector.shape_cast %broadcast_in_dim3A_1973 : vector<16x1xi32> to vector<16xi32>
      %gather3A_1975 = tpu.dynamic_gather %get3A_1853[%gather3A_1974] in [0] : vector<16xi32>, vector<16xi32> -> vector<16xi32>
      %get3A_1976 = arith.constant 1904 : index
      %get3A_1977 = tpu.vector_load %arg8[%get3A_1976] {strides = array<i32>} : memref<2048xf32, #tpu.memory_space<vmem>>, vector<16xf32>,
      %mul3A_1978 = arith.constant 8 : i32
      %mul3A_1979 = vector.broadcast %mul3A_1978 : i32 to vector<16xi32>
      %mul3A_1980 = arith.muli %gather3A_1975, %mul3A_1979 : vector<16xi32>
      %add3A_1981 = arith.addi %mul3A_1980, %iota3A : vector<16xi32>
      tpu.vector_store_idx %arg9[%add3A_1981], %get3A_1977 masked %lt3A_4 {add = true} : memref<81920xf32, #tpu.memory_space<vmem>>[vector<16xi32>], vector<16xf32>, vector<16xi1>
      tpu.vector_store_idx %arg10[%gather3A_1975], %get3A_1977 masked %eq3A_6 {add = true} : memref<10240xf32, #tpu.memory_space<vmem>>[vector<16xi32>], vector<16xf32>, vector<16xi1>
      %lt3A_1982 = arith.constant 0 : i32
      %lt3A_1983 = vector.broadcast %lt3A_1982 : i32 to vector<16xi32>
      %lt3A_1984 = arith.cmpi slt, %broadcast_in_dim3A_23, %lt3A_1983 : vector<16xi32>
      %add3A_1985 = arith.constant 16 : i32
      %add3A_1986 = vector.broadcast %add3A_1985 : i32 to vector<16xi32>
      %add3A_1987 = arith.addi %broadcast_in_dim3A_23, %add3A_1986 : vector<16xi32>
      %select_n3A_1988 = arith.select %lt3A_1984, %add3A_1987, %broadcast_in_dim3A_23 : vector<16xi1>, vector<16xi32>
      %broadcast_in_dim3A_1989 = vector.shape_cast %select_n3A_1988 : vector<16xi32> to vector<16x1xi32>
      %gather3A_1990 = vector.shape_cast %broadcast_in_dim3A_1989 : vector<16x1xi32> to vector<16xi32>
      %gather3A_1991 = tpu.dynamic_gather %get3A_1853[%gather3A_1990] in [0] : vector<16xi32>, vector<16xi32> -> vector<16xi32>
      %get3A_1992 = arith.constant 1920 : index
      %get3A_1993 = tpu.vector_load %arg8[%get3A_1992] {strides = array<i32>} : memref<2048xf32, #tpu.memory_space<vmem>>, vector<16xf32>,
      %mul3A_1994 = arith.constant 8 : i32
      %mul3A_1995 = vector.broadcast %mul3A_1994 : i32 to vector<16xi32>
      %mul3A_1996 = arith.muli %gather3A_1991, %mul3A_1995 : vector<16xi32>
      %add3A_1997 = arith.addi %mul3A_1996, %iota3A : vector<16xi32>
      tpu.vector_store_idx %arg9[%add3A_1997], %get3A_1993 masked %lt3A_4 {add = true} : memref<81920xf32, #tpu.memory_space<vmem>>[vector<16xi32>], vector<16xf32>, vector<16xi1>
      tpu.vector_store_idx %arg10[%gather3A_1991], %get3A_1993 masked %eq3A_6 {add = true} : memref<10240xf32, #tpu.memory_space<vmem>>[vector<16xi32>], vector<16xf32>, vector<16xi1>
      %lt3A_1998 = arith.constant 0 : i32
      %lt3A_1999 = vector.broadcast %lt3A_1998 : i32 to vector<16xi32>
      %lt3A_2000 = arith.cmpi slt, %broadcast_in_dim3A_25, %lt3A_1999 : vector<16xi32>
      %add3A_2001 = arith.constant 16 : i32
      %add3A_2002 = vector.broadcast %add3A_2001 : i32 to vector<16xi32>
      %add3A_2003 = arith.addi %broadcast_in_dim3A_25, %add3A_2002 : vector<16xi32>
      %select_n3A_2004 = arith.select %lt3A_2000, %add3A_2003, %broadcast_in_dim3A_25 : vector<16xi1>, vector<16xi32>
      %broadcast_in_dim3A_2005 = vector.shape_cast %select_n3A_2004 : vector<16xi32> to vector<16x1xi32>
      %gather3A_2006 = vector.shape_cast %broadcast_in_dim3A_2005 : vector<16x1xi32> to vector<16xi32>
      %gather3A_2007 = tpu.dynamic_gather %get3A_1853[%gather3A_2006] in [0] : vector<16xi32>, vector<16xi32> -> vector<16xi32>
      %get3A_2008 = arith.constant 1936 : index
      %get3A_2009 = tpu.vector_load %arg8[%get3A_2008] {strides = array<i32>} : memref<2048xf32, #tpu.memory_space<vmem>>, vector<16xf32>,
      %mul3A_2010 = arith.constant 8 : i32
      %mul3A_2011 = vector.broadcast %mul3A_2010 : i32 to vector<16xi32>
      %mul3A_2012 = arith.muli %gather3A_2007, %mul3A_2011 : vector<16xi32>
      %add3A_2013 = arith.addi %mul3A_2012, %iota3A : vector<16xi32>
      tpu.vector_store_idx %arg9[%add3A_2013], %get3A_2009 masked %lt3A_4 {add = true} : memref<81920xf32, #tpu.memory_space<vmem>>[vector<16xi32>], vector<16xf32>, vector<16xi1>
      tpu.vector_store_idx %arg10[%gather3A_2007], %get3A_2009 masked %eq3A_6 {add = true} : memref<10240xf32, #tpu.memory_space<vmem>>[vector<16xi32>], vector<16xf32>, vector<16xi1>
      %lt3A_2014 = arith.constant 0 : i32
      %lt3A_2015 = vector.broadcast %lt3A_2014 : i32 to vector<16xi32>
      %lt3A_2016 = arith.cmpi slt, %broadcast_in_dim3A_27, %lt3A_2015 : vector<16xi32>
      %add3A_2017 = arith.constant 16 : i32
      %add3A_2018 = vector.broadcast %add3A_2017 : i32 to vector<16xi32>
      %add3A_2019 = arith.addi %broadcast_in_dim3A_27, %add3A_2018 : vector<16xi32>
      %select_n3A_2020 = arith.select %lt3A_2016, %add3A_2019, %broadcast_in_dim3A_27 : vector<16xi1>, vector<16xi32>
      %broadcast_in_dim3A_2021 = vector.shape_cast %select_n3A_2020 : vector<16xi32> to vector<16x1xi32>
      %gather3A_2022 = vector.shape_cast %broadcast_in_dim3A_2021 : vector<16x1xi32> to vector<16xi32>
      %gather3A_2023 = tpu.dynamic_gather %get3A_1853[%gather3A_2022] in [0] : vector<16xi32>, vector<16xi32> -> vector<16xi32>
      %get3A_2024 = arith.constant 1952 : index
      %get3A_2025 = tpu.vector_load %arg8[%get3A_2024] {strides = array<i32>} : memref<2048xf32, #tpu.memory_space<vmem>>, vector<16xf32>,
      %mul3A_2026 = arith.constant 8 : i32
      %mul3A_2027 = vector.broadcast %mul3A_2026 : i32 to vector<16xi32>
      %mul3A_2028 = arith.muli %gather3A_2023, %mul3A_2027 : vector<16xi32>
      %add3A_2029 = arith.addi %mul3A_2028, %iota3A : vector<16xi32>
      tpu.vector_store_idx %arg9[%add3A_2029], %get3A_2025 masked %lt3A_4 {add = true} : memref<81920xf32, #tpu.memory_space<vmem>>[vector<16xi32>], vector<16xf32>, vector<16xi1>
      tpu.vector_store_idx %arg10[%gather3A_2023], %get3A_2025 masked %eq3A_6 {add = true} : memref<10240xf32, #tpu.memory_space<vmem>>[vector<16xi32>], vector<16xf32>, vector<16xi1>
      %lt3A_2030 = arith.constant 0 : i32
      %lt3A_2031 = vector.broadcast %lt3A_2030 : i32 to vector<16xi32>
      %lt3A_2032 = arith.cmpi slt, %broadcast_in_dim3A_29, %lt3A_2031 : vector<16xi32>
      %add3A_2033 = arith.constant 16 : i32
      %add3A_2034 = vector.broadcast %add3A_2033 : i32 to vector<16xi32>
      %add3A_2035 = arith.addi %broadcast_in_dim3A_29, %add3A_2034 : vector<16xi32>
      %select_n3A_2036 = arith.select %lt3A_2032, %add3A_2035, %broadcast_in_dim3A_29 : vector<16xi1>, vector<16xi32>
      %broadcast_in_dim3A_2037 = vector.shape_cast %select_n3A_2036 : vector<16xi32> to vector<16x1xi32>
      %gather3A_2038 = vector.shape_cast %broadcast_in_dim3A_2037 : vector<16x1xi32> to vector<16xi32>
      %gather3A_2039 = tpu.dynamic_gather %get3A_1853[%gather3A_2038] in [0] : vector<16xi32>, vector<16xi32> -> vector<16xi32>
      %get3A_2040 = arith.constant 1968 : index
      %get3A_2041 = tpu.vector_load %arg8[%get3A_2040] {strides = array<i32>} : memref<2048xf32, #tpu.memory_space<vmem>>, vector<16xf32>,
      %mul3A_2042 = arith.constant 8 : i32
      %mul3A_2043 = vector.broadcast %mul3A_2042 : i32 to vector<16xi32>
      %mul3A_2044 = arith.muli %gather3A_2039, %mul3A_2043 : vector<16xi32>
      %add3A_2045 = arith.addi %mul3A_2044, %iota3A : vector<16xi32>
      tpu.vector_store_idx %arg9[%add3A_2045], %get3A_2041 masked %lt3A_4 {add = true} : memref<81920xf32, #tpu.memory_space<vmem>>[vector<16xi32>], vector<16xf32>, vector<16xi1>
      tpu.vector_store_idx %arg10[%gather3A_2039], %get3A_2041 masked %eq3A_6 {add = true} : memref<10240xf32, #tpu.memory_space<vmem>>[vector<16xi32>], vector<16xf32>, vector<16xi1>
      %lt3A_2046 = arith.constant 0 : i32
      %lt3A_2047 = vector.broadcast %lt3A_2046 : i32 to vector<16xi32>
      %lt3A_2048 = arith.cmpi slt, %broadcast_in_dim3A_31, %lt3A_2047 : vector<16xi32>
      %add3A_2049 = arith.constant 16 : i32
      %add3A_2050 = vector.broadcast %add3A_2049 : i32 to vector<16xi32>
      %add3A_2051 = arith.addi %broadcast_in_dim3A_31, %add3A_2050 : vector<16xi32>
      %select_n3A_2052 = arith.select %lt3A_2048, %add3A_2051, %broadcast_in_dim3A_31 : vector<16xi1>, vector<16xi32>
      %broadcast_in_dim3A_2053 = vector.shape_cast %select_n3A_2052 : vector<16xi32> to vector<16x1xi32>
      %gather3A_2054 = vector.shape_cast %broadcast_in_dim3A_2053 : vector<16x1xi32> to vector<16xi32>
      %gather3A_2055 = tpu.dynamic_gather %get3A_1853[%gather3A_2054] in [0] : vector<16xi32>, vector<16xi32> -> vector<16xi32>
      %get3A_2056 = arith.constant 1984 : index
      %get3A_2057 = tpu.vector_load %arg8[%get3A_2056] {strides = array<i32>} : memref<2048xf32, #tpu.memory_space<vmem>>, vector<16xf32>,
      %mul3A_2058 = arith.constant 8 : i32
      %mul3A_2059 = vector.broadcast %mul3A_2058 : i32 to vector<16xi32>
      %mul3A_2060 = arith.muli %gather3A_2055, %mul3A_2059 : vector<16xi32>
      %add3A_2061 = arith.addi %mul3A_2060, %iota3A : vector<16xi32>
      tpu.vector_store_idx %arg9[%add3A_2061], %get3A_2057 masked %lt3A_4 {add = true} : memref<81920xf32, #tpu.memory_space<vmem>>[vector<16xi32>], vector<16xf32>, vector<16xi1>
      tpu.vector_store_idx %arg10[%gather3A_2055], %get3A_2057 masked %eq3A_6 {add = true} : memref<10240xf32, #tpu.memory_space<vmem>>[vector<16xi32>], vector<16xf32>, vector<16xi1>
      %lt3A_2062 = arith.constant 0 : i32
      %lt3A_2063 = vector.broadcast %lt3A_2062 : i32 to vector<16xi32>
      %lt3A_2064 = arith.cmpi slt, %broadcast_in_dim3A_33, %lt3A_2063 : vector<16xi32>
      %add3A_2065 = arith.constant 16 : i32
      %add3A_2066 = vector.broadcast %add3A_2065 : i32 to vector<16xi32>
      %add3A_2067 = arith.addi %broadcast_in_dim3A_33, %add3A_2066 : vector<16xi32>
      %select_n3A_2068 = arith.select %lt3A_2064, %add3A_2067, %broadcast_in_dim3A_33 : vector<16xi1>, vector<16xi32>
      %broadcast_in_dim3A_2069 = vector.shape_cast %select_n3A_2068 : vector<16xi32> to vector<16x1xi32>
      %gather3A_2070 = vector.shape_cast %broadcast_in_dim3A_2069 : vector<16x1xi32> to vector<16xi32>
      %gather3A_2071 = tpu.dynamic_gather %get3A_1853[%gather3A_2070] in [0] : vector<16xi32>, vector<16xi32> -> vector<16xi32>
      %get3A_2072 = arith.constant 2000 : index
      %get3A_2073 = tpu.vector_load %arg8[%get3A_2072] {strides = array<i32>} : memref<2048xf32, #tpu.memory_space<vmem>>, vector<16xf32>,
      %mul3A_2074 = arith.constant 8 : i32
      %mul3A_2075 = vector.broadcast %mul3A_2074 : i32 to vector<16xi32>
      %mul3A_2076 = arith.muli %gather3A_2071, %mul3A_2075 : vector<16xi32>
      %add3A_2077 = arith.addi %mul3A_2076, %iota3A : vector<16xi32>
      tpu.vector_store_idx %arg9[%add3A_2077], %get3A_2073 masked %lt3A_4 {add = true} : memref<81920xf32, #tpu.memory_space<vmem>>[vector<16xi32>], vector<16xf32>, vector<16xi1>
      tpu.vector_store_idx %arg10[%gather3A_2071], %get3A_2073 masked %eq3A_6 {add = true} : memref<10240xf32, #tpu.memory_space<vmem>>[vector<16xi32>], vector<16xf32>, vector<16xi1>
      %lt3A_2078 = arith.constant 0 : i32
      %lt3A_2079 = vector.broadcast %lt3A_2078 : i32 to vector<16xi32>
      %lt3A_2080 = arith.cmpi slt, %broadcast_in_dim3A_35, %lt3A_2079 : vector<16xi32>
      %add3A_2081 = arith.constant 16 : i32
      %add3A_2082 = vector.broadcast %add3A_2081 : i32 to vector<16xi32>
      %add3A_2083 = arith.addi %broadcast_in_dim3A_35, %add3A_2082 : vector<16xi32>
      %select_n3A_2084 = arith.select %lt3A_2080, %add3A_2083, %broadcast_in_dim3A_35 : vector<16xi1>, vector<16xi32>
      %broadcast_in_dim3A_2085 = vector.shape_cast %select_n3A_2084 : vector<16xi32> to vector<16x1xi32>
      %gather3A_2086 = vector.shape_cast %broadcast_in_dim3A_2085 : vector<16x1xi32> to vector<16xi32>
      %gather3A_2087 = tpu.dynamic_gather %get3A_1853[%gather3A_2086] in [0] : vector<16xi32>, vector<16xi32> -> vector<16xi32>
      %get3A_2088 = arith.constant 2016 : index
      %get3A_2089 = tpu.vector_load %arg8[%get3A_2088] {strides = array<i32>} : memref<2048xf32, #tpu.memory_space<vmem>>, vector<16xf32>,
      %mul3A_2090 = arith.constant 8 : i32
      %mul3A_2091 = vector.broadcast %mul3A_2090 : i32 to vector<16xi32>
      %mul3A_2092 = arith.muli %gather3A_2087, %mul3A_2091 : vector<16xi32>
      %add3A_2093 = arith.addi %mul3A_2092, %iota3A : vector<16xi32>
      tpu.vector_store_idx %arg9[%add3A_2093], %get3A_2089 masked %lt3A_4 {add = true} : memref<81920xf32, #tpu.memory_space<vmem>>[vector<16xi32>], vector<16xf32>, vector<16xi1>
      tpu.vector_store_idx %arg10[%gather3A_2087], %get3A_2089 masked %eq3A_6 {add = true} : memref<10240xf32, #tpu.memory_space<vmem>>[vector<16xi32>], vector<16xf32>, vector<16xi1>
      %lt3A_2094 = arith.constant 0 : i32
      %lt3A_2095 = vector.broadcast %lt3A_2094 : i32 to vector<16xi32>
      %lt3A_2096 = arith.cmpi slt, %broadcast_in_dim3A_37, %lt3A_2095 : vector<16xi32>
      %add3A_2097 = arith.constant 16 : i32
      %add3A_2098 = vector.broadcast %add3A_2097 : i32 to vector<16xi32>
      %add3A_2099 = arith.addi %broadcast_in_dim3A_37, %add3A_2098 : vector<16xi32>
      %select_n3A_2100 = arith.select %lt3A_2096, %add3A_2099, %broadcast_in_dim3A_37 : vector<16xi1>, vector<16xi32>
      %broadcast_in_dim3A_2101 = vector.shape_cast %select_n3A_2100 : vector<16xi32> to vector<16x1xi32>
      %gather3A_2102 = vector.shape_cast %broadcast_in_dim3A_2101 : vector<16x1xi32> to vector<16xi32>
      %gather3A_2103 = tpu.dynamic_gather %get3A_1853[%gather3A_2102] in [0] : vector<16xi32>, vector<16xi32> -> vector<16xi32>
      %get3A_2104 = arith.constant 2032 : index
      %get3A_2105 = tpu.vector_load %arg8[%get3A_2104] {strides = array<i32>} : memref<2048xf32, #tpu.memory_space<vmem>>, vector<16xf32>,
      %mul3A_2106 = arith.constant 8 : i32
      %mul3A_2107 = vector.broadcast %mul3A_2106 : i32 to vector<16xi32>
      %mul3A_2108 = arith.muli %gather3A_2103, %mul3A_2107 : vector<16xi32>
      %add3A_2109 = arith.addi %mul3A_2108, %iota3A : vector<16xi32>
      tpu.vector_store_idx %arg9[%add3A_2109], %get3A_2105 masked %lt3A_4 {add = true} : memref<81920xf32, #tpu.memory_space<vmem>>[vector<16xi32>], vector<16xf32>, vector<16xi1>
      tpu.vector_store_idx %arg10[%gather3A_2103], %get3A_2105 masked %eq3A_6 {add = true} : memref<10240xf32, #tpu.memory_space<vmem>>[vector<16xi32>], vector<16xf32>, vector<16xi1>
    }
    %scan3A_42 = arith.constant 40 : i32
    "tpu.region"() ({
      %run_scoped3A = tpu.sem_alloc : memref<!tpu.dma_semaphore, #tpu.memory_space<semaphore_mem>>
      %dma_start3A = arith.constant 0 : i32
      %dma_start3A_43 = tpu.memref_slice %arg5[%arg0, %arg1, %dma_start3A] : memref<2x16x81920xf32, #tpu.memory_space<hbm>> -> memref<1x1x81920xf32, #tpu.memory_space<hbm>>
      %dma_start3A_44 = tpu.memref_squeeze %dma_start3A_43 : memref<1x1x81920xf32, #tpu.memory_space<hbm>> -> memref<81920xf32, #tpu.memory_space<hbm>>
      %dma_start3A_45 = arith.constant 0 : i32
      %dma_start3A_46 = tpu.memref_slice %arg5[%arg0, %arg1, %dma_start3A_45] : memref<2x16x81920xf32, #tpu.memory_space<hbm>> -> memref<1x1x81920xf32, #tpu.memory_space<hbm>>
      %dma_start3A_47 = tpu.memref_squeeze %dma_start3A_46 : memref<1x1x81920xf32, #tpu.memory_space<hbm>> -> memref<81920xf32, #tpu.memory_space<hbm>>
      tpu.enqueue_dma source(%arg9 : memref<81920xf32, #tpu.memory_space<vmem>>) target(%dma_start3A_47 : memref<81920xf32, #tpu.memory_space<hbm>>) target_semaphore(%run_scoped3A : memref<!tpu.dma_semaphore, #tpu.memory_space<semaphore_mem>>)
      %dma_wait3A = arith.constant 0 : i32
      %dma_wait3A_48 = tpu.memref_slice %arg5[%arg0, %arg1, %dma_wait3A] : memref<2x16x81920xf32, #tpu.memory_space<hbm>> -> memref<1x1x81920xf32, #tpu.memory_space<hbm>>
      %dma_wait3A_49 = tpu.memref_squeeze %dma_wait3A_48 : memref<1x1x81920xf32, #tpu.memory_space<hbm>> -> memref<81920xf32, #tpu.memory_space<hbm>>
      %dma_wait3A_50 = arith.constant 0 : i32
      %dma_wait3A_51 = tpu.memref_slice %arg5[%arg0, %arg1, %dma_wait3A_50] : memref<2x16x81920xf32, #tpu.memory_space<hbm>> -> memref<1x1x81920xf32, #tpu.memory_space<hbm>>
      %dma_wait3A_52 = tpu.memref_squeeze %dma_wait3A_51 : memref<1x1x81920xf32, #tpu.memory_space<hbm>> -> memref<81920xf32, #tpu.memory_space<hbm>>
      tpu.wait_dma2 semaphore(%run_scoped3A : memref<!tpu.dma_semaphore, #tpu.memory_space<semaphore_mem>>) src(%arg9 : memref<81920xf32, #tpu.memory_space<vmem>>) dst(%dma_wait3A_52 : memref<81920xf32, #tpu.memory_space<hbm>>)
      tpu.yield
    }) : () -> ()
    "tpu.region"() ({
      %run_scoped3A = tpu.sem_alloc : memref<!tpu.dma_semaphore, #tpu.memory_space<semaphore_mem>>
      %dma_start3A = arith.constant 0 : i32
      %dma_start3A_43 = tpu.memref_slice %arg6[%arg0, %arg1, %dma_start3A] : memref<2x16x10240xf32, #tpu.memory_space<hbm>> -> memref<1x1x10240xf32, #tpu.memory_space<hbm>>
      %dma_start3A_44 = tpu.memref_squeeze %dma_start3A_43 : memref<1x1x10240xf32, #tpu.memory_space<hbm>> -> memref<10240xf32, #tpu.memory_space<hbm>>
      %dma_start3A_45 = arith.constant 0 : i32
      %dma_start3A_46 = tpu.memref_slice %arg6[%arg0, %arg1, %dma_start3A_45] : memref<2x16x10240xf32, #tpu.memory_space<hbm>> -> memref<1x1x10240xf32, #tpu.memory_space<hbm>>
      %dma_start3A_47 = tpu.memref_squeeze %dma_start3A_46 : memref<1x1x10240xf32, #tpu.memory_space<hbm>> -> memref<10240xf32, #tpu.memory_space<hbm>>
      tpu.enqueue_dma source(%arg10 : memref<10240xf32, #tpu.memory_space<vmem>>) target(%dma_start3A_47 : memref<10240xf32, #tpu.memory_space<hbm>>) target_semaphore(%run_scoped3A : memref<!tpu.dma_semaphore, #tpu.memory_space<semaphore_mem>>)
      %dma_wait3A = arith.constant 0 : i32
      %dma_wait3A_48 = tpu.memref_slice %arg6[%arg0, %arg1, %dma_wait3A] : memref<2x16x10240xf32, #tpu.memory_space<hbm>> -> memref<1x1x10240xf32, #tpu.memory_space<hbm>>
      %dma_wait3A_49 = tpu.memref_squeeze %dma_wait3A_48 : memref<1x1x10240xf32, #tpu.memory_space<hbm>> -> memref<10240xf32, #tpu.memory_space<hbm>>
      %dma_wait3A_50 = arith.constant 0 : i32
      %dma_wait3A_51 = tpu.memref_slice %arg6[%arg0, %arg1, %dma_wait3A_50] : memref<2x16x10240xf32, #tpu.memory_space<hbm>> -> memref<1x1x10240xf32, #tpu.memory_space<hbm>>
      %dma_wait3A_52 = tpu.memref_squeeze %dma_wait3A_51 : memref<1x1x10240xf32, #tpu.memory_space<hbm>> -> memref<10240xf32, #tpu.memory_space<hbm>>
      tpu.wait_dma2 semaphore(%run_scoped3A : memref<!tpu.dma_semaphore, #tpu.memory_space<semaphore_mem>>) src(%arg10 : memref<10240xf32, #tpu.memory_space<vmem>>) dst(%dma_wait3A_52 : memref<10240xf32, #tpu.memory_space<hbm>>)
      tpu.yield
    }) : () -> ()
    return
  }
}

module attributes {stable_mosaic.version = 14 : i64} {
  func.func @_edge_block_kernel(%arg0: i32, %arg1: memref<2048x128xf32, #tpu.memory_space<vmem>>, %arg2: memref<2048x4xf32, #tpu.memory_space<vmem>>, %arg3: memref<4x1024xf32, #tpu.memory_space<vmem>>, %arg4: memref<1x1024xf32, #tpu.memory_space<vmem>>, %arg5: memref<128x1xf32, #tpu.memory_space<vmem>>, %arg6: memref<2048x16xf32, #tpu.memory_space<vmem>>) attributes {dimension_semantics = [#tpu.dimension_semantics<arbitrary>], iteration_bounds = array<i64: 80>, scalar_prefetch = 0 : i64, scratch_operands = 0 : i64, tpu.core_type = #tpu.core_type<tc>, window_params = [{transform_indices = @transform_0, window_bounds = array<i64: 2048, 128>}, {transform_indices = @transform_1, window_bounds = array<i64: 2048, 4>}, {pipeline_mode = #tpu.pipeline_mode<synchronous>, transform_indices = @transform_2, window_bounds = array<i64: 4, 1024>}, {pipeline_mode = #tpu.pipeline_mode<synchronous>, transform_indices = @transform_3, window_bounds = array<i64: 1, 1024>}, {pipeline_mode = #tpu.pipeline_mode<synchronous>, transform_indices = @transform_4, window_bounds = array<i64: 128, 1>}, {transform_indices = @transform_5, window_bounds = array<i64: 2048, 16>}]} {
    %get3A = arith.constant 0 : index
    %get3A_0 = arith.constant 0 : index
    %get3A_1 = vector.load %arg4[%get3A, %get3A_0] : memref<1x1024xf32, #tpu.memory_space<vmem>>, vector<1x1024xf32>
    %broadcast_in_dim3A = vector.shape_cast %get3A_1 : vector<1x1024xf32> to vector<1x1024xf32>
    %broadcast_in_dim3A_2 = vector.broadcast %broadcast_in_dim3A : vector<1x1024xf32> to vector<2048x1024xf32>
    %get3A_3 = arith.constant 0 : index
    %get3A_4 = arith.constant 0 : index
    %get3A_5 = vector.load %arg2[%get3A_3, %get3A_4] : memref<2048x4xf32, #tpu.memory_space<vmem>>, vector<2048x1xf32>
    %get3A_6 = arith.constant 0 : index
    %get3A_7 = arith.constant 0 : index
    %get3A_8 = vector.load %arg3[%get3A_6, %get3A_7] : memref<4x1024xf32, #tpu.memory_space<vmem>>, vector<1x1024xf32>
    %mul3A = vector.broadcast %get3A_5 : vector<2048x1xf32> to vector<2048x1024xf32>
    %mul3A_9 = vector.broadcast %get3A_8 : vector<1x1024xf32> to vector<2048x1024xf32>
    %mul3A_10 = arith.mulf %mul3A, %mul3A_9 : vector<2048x1024xf32>
    %add3A = arith.addf %broadcast_in_dim3A_2, %mul3A_10 : vector<2048x1024xf32>
    %get3A_11 = arith.constant 0 : index
    %get3A_12 = arith.constant 1 : index
    %get3A_13 = vector.load %arg2[%get3A_11, %get3A_12] : memref<2048x4xf32, #tpu.memory_space<vmem>>, vector<2048x1xf32>
    %get3A_14 = arith.constant 1 : index
    %get3A_15 = arith.constant 0 : index
    %get3A_16 = vector.load %arg3[%get3A_14, %get3A_15] : memref<4x1024xf32, #tpu.memory_space<vmem>>, vector<1x1024xf32>
    %mul3A_17 = vector.broadcast %get3A_13 : vector<2048x1xf32> to vector<2048x1024xf32>
    %mul3A_18 = vector.broadcast %get3A_16 : vector<1x1024xf32> to vector<2048x1024xf32>
    %mul3A_19 = arith.mulf %mul3A_17, %mul3A_18 : vector<2048x1024xf32>
    %add3A_20 = arith.addf %add3A, %mul3A_19 : vector<2048x1024xf32>
    %get3A_21 = arith.constant 0 : index
    %get3A_22 = arith.constant 2 : index
    %get3A_23 = vector.load %arg2[%get3A_21, %get3A_22] : memref<2048x4xf32, #tpu.memory_space<vmem>>, vector<2048x1xf32>
    %get3A_24 = arith.constant 2 : index
    %get3A_25 = arith.constant 0 : index
    %get3A_26 = vector.load %arg3[%get3A_24, %get3A_25] : memref<4x1024xf32, #tpu.memory_space<vmem>>, vector<1x1024xf32>
    %mul3A_27 = vector.broadcast %get3A_23 : vector<2048x1xf32> to vector<2048x1024xf32>
    %mul3A_28 = vector.broadcast %get3A_26 : vector<1x1024xf32> to vector<2048x1024xf32>
    %mul3A_29 = arith.mulf %mul3A_27, %mul3A_28 : vector<2048x1024xf32>
    %add3A_30 = arith.addf %add3A_20, %mul3A_29 : vector<2048x1024xf32>
    %get3A_31 = arith.constant 0 : index
    %get3A_32 = arith.constant 3 : index
    %get3A_33 = vector.load %arg2[%get3A_31, %get3A_32] : memref<2048x4xf32, #tpu.memory_space<vmem>>, vector<2048x1xf32>
    %get3A_34 = arith.constant 3 : index
    %get3A_35 = arith.constant 0 : index
    %get3A_36 = vector.load %arg3[%get3A_34, %get3A_35] : memref<4x1024xf32, #tpu.memory_space<vmem>>, vector<1x1024xf32>
    %mul3A_37 = vector.broadcast %get3A_33 : vector<2048x1xf32> to vector<2048x1024xf32>
    %mul3A_38 = vector.broadcast %get3A_36 : vector<1x1024xf32> to vector<2048x1024xf32>
    %mul3A_39 = arith.mulf %mul3A_37, %mul3A_38 : vector<2048x1024xf32>
    %add3A_40 = arith.addf %add3A_30, %mul3A_39 : vector<2048x1024xf32>
    %get3A_41 = arith.constant 0 : index
    %get3A_42 = arith.constant 0 : index
    %get3A_43 = vector.load %arg1[%get3A_41, %get3A_42] : memref<2048x128xf32, #tpu.memory_space<vmem>>, vector<2048x128xf32>
    %slice3A = vector.extract_strided_slice %add3A_40 {offsets = [0, 0], sizes = [2048, 128], strides = [1, 1]} : vector<2048x1024xf32> to vector<2048x128xf32>
    %max3A = arith.constant 0.000000e+00 : f32
    %max3A_44 = vector.broadcast %max3A : f32 to vector<2048x128xf32>
    %max3A_45 = arith.maximumf %slice3A, %max3A_44 : vector<2048x128xf32>
    %mul3A_46 = arith.mulf %max3A_45, %get3A_43 : vector<2048x128xf32>
    %get3A_47 = arith.constant 0 : index
    %get3A_48 = arith.constant 0 : index
    %get3A_49 = vector.load %arg5[%get3A_47, %get3A_48] : memref<128x1xf32, #tpu.memory_space<vmem>>, vector<128x1xf32>
    %dot_general3A = arith.constant dense<0.000000e+00> : vector<2048x1xf32>
    %dot_general3A_50 = tpu.matmul %mul3A_46, %get3A_49, %dot_general3A {dimension_numbers = #tpu.dot_dimension_numbers<[1], [0], [0], [1], [0, 0, 1, 1], [], []>, transpose_lhs_hint = false} : vector<2048x128xf32>, vector<128x1xf32>, vector<2048x1xf32> -> vector<2048x1xf32>
    %slice3A_51 = vector.extract_strided_slice %add3A_40 {offsets = [0, 128], sizes = [2048, 128], strides = [1, 1]} : vector<2048x1024xf32> to vector<2048x128xf32>
    %max3A_52 = arith.constant 0.000000e+00 : f32
    %max3A_53 = vector.broadcast %max3A_52 : f32 to vector<2048x128xf32>
    %max3A_54 = arith.maximumf %slice3A_51, %max3A_53 : vector<2048x128xf32>
    %mul3A_55 = arith.mulf %max3A_54, %get3A_43 : vector<2048x128xf32>
    %get3A_56 = arith.constant 0 : index
    %get3A_57 = arith.constant 0 : index
    %get3A_58 = vector.load %arg5[%get3A_56, %get3A_57] : memref<128x1xf32, #tpu.memory_space<vmem>>, vector<128x1xf32>
    %dot_general3A_59 = arith.constant dense<0.000000e+00> : vector<2048x1xf32>
    %dot_general3A_60 = tpu.matmul %mul3A_55, %get3A_58, %dot_general3A_59 {dimension_numbers = #tpu.dot_dimension_numbers<[1], [0], [0], [1], [0, 0, 1, 1], [], []>, transpose_lhs_hint = false} : vector<2048x128xf32>, vector<128x1xf32>, vector<2048x1xf32> -> vector<2048x1xf32>
    %slice3A_61 = vector.extract_strided_slice %add3A_40 {offsets = [0, 256], sizes = [2048, 128], strides = [1, 1]} : vector<2048x1024xf32> to vector<2048x128xf32>
    %max3A_62 = arith.constant 0.000000e+00 : f32
    %max3A_63 = vector.broadcast %max3A_62 : f32 to vector<2048x128xf32>
    %max3A_64 = arith.maximumf %slice3A_61, %max3A_63 : vector<2048x128xf32>
    %mul3A_65 = arith.mulf %max3A_64, %get3A_43 : vector<2048x128xf32>
    %get3A_66 = arith.constant 0 : index
    %get3A_67 = arith.constant 0 : index
    %get3A_68 = vector.load %arg5[%get3A_66, %get3A_67] : memref<128x1xf32, #tpu.memory_space<vmem>>, vector<128x1xf32>
    %dot_general3A_69 = arith.constant dense<0.000000e+00> : vector<2048x1xf32>
    %dot_general3A_70 = tpu.matmul %mul3A_65, %get3A_68, %dot_general3A_69 {dimension_numbers = #tpu.dot_dimension_numbers<[1], [0], [0], [1], [0, 0, 1, 1], [], []>, transpose_lhs_hint = false} : vector<2048x128xf32>, vector<128x1xf32>, vector<2048x1xf32> -> vector<2048x1xf32>
    %slice3A_71 = vector.extract_strided_slice %add3A_40 {offsets = [0, 384], sizes = [2048, 128], strides = [1, 1]} : vector<2048x1024xf32> to vector<2048x128xf32>
    %max3A_72 = arith.constant 0.000000e+00 : f32
    %max3A_73 = vector.broadcast %max3A_72 : f32 to vector<2048x128xf32>
    %max3A_74 = arith.maximumf %slice3A_71, %max3A_73 : vector<2048x128xf32>
    %mul3A_75 = arith.mulf %max3A_74, %get3A_43 : vector<2048x128xf32>
    %get3A_76 = arith.constant 0 : index
    %get3A_77 = arith.constant 0 : index
    %get3A_78 = vector.load %arg5[%get3A_76, %get3A_77] : memref<128x1xf32, #tpu.memory_space<vmem>>, vector<128x1xf32>
    %dot_general3A_79 = arith.constant dense<0.000000e+00> : vector<2048x1xf32>
    %dot_general3A_80 = tpu.matmul %mul3A_75, %get3A_78, %dot_general3A_79 {dimension_numbers = #tpu.dot_dimension_numbers<[1], [0], [0], [1], [0, 0, 1, 1], [], []>, transpose_lhs_hint = false} : vector<2048x128xf32>, vector<128x1xf32>, vector<2048x1xf32> -> vector<2048x1xf32>
    %slice3A_81 = vector.extract_strided_slice %add3A_40 {offsets = [0, 512], sizes = [2048, 128], strides = [1, 1]} : vector<2048x1024xf32> to vector<2048x128xf32>
    %max3A_82 = arith.constant 0.000000e+00 : f32
    %max3A_83 = vector.broadcast %max3A_82 : f32 to vector<2048x128xf32>
    %max3A_84 = arith.maximumf %slice3A_81, %max3A_83 : vector<2048x128xf32>
    %mul3A_85 = arith.mulf %max3A_84, %get3A_43 : vector<2048x128xf32>
    %get3A_86 = arith.constant 0 : index
    %get3A_87 = arith.constant 0 : index
    %get3A_88 = vector.load %arg5[%get3A_86, %get3A_87] : memref<128x1xf32, #tpu.memory_space<vmem>>, vector<128x1xf32>
    %dot_general3A_89 = arith.constant dense<0.000000e+00> : vector<2048x1xf32>
    %dot_general3A_90 = tpu.matmul %mul3A_85, %get3A_88, %dot_general3A_89 {dimension_numbers = #tpu.dot_dimension_numbers<[1], [0], [0], [1], [0, 0, 1, 1], [], []>, transpose_lhs_hint = false} : vector<2048x128xf32>, vector<128x1xf32>, vector<2048x1xf32> -> vector<2048x1xf32>
    %slice3A_91 = vector.extract_strided_slice %add3A_40 {offsets = [0, 640], sizes = [2048, 128], strides = [1, 1]} : vector<2048x1024xf32> to vector<2048x128xf32>
    %max3A_92 = arith.constant 0.000000e+00 : f32
    %max3A_93 = vector.broadcast %max3A_92 : f32 to vector<2048x128xf32>
    %max3A_94 = arith.maximumf %slice3A_91, %max3A_93 : vector<2048x128xf32>
    %mul3A_95 = arith.mulf %max3A_94, %get3A_43 : vector<2048x128xf32>
    %get3A_96 = arith.constant 0 : index
    %get3A_97 = arith.constant 0 : index
    %get3A_98 = vector.load %arg5[%get3A_96, %get3A_97] : memref<128x1xf32, #tpu.memory_space<vmem>>, vector<128x1xf32>
    %dot_general3A_99 = arith.constant dense<0.000000e+00> : vector<2048x1xf32>
    %dot_general3A_100 = tpu.matmul %mul3A_95, %get3A_98, %dot_general3A_99 {dimension_numbers = #tpu.dot_dimension_numbers<[1], [0], [0], [1], [0, 0, 1, 1], [], []>, transpose_lhs_hint = false} : vector<2048x128xf32>, vector<128x1xf32>, vector<2048x1xf32> -> vector<2048x1xf32>
    %slice3A_101 = vector.extract_strided_slice %add3A_40 {offsets = [0, 768], sizes = [2048, 128], strides = [1, 1]} : vector<2048x1024xf32> to vector<2048x128xf32>
    %max3A_102 = arith.constant 0.000000e+00 : f32
    %max3A_103 = vector.broadcast %max3A_102 : f32 to vector<2048x128xf32>
    %max3A_104 = arith.maximumf %slice3A_101, %max3A_103 : vector<2048x128xf32>
    %mul3A_105 = arith.mulf %max3A_104, %get3A_43 : vector<2048x128xf32>
    %get3A_106 = arith.constant 0 : index
    %get3A_107 = arith.constant 0 : index
    %get3A_108 = vector.load %arg5[%get3A_106, %get3A_107] : memref<128x1xf32, #tpu.memory_space<vmem>>, vector<128x1xf32>
    %dot_general3A_109 = arith.constant dense<0.000000e+00> : vector<2048x1xf32>
    %dot_general3A_110 = tpu.matmul %mul3A_105, %get3A_108, %dot_general3A_109 {dimension_numbers = #tpu.dot_dimension_numbers<[1], [0], [0], [1], [0, 0, 1, 1], [], []>, transpose_lhs_hint = false} : vector<2048x128xf32>, vector<128x1xf32>, vector<2048x1xf32> -> vector<2048x1xf32>
    %slice3A_111 = vector.extract_strided_slice %add3A_40 {offsets = [0, 896], sizes = [2048, 128], strides = [1, 1]} : vector<2048x1024xf32> to vector<2048x128xf32>
    %max3A_112 = arith.constant 0.000000e+00 : f32
    %max3A_113 = vector.broadcast %max3A_112 : f32 to vector<2048x128xf32>
    %max3A_114 = arith.maximumf %slice3A_111, %max3A_113 : vector<2048x128xf32>
    %mul3A_115 = arith.mulf %max3A_114, %get3A_43 : vector<2048x128xf32>
    %get3A_116 = arith.constant 0 : index
    %get3A_117 = arith.constant 0 : index
    %get3A_118 = vector.load %arg5[%get3A_116, %get3A_117] : memref<128x1xf32, #tpu.memory_space<vmem>>, vector<128x1xf32>
    %dot_general3A_119 = arith.constant dense<0.000000e+00> : vector<2048x1xf32>
    %dot_general3A_120 = tpu.matmul %mul3A_115, %get3A_118, %dot_general3A_119 {dimension_numbers = #tpu.dot_dimension_numbers<[1], [0], [0], [1], [0, 0, 1, 1], [], []>, transpose_lhs_hint = false} : vector<2048x128xf32>, vector<128x1xf32>, vector<2048x1xf32> -> vector<2048x1xf32>
    %iota3A = tpu.iota {dimensions = array<i32: 1>} : vector<2048x8xi32>
    %eq3A = arith.constant 0 : i32
    %eq3A_121 = vector.broadcast %eq3A : i32 to vector<2048x8xi32>
    %eq3A_122 = arith.cmpi eq, %iota3A, %eq3A_121 : vector<2048x8xi32>
    %jit3A = arith.constant 1.000000e+00 : f32
    %jit3A_123 = arith.constant 0.000000e+00 : f32
    %broadcast_in_dim3A_124 = vector.broadcast %jit3A : f32 to vector<2048x8xf32>
    %broadcast_in_dim3A_125 = vector.broadcast %jit3A_123 : f32 to vector<2048x8xf32>
    %select_n3A = arith.select %eq3A_122, %broadcast_in_dim3A_124, %broadcast_in_dim3A_125 : vector<2048x8xi1>, vector<2048x8xf32>
    %concatenate3A = tpu.concatenate %dot_general3A_50, %dot_general3A_60, %dot_general3A_70, %dot_general3A_80, %dot_general3A_90, %dot_general3A_100, %dot_general3A_110, %dot_general3A_120, %select_n3A in 1 : vector<2048x1xf32>, vector<2048x1xf32>, vector<2048x1xf32>, vector<2048x1xf32>, vector<2048x1xf32>, vector<2048x1xf32>, vector<2048x1xf32>, vector<2048x1xf32>, vector<2048x8xf32> -> vector<2048x16xf32>
    %swap3A = arith.constant 0 : index
    %swap3A_126 = arith.constant 0 : index
    %swap3A_127 = vector.load %arg6[%swap3A, %swap3A_126] : memref<2048x16xf32, #tpu.memory_space<vmem>>, vector<2048x16xf32>
    tpu.vector_store %arg6[%swap3A, %swap3A_126], %concatenate3A {strides = array<i32>} : memref<2048x16xf32, #tpu.memory_space<vmem>>, vector<2048x16xf32>,
    return
  }
  func.func @transform_0(%arg0: i32) -> (i32, i32) {
    %c0_i32 = arith.constant 0 : i32
    %c0_i32_0 = arith.constant 0 : i32
    return %arg0, %c0_i32 : i32, i32
  }
  func.func @transform_1(%arg0: i32) -> (i32, i32) {
    %c0_i32 = arith.constant 0 : i32
    %c0_i32_0 = arith.constant 0 : i32
    return %arg0, %c0_i32 : i32, i32
  }
  func.func @transform_2(%arg0: i32) -> (i32, i32) {
    %c0_i32 = arith.constant 0 : i32
    %c0_i32_0 = arith.constant 0 : i32
    %c0_i32_1 = arith.constant 0 : i32
    return %c0_i32, %c0_i32_0 : i32, i32
  }
  func.func @transform_3(%arg0: i32) -> (i32, i32) {
    %c0_i32 = arith.constant 0 : i32
    %c0_i32_0 = arith.constant 0 : i32
    %c0_i32_1 = arith.constant 0 : i32
    return %c0_i32, %c0_i32_0 : i32, i32
  }
  func.func @transform_4(%arg0: i32) -> (i32, i32) {
    %c0_i32 = arith.constant 0 : i32
    %c0_i32_0 = arith.constant 0 : i32
    %c0_i32_1 = arith.constant 0 : i32
    return %c0_i32, %c0_i32_0 : i32, i32
  }
  func.func @transform_5(%arg0: i32) -> (i32, i32) {
    %c0_i32 = arith.constant 0 : i32
    %c0_i32_0 = arith.constant 0 : i32
    return %arg0, %c0_i32 : i32, i32
  }
}

module attributes {stable_mosaic.version = 14 : i64} {
  func.func @_reduce_kernel(%arg0: i32, %arg1: memref<1x10240x8xf32, #tpu.memory_space<vmem>>, %arg2: memref<1x1x10240xf32, #tpu.memory_space<vmem>>, %arg3: memref<10240x8xf32, #tpu.memory_space<vmem>>, %arg4: memref<1x10240xf32, #tpu.memory_space<vmem>>) attributes {dimension_semantics = [#tpu.dimension_semantics<arbitrary>], iteration_bounds = array<i64: 32>, scalar_prefetch = 0 : i64, scratch_operands = 0 : i64, tpu.core_type = #tpu.core_type<tc>, window_params = [{transform_indices = @transform_0, window_bounds = array<i64: 1, 10240, 8>}, {transform_indices = @transform_1, window_bounds = array<i64: 1, 1, 10240>}, {pipeline_mode = #tpu.pipeline_mode<synchronous>, transform_indices = @transform_2, window_bounds = array<i64: 10240, 8>}, {pipeline_mode = #tpu.pipeline_mode<synchronous>, transform_indices = @transform_3, window_bounds = array<i64: 1, 10240>}]} {
    %eq3A = arith.constant 0 : i32
    %eq3A_0 = arith.cmpi eq, %arg0, %eq3A : i32
    %convert_element_type3A = arith.extui %eq3A_0 : i1 to i32
    %cond3A = arith.constant 0 : i32
    %cond3A_1 = arith.cmpi ne, %convert_element_type3A, %cond3A : i32
    scf.if %cond3A_1 {
      %broadcast_in_dim3A_23 = arith.constant 0.000000e+00 : f32
      %broadcast_in_dim3A_24 = vector.broadcast %broadcast_in_dim3A_23 : f32 to vector<10240x8xf32>
      %swap3A_25 = arith.constant 0 : index
      %swap3A_26 = arith.constant 0 : index
      %swap3A_27 = vector.load %arg3[%swap3A_25, %swap3A_26] : memref<10240x8xf32, #tpu.memory_space<vmem>>, vector<10240x8xf32>
      tpu.vector_store %arg3[%swap3A_25, %swap3A_26], %broadcast_in_dim3A_24 {strides = array<i32>} : memref<10240x8xf32, #tpu.memory_space<vmem>>, vector<10240x8xf32>,
      %broadcast_in_dim3A_28 = arith.constant 0.000000e+00 : f32
      %broadcast_in_dim3A_29 = vector.broadcast %broadcast_in_dim3A_28 : f32 to vector<1x10240xf32>
      %swap3A_30 = arith.constant 0 : index
      %swap3A_31 = arith.constant 0 : index
      %swap3A_32 = vector.load %arg4[%swap3A_30, %swap3A_31] : memref<1x10240xf32, #tpu.memory_space<vmem>>, vector<1x10240xf32>
      tpu.vector_store %arg4[%swap3A_30, %swap3A_31], %broadcast_in_dim3A_29 {strides = array<i32>} : memref<1x10240xf32, #tpu.memory_space<vmem>>, vector<1x10240xf32>,
    } else {
    }
    %get3A = arith.constant 0 : index
    %get3A_2 = arith.constant 0 : index
    %get3A_3 = vector.load %arg3[%get3A, %get3A_2] : memref<10240x8xf32, #tpu.memory_space<vmem>>, vector<10240x8xf32>
    %get3A_4 = arith.constant 0 : index
    %get3A_5 = arith.constant 0 : index
    %get3A_6 = arith.constant 0 : index
    %get3A_7 = vector.load %arg1[%get3A_4, %get3A_5, %get3A_6] : memref<1x10240x8xf32, #tpu.memory_space<vmem>>, vector<1x10240x8xf32>
    %get3A_8 = vector.shape_cast %get3A_7 : vector<1x10240x8xf32> to vector<10240x8xf32>
    %add3A = arith.addf %get3A_3, %get3A_8 : vector<10240x8xf32>
    %swap3A = arith.constant 0 : index
    %swap3A_9 = arith.constant 0 : index
    %swap3A_10 = vector.load %arg3[%swap3A, %swap3A_9] : memref<10240x8xf32, #tpu.memory_space<vmem>>, vector<10240x8xf32>
    tpu.vector_store %arg3[%swap3A, %swap3A_9], %add3A {strides = array<i32>} : memref<10240x8xf32, #tpu.memory_space<vmem>>, vector<10240x8xf32>,
    %get3A_11 = arith.constant 0 : index
    %get3A_12 = arith.constant 0 : index
    %get3A_13 = vector.load %arg4[%get3A_11, %get3A_12] : memref<1x10240xf32, #tpu.memory_space<vmem>>, vector<1x10240xf32>
    %get3A_14 = arith.constant 0 : index
    %get3A_15 = arith.constant 0 : index
    %get3A_16 = arith.constant 0 : index
    %get3A_17 = vector.load %arg2[%get3A_14, %get3A_15, %get3A_16] : memref<1x1x10240xf32, #tpu.memory_space<vmem>>, vector<1x1x10240xf32>
    %get3A_18 = vector.shape_cast %get3A_17 : vector<1x1x10240xf32> to vector<10240xf32>
    %broadcast_in_dim3A = vector.shape_cast %get3A_18 : vector<10240xf32> to vector<1x10240xf32>
    %add3A_19 = arith.addf %get3A_13, %broadcast_in_dim3A : vector<1x10240xf32>
    %swap3A_20 = arith.constant 0 : index
    %swap3A_21 = arith.constant 0 : index
    %swap3A_22 = vector.load %arg4[%swap3A_20, %swap3A_21] : memref<1x10240xf32, #tpu.memory_space<vmem>>, vector<1x10240xf32>
    tpu.vector_store %arg4[%swap3A_20, %swap3A_21], %add3A_19 {strides = array<i32>} : memref<1x10240xf32, #tpu.memory_space<vmem>>, vector<1x10240xf32>,
    return
  }
  func.func @transform_0(%arg0: i32) -> (i32, i32, i32) {
    %c0_i32 = arith.constant 0 : i32
    %c0_i32_0 = arith.constant 0 : i32
    %c0_i32_1 = arith.constant 0 : i32
    return %arg0, %c0_i32, %c0_i32_0 : i32, i32, i32
  }
  func.func @transform_1(%arg0: i32) -> (i32, i32, i32) {
    %c0_i32 = arith.constant 0 : i32
    %c0_i32_0 = arith.constant 0 : i32
    %c0_i32_1 = arith.constant 0 : i32
    return %arg0, %c0_i32, %c0_i32_0 : i32, i32, i32
  }
  func.func @transform_2(%arg0: i32) -> (i32, i32) {
    %c0_i32 = arith.constant 0 : i32
    %c0_i32_0 = arith.constant 0 : i32
    %c0_i32_1 = arith.constant 0 : i32
    return %c0_i32, %c0_i32_0 : i32, i32
  }
  func.func @transform_3(%arg0: i32) -> (i32, i32) {
    %c0_i32 = arith.constant 0 : i32
    %c0_i32_0 = arith.constant 0 : i32
    %c0_i32_1 = arith.constant 0 : i32
    return %c0_i32, %c0_i32_0 : i32, i32
  }
}

module attributes {stable_mosaic.version = 14 : i64} {
  func.func @_final_kernel(%arg0: memref<10240x8xf32, #tpu.memory_space<vmem>>, %arg1: memref<1x10240xf32, #tpu.memory_space<vmem>>, %arg2: memref<10000x128xf32, #tpu.memory_space<vmem>>, %arg3: memref<128x8xf32, #tpu.memory_space<vmem>>, %arg4: memref<1x8xf32, #tpu.memory_space<vmem>>, %arg5: memref<10000xi32, #tpu.memory_space<vmem>>, %arg6: memref<16x8xf32, #tpu.memory_space<vmem>>, %arg7: memref<1x8xf32, #tpu.memory_space<vmem>>, %arg8: memref<8x1xf32, #tpu.memory_space<vmem>>, %arg9: memref<1x1xf32, #tpu.memory_space<vmem>>, %arg10: memref<64x1xf32, #tpu.memory_space<vmem>>) attributes {dimension_semantics = [], scalar_prefetch = 0 : i64, scratch_operands = 0 : i64, tpu.core_type = #tpu.core_type<tc>} {
    %get3A = arith.constant 0 : index
    %get3A_0 = arith.constant 0 : index
    %get3A_1 = vector.load %arg1[%get3A, %get3A_0] : memref<1x10240xf32, #tpu.memory_space<vmem>>, vector<1x10000xf32>
    %transpose3A = tpu.transpose %get3A_1, [1, 0] : vector<1x10000xf32> -> vector<10000x1xf32>
    %get3A_2 = arith.constant 0 : index
    %get3A_3 = arith.constant 0 : index
    %get3A_4 = vector.load %arg0[%get3A_2, %get3A_3] : memref<10240x8xf32, #tpu.memory_space<vmem>>, vector<10000x8xf32>
    %max3A = arith.constant 1.000000e+00 : f32
    %max3A_5 = vector.broadcast %max3A : f32 to vector<10000x1xf32>
    %max3A_6 = arith.maximumf %transpose3A, %max3A_5 : vector<10000x1xf32>
    %div3A = vector.broadcast %max3A_6 : vector<10000x1xf32> to vector<10000x8xf32>
    %div3A_7 = arith.divf %get3A_4, %div3A : vector<10000x8xf32>
    %get3A_8 = arith.constant 0 : index
    %get3A_9 = arith.constant 0 : index
    %get3A_10 = vector.load %arg2[%get3A_8, %get3A_9] : memref<10000x128xf32, #tpu.memory_space<vmem>>, vector<10000x128xf32>
    %get3A_11 = arith.constant 0 : index
    %get3A_12 = arith.constant 0 : index
    %get3A_13 = vector.load %arg3[%get3A_11, %get3A_12] : memref<128x8xf32, #tpu.memory_space<vmem>>, vector<128x8xf32>
    %dot_general3A = arith.constant dense<0.000000e+00> : vector<10000x8xf32>
    %dot_general3A_14 = tpu.matmul %get3A_10, %get3A_13, %dot_general3A {dimension_numbers = #tpu.dot_dimension_numbers<[1], [0], [0], [1], [0, 0, 1, 1], [], []>, precision = #tpu.contract_precision<fp32>, transpose_lhs_hint = false} : vector<10000x128xf32>, vector<128x8xf32>, vector<10000x8xf32> -> vector<10000x8xf32>
    %add3A = arith.addf %div3A_7, %dot_general3A_14 : vector<10000x8xf32>
    %get3A_15 = arith.constant 0 : index
    %get3A_16 = arith.constant 0 : index
    %get3A_17 = vector.load %arg4[%get3A_15, %get3A_16] : memref<1x8xf32, #tpu.memory_space<vmem>>, vector<1x8xf32>
    %add3A_18 = vector.broadcast %get3A_17 : vector<1x8xf32> to vector<10000x8xf32>
    %add3A_19 = arith.addf %add3A, %add3A_18 : vector<10000x8xf32>
    %max3A_20 = arith.constant 0.000000e+00 : f32
    %max3A_21 = vector.broadcast %max3A_20 : f32 to vector<10000x8xf32>
    %max3A_22 = arith.maximumf %add3A_19, %max3A_21 : vector<10000x8xf32>
    %get3A_23 = arith.constant 0 : index
    %get3A_24 = vector.load %arg5[%get3A_23] : memref<10000xi32, #tpu.memory_space<vmem>>, vector<10000xi32>
    %iota3A = tpu.iota {dimensions = array<i32: 0>} : vector<64x10000xi32>
    %broadcast_in_dim3A = vector.shape_cast %get3A_24 : vector<10000xi32> to vector<1x10000xi32>
    %eq3A = vector.broadcast %broadcast_in_dim3A : vector<1x10000xi32> to vector<64x10000xi32>
    %eq3A_25 = arith.cmpi eq, %eq3A, %iota3A : vector<64x10000xi32>
    %convert_element_type3A = arith.extui %eq3A_25 : vector<64x10000xi1> to vector<64x10000xi32>
    %convert_element_type3A_26 = arith.sitofp %convert_element_type3A : vector<64x10000xi32> to vector<64x10000xf32>
    %dot_general3A_27 = arith.constant dense<0.000000e+00> : vector<64x8xf32>
    %dot_general3A_28 = tpu.matmul %convert_element_type3A_26, %max3A_22, %dot_general3A_27 {dimension_numbers = #tpu.dot_dimension_numbers<[1], [0], [0], [1], [0, 0, 1, 1], [], []>, precision = #tpu.contract_precision<fp32>, transpose_lhs_hint = false} : vector<64x10000xf32>, vector<10000x8xf32>, vector<64x8xf32> -> vector<64x8xf32>
    %reduce_sum3A = arith.constant dense<0.000000e+00> : vector<64xf32>
    %reduce_sum3A_29 = vector.multi_reduction <add>, %convert_element_type3A_26, %reduce_sum3A [1] : vector<64x10000xf32> to vector<64xf32>
    %broadcast_in_dim3A_30 = vector.shape_cast %reduce_sum3A_29 : vector<64xf32> to vector<64x1xf32>
    %max3A_31 = arith.constant 1.000000e+00 : f32
    %max3A_32 = vector.broadcast %max3A_31 : f32 to vector<64x1xf32>
    %max3A_33 = arith.maximumf %broadcast_in_dim3A_30, %max3A_32 : vector<64x1xf32>
    %div3A_34 = vector.broadcast %max3A_33 : vector<64x1xf32> to vector<64x8xf32>
    %div3A_35 = arith.divf %dot_general3A_28, %div3A_34 : vector<64x8xf32>
    %transpose3A_36 = tpu.transpose %max3A_22, [1, 0] : vector<10000x8xf32> -> vector<8x10000xf32>
    %slice3A = vector.extract_strided_slice %transpose3A_36 {offsets = [0, 0], sizes = [1, 10000], strides = [1, 1]} : vector<8x10000xf32> to vector<1x10000xf32>
    %jit3A = arith.constant 0.000000e+00 : f32
    %broadcast_in_dim3A_37 = vector.shape_cast %slice3A : vector<1x10000xf32> to vector<1x10000xf32>
    %broadcast_in_dim3A_38 = vector.broadcast %broadcast_in_dim3A_37 : vector<1x10000xf32> to vector<64x10000xf32>
    %broadcast_in_dim3A_39 = vector.broadcast %jit3A : f32 to vector<64x10000xf32>
    %select_n3A = arith.select %eq3A_25, %broadcast_in_dim3A_38, %broadcast_in_dim3A_39 : vector<64x10000xi1>, vector<64x10000xf32>
    %reduce_max3A = arith.constant dense<0xFF800000> : vector<64xf32>
    %reduce_max3A_40 = vector.multi_reduction <maximumf>, %select_n3A, %reduce_max3A [1] : vector<64x10000xf32> to vector<64xf32>
    %broadcast_in_dim3A_41 = vector.shape_cast %reduce_max3A_40 : vector<64xf32> to vector<64x1xf32>
    %slice3A_42 = vector.extract_strided_slice %transpose3A_36 {offsets = [1, 0], sizes = [1, 10000], strides = [1, 1]} : vector<8x10000xf32> to vector<1x10000xf32>
    %jit3A_43 = arith.constant 0.000000e+00 : f32
    %broadcast_in_dim3A_44 = vector.shape_cast %slice3A_42 : vector<1x10000xf32> to vector<1x10000xf32>
    %broadcast_in_dim3A_45 = vector.broadcast %broadcast_in_dim3A_44 : vector<1x10000xf32> to vector<64x10000xf32>
    %broadcast_in_dim3A_46 = vector.broadcast %jit3A_43 : f32 to vector<64x10000xf32>
    %select_n3A_47 = arith.select %eq3A_25, %broadcast_in_dim3A_45, %broadcast_in_dim3A_46 : vector<64x10000xi1>, vector<64x10000xf32>
    %reduce_max3A_48 = arith.constant dense<0xFF800000> : vector<64xf32>
    %reduce_max3A_49 = vector.multi_reduction <maximumf>, %select_n3A_47, %reduce_max3A_48 [1] : vector<64x10000xf32> to vector<64xf32>
    %broadcast_in_dim3A_50 = vector.shape_cast %reduce_max3A_49 : vector<64xf32> to vector<64x1xf32>
    %slice3A_51 = vector.extract_strided_slice %transpose3A_36 {offsets = [2, 0], sizes = [1, 10000], strides = [1, 1]} : vector<8x10000xf32> to vector<1x10000xf32>
    %jit3A_52 = arith.constant 0.000000e+00 : f32
    %broadcast_in_dim3A_53 = vector.shape_cast %slice3A_51 : vector<1x10000xf32> to vector<1x10000xf32>
    %broadcast_in_dim3A_54 = vector.broadcast %broadcast_in_dim3A_53 : vector<1x10000xf32> to vector<64x10000xf32>
    %broadcast_in_dim3A_55 = vector.broadcast %jit3A_52 : f32 to vector<64x10000xf32>
    %select_n3A_56 = arith.select %eq3A_25, %broadcast_in_dim3A_54, %broadcast_in_dim3A_55 : vector<64x10000xi1>, vector<64x10000xf32>
    %reduce_max3A_57 = arith.constant dense<0xFF800000> : vector<64xf32>
    %reduce_max3A_58 = vector.multi_reduction <maximumf>, %select_n3A_56, %reduce_max3A_57 [1] : vector<64x10000xf32> to vector<64xf32>
    %broadcast_in_dim3A_59 = vector.shape_cast %reduce_max3A_58 : vector<64xf32> to vector<64x1xf32>
    %slice3A_60 = vector.extract_strided_slice %transpose3A_36 {offsets = [3, 0], sizes = [1, 10000], strides = [1, 1]} : vector<8x10000xf32> to vector<1x10000xf32>
    %jit3A_61 = arith.constant 0.000000e+00 : f32
    %broadcast_in_dim3A_62 = vector.shape_cast %slice3A_60 : vector<1x10000xf32> to vector<1x10000xf32>
    %broadcast_in_dim3A_63 = vector.broadcast %broadcast_in_dim3A_62 : vector<1x10000xf32> to vector<64x10000xf32>
    %broadcast_in_dim3A_64 = vector.broadcast %jit3A_61 : f32 to vector<64x10000xf32>
    %select_n3A_65 = arith.select %eq3A_25, %broadcast_in_dim3A_63, %broadcast_in_dim3A_64 : vector<64x10000xi1>, vector<64x10000xf32>
    %reduce_max3A_66 = arith.constant dense<0xFF800000> : vector<64xf32>
    %reduce_max3A_67 = vector.multi_reduction <maximumf>, %select_n3A_65, %reduce_max3A_66 [1] : vector<64x10000xf32> to vector<64xf32>
    %broadcast_in_dim3A_68 = vector.shape_cast %reduce_max3A_67 : vector<64xf32> to vector<64x1xf32>
    %slice3A_69 = vector.extract_strided_slice %transpose3A_36 {offsets = [4, 0], sizes = [1, 10000], strides = [1, 1]} : vector<8x10000xf32> to vector<1x10000xf32>
    %jit3A_70 = arith.constant 0.000000e+00 : f32
    %broadcast_in_dim3A_71 = vector.shape_cast %slice3A_69 : vector<1x10000xf32> to vector<1x10000xf32>
    %broadcast_in_dim3A_72 = vector.broadcast %broadcast_in_dim3A_71 : vector<1x10000xf32> to vector<64x10000xf32>
    %broadcast_in_dim3A_73 = vector.broadcast %jit3A_70 : f32 to vector<64x10000xf32>
    %select_n3A_74 = arith.select %eq3A_25, %broadcast_in_dim3A_72, %broadcast_in_dim3A_73 : vector<64x10000xi1>, vector<64x10000xf32>
    %reduce_max3A_75 = arith.constant dense<0xFF800000> : vector<64xf32>
    %reduce_max3A_76 = vector.multi_reduction <maximumf>, %select_n3A_74, %reduce_max3A_75 [1] : vector<64x10000xf32> to vector<64xf32>
    %broadcast_in_dim3A_77 = vector.shape_cast %reduce_max3A_76 : vector<64xf32> to vector<64x1xf32>
    %slice3A_78 = vector.extract_strided_slice %transpose3A_36 {offsets = [5, 0], sizes = [1, 10000], strides = [1, 1]} : vector<8x10000xf32> to vector<1x10000xf32>
    %jit3A_79 = arith.constant 0.000000e+00 : f32
    %broadcast_in_dim3A_80 = vector.shape_cast %slice3A_78 : vector<1x10000xf32> to vector<1x10000xf32>
    %broadcast_in_dim3A_81 = vector.broadcast %broadcast_in_dim3A_80 : vector<1x10000xf32> to vector<64x10000xf32>
    %broadcast_in_dim3A_82 = vector.broadcast %jit3A_79 : f32 to vector<64x10000xf32>
    %select_n3A_83 = arith.select %eq3A_25, %broadcast_in_dim3A_81, %broadcast_in_dim3A_82 : vector<64x10000xi1>, vector<64x10000xf32>
    %reduce_max3A_84 = arith.constant dense<0xFF800000> : vector<64xf32>
    %reduce_max3A_85 = vector.multi_reduction <maximumf>, %select_n3A_83, %reduce_max3A_84 [1] : vector<64x10000xf32> to vector<64xf32>
    %broadcast_in_dim3A_86 = vector.shape_cast %reduce_max3A_85 : vector<64xf32> to vector<64x1xf32>
    %slice3A_87 = vector.extract_strided_slice %transpose3A_36 {offsets = [6, 0], sizes = [1, 10000], strides = [1, 1]} : vector<8x10000xf32> to vector<1x10000xf32>
    %jit3A_88 = arith.constant 0.000000e+00 : f32
    %broadcast_in_dim3A_89 = vector.shape_cast %slice3A_87 : vector<1x10000xf32> to vector<1x10000xf32>
    %broadcast_in_dim3A_90 = vector.broadcast %broadcast_in_dim3A_89 : vector<1x10000xf32> to vector<64x10000xf32>
    %broadcast_in_dim3A_91 = vector.broadcast %jit3A_88 : f32 to vector<64x10000xf32>
    %select_n3A_92 = arith.select %eq3A_25, %broadcast_in_dim3A_90, %broadcast_in_dim3A_91 : vector<64x10000xi1>, vector<64x10000xf32>
    %reduce_max3A_93 = arith.constant dense<0xFF800000> : vector<64xf32>
    %reduce_max3A_94 = vector.multi_reduction <maximumf>, %select_n3A_92, %reduce_max3A_93 [1] : vector<64x10000xf32> to vector<64xf32>
    %broadcast_in_dim3A_95 = vector.shape_cast %reduce_max3A_94 : vector<64xf32> to vector<64x1xf32>
    %slice3A_96 = vector.extract_strided_slice %transpose3A_36 {offsets = [7, 0], sizes = [1, 10000], strides = [1, 1]} : vector<8x10000xf32> to vector<1x10000xf32>
    %jit3A_97 = arith.constant 0.000000e+00 : f32
    %broadcast_in_dim3A_98 = vector.shape_cast %slice3A_96 : vector<1x10000xf32> to vector<1x10000xf32>
    %broadcast_in_dim3A_99 = vector.broadcast %broadcast_in_dim3A_98 : vector<1x10000xf32> to vector<64x10000xf32>
    %broadcast_in_dim3A_100 = vector.broadcast %jit3A_97 : f32 to vector<64x10000xf32>
    %select_n3A_101 = arith.select %eq3A_25, %broadcast_in_dim3A_99, %broadcast_in_dim3A_100 : vector<64x10000xi1>, vector<64x10000xf32>
    %reduce_max3A_102 = arith.constant dense<0xFF800000> : vector<64xf32>
    %reduce_max3A_103 = vector.multi_reduction <maximumf>, %select_n3A_101, %reduce_max3A_102 [1] : vector<64x10000xf32> to vector<64xf32>
    %broadcast_in_dim3A_104 = vector.shape_cast %reduce_max3A_103 : vector<64xf32> to vector<64x1xf32>
    %concatenate3A = tpu.concatenate %broadcast_in_dim3A_41, %broadcast_in_dim3A_50, %broadcast_in_dim3A_59, %broadcast_in_dim3A_68, %broadcast_in_dim3A_77, %broadcast_in_dim3A_86, %broadcast_in_dim3A_95, %broadcast_in_dim3A_104 in 1 : vector<64x1xf32>, vector<64x1xf32>, vector<64x1xf32>, vector<64x1xf32>, vector<64x1xf32>, vector<64x1xf32>, vector<64x1xf32>, vector<64x1xf32> -> vector<64x8xf32>
    %concatenate3A_105 = tpu.concatenate %concatenate3A, %div3A_35 in 1 : vector<64x8xf32>, vector<64x8xf32> -> vector<64x16xf32>
    %get3A_106 = arith.constant 0 : index
    %get3A_107 = arith.constant 0 : index
    %get3A_108 = vector.load %arg6[%get3A_106, %get3A_107] : memref<16x8xf32, #tpu.memory_space<vmem>>, vector<16x8xf32>
    %dot_general3A_109 = arith.constant dense<0.000000e+00> : vector<64x8xf32>
    %dot_general3A_110 = tpu.matmul %concatenate3A_105, %get3A_108, %dot_general3A_109 {dimension_numbers = #tpu.dot_dimension_numbers<[1], [0], [0], [1], [0, 0, 1, 1], [], []>, precision = #tpu.contract_precision<fp32>, transpose_lhs_hint = false} : vector<64x16xf32>, vector<16x8xf32>, vector<64x8xf32> -> vector<64x8xf32>
    %get3A_111 = arith.constant 0 : index
    %get3A_112 = arith.constant 0 : index
    %get3A_113 = vector.load %arg7[%get3A_111, %get3A_112] : memref<1x8xf32, #tpu.memory_space<vmem>>, vector<1x8xf32>
    %add3A_114 = vector.broadcast %get3A_113 : vector<1x8xf32> to vector<64x8xf32>
    %add3A_115 = arith.addf %dot_general3A_110, %add3A_114 : vector<64x8xf32>
    %max3A_116 = arith.constant 0.000000e+00 : f32
    %max3A_117 = vector.broadcast %max3A_116 : f32 to vector<64x8xf32>
    %max3A_118 = arith.maximumf %add3A_115, %max3A_117 : vector<64x8xf32>
    %get3A_119 = arith.constant 0 : index
    %get3A_120 = arith.constant 0 : index
    %get3A_121 = vector.load %arg8[%get3A_119, %get3A_120] : memref<8x1xf32, #tpu.memory_space<vmem>>, vector<8x1xf32>
    %dot_general3A_122 = arith.constant dense<0.000000e+00> : vector<64x1xf32>
    %dot_general3A_123 = tpu.matmul %max3A_118, %get3A_121, %dot_general3A_122 {dimension_numbers = #tpu.dot_dimension_numbers<[1], [0], [0], [1], [0, 0, 1, 1], [], []>, precision = #tpu.contract_precision<fp32>, transpose_lhs_hint = false} : vector<64x8xf32>, vector<8x1xf32>, vector<64x1xf32> -> vector<64x1xf32>
    %get3A_124 = arith.constant 0 : index
    %get3A_125 = arith.constant 0 : index
    %get3A_126 = vector.load %arg9[%get3A_124, %get3A_125] : memref<1x1xf32, #tpu.memory_space<vmem>>, vector<1x1xf32>
    %add3A_127 = vector.broadcast %get3A_126 : vector<1x1xf32> to vector<64x1xf32>
    %add3A_128 = arith.addf %dot_general3A_123, %add3A_127 : vector<64x1xf32>
    %swap3A = arith.constant 0 : index
    %swap3A_129 = arith.constant 0 : index
    %swap3A_130 = vector.load %arg10[%swap3A, %swap3A_129] : memref<64x1xf32, #tpu.memory_space<vmem>>, vector<64x1xf32>
    tpu.vector_store %arg10[%swap3A, %swap3A_129], %add3A_128 {strides = array<i32>} : memref<64x1xf32, #tpu.memory_space<vmem>>, vector<64x1xf32>,
    return
  }
}

</mosaic_0001>

<sc_bundles>
// kernel: kernel.10.cloned.1.call-start
scs
__scs_entry_jumppad:
0x0: {  	(pc) =	sbr.rel $0x88, $3  }
0x1: {  	(tag) =	ssettag $0x0;
	lr =	simm.s32 $0x1  }
0x2: {  	[smem:$0x3F95] =	sst lr;
	_ =	strace $0xD0000000  }
0x3: {  	_ = 	snop  }
0x4: {  	_ = 	snop  }
0x5: {  	_ = 	snop  }
0x6: {  	_ = 	snop  }
0x7: {  	_ = 	snop  }
__scs_overlays_trampoline_lowered:
0x8: {  	[smem:$0x3FA4] =	sst s0  }
0x9: {  	[smem:$0x3FA5] =	sst s1  }
0xa: {  	[smem:$0x3FA6] =	sst s2  }
0xb: {  	[smem:$0x3FA7] =	sst s3  }
0xc: {  	[smem:$0x3FA8] =	sst s4  }
0xd: {  	[smem:$0x3FA9] =	sst s5  }
0xe: {  	[smem:$0x3FAA] =	sst s6  }
0xf: {  	[smem:$0x3FAB] =	sst s7  }
0x10: {  	[smem:$0x3FAC] =	sst s8  }
0x11: {  	[smem:$0x3FAD] =	sst s9;
	s0 =	simm.s32 @!p0 $0x0  }
0x12: {  	s1 =	sld [smem:$0x3F93];
	s0 =	simm.s32 @p0 $0x1  }
0x13: {  	[smem:$0x3FAE] =	sst s0;
	s0 =	simm.s32 @!p1 $0x0  }
0x14: {  	s2 =	sld [smem:$0x3F92];
	s0 =	simm.s32 @p1 $0x1  }
0x15: {  	[smem:$0x3FAF] =	sst s0;
	s0 =	simm.s32 @!p2 $0x0  }
0x16: {  	s3 =	sld [smem:$0x3FDB];
	s0 =	simm.s32 @p2 $0x1  }
0x17: {  	s4 =	simm.s32 $0x1BF5;
	[smem:$0x3FB1] =	sst s0  }
0x18: {  	s0 =	sld [smem:$0x3F94];
	_ =	swait.ge [sflag:s4], $0x0  }
0x19: {  	s7 =	sld [smem:$0x3F95]  }
0x1a: {  	s8 =	sadd.s32 $0xFFFFE003, lr  }
0x1b: {  	s9 =	sadd.s32 $0xFFFFFEF7, lr;
	s5 =	simm.s32 $0xFFFFFFFF;
	p2 =	slt.u32 s8, $0xFFFFF086  }
0x1c: {  	p1 =	slt.u32 s9, $0xF7A;
	s5 =	simm.s32 @!p2 $0x0  }
0x1d: {  	s5 =	simm.s32 @p1 $0x1;
	p0 =	seq.s32 s7, s2  }
0x1e: {  	s7 =	smul.u32 @!p0 $0xF7A, s2;
	p2 =	seq.s32 @!p0 s5, $0x0  }
0x1f: {  	s9 =	smul.u32 $0xF7A, s1;
	s8 =	simm.s32 @!p0 $0x1BF5;
	p2 =	por !p2, p0  }
0x20: {  	[sflag:s8] =	ssyncset.s32 @!p0 $0xFFFFF086;
	s6 =	sadd.s32 @!p0 s3, s7;
	s7 =	simm.s32 @!p0 $0x108  }
0x21: {  	s3 =	sadd.s32 s3, s9;
	s6 =	sadd.s32 @!p0 $0x88, s6;
	s7 =	simm.s32 @p2 $0x1082  }
0x22: {  	[simem:s7], [sflag:s8] =	dma.local @!p0 [hbm:s6], $0xF7A  }
0x23: {  	s9 =	sor.u32 $0xD0000000, s2;
	s6 =	simm.s32 $0x108;
	_ =	swait.ge @!p0 [sflag:s8], $0x0  }
0x24: {  	s3 =	sadd.s32 $0x88, s3;
	s6 =	simm.s32 @!p1 $0x1082;
	[sflag:s4] =	ssyncset.s32 $0xFFFFF086  }
0x25: {  	[simem:s6], [sflag:s4] =	dma.local [hbm:s3], $0xF7A  }
0x26: {  	[smem:$0x3F95] =	sst s1;
	(tag) =	ssettag s2;
	_ =	strace s9  }
0x27: {  	s1 =	sld [smem:$0x3FA5]  }
0x28: {  	s2 =	sld [smem:$0x3FA6]  }
0x29: {  	s4 =	sld [smem:$0x3FA8]  }
0x2a: {  	p0 =	seq.s32 s5, $0x0;
	s5 =	sld [smem:$0x3FA9]  }
0x2b: {  	s6 =	sld [smem:$0x3FAA]  }
0x2c: {  	s7 =	sld [smem:$0x3FAB]  }
0x2d: {  	s3 =	simm.s32 $0x108;
	s8 =	sld [smem:$0x3FAC]  }
0x2e: {  	s3 =	simm.s32 @!p0 $0x1082;
	s9 =	sld [smem:$0x3FAD]  }
0x2f: {  	lr =	sadd.s32 s0, s3;
	s0 =	sld [smem:$0x3FA4]  }
0x30: {  	s3 =	sld [smem:$0x3FA7]  }
0x31: {  	[smem:$0x3FB0] =	sst s10  }
0x32: {  	s10 =	sld [smem:$0x3FAE];
	_ =	sdelay $0x3  }
0x33: {  	p0 =	seq.s32 s10, $0x1;
	s10 =	sld [smem:$0x3FB0];
	_ =	sdelay $0x3  }
0x34: {  	[smem:$0x3FB0] =	sst s10  }
0x35: {  	s10 =	sld [smem:$0x3FAF];
	_ =	sdelay $0x3  }
0x36: {  	p1 =	seq.s32 s10, $0x1;
	s10 =	sld [smem:$0x3FB0];
	_ =	sdelay $0x3  }
0x37: {  	[smem:$0x3FB0] =	sst s10  }
0x38: {  	s10 =	sld [smem:$0x3FB1]  }
0x39: {  	_ = 	snop;
	(pc) =	sbr.ind lr, $3  }
0x3a: {  	_ = 	snop  }
0x3b: {  	_ = 	snop  }
0x3c: {  	p2 =	seq.s32 s10, $0x1;
	s10 =	sld [smem:$0x3FB0]  }
0x3d: {  	_ =	shalt  }
0x3e: {  	_ =	shalt  }
0x3f: {  	_ =	shalt  }
0x40: {  	_ =	shalt  }
0x41: {  	_ =	shalt  }
0x42: {  	_ =	shalt  }
0x43: {  	_ =	shalt  }
0x44: {  	_ =	shalt  }
0x45: {  	_ =	shalt  }
0x46: {  	_ =	shalt  }
0x47: {  	_ =	shalt  }
0x48: {  	_ =	shalt  }
0x49: {  	_ =	shalt  }
0x4a: {  	_ =	shalt  }
0x4b: {  	_ =	shalt  }
0x4c: {  	_ =	shalt  }
0x4d: {  	_ =	shalt  }
0x4e: {  	_ =	shalt  }
0x4f: {  	_ =	shalt  }
0x50: {  	_ =	shalt  }
0x51: {  	_ =	shalt  }
0x52: {  	_ =	shalt  }
0x53: {  	_ =	shalt  }
0x54: {  	_ =	shalt  }
0x55: {  	_ =	shalt  }
0x56: {  	_ =	shalt  }
0x57: {  	_ =	shalt  }
0x58: {  	_ =	shalt  }
0x59: {  	_ =	shalt  }
0x5a: {  	_ =	shalt  }
0x5b: {  	_ =	shalt  }
0x5c: {  	_ =	shalt  }
0x5d: {  	_ =	shalt  }
0x5e: {  	_ =	shalt  }
0x5f: {  	_ =	shalt  }
0x60: {  	_ =	shalt  }
0x61: {  	_ =	shalt  }
0x62: {  	_ =	shalt  }
0x63: {  	_ =	shalt  }
0x64: {  	_ =	shalt  }
0x65: {  	_ =	shalt  }
0x66: {  	_ =	shalt  }
0x67: {  	_ =	shalt  }
0x68: {  	_ =	shalt  }
0x69: {  	_ =	shalt  }
0x6a: {  	_ =	shalt  }
0x6b: {  	_ =	shalt  }
0x6c: {  	_ =	shalt  }
0x6d: {  	_ =	shalt  }
0x6e: {  	_ =	shalt  }
0x6f: {  	_ =	shalt  }
0x70: {  	_ =	shalt  }
0x71: {  	_ =	shalt  }
0x72: {  	_ =	shalt  }
0x73: {  	_ =	shalt  }
0x74: {  	_ =	shalt  }
0x75: {  	_ =	shalt  }
0x76: {  	_ =	shalt  }
0x77: {  	_ =	shalt  }
0x78: {  	_ =	shalt  }
0x79: {  	_ =	shalt  }
0x7a: {  	_ =	shalt  }
0x7b: {  	_ =	shalt  }
0x7c: {  	_ =	shalt  }
0x7d: {  	_ =	shalt  }
0x7e: {  	_ =	shalt  }
0x7f: {  	_ =	shalt  }
0x80: {  	_ =	shalt  }
0x81: {  	_ =	shalt  }
0x82: {  	_ =	shalt  }
0x83: {  	_ =	shalt  }
0x84: {  	_ =	shalt  }
0x85: {  	_ =	shalt  }
0x86: {  	_ =	shalt  }
0x87: {  	_ =	shalt  }
.Lfunc_end0:
.L_simem_size_0:
called_computation.1_lowered:
.L_overlay_start_0:
0x88: {  	s2 =	sld [smem:$0x3FD9]  }
0x89: {  	s3 =	sld [smem:$0x3FFE];
	_ =	sdelay $0x1  }
0x8a: {  	s1 =	srdreg.scid  }
0x8b: {  	s0 =	sand.u32 $0x1, s1  }
0x8c: {  	s16 =	sshll.u32 s0, $0xA;
	s2 =	sadd.s32 s3, s2  }
0x8d: {  	s2 =	sadd.s32 s2, s16  }
0x8e: {  	[smem:$0x3FBC] =	sst s2  }
0x8f: {  	_ = 	snop  }
0x90: {  	(tm) =	ssettm $0x1  }
0x91: {  	s17 =	sld [smem:$0x3FFB];
	_ =	sdelay $0x3  }
0x92: {  	_ =	strace s17  }
0x93: {  	s2 =	sld [smem:$0x3FFC];
	_ =	sdelay $0x3  }
0x94: {  	_ =	strace s2  }
0x95: {  	s2 =	sld [smem:$0x3FFD];
	_ =	sdelay $0x3  }
0x96: {  	_ =	strace s2  }
0x97: {  	_ =	strace $0x8FFFFFFF  }
0x98: {  	s18 =	sld [smem:$0x3FDB];
	_ =	sdelay $0x1  }
0x99: {  	s19 =	simm.s32 $_scs_section_size  }
0x9a: {  	s4 =	simm.s32 $_size__tile_overlayer_lowered;
	s5 =	simm.s32 $_tile_overlayer_lowered  }
0x9b: {  	s22 =	simm.s32 $0x1BFF;
	s21 =	sshll.u32 s5, $0x1;
	s2 =	sadd.s32 s19, s18  }
0x9c: {  	s6 =	simm.s32 $0x0;
	s20 =	sshll.u32 s4, $0x1;
	s4 =	sadd.s32 s21, s2  }
0x9d: {  	[timem:s6], [sflag:s22] =	dma.local [hbm:s4], s20  }
0x9e: {  	_ =	swait.ge [sflag:s22], s20  }
0x9f: {  	s3 =	ssub.s32 $0x0, s20;
	[sflag:s22] =	ssyncset.done $0x0  }
0xa0: {  	[sflag:s22] =	ssyncadd.s32 s3;
	_ =	sdelay $0x1  }
0xa1: {  	s23 =	simm.s32 $0x1B8B  }
0xa2: {  	_ =	swait.ge [sflag:s23], $0x1  }
0xa3: {  	[sflag:s23] =	ssyncset.done $0x0  }
0xa4: {  	s25 =	simm.s32 $0x1B8E;
	s24 =	sld [smem:$0x3FFE];
	[sflag:s23] =	ssyncadd.s32 $0xFFFFFFFF  }
0xa5: {  	s26 =	simm.s32 $execute0_lowered;
	[smem:$0x3FD2] =	sst s25  }
0xa6: {  	s4 =	sshll.u32 s26, $0x1;
	_ =	strace $0x80000049;
	[dreg:$0x1] =	wrdreg $0xFFFFFFFF  }
0xa7: {  	s28 =	simm.s32 $_size_execute0_lowered;
	s2 =	sadd.s32 s2, s4;
	[dreg:$0x0] =	wrdreg $0x0  }
0xa8: {  	s4 =	sshll.u32 s28, $0x1;
	[dreg:$0x2] =	wrdreg s2  }
0xa9: {  	[dreg:$0x3] =	wrdreg s4  }
0xaa: {  	[dreg:$0x4] =	wrdreg $0xC0  }
0xab: {  	_ =	task [dreg:s6], $0x5FFFF  }
0xac: {  	[dreg:$0x1] =	wrdreg $0xFFFFFFFF  }
0xad: {  	[dreg:$0x0] =	wrdreg $0x60  }
0xae: {  	[dreg:$0x2] =	wrdreg s24  }
0xaf: {  	[dreg:$0x3] =	wrdreg $0x9  }
0xb0: {  	_ =	task.clear_ibuf [dreg:s6], $0x4FFFF;
	_ =	strace $0x90000049  }
0xb1: {  	s29 =	simm.s32 $0x9;
	_ =	strace $0x8000004B  }
0xb2: {  	_ =	swait.ge [sflag:s29], $0x1  }
0xb3: {  	[sflag:s29] =	ssyncadd.s32 $0xFFFFFFFF  }
0xb4: {  	_ =	strace $0x9000004B  }
0xb5: {  	_ =	sfence  }
0xb6: {  	s30 =	sld [smem:$0x0];
	_ =	sdelay $0x2  }
0xb7: {  	s31 =	sshll.u32 s1, $0xD;
	s1 =	sshrl.u32 s1, $0x2  }
0xb8: {  	s3 =	sand.u32 $0x4000, s31;
	s1 =	sadd.s32 s1, s30  }
0xb9: {  	s0 =	sor.u32 s3, s0;
	s1 =	sshll.u32 s1, $0x11  }
0xba: {  	s0 =	sor.u32 s1, s0  }
0xbb: {  	s0 =	sadd.s32 $0x8F2B, s0  }
0xbc: {  	[sflag:s0] =	ssyncadd.remote.s32 $0x1  }
0xbd: {  	_ =	sfence.sel $0xFFFF  }
0xbe: {  	[dreg:$0x0] =	wrdreg $0xFFFFFFFF;
	(pc) =	sbr.abs _section_cstart, $3  }
0xbf: {  	[dreg:$0x1] =	wrdreg $0xFFFFFFFF  }
0xc0: {  	_ =	task.clear_ibuf [dreg:s6], $0x2FFFF;
	_ =	strace $0x9FFFFFFF  }
0xc1: {  	(tm) =	ssettm $0x7FFFFFFF  }
tec
execute0_lowered:
.L_overlay_start_1:
0x0: {  	(tag) =	ssettag $0x1  }
0x1: {  	s0 =	stileid.u32  }
0x2: {  	s1 =	srdreg.scid;
	s3 =	smul.u32 $0x5000, s0  }
0x3: {  	s5 =	sand.u32 $0x1, s1;
	s6 =	smul.u32 $0x2800, s0  }
0x4: {  	s4 =	rddreg [dreg:$0x0];
	s2 =	simm.s32 $0x0;
	s7 =	smul.u32 $0x1400, s5  }
0x5: {  	s13 =	simm.s32 $0x400;
	s9 =	sshrl.u32 s0, $0x3;
	s8 =	smul.u32 $0x140000, s5  }
0x6: {  	s14 =	simm.s32 $0x0;
	s1 =	rddreg [dreg:$0x1];
	s10 =	smul.u32 $0xA0000, s9  }
0x7: {  	[smem:$0x7FF] =	sst s2;
	s25 =	sshll.u32 s0, $0x7;
	s24 =	smul.u32 $0x28000, s5  }
0x8: {  	_ =	strace $0x8000004A;
	s9 =	smul.u32 $0x14000, s9;
	s26 =	ssub.s32 $0x2, s5  }
0x9: {  	s29 =	smul.u32 $0x2800, s5;
	s11 =	sadd.s32 s3, s4;
	s28 =	sshrl.u32 s26, $0x1  }
0xa: {  	s23 =	sadd.s32 s7, s6;
	s8 =	sadd.s32 s8, s10;
	s7 =	sand.u32 $0x380, s25  }
0xb: {  	s6 =	sadd.s32 s24, s9;
	s31 =	sadd.s32 s29, s11;
	s9 =	simm.s32 $0x880  }
0xc: {  	v0 =	vimm.s32 $0x0;
	v1 =	vimm.s32 $0x3;
	v2 =	vlaneseq.u32;
	s10 =	simm.s32 $0x1;
	s11 =	simm.s32 $0x14880;
	s3 =	sshrl.u32 s23, $0x3  }
0xd: {  	vm0 =	vcmask $0x2320;
	v3 =	vimm.s32 $0x1;
	v4 =	vimm.s32 $0x2;
	s8 =	sor.u32 s7, s8;
	s6 =	sor.u32 s7, s6;
	s7 =	ssub.s32 s26, s28  }
0xe: {  	v5 =	vimm.s32 $0x4;
	v6 =	vimm.s32 $0x5;
	v7 =	vimm.s32 $0x6;
	s12 =	sadd.s32 s3, s4;
	s8 =	sshrl.u32 s8, $0x3;
	s6 =	sshrl.u32 s6, $0x3  }
0xf: {  	v8 =	vimm.s32 $0x7;
	v9 =	vimm.s32 $0x8;
	v10 =	vimm.s32 $0x9;
	s3 =	sadd.s32 $0x52400, s4;
	s30 =	sadd.s32 s8, s4;
	s6 =	sadd.s32 s6, s4  }
0x10: {  	v11 =	vimm.s32 $0xA;
	v12 =	vimm.s32 $0xB;
	v13 =	vimm.s32 $0xC;
	s8 =	sadd.s32 $0x28C400, s12;
	s12 =	simm.s32 $0x80;
	s4 =	sadd.s32 $0x54C00, s30  }
0x11: {  	v14 =	vimm.s32 $0xD;
	v15 =	vimm.s32 $0xE;
	v16 =	vimm.s32 $0xF;
	s5 =	sadd.s32 $0xA4C00, s6;
	s6 =	smax.u32 s7, $0x1;
	s7 =	sadd.s32 $0x2400, s31  }
.LBB2_1:
0x12: {  	[tilespmem:s9], [sflag:$0x1] =	stream.linear.gather [hbm4b:s3+s2], $0x14000, $0x38;
	[tilespmem:$0x17080] =	vst v63  }
0x13: {  	_ =	swait.ge [sflag:s10], $0x14000  }
0x14: {  	[sflag:s10] =	ssyncset.done $0x0  }
0x15: {  	[sflag:s10] =	ssyncadd.s32 $0xFFFEC000  }
0x16: {  	[tilespmem:s11], [sflag:$0x1] =	stream.linear.gather [hbm4b:s3+s2], $0x2800, $0x38;
	[tilespmem:$0x17080] =	vst v63  }
0x17: {  	_ =	swait.ge [sflag:s10], $0x2800  }
0x18: {  	[sflag:s10] =	ssyncset.done $0x0  }
0x19: {  	s15 =	smov.u32 s7;
	s16 =	simm.s32 $0x0;
	[sflag:s10] =	ssyncadd.s32 $0xFFFFD800  }
.LBB2_2:
0x1a: {  	s17 =	sadd.s32 s16, s8  }
0x1b: {  	[tilespmem:s2], [sflag:$0x1] =	stream.linear.gather [hbm4b:s17+s2], $0x80, $0x38;
	[tilespmem:$0x17080] =	vst v63  }
0x1c: {  	_ =	swait.ge [sflag:s10], $0x80  }
0x1d: {  	[sflag:s10] =	ssyncset.done $0x0  }
0x1e: {  	[sflag:s10] =	ssyncadd.s32 $0xFFFFFF80  }
0x1f: {  	[tilespmem:s12], [sflag:$0x1] =	stream.linear.gather [hbm4b:s15+s2], $0x800, $0x38;
	[tilespmem:$0x17080] =	vst v63  }
0x20: {  	_ =	swait.ge [sflag:s10], $0x800  }
0x21: {  	[sflag:s10] =	ssyncset.done $0x0  }
0x22: {  	[sflag:s10] =	ssyncadd.s32 $0xFFFFF800  }
0x23: {  	v17 =	vld [tilespmem:$0x0];
	_ =	sdelay $0x4  }
0x24: {  	v18 =	vperm.xlane v17, v0;
	_ =	sdelay $0x1  }
0x25: {  	v19 =	vshll.u32 v18, $0x3  }
0x26: {  	v20 =	vld [tilespmem:$0x80];
	v19 =	vadd.s32 v2, v19;
	_ =	sdelay $0x3  }
0x27: {  	v21 =	vperm.xlane v17, v3  }
0x28: {  	[tilespmem:v19+s9+$0x0] =	vst.idx.add.f32.msk $0xff, v20  }
0x29: {  	[tilespmem:v18+s11+$0x0] =	vst.idx.add.f32.msk vm0, v20;
	v18 =	vshll.u32 v21, $0x3  }
0x2a: {  	v19 =	vld [tilespmem:$0x90];
	v18 =	vadd.s32 v2, v18;
	_ =	sdelay $0x3  }
0x2b: {  	v33 =	vperm.xlane v17, v4  }
0x2c: {  	[tilespmem:v18+s9+$0x0] =	vst.idx.add.f32.msk $0xff, v19  }
0x2d: {  	v18 =	vshll.u32 v33, $0x3;
	[tilespmem:v21+s11+$0x0] =	vst.idx.add.f32.msk vm0, v19  }
0x2e: {  	v18 =	vadd.s32 v2, v18;
	v19 =	vld [tilespmem:$0xA0];
	_ =	sdelay $0x3  }
0x2f: {  	v34 =	vperm.xlane v17, v1  }
0x30: {  	[tilespmem:v18+s9+$0x0] =	vst.idx.add.f32.msk $0xff, v19  }
0x31: {  	v18 =	vshll.u32 v34, $0x3;
	[tilespmem:v33+s11+$0x0] =	vst.idx.add.f32.msk vm0, v19  }
0x32: {  	v18 =	vadd.s32 v2, v18;
	v19 =	vld [tilespmem:$0xB0];
	_ =	sdelay $0x3  }
0x33: {  	v35 =	vperm.xlane v17, v5  }
0x34: {  	[tilespmem:v18+s9+$0x0] =	vst.idx.add.f32.msk $0xff, v19  }
0x35: {  	v18 =	vshll.u32 v35, $0x3;
	[tilespmem:v34+s11+$0x0] =	vst.idx.add.f32.msk vm0, v19  }
0x36: {  	v18 =	vadd.s32 v2, v18;
	v19 =	vld [tilespmem:$0xC0];
	_ =	sdelay $0x3  }
0x37: {  	v36 =	vperm.xlane v17, v6  }
0x38: {  	[tilespmem:v18+s9+$0x0] =	vst.idx.add.f32.msk $0xff, v19  }
0x39: {  	v18 =	vshll.u32 v36, $0x3;
	[tilespmem:v35+s11+$0x0] =	vst.idx.add.f32.msk vm0, v19  }
0x3a: {  	v18 =	vadd.s32 v2, v18;
	v19 =	vld [tilespmem:$0xD0];
	_ =	sdelay $0x3  }
0x3b: {  	v37 =	vperm.xlane v17, v7  }
0x3c: {  	[tilespmem:v18+s9+$0x0] =	vst.idx.add.f32.msk $0xff, v19  }
0x3d: {  	v18 =	vshll.u32 v37, $0x3;
	[tilespmem:v36+s11+$0x0] =	vst.idx.add.f32.msk vm0, v19  }
0x3e: {  	v18 =	vadd.s32 v2, v18;
	v19 =	vld [tilespmem:$0xE0];
	_ =	sdelay $0x3  }
0x3f: {  	v38 =	vperm.xlane v17, v8  }
0x40: {  	[tilespmem:v18+s9+$0x0] =	vst.idx.add.f32.msk $0xff, v19  }
0x41: {  	v18 =	vshll.u32 v38, $0x3;
	[tilespmem:v37+s11+$0x0] =	vst.idx.add.f32.msk vm0, v19  }
0x42: {  	v18 =	vadd.s32 v2, v18;
	v19 =	vld [tilespmem:$0xF0];
	_ =	sdelay $0x3  }
0x43: {  	v39 =	vperm.xlane v17, v9  }
0x44: {  	[tilespmem:v18+s9+$0x0] =	vst.idx.add.f32.msk $0xff, v19  }
0x45: {  	v18 =	vshll.u32 v39, $0x3;
	[tilespmem:v38+s11+$0x0] =	vst.idx.add.f32.msk vm0, v19  }
0x46: {  	v18 =	vadd.s32 v2, v18;
	v19 =	vld [tilespmem:$0x100];
	_ =	sdelay $0x3  }
0x47: {  	v40 =	vperm.xlane v17, v10  }
0x48: {  	[tilespmem:v18+s9+$0x0] =	vst.idx.add.f32.msk $0xff, v19  }
0x49: {  	v18 =	vshll.u32 v40, $0x3;
	[tilespmem:v39+s11+$0x0] =	vst.idx.add.f32.msk vm0, v19  }
0x4a: {  	v18 =	vadd.s32 v2, v18;
	v19 =	vld [tilespmem:$0x110];
	_ =	sdelay $0x3  }
0x4b: {  	v41 =	vperm.xlane v17, v11  }
0x4c: {  	[tilespmem:v18+s9+$0x0] =	vst.idx.add.f32.msk $0xff, v19  }
0x4d: {  	v18 =	vshll.u32 v41, $0x3;
	[tilespmem:v40+s11+$0x0] =	vst.idx.add.f32.msk vm0, v19  }
0x4e: {  	v18 =	vadd.s32 v2, v18;
	v19 =	vld [tilespmem:$0x120];
	_ =	sdelay $0x3  }
0x4f: {  	v42 =	vperm.xlane v17, v12  }
0x50: {  	[tilespmem:v18+s9+$0x0] =	vst.idx.add.f32.msk $0xff, v19  }
0x51: {  	v18 =	vshll.u32 v42, $0x3;
	[tilespmem:v41+s11+$0x0] =	vst.idx.add.f32.msk vm0, v19  }
0x52: {  	v18 =	vadd.s32 v2, v18;
	v19 =	vld [tilespmem:$0x130];
	_ =	sdelay $0x3  }
0x53: {  	v43 =	vperm.xlane v17, v13  }
0x54: {  	[tilespmem:v18+s9+$0x0] =	vst.idx.add.f32.msk $0xff, v19  }
0x55: {  	v18 =	vshll.u32 v43, $0x3;
	[tilespmem:v42+s11+$0x0] =	vst.idx.add.f32.msk vm0, v19  }
0x56: {  	v18 =	vadd.s32 v2, v18;
	v19 =	vld [tilespmem:$0x140];
	_ =	sdelay $0x3  }
0x57: {  	v44 =	vperm.xlane v17, v14  }
0x58: {  	[tilespmem:v18+s9+$0x0] =	vst.idx.add.f32.msk $0xff, v19  }
0x59: {  	v18 =	vshll.u32 v44, $0x3;
	[tilespmem:v43+s11+$0x0] =	vst.idx.add.f32.msk vm0, v19  }
0x5a: {  	v18 =	vadd.s32 v2, v18;
	v19 =	vld [tilespmem:$0x150];
	_ =	sdelay $0x3  }
0x5b: {  	v45 =	vperm.xlane v17, v15  }
0x5c: {  	[tilespmem:v18+s9+$0x0] =	vst.idx.add.f32.msk $0xff, v19  }
0x5d: {  	v18 =	vshll.u32 v45, $0x3;
	[tilespmem:v44+s11+$0x0] =	vst.idx.add.f32.msk vm0, v19  }
0x5e: {  	v18 =	vadd.s32 v2, v18;
	v19 =	vld [tilespmem:$0x160];
	_ =	sdelay $0x3  }
0x5f: {  	v17 =	vperm.xlane v17, v16  }
0x60: {  	[tilespmem:v18+s9+$0x0] =	vst.idx.add.f32.msk $0xff, v19  }
0x61: {  	v18 =	vshll.u32 v17, $0x3;
	[tilespmem:v45+s11+$0x0] =	vst.idx.add.f32.msk vm0, v19  }
0x62: {  	v18 =	vadd.s32 v2, v18;
	v19 =	vld [tilespmem:$0x170];
	_ =	sdelay $0x4  }
0x63: {  	[tilespmem:v18+s9+$0x0] =	vst.idx.add.f32.msk $0xff, v19  }
0x64: {  	[tilespmem:v17+s11+$0x0] =	vst.idx.add.f32.msk vm0, v19  }
0x65: {  	v17 =	vld [tilespmem:$0x10];
	_ =	sdelay $0x4  }
0x66: {  	v18 =	vperm.xlane v17, v0;
	_ =	sdelay $0x1  }
0x67: {  	v19 =	vshll.u32 v18, $0x3  }
0x68: {  	v20 =	vld [tilespmem:$0x180];
	v19 =	vadd.s32 v2, v19;
	_ =	sdelay $0x3  }
0x69: {  	v46 =	vperm.xlane v17, v3  }
0x6a: {  	[tilespmem:v19+s9+$0x0] =	vst.idx.add.f32.msk $0xff, v20  }
0x6b: {  	[tilespmem:v18+s11+$0x0] =	vst.idx.add.f32.msk vm0, v20;
	v18 =	vshll.u32 v46, $0x3  }
0x6c: {  	v19 =	vld [tilespmem:$0x190];
	v18 =	vadd.s32 v2, v18;
	_ =	sdelay $0x3  }
0x6d: {  	v47 =	vperm.xlane v17, v4  }
0x6e: {  	[tilespmem:v18+s9+$0x0] =	vst.idx.add.f32.msk $0xff, v19  }
0x6f: {  	v18 =	vshll.u32 v47, $0x3;
	[tilespmem:v46+s11+$0x0] =	vst.idx.add.f32.msk vm0, v19  }
0x70: {  	v18 =	vadd.s32 v2, v18;
	v19 =	vld [tilespmem:$0x1A0];
	_ =	sdelay $0x3  }
0x71: {  	v48 =	vperm.xlane v17, v1  }
0x72: {  	[tilespmem:v18+s9+$0x0] =	vst.idx.add.f32.msk $0xff, v19  }
0x73: {  	v18 =	vshll.u32 v48, $0x3;
	[tilespmem:v47+s11+$0x0] =	vst.idx.add.f32.msk vm0, v19  }
0x74: {  	v18 =	vadd.s32 v2, v18;
	v19 =	vld [tilespmem:$0x1B0];
	_ =	sdelay $0x3  }
0x75: {  	v49 =	vperm.xlane v17, v5  }
0x76: {  	[tilespmem:v18+s9+$0x0] =	vst.idx.add.f32.msk $0xff, v19  }
0x77: {  	v18 =	vshll.u32 v49, $0x3;
	[tilespmem:v48+s11+$0x0] =	vst.idx.add.f32.msk vm0, v19  }
0x78: {  	v18 =	vadd.s32 v2, v18;
	v19 =	vld [tilespmem:$0x1C0];
	_ =	sdelay $0x3  }
0x79: {  	v50 =	vperm.xlane v17, v6  }
0x7a: {  	[tilespmem:v18+s9+$0x0] =	vst.idx.add.f32.msk $0xff, v19  }
0x7b: {  	v18 =	vshll.u32 v50, $0x3;
	[tilespmem:v49+s11+$0x0] =	vst.idx.add.f32.msk vm0, v19  }
0x7c: {  	v18 =	vadd.s32 v2, v18;
	v19 =	vld [tilespmem:$0x1D0];
	_ =	sdelay $0x3  }
0x7d: {  	v51 =	vperm.xlane v17, v7  }
0x7e: {  	[tilespmem:v18+s9+$0x0] =	vst.idx.add.f32.msk $0xff, v19  }
0x7f: {  	v18 =	vshll.u32 v51, $0x3;
	[tilespmem:v50+s11+$0x0] =	vst.idx.add.f32.msk vm0, v19  }
0x80: {  	v18 =	vadd.s32 v2, v18;
	v19 =	vld [tilespmem:$0x1E0];
	_ =	sdelay $0x3  }
0x81: {  	v52 =	vperm.xlane v17, v8  }
0x82: {  	[tilespmem:v18+s9+$0x0] =	vst.idx.add.f32.msk $0xff, v19  }
0x83: {  	v18 =	vshll.u32 v52, $0x3;
	[tilespmem:v51+s11+$0x0] =	vst.idx.add.f32.msk vm0, v19  }
0x84: {  	v18 =	vadd.s32 v2, v18;
	v19 =	vld [tilespmem:$0x1F0];
	_ =	sdelay $0x3  }
0x85: {  	v53 =	vperm.xlane v17, v9  }
0x86: {  	[tilespmem:v18+s9+$0x0] =	vst.idx.add.f32.msk $0xff, v19  }
0x87: {  	v18 =	vshll.u32 v53, $0x3;
	[tilespmem:v52+s11+$0x0] =	vst.idx.add.f32.msk vm0, v19  }
0x88: {  	v18 =	vadd.s32 v2, v18;
	v19 =	vld [tilespmem:$0x200];
	_ =	sdelay $0x3  }
0x89: {  	v54 =	vperm.xlane v17, v10  }
0x8a: {  	[tilespmem:v18+s9+$0x0] =	vst.idx.add.f32.msk $0xff, v19  }
0x8b: {  	v18 =	vshll.u32 v54, $0x3;
	[tilespmem:v53+s11+$0x0] =	vst.idx.add.f32.msk vm0, v19  }
0x8c: {  	v18 =	vadd.s32 v2, v18;
	v19 =	vld [tilespmem:$0x210];
	_ =	sdelay $0x3  }
0x8d: {  	v55 =	vperm.xlane v17, v11  }
0x8e: {  	[tilespmem:v18+s9+$0x0] =	vst.idx.add.f32.msk $0xff, v19  }
0x8f: {  	v18 =	vshll.u32 v55, $0x3;
	[tilespmem:v54+s11+$0x0] =	vst.idx.add.f32.msk vm0, v19  }
0x90: {  	v18 =	vadd.s32 v2, v18;
	v19 =	vld [tilespmem:$0x220];
	_ =	sdelay $0x3  }
0x91: {  	v56 =	vperm.xlane v17, v12  }
0x92: {  	[tilespmem:v18+s9+$0x0] =	vst.idx.add.f32.msk $0xff, v19  }
0x93: {  	v18 =	vshll.u32 v56, $0x3;
	[tilespmem:v55+s11+$0x0] =	vst.idx.add.f32.msk vm0, v19  }
0x94: {  	v18 =	vadd.s32 v2, v18;
	v19 =	vld [tilespmem:$0x230];
	_ =	sdelay $0x3  }
0x95: {  	v57 =	vperm.xlane v17, v13  }
0x96: {  	[tilespmem:v18+s9+$0x0] =	vst.idx.add.f32.msk $0xff, v19  }
0x97: {  	v18 =	vshll.u32 v57, $0x3;
	[tilespmem:v56+s11+$0x0] =	vst.idx.add.f32.msk vm0, v19  }
0x98: {  	v18 =	vadd.s32 v2, v18;
	v19 =	vld [tilespmem:$0x240];
	_ =	sdelay $0x3  }
0x99: {  	v58 =	vperm.xlane v17, v14  }
0x9a: {  	[tilespmem:v18+s9+$0x0] =	vst.idx.add.f32.msk $0xff, v19  }
0x9b: {  	v18 =	vshll.u32 v58, $0x3;
	[tilespmem:v57+s11+$0x0] =	vst.idx.add.f32.msk vm0, v19  }
0x9c: {  	v18 =	vadd.s32 v2, v18;
	v19 =	vld [tilespmem:$0x250];
	_ =	sdelay $0x3  }
0x9d: {  	v59 =	vperm.xlane v17, v15  }
0x9e: {  	[tilespmem:v18+s9+$0x0] =	vst.idx.add.f32.msk $0xff, v19  }
0x9f: {  	v18 =	vshll.u32 v59, $0x3;
	[tilespmem:v58+s11+$0x0] =	vst.idx.add.f32.msk vm0, v19  }
0xa0: {  	v18 =	vadd.s32 v2, v18;
	v19 =	vld [tilespmem:$0x260];
	_ =	sdelay $0x3  }
0xa1: {  	v17 =	vperm.xlane v17, v16  }
0xa2: {  	[tilespmem:v18+s9+$0x0] =	vst.idx.add.f32.msk $0xff, v19  }
0xa3: {  	v18 =	vshll.u32 v17, $0x3;
	[tilespmem:v59+s11+$0x0] =	vst.idx.add.f32.msk vm0, v19  }
0xa4: {  	v18 =	vadd.s32 v2, v18;
	v19 =	vld [tilespmem:$0x270];
	_ =	sdelay $0x4  }
0xa5: {  	[tilespmem:v18+s9+$0x0] =	vst.idx.add.f32.msk $0xff, v19  }
0xa6: {  	[tilespmem:v17+s11+$0x0] =	vst.idx.add.f32.msk vm0, v19  }
0xa7: {  	v17 =	vld [tilespmem:$0x20];
	_ =	sdelay $0x4  }
0xa8: {  	v18 =	vperm.xlane v17, v0;
	_ =	sdelay $0x1  }
0xa9: {  	v19 =	vshll.u32 v18, $0x3  }
0xaa: {  	v20 =	vld [tilespmem:$0x280];
	v19 =	vadd.s32 v2, v19;
	_ =	sdelay $0x3  }
0xab: {  	v60 =	vperm.xlane v17, v3  }
0xac: {  	[tilespmem:v19+s9+$0x0] =	vst.idx.add.f32.msk $0xff, v20  }
0xad: {  	[tilespmem:v18+s11+$0x0] =	vst.idx.add.f32.msk vm0, v20;
	v18 =	vshll.u32 v60, $0x3  }
0xae: {  	v19 =	vld [tilespmem:$0x290];
	v18 =	vadd.s32 v2, v18;
	_ =	sdelay $0x3  }
0xaf: {  	v61 =	vperm.xlane v17, v4  }
0xb0: {  	[tilespmem:v18+s9+$0x0] =	vst.idx.add.f32.msk $0xff, v19  }
0xb1: {  	v18 =	vshll.u32 v61, $0x3;
	[tilespmem:v60+s11+$0x0] =	vst.idx.add.f32.msk vm0, v19  }
0xb2: {  	v18 =	vadd.s32 v2, v18;
	v19 =	vld [tilespmem:$0x2A0];
	_ =	sdelay $0x3  }
0xb3: {  	v62 =	vperm.xlane v17, v1  }
0xb4: {  	[tilespmem:v18+s9+$0x0] =	vst.idx.add.f32.msk $0xff, v19  }
0xb5: {  	v18 =	vshll.u32 v62, $0x3;
	[tilespmem:v61+s11+$0x0] =	vst.idx.add.f32.msk vm0, v19  }
0xb6: {  	v18 =	vadd.s32 v2, v18;
	v19 =	vld [tilespmem:$0x2B0];
	_ =	sdelay $0x3  }
0xb7: {  	v63 =	vperm.xlane v17, v5  }
0xb8: {  	[tilespmem:v18+s9+$0x0] =	vst.idx.add.f32.msk $0xff, v19  }
0xb9: {  	v18 =	vshll.u32 v63, $0x3;
	[tilespmem:v62+s11+$0x0] =	vst.idx.add.f32.msk vm0, v19  }
0xba: {  	v18 =	vadd.s32 v2, v18;
	v19 =	vld [tilespmem:$0x2C0];
	_ =	sdelay $0x3  }
0xbb: {  	v24 =	vperm.xlane v17, v6  }
0xbc: {  	[tilespmem:v18+s9+$0x0] =	vst.idx.add.f32.msk $0xff, v19  }
0xbd: {  	v18 =	vshll.u32 v24, $0x3;
	[tilespmem:v63+s11+$0x0] =	vst.idx.add.f32.msk vm0, v19  }
0xbe: {  	v18 =	vadd.s32 v2, v18;
	v19 =	vld [tilespmem:$0x2D0];
	_ =	sdelay $0x3  }
0xbf: {  	v25 =	vperm.xlane v17, v7  }
0xc0: {  	[tilespmem:v18+s9+$0x0] =	vst.idx.add.f32.msk $0xff, v19  }
0xc1: {  	v18 =	vshll.u32 v25, $0x3;
	[tilespmem:v24+s11+$0x0] =	vst.idx.add.f32.msk vm0, v19  }
0xc2: {  	v18 =	vadd.s32 v2, v18;
	v19 =	vld [tilespmem:$0x2E0];
	_ =	sdelay $0x3  }
0xc3: {  	v26 =	vperm.xlane v17, v8  }
0xc4: {  	[tilespmem:v18+s9+$0x0] =	vst.idx.add.f32.msk $0xff, v19  }
0xc5: {  	v18 =	vshll.u32 v26, $0x3;
	[tilespmem:v25+s11+$0x0] =	vst.idx.add.f32.msk vm0, v19  }
0xc6: {  	v18 =	vadd.s32 v2, v18;
	v19 =	vld [tilespmem:$0x2F0];
	_ =	sdelay $0x3  }
0xc7: {  	v27 =	vperm.xlane v17, v9  }
0xc8: {  	[tilespmem:v18+s9+$0x0] =	vst.idx.add.f32.msk $0xff, v19  }
0xc9: {  	v18 =	vshll.u32 v27, $0x3;
	[tilespmem:v26+s11+$0x0] =	vst.idx.add.f32.msk vm0, v19  }
0xca: {  	v18 =	vadd.s32 v2, v18;
	v19 =	vld [tilespmem:$0x300];
	_ =	sdelay $0x3  }
0xcb: {  	v28 =	vperm.xlane v17, v10  }
0xcc: {  	[tilespmem:v18+s9+$0x0] =	vst.idx.add.f32.msk $0xff, v19  }
0xcd: {  	v18 =	vshll.u32 v28, $0x3;
	[tilespmem:v27+s11+$0x0] =	vst.idx.add.f32.msk vm0, v19  }
0xce: {  	v18 =	vadd.s32 v2, v18;
	v19 =	vld [tilespmem:$0x310];
	_ =	sdelay $0x3  }
0xcf: {  	v29 =	vperm.xlane v17, v11  }
0xd0: {  	[tilespmem:v18+s9+$0x0] =	vst.idx.add.f32.msk $0xff, v19  }
0xd1: {  	v18 =	vshll.u32 v29, $0x3;
	[tilespmem:v28+s11+$0x0] =	vst.idx.add.f32.msk vm0, v19  }
0xd2: {  	v18 =	vadd.s32 v2, v18;
	v19 =	vld [tilespmem:$0x320];
	_ =	sdelay $0x3  }
0xd3: {  	v30 =	vperm.xlane v17, v12  }
0xd4: {  	[tilespmem:v18+s9+$0x0] =	vst.idx.add.f32.msk $0xff, v19  }
0xd5: {  	v18 =	vshll.u32 v30, $0x3;
	[tilespmem:v29+s11+$0x0] =	vst.idx.add.f32.msk vm0, v19  }
0xd6: {  	v18 =	vadd.s32 v2, v18;
	v19 =	vld [tilespmem:$0x330];
	_ =	sdelay $0x3  }
0xd7: {  	v31 =	vperm.xlane v17, v13  }
0xd8: {  	[tilespmem:v18+s9+$0x0] =	vst.idx.add.f32.msk $0xff, v19  }
0xd9: {  	v18 =	vshll.u32 v31, $0x3;
	[tilespmem:v30+s11+$0x0] =	vst.idx.add.f32.msk vm0, v19  }
0xda: {  	v18 =	vadd.s32 v2, v18;
	v19 =	vld [tilespmem:$0x340];
	_ =	sdelay $0x3  }
0xdb: {  	v32 =	vperm.xlane v17, v14  }
0xdc: {  	[tilespmem:v18+s9+$0x0] =	vst.idx.add.f32.msk $0xff, v19  }
0xdd: {  	v18 =	vshll.u32 v32, $0x3;
	[tilespmem:v31+s11+$0x0] =	vst.idx.add.f32.msk vm0, v19  }
0xde: {  	v18 =	vadd.s32 v2, v18;
	v19 =	vld [tilespmem:$0x350];
	_ =	sdelay $0x3  }
0xdf: {  	v33 =	vperm.xlane v17, v15  }
0xe0: {  	[tilespmem:v18+s9+$0x0] =	vst.idx.add.f32.msk $0xff, v19  }
0xe1: {  	v18 =	vshll.u32 v33, $0x3;
	[tilespmem:v32+s11+$0x0] =	vst.idx.add.f32.msk vm0, v19  }
0xe2: {  	v18 =	vadd.s32 v2, v18;
	v19 =	vld [tilespmem:$0x360];
	_ =	sdelay $0x3  }
0xe3: {  	v17 =	vperm.xlane v17, v16  }
0xe4: {  	[tilespmem:v18+s9+$0x0] =	vst.idx.add.f32.msk $0xff, v19  }
0xe5: {  	v18 =	vshll.u32 v17, $0x3;
	[tilespmem:v33+s11+$0x0] =	vst.idx.add.f32.msk vm0, v19  }
0xe6: {  	v18 =	vadd.s32 v2, v18;
	v19 =	vld [tilespmem:$0x370];
	_ =	sdelay $0x4  }
0xe7: {  	[tilespmem:v18+s9+$0x0] =	vst.idx.add.f32.msk $0xff, v19  }
0xe8: {  	[tilespmem:v17+s11+$0x0] =	vst.idx.add.f32.msk vm0, v19  }
0xe9: {  	v17 =	vld [tilespmem:$0x30];
	_ =	sdelay $0x4  }
0xea: {  	v18 =	vperm.xlane v17, v0;
	_ =	sdelay $0x1  }
0xeb: {  	v19 =	vshll.u32 v18, $0x3  }
0xec: {  	v20 =	vld [tilespmem:$0x380];
	v19 =	vadd.s32 v2, v19;
	_ =	sdelay $0x3  }
0xed: {  	v34 =	vperm.xlane v17, v3  }
0xee: {  	[tilespmem:v19+s9+$0x0] =	vst.idx.add.f32.msk $0xff, v20  }
0xef: {  	[tilespmem:v18+s11+$0x0] =	vst.idx.add.f32.msk vm0, v20;
	v18 =	vshll.u32 v34, $0x3  }
0xf0: {  	v19 =	vld [tilespmem:$0x390];
	v18 =	vadd.s32 v2, v18;
	_ =	sdelay $0x3  }
0xf1: {  	v35 =	vperm.xlane v17, v4  }
0xf2: {  	[tilespmem:v18+s9+$0x0] =	vst.idx.add.f32.msk $0xff, v19  }
0xf3: {  	v18 =	vshll.u32 v35, $0x3;
	[tilespmem:v34+s11+$0x0] =	vst.idx.add.f32.msk vm0, v19  }
0xf4: {  	v18 =	vadd.s32 v2, v18;
	v19 =	vld [tilespmem:$0x3A0];
	_ =	sdelay $0x3  }
0xf5: {  	v36 =	vperm.xlane v17, v1  }
0xf6: {  	[tilespmem:v18+s9+$0x0] =	vst.idx.add.f32.msk $0xff, v19  }
0xf7: {  	v18 =	vshll.u32 v36, $0x3;
	[tilespmem:v35+s11+$0x0] =	vst.idx.add.f32.msk vm0, v19  }
0xf8: {  	v18 =	vadd.s32 v2, v18;
	v19 =	vld [tilespmem:$0x3B0];
	_ =	sdelay $0x3  }
0xf9: {  	v37 =	vperm.xlane v17, v5  }
0xfa: {  	[tilespmem:v18+s9+$0x0] =	vst.idx.add.f32.msk $0xff, v19  }
0xfb: {  	v18 =	vshll.u32 v37, $0x3;
	[tilespmem:v36+s11+$0x0] =	vst.idx.add.f32.msk vm0, v19  }
0xfc: {  	v18 =	vadd.s32 v2, v18;
	v19 =	vld [tilespmem:$0x3C0];
	_ =	sdelay $0x3  }
0xfd: {  	v38 =	vperm.xlane v17, v6  }
0xfe: {  	[tilespmem:v18+s9+$0x0] =	vst.idx.add.f32.msk $0xff, v19  }
0xff: {  	v18 =	vshll.u32 v38, $0x3;
	[tilespmem:v37+s11+$0x0] =	vst.idx.add.f32.msk vm0, v19  }
0x100: {  	v18 =	vadd.s32 v2, v18;
	v19 =	vld [tilespmem:$0x3D0];
	_ =	sdelay $0x3  }
0x101: {  	v39 =	vperm.xlane v17, v7  }
0x102: {  	[tilespmem:v18+s9+$0x0] =	vst.idx.add.f32.msk $0xff, v19  }
0x103: {  	v18 =	vshll.u32 v39, $0x3;
	[tilespmem:v38+s11+$0x0] =	vst.idx.add.f32.msk vm0, v19  }
0x104: {  	v18 =	vadd.s32 v2, v18;
	v19 =	vld [tilespmem:$0x3E0];
	_ =	sdelay $0x3  }
0x105: {  	v40 =	vperm.xlane v17, v8  }
0x106: {  	[tilespmem:v18+s9+$0x0] =	vst.idx.add.f32.msk $0xff, v19  }
0x107: {  	v18 =	vshll.u32 v40, $0x3;
	[tilespmem:v39+s11+$0x0] =	vst.idx.add.f32.msk vm0, v19  }
0x108: {  	v18 =	vadd.s32 v2, v18;
	v19 =	vld [tilespmem:$0x3F0];
	_ =	sdelay $0x3  }
0x109: {  	v41 =	vperm.xlane v17, v9  }
0x10a: {  	[tilespmem:v18+s9+$0x0] =	vst.idx.add.f32.msk $0xff, v19  }
0x10b: {  	v18 =	vshll.u32 v41, $0x3;
	[tilespmem:v40+s11+$0x0] =	vst.idx.add.f32.msk vm0, v19  }
0x10c: {  	v18 =	vadd.s32 v2, v18;
	v19 =	vld [tilespmem:$0x400];
	_ =	sdelay $0x3  }
0x10d: {  	v42 =	vperm.xlane v17, v10  }
0x10e: {  	[tilespmem:v18+s9+$0x0] =	vst.idx.add.f32.msk $0xff, v19  }
0x10f: {  	v18 =	vshll.u32 v42, $0x3;
	[tilespmem:v41+s11+$0x0] =	vst.idx.add.f32.msk vm0, v19  }
0x110: {  	v18 =	vadd.s32 v2, v18;
	v19 =	vld [tilespmem:$0x410];
	_ =	sdelay $0x3  }
0x111: {  	v43 =	vperm.xlane v17, v11  }
0x112: {  	[tilespmem:v18+s9+$0x0] =	vst.idx.add.f32.msk $0xff, v19  }
0x113: {  	v18 =	vshll.u32 v43, $0x3;
	[tilespmem:v42+s11+$0x0] =	vst.idx.add.f32.msk vm0, v19  }
0x114: {  	v18 =	vadd.s32 v2, v18;
	v19 =	vld [tilespmem:$0x420];
	_ =	sdelay $0x3  }
0x115: {  	v44 =	vperm.xlane v17, v12  }
0x116: {  	[tilespmem:v18+s9+$0x0] =	vst.idx.add.f32.msk $0xff, v19  }
0x117: {  	v18 =	vshll.u32 v44, $0x3;
	[tilespmem:v43+s11+$0x0] =	vst.idx.add.f32.msk vm0, v19  }
0x118: {  	v18 =	vadd.s32 v2, v18;
	v19 =	vld [tilespmem:$0x430];
	_ =	sdelay $0x3  }
0x119: {  	v45 =	vperm.xlane v17, v13  }
0x11a: {  	[tilespmem:v18+s9+$0x0] =	vst.idx.add.f32.msk $0xff, v19  }
0x11b: {  	v18 =	vshll.u32 v45, $0x3;
	[tilespmem:v44+s11+$0x0] =	vst.idx.add.f32.msk vm0, v19  }
0x11c: {  	v18 =	vadd.s32 v2, v18;
	v19 =	vld [tilespmem:$0x440];
	_ =	sdelay $0x3  }
0x11d: {  	v46 =	vperm.xlane v17, v14  }
0x11e: {  	[tilespmem:v18+s9+$0x0] =	vst.idx.add.f32.msk $0xff, v19  }
0x11f: {  	v18 =	vshll.u32 v46, $0x3;
	[tilespmem:v45+s11+$0x0] =	vst.idx.add.f32.msk vm0, v19  }
0x120: {  	v18 =	vadd.s32 v2, v18;
	v19 =	vld [tilespmem:$0x450];
	_ =	sdelay $0x3  }
0x121: {  	v47 =	vperm.xlane v17, v15  }
0x122: {  	[tilespmem:v18+s9+$0x0] =	vst.idx.add.f32.msk $0xff, v19  }
0x123: {  	v18 =	vshll.u32 v47, $0x3;
	[tilespmem:v46+s11+$0x0] =	vst.idx.add.f32.msk vm0, v19  }
0x124: {  	v18 =	vadd.s32 v2, v18;
	v19 =	vld [tilespmem:$0x460];
	_ =	sdelay $0x3  }
0x125: {  	v17 =	vperm.xlane v17, v16  }
0x126: {  	[tilespmem:v18+s9+$0x0] =	vst.idx.add.f32.msk $0xff, v19  }
0x127: {  	v18 =	vshll.u32 v17, $0x3;
	[tilespmem:v47+s11+$0x0] =	vst.idx.add.f32.msk vm0, v19  }
0x128: {  	v18 =	vadd.s32 v2, v18;
	v19 =	vld [tilespmem:$0x470];
	_ =	sdelay $0x4  }
0x129: {  	[tilespmem:v18+s9+$0x0] =	vst.idx.add.f32.msk $0xff, v19  }
0x12a: {  	[tilespmem:v17+s11+$0x0] =	vst.idx.add.f32.msk vm0, v19  }
0x12b: {  	v17 =	vld [tilespmem:$0x40];
	_ =	sdelay $0x4  }
0x12c: {  	v18 =	vperm.xlane v17, v0;
	_ =	sdelay $0x1  }
0x12d: {  	v19 =	vshll.u32 v18, $0x3  }
0x12e: {  	v20 =	vld [tilespmem:$0x480];
	v19 =	vadd.s32 v2, v19;
	_ =	sdelay $0x3  }
0x12f: {  	v48 =	vperm.xlane v17, v3  }
0x130: {  	[tilespmem:v19+s9+$0x0] =	vst.idx.add.f32.msk $0xff, v20  }
0x131: {  	[tilespmem:v18+s11+$0x0] =	vst.idx.add.f32.msk vm0, v20;
	v18 =	vshll.u32 v48, $0x3  }
0x132: {  	v19 =	vld [tilespmem:$0x490];
	v18 =	vadd.s32 v2, v18;
	_ =	sdelay $0x3  }
0x133: {  	v49 =	vperm.xlane v17, v4  }
0x134: {  	[tilespmem:v18+s9+$0x0] =	vst.idx.add.f32.msk $0xff, v19  }
0x135: {  	v18 =	vshll.u32 v49, $0x3;
	[tilespmem:v48+s11+$0x0] =	vst.idx.add.f32.msk vm0, v19  }
0x136: {  	v18 =	vadd.s32 v2, v18;
	v19 =	vld [tilespmem:$0x4A0];
	_ =	sdelay $0x3  }
0x137: {  	v50 =	vperm.xlane v17, v1  }
0x138: {  	[tilespmem:v18+s9+$0x0] =	vst.idx.add.f32.msk $0xff, v19  }
0x139: {  	v18 =	vshll.u32 v50, $0x3;
	[tilespmem:v49+s11+$0x0] =	vst.idx.add.f32.msk vm0, v19  }
0x13a: {  	v18 =	vadd.s32 v2, v18;
	v19 =	vld [tilespmem:$0x4B0];
	_ =	sdelay $0x3  }
0x13b: {  	v51 =	vperm.xlane v17, v5  }
0x13c: {  	[tilespmem:v18+s9+$0x0] =	vst.idx.add.f32.msk $0xff, v19  }
0x13d: {  	v18 =	vshll.u32 v51, $0x3;
	[tilespmem:v50+s11+$0x0] =	vst.idx.add.f32.msk vm0, v19  }
0x13e: {  	v18 =	vadd.s32 v2, v18;
	v19 =	vld [tilespmem:$0x4C0];
	_ =	sdelay $0x3  }
0x13f: {  	v52 =	vperm.xlane v17, v6  }
0x140: {  	[tilespmem:v18+s9+$0x0] =	vst.idx.add.f32.msk $0xff, v19  }
0x141: {  	v18 =	vshll.u32 v52, $0x3;
	[tilespmem:v51+s11+$0x0] =	vst.idx.add.f32.msk vm0, v19  }
0x142: {  	v18 =	vadd.s32 v2, v18;
	v19 =	vld [tilespmem:$0x4D0];
	_ =	sdelay $0x3  }
0x143: {  	v53 =	vperm.xlane v17, v7  }
0x144: {  	[tilespmem:v18+s9+$0x0] =	vst.idx.add.f32.msk $0xff, v19  }
0x145: {  	v18 =	vshll.u32 v53, $0x3;
	[tilespmem:v52+s11+$0x0] =	vst.idx.add.f32.msk vm0, v19  }
0x146: {  	v18 =	vadd.s32 v2, v18;
	v19 =	vld [tilespmem:$0x4E0];
	_ =	sdelay $0x3  }
0x147: {  	v54 =	vperm.xlane v17, v8  }
0x148: {  	[tilespmem:v18+s9+$0x0] =	vst.idx.add.f32.msk $0xff, v19  }
0x149: {  	v18 =	vshll.u32 v54, $0x3;
	[tilespmem:v53+s11+$0x0] =	vst.idx.add.f32.msk vm0, v19  }
0x14a: {  	v18 =	vadd.s32 v2, v18;
	v19 =	vld [tilespmem:$0x4F0];
	_ =	sdelay $0x3  }
0x14b: {  	v55 =	vperm.xlane v17, v9  }
0x14c: {  	[tilespmem:v18+s9+$0x0] =	vst.idx.add.f32.msk $0xff, v19  }
0x14d: {  	v18 =	vshll.u32 v55, $0x3;
	[tilespmem:v54+s11+$0x0] =	vst.idx.add.f32.msk vm0, v19  }
0x14e: {  	v18 =	vadd.s32 v2, v18;
	v19 =	vld [tilespmem:$0x500];
	_ =	sdelay $0x3  }
0x14f: {  	v56 =	vperm.xlane v17, v10  }
0x150: {  	[tilespmem:v18+s9+$0x0] =	vst.idx.add.f32.msk $0xff, v19  }
0x151: {  	v18 =	vshll.u32 v56, $0x3;
	[tilespmem:v55+s11+$0x0] =	vst.idx.add.f32.msk vm0, v19  }
0x152: {  	v18 =	vadd.s32 v2, v18;
	v19 =	vld [tilespmem:$0x510];
	_ =	sdelay $0x3  }
0x153: {  	v57 =	vperm.xlane v17, v11  }
0x154: {  	[tilespmem:v18+s9+$0x0] =	vst.idx.add.f32.msk $0xff, v19  }
0x155: {  	v18 =	vshll.u32 v57, $0x3;
	[tilespmem:v56+s11+$0x0] =	vst.idx.add.f32.msk vm0, v19  }
0x156: {  	v18 =	vadd.s32 v2, v18;
	v19 =	vld [tilespmem:$0x520];
	_ =	sdelay $0x3  }
0x157: {  	v58 =	vperm.xlane v17, v12  }
0x158: {  	[tilespmem:v18+s9+$0x0] =	vst.idx.add.f32.msk $0xff, v19  }
0x159: {  	v18 =	vshll.u32 v58, $0x3;
	[tilespmem:v57+s11+$0x0] =	vst.idx.add.f32.msk vm0, v19  }
0x15a: {  	v18 =	vadd.s32 v2, v18;
	v19 =	vld [tilespmem:$0x530];
	_ =	sdelay $0x3  }
0x15b: {  	v59 =	vperm.xlane v17, v13  }
0x15c: {  	[tilespmem:v18+s9+$0x0] =	vst.idx.add.f32.msk $0xff, v19  }
0x15d: {  	v18 =	vshll.u32 v59, $0x3;
	[tilespmem:v58+s11+$0x0] =	vst.idx.add.f32.msk vm0, v19  }
0x15e: {  	v18 =	vadd.s32 v2, v18;
	v19 =	vld [tilespmem:$0x540];
	_ =	sdelay $0x3  }
0x15f: {  	v60 =	vperm.xlane v17, v14  }
0x160: {  	[tilespmem:v18+s9+$0x0] =	vst.idx.add.f32.msk $0xff, v19  }
0x161: {  	v18 =	vshll.u32 v60, $0x3;
	[tilespmem:v59+s11+$0x0] =	vst.idx.add.f32.msk vm0, v19  }
0x162: {  	v18 =	vadd.s32 v2, v18;
	v19 =	vld [tilespmem:$0x550];
	_ =	sdelay $0x3  }
0x163: {  	v61 =	vperm.xlane v17, v15  }
0x164: {  	[tilespmem:v18+s9+$0x0] =	vst.idx.add.f32.msk $0xff, v19  }
0x165: {  	v18 =	vshll.u32 v61, $0x3;
	[tilespmem:v60+s11+$0x0] =	vst.idx.add.f32.msk vm0, v19  }
0x166: {  	v18 =	vadd.s32 v2, v18;
	v19 =	vld [tilespmem:$0x560];
	_ =	sdelay $0x3  }
0x167: {  	v17 =	vperm.xlane v17, v16  }
0x168: {  	[tilespmem:v18+s9+$0x0] =	vst.idx.add.f32.msk $0xff, v19  }
0x169: {  	v18 =	vshll.u32 v17, $0x3;
	[tilespmem:v61+s11+$0x0] =	vst.idx.add.f32.msk vm0, v19  }
0x16a: {  	v18 =	vadd.s32 v2, v18;
	v19 =	vld [tilespmem:$0x570];
	_ =	sdelay $0x4  }
0x16b: {  	[tilespmem:v18+s9+$0x0] =	vst.idx.add.f32.msk $0xff, v19  }
0x16c: {  	[tilespmem:v17+s11+$0x0] =	vst.idx.add.f32.msk vm0, v19  }
0x16d: {  	v17 =	vld [tilespmem:$0x50];
	_ =	sdelay $0x4  }
0x16e: {  	v18 =	vperm.xlane v17, v0;
	_ =	sdelay $0x1  }
0x16f: {  	v19 =	vshll.u32 v18, $0x3  }
0x170: {  	v20 =	vld [tilespmem:$0x580];
	v19 =	vadd.s32 v2, v19;
	_ =	sdelay $0x3  }
0x171: {  	v62 =	vperm.xlane v17, v3  }
0x172: {  	[tilespmem:v19+s9+$0x0] =	vst.idx.add.f32.msk $0xff, v20  }
0x173: {  	[tilespmem:v18+s11+$0x0] =	vst.idx.add.f32.msk vm0, v20;
	v18 =	vshll.u32 v62, $0x3  }
0x174: {  	v19 =	vld [tilespmem:$0x590];
	v18 =	vadd.s32 v2, v18;
	_ =	sdelay $0x3  }
0x175: {  	v63 =	vperm.xlane v17, v4  }
0x176: {  	[tilespmem:v18+s9+$0x0] =	vst.idx.add.f32.msk $0xff, v19  }
0x177: {  	v18 =	vshll.u32 v63, $0x3;
	[tilespmem:v62+s11+$0x0] =	vst.idx.add.f32.msk vm0, v19  }
0x178: {  	v18 =	vadd.s32 v2, v18;
	v19 =	vld [tilespmem:$0x5A0];
	_ =	sdelay $0x3  }
0x179: {  	v24 =	vperm.xlane v17, v1  }
0x17a: {  	[tilespmem:v18+s9+$0x0] =	vst.idx.add.f32.msk $0xff, v19  }
0x17b: {  	v18 =	vshll.u32 v24, $0x3;
	[tilespmem:v63+s11+$0x0] =	vst.idx.add.f32.msk vm0, v19  }
0x17c: {  	v18 =	vadd.s32 v2, v18;
	v19 =	vld [tilespmem:$0x5B0];
	_ =	sdelay $0x3  }
0x17d: {  	v25 =	vperm.xlane v17, v5  }
0x17e: {  	[tilespmem:v18+s9+$0x0] =	vst.idx.add.f32.msk $0xff, v19  }
0x17f: {  	v18 =	vshll.u32 v25, $0x3;
	[tilespmem:v24+s11+$0x0] =	vst.idx.add.f32.msk vm0, v19  }
0x180: {  	v18 =	vadd.s32 v2, v18;
	v19 =	vld [tilespmem:$0x5C0];
	_ =	sdelay $0x3  }
0x181: {  	v26 =	vperm.xlane v17, v6  }
0x182: {  	[tilespmem:v18+s9+$0x0] =	vst.idx.add.f32.msk $0xff, v19  }
0x183: {  	v18 =	vshll.u32 v26, $0x3;
	[tilespmem:v25+s11+$0x0] =	vst.idx.add.f32.msk vm0, v19  }
0x184: {  	v18 =	vadd.s32 v2, v18;
	v19 =	vld [tilespmem:$0x5D0];
	_ =	sdelay $0x3  }
0x185: {  	v27 =	vperm.xlane v17, v7  }
0x186: {  	[tilespmem:v18+s9+$0x0] =	vst.idx.add.f32.msk $0xff, v19  }
0x187: {  	v18 =	vshll.u32 v27, $0x3;
	[tilespmem:v26+s11+$0x0] =	vst.idx.add.f32.msk vm0, v19  }
0x188: {  	v18 =	vadd.s32 v2, v18;
	v19 =	vld [tilespmem:$0x5E0];
	_ =	sdelay $0x3  }
0x189: {  	v28 =	vperm.xlane v17, v8  }
0x18a: {  	[tilespmem:v18+s9+$0x0] =	vst.idx.add.f32.msk $0xff, v19  }
0x18b: {  	v18 =	vshll.u32 v28, $0x3;
	[tilespmem:v27+s11+$0x0] =	vst.idx.add.f32.msk vm0, v19  }
0x18c: {  	v18 =	vadd.s32 v2, v18;
	v19 =	vld [tilespmem:$0x5F0];
	_ =	sdelay $0x3  }
0x18d: {  	v29 =	vperm.xlane v17, v9  }
0x18e: {  	[tilespmem:v18+s9+$0x0] =	vst.idx.add.f32.msk $0xff, v19  }
0x18f: {  	v18 =	vshll.u32 v29, $0x3;
	[tilespmem:v28+s11+$0x0] =	vst.idx.add.f32.msk vm0, v19  }
0x190: {  	v18 =	vadd.s32 v2, v18;
	v19 =	vld [tilespmem:$0x600];
	_ =	sdelay $0x3  }
0x191: {  	v30 =	vperm.xlane v17, v10  }
0x192: {  	[tilespmem:v18+s9+$0x0] =	vst.idx.add.f32.msk $0xff, v19  }
0x193: {  	v18 =	vshll.u32 v30, $0x3;
	[tilespmem:v29+s11+$0x0] =	vst.idx.add.f32.msk vm0, v19  }
0x194: {  	v18 =	vadd.s32 v2, v18;
	v19 =	vld [tilespmem:$0x610];
	_ =	sdelay $0x3  }
0x195: {  	v31 =	vperm.xlane v17, v11  }
0x196: {  	[tilespmem:v18+s9+$0x0] =	vst.idx.add.f32.msk $0xff, v19  }
0x197: {  	v18 =	vshll.u32 v31, $0x3;
	[tilespmem:v30+s11+$0x0] =	vst.idx.add.f32.msk vm0, v19  }
0x198: {  	v18 =	vadd.s32 v2, v18;
	v19 =	vld [tilespmem:$0x620];
	_ =	sdelay $0x3  }
0x199: {  	v32 =	vperm.xlane v17, v12  }
0x19a: {  	[tilespmem:v18+s9+$0x0] =	vst.idx.add.f32.msk $0xff, v19  }
0x19b: {  	v18 =	vshll.u32 v32, $0x3;
	[tilespmem:v31+s11+$0x0] =	vst.idx.add.f32.msk vm0, v19  }
0x19c: {  	v18 =	vadd.s32 v2, v18;
	v19 =	vld [tilespmem:$0x630];
	_ =	sdelay $0x3  }
0x19d: {  	v33 =	vperm.xlane v17, v13  }
0x19e: {  	[tilespmem:v18+s9+$0x0] =	vst.idx.add.f32.msk $0xff, v19  }
0x19f: {  	v18 =	vshll.u32 v33, $0x3;
	[tilespmem:v32+s11+$0x0] =	vst.idx.add.f32.msk vm0, v19  }
0x1a0: {  	v18 =	vadd.s32 v2, v18;
	v19 =	vld [tilespmem:$0x640];
	_ =	sdelay $0x3  }
0x1a1: {  	v34 =	vperm.xlane v17, v14  }
0x1a2: {  	[tilespmem:v18+s9+$0x0] =	vst.idx.add.f32.msk $0xff, v19  }
0x1a3: {  	v18 =	vshll.u32 v34, $0x3;
	[tilespmem:v33+s11+$0x0] =	vst.idx.add.f32.msk vm0, v19  }
0x1a4: {  	v18 =	vadd.s32 v2, v18;
	v19 =	vld [tilespmem:$0x650];
	_ =	sdelay $0x3  }
0x1a5: {  	v35 =	vperm.xlane v17, v15  }
0x1a6: {  	[tilespmem:v18+s9+$0x0] =	vst.idx.add.f32.msk $0xff, v19  }
0x1a7: {  	v18 =	vshll.u32 v35, $0x3;
	[tilespmem:v34+s11+$0x0] =	vst.idx.add.f32.msk vm0, v19  }
0x1a8: {  	v18 =	vadd.s32 v2, v18;
	v19 =	vld [tilespmem:$0x660];
	_ =	sdelay $0x3  }
0x1a9: {  	v17 =	vperm.xlane v17, v16  }
0x1aa: {  	[tilespmem:v18+s9+$0x0] =	vst.idx.add.f32.msk $0xff, v19  }
0x1ab: {  	v18 =	vshll.u32 v17, $0x3;
	[tilespmem:v35+s11+$0x0] =	vst.idx.add.f32.msk vm0, v19  }
0x1ac: {  	v18 =	vadd.s32 v2, v18;
	v19 =	vld [tilespmem:$0x670];
	_ =	sdelay $0x4  }
0x1ad: {  	[tilespmem:v18+s9+$0x0] =	vst.idx.add.f32.msk $0xff, v19  }
0x1ae: {  	[tilespmem:v17+s11+$0x0] =	vst.idx.add.f32.msk vm0, v19  }
0x1af: {  	v17 =	vld [tilespmem:$0x60];
	_ =	sdelay $0x4  }
0x1b0: {  	v18 =	vperm.xlane v17, v0;
	_ =	sdelay $0x1  }
0x1b1: {  	v19 =	vshll.u32 v18, $0x3  }
0x1b2: {  	v20 =	vld [tilespmem:$0x680];
	v19 =	vadd.s32 v2, v19;
	_ =	sdelay $0x3  }
0x1b3: {  	v36 =	vperm.xlane v17, v3  }
0x1b4: {  	[tilespmem:v19+s9+$0x0] =	vst.idx.add.f32.msk $0xff, v20  }
0x1b5: {  	[tilespmem:v18+s11+$0x0] =	vst.idx.add.f32.msk vm0, v20;
	v18 =	vshll.u32 v36, $0x3  }
0x1b6: {  	v19 =	vld [tilespmem:$0x690];
	v18 =	vadd.s32 v2, v18;
	_ =	sdelay $0x3  }
0x1b7: {  	v37 =	vperm.xlane v17, v4  }
0x1b8: {  	[tilespmem:v18+s9+$0x0] =	vst.idx.add.f32.msk $0xff, v19  }
0x1b9: {  	v18 =	vshll.u32 v37, $0x3;
	[tilespmem:v36+s11+$0x0] =	vst.idx.add.f32.msk vm0, v19  }
0x1ba: {  	v18 =	vadd.s32 v2, v18;
	v19 =	vld [tilespmem:$0x6A0];
	_ =	sdelay $0x3  }
0x1bb: {  	v38 =	vperm.xlane v17, v1  }
0x1bc: {  	[tilespmem:v18+s9+$0x0] =	vst.idx.add.f32.msk $0xff, v19  }
0x1bd: {  	v18 =	vshll.u32 v38, $0x3;
	[tilespmem:v37+s11+$0x0] =	vst.idx.add.f32.msk vm0, v19  }
0x1be: {  	v18 =	vadd.s32 v2, v18;
	v19 =	vld [tilespmem:$0x6B0];
	_ =	sdelay $0x3  }
0x1bf: {  	v39 =	vperm.xlane v17, v5  }
0x1c0: {  	[tilespmem:v18+s9+$0x0] =	vst.idx.add.f32.msk $0xff, v19  }
0x1c1: {  	v18 =	vshll.u32 v39, $0x3;
	[tilespmem:v38+s11+$0x0] =	vst.idx.add.f32.msk vm0, v19  }
0x1c2: {  	v18 =	vadd.s32 v2, v18;
	v19 =	vld [tilespmem:$0x6C0];
	_ =	sdelay $0x3  }
0x1c3: {  	v40 =	vperm.xlane v17, v6  }
0x1c4: {  	[tilespmem:v18+s9+$0x0] =	vst.idx.add.f32.msk $0xff, v19  }
0x1c5: {  	v18 =	vshll.u32 v40, $0x3;
	[tilespmem:v39+s11+$0x0] =	vst.idx.add.f32.msk vm0, v19  }
0x1c6: {  	v18 =	vadd.s32 v2, v18;
	v19 =	vld [tilespmem:$0x6D0];
	_ =	sdelay $0x3  }
0x1c7: {  	v41 =	vperm.xlane v17, v7  }
0x1c8: {  	[tilespmem:v18+s9+$0x0] =	vst.idx.add.f32.msk $0xff, v19  }
0x1c9: {  	v18 =	vshll.u32 v41, $0x3;
	[tilespmem:v40+s11+$0x0] =	vst.idx.add.f32.msk vm0, v19  }
0x1ca: {  	v18 =	vadd.s32 v2, v18;
	v19 =	vld [tilespmem:$0x6E0];
	_ =	sdelay $0x3  }
0x1cb: {  	v42 =	vperm.xlane v17, v8  }
0x1cc: {  	[tilespmem:v18+s9+$0x0] =	vst.idx.add.f32.msk $0xff, v19  }
0x1cd: {  	v18 =	vshll.u32 v42, $0x3;
	[tilespmem:v41+s11+$0x0] =	vst.idx.add.f32.msk vm0, v19  }
0x1ce: {  	v18 =	vadd.s32 v2, v18;
	v19 =	vld [tilespmem:$0x6F0];
	_ =	sdelay $0x3  }
0x1cf: {  	v43 =	vperm.xlane v17, v9  }
0x1d0: {  	[tilespmem:v18+s9+$0x0] =	vst.idx.add.f32.msk $0xff, v19  }
0x1d1: {  	v18 =	vshll.u32 v43, $0x3;
	[tilespmem:v42+s11+$0x0] =	vst.idx.add.f32.msk vm0, v19  }
0x1d2: {  	v18 =	vadd.s32 v2, v18;
	v19 =	vld [tilespmem:$0x700];
	_ =	sdelay $0x3  }
0x1d3: {  	v44 =	vperm.xlane v17, v10  }
0x1d4: {  	[tilespmem:v18+s9+$0x0] =	vst.idx.add.f32.msk $0xff, v19  }
0x1d5: {  	v18 =	vshll.u32 v44, $0x3;
	[tilespmem:v43+s11+$0x0] =	vst.idx.add.f32.msk vm0, v19  }
0x1d6: {  	v18 =	vadd.s32 v2, v18;
	v19 =	vld [tilespmem:$0x710];
	_ =	sdelay $0x3  }
0x1d7: {  	v45 =	vperm.xlane v17, v11  }
0x1d8: {  	[tilespmem:v18+s9+$0x0] =	vst.idx.add.f32.msk $0xff, v19  }
0x1d9: {  	v18 =	vshll.u32 v45, $0x3;
	[tilespmem:v44+s11+$0x0] =	vst.idx.add.f32.msk vm0, v19  }
0x1da: {  	v18 =	vadd.s32 v2, v18;
	v19 =	vld [tilespmem:$0x720];
	_ =	sdelay $0x3  }
0x1db: {  	v46 =	vperm.xlane v17, v12  }
0x1dc: {  	[tilespmem:v18+s9+$0x0] =	vst.idx.add.f32.msk $0xff, v19  }
0x1dd: {  	v18 =	vshll.u32 v46, $0x3;
	[tilespmem:v45+s11+$0x0] =	vst.idx.add.f32.msk vm0, v19  }
0x1de: {  	v18 =	vadd.s32 v2, v18;
	v19 =	vld [tilespmem:$0x730];
	_ =	sdelay $0x3  }
0x1df: {  	v47 =	vperm.xlane v17, v13  }
0x1e0: {  	[tilespmem:v18+s9+$0x0] =	vst.idx.add.f32.msk $0xff, v19  }
0x1e1: {  	v18 =	vshll.u32 v47, $0x3;
	[tilespmem:v46+s11+$0x0] =	vst.idx.add.f32.msk vm0, v19  }
0x1e2: {  	v18 =	vadd.s32 v2, v18;
	v19 =	vld [tilespmem:$0x740];
	_ =	sdelay $0x3  }
0x1e3: {  	v48 =	vperm.xlane v17, v14  }
0x1e4: {  	[tilespmem:v18+s9+$0x0] =	vst.idx.add.f32.msk $0xff, v19  }
0x1e5: {  	v18 =	vshll.u32 v48, $0x3;
	[tilespmem:v47+s11+$0x0] =	vst.idx.add.f32.msk vm0, v19  }
0x1e6: {  	v18 =	vadd.s32 v2, v18;
	v19 =	vld [tilespmem:$0x750];
	_ =	sdelay $0x3  }
0x1e7: {  	v49 =	vperm.xlane v17, v15  }
0x1e8: {  	[tilespmem:v18+s9+$0x0] =	vst.idx.add.f32.msk $0xff, v19  }
0x1e9: {  	v18 =	vshll.u32 v49, $0x3;
	[tilespmem:v48+s11+$0x0] =	vst.idx.add.f32.msk vm0, v19  }
0x1ea: {  	v18 =	vadd.s32 v2, v18;
	v19 =	vld [tilespmem:$0x760];
	_ =	sdelay $0x3  }
0x1eb: {  	v17 =	vperm.xlane v17, v16  }
0x1ec: {  	[tilespmem:v18+s9+$0x0] =	vst.idx.add.f32.msk $0xff, v19  }
0x1ed: {  	v18 =	vshll.u32 v17, $0x3;
	[tilespmem:v49+s11+$0x0] =	vst.idx.add.f32.msk vm0, v19  }
0x1ee: {  	v18 =	vadd.s32 v2, v18;
	v19 =	vld [tilespmem:$0x770];
	_ =	sdelay $0x4  }
0x1ef: {  	[tilespmem:v18+s9+$0x0] =	vst.idx.add.f32.msk $0xff, v19  }
0x1f0: {  	[tilespmem:v17+s11+$0x0] =	vst.idx.add.f32.msk vm0, v19  }
0x1f1: {  	v17 =	vld [tilespmem:$0x70];
	_ =	sdelay $0x4  }
0x1f2: {  	v18 =	vperm.xlane v17, v0;
	_ =	sdelay $0x1  }
0x1f3: {  	v19 =	vshll.u32 v18, $0x3  }
0x1f4: {  	v20 =	vld [tilespmem:$0x780];
	v19 =	vadd.s32 v2, v19;
	_ =	sdelay $0x3  }
0x1f5: {  	v50 =	vperm.xlane v17, v3  }
0x1f6: {  	[tilespmem:v19+s9+$0x0] =	vst.idx.add.f32.msk $0xff, v20  }
0x1f7: {  	[tilespmem:v18+s11+$0x0] =	vst.idx.add.f32.msk vm0, v20;
	v18 =	vshll.u32 v50, $0x3  }
0x1f8: {  	v19 =	vld [tilespmem:$0x790];
	v18 =	vadd.s32 v2, v18;
	_ =	sdelay $0x3  }
0x1f9: {  	v51 =	vperm.xlane v17, v4  }
0x1fa: {  	[tilespmem:v18+s9+$0x0] =	vst.idx.add.f32.msk $0xff, v19  }
0x1fb: {  	v18 =	vshll.u32 v51, $0x3;
	[tilespmem:v50+s11+$0x0] =	vst.idx.add.f32.msk vm0, v19  }
0x1fc: {  	v18 =	vadd.s32 v2, v18;
	v19 =	vld [tilespmem:$0x7A0];
	_ =	sdelay $0x3  }
0x1fd: {  	v52 =	vperm.xlane v17, v1  }
0x1fe: {  	[tilespmem:v18+s9+$0x0] =	vst.idx.add.f32.msk $0xff, v19  }
0x1ff: {  	v18 =	vshll.u32 v52, $0x3;
	[tilespmem:v51+s11+$0x0] =	vst.idx.add.f32.msk vm0, v19  }
0x200: {  	v18 =	vadd.s32 v2, v18;
	v19 =	vld [tilespmem:$0x7B0];
	_ =	sdelay $0x3  }
0x201: {  	v53 =	vperm.xlane v17, v5  }
0x202: {  	[tilespmem:v18+s9+$0x0] =	vst.idx.add.f32.msk $0xff, v19  }
0x203: {  	v18 =	vshll.u32 v53, $0x3;
	[tilespmem:v52+s11+$0x0] =	vst.idx.add.f32.msk vm0, v19  }
0x204: {  	v18 =	vadd.s32 v2, v18;
	v19 =	vld [tilespmem:$0x7C0];
	_ =	sdelay $0x3  }
0x205: {  	v54 =	vperm.xlane v17, v6  }
0x206: {  	[tilespmem:v18+s9+$0x0] =	vst.idx.add.f32.msk $0xff, v19  }
0x207: {  	v18 =	vshll.u32 v54, $0x3;
	[tilespmem:v53+s11+$0x0] =	vst.idx.add.f32.msk vm0, v19  }
0x208: {  	v18 =	vadd.s32 v2, v18;
	v19 =	vld [tilespmem:$0x7D0];
	_ =	sdelay $0x3  }
0x209: {  	v55 =	vperm.xlane v17, v7  }
0x20a: {  	[tilespmem:v18+s9+$0x0] =	vst.idx.add.f32.msk $0xff, v19  }
0x20b: {  	v18 =	vshll.u32 v55, $0x3;
	[tilespmem:v54+s11+$0x0] =	vst.idx.add.f32.msk vm0, v19  }
0x20c: {  	v18 =	vadd.s32 v2, v18;
	v19 =	vld [tilespmem:$0x7E0];
	_ =	sdelay $0x3  }
0x20d: {  	v56 =	vperm.xlane v17, v8  }
0x20e: {  	[tilespmem:v18+s9+$0x0] =	vst.idx.add.f32.msk $0xff, v19  }
0x20f: {  	v18 =	vshll.u32 v56, $0x3;
	[tilespmem:v55+s11+$0x0] =	vst.idx.add.f32.msk vm0, v19  }
0x210: {  	v18 =	vadd.s32 v2, v18;
	v19 =	vld [tilespmem:$0x7F0];
	_ =	sdelay $0x3  }
0x211: {  	v57 =	vperm.xlane v17, v9  }
0x212: {  	[tilespmem:v18+s9+$0x0] =	vst.idx.add.f32.msk $0xff, v19  }
0x213: {  	v18 =	vshll.u32 v57, $0x3;
	[tilespmem:v56+s11+$0x0] =	vst.idx.add.f32.msk vm0, v19  }
0x214: {  	v18 =	vadd.s32 v2, v18;
	v19 =	vld [tilespmem:$0x800];
	_ =	sdelay $0x3  }
0x215: {  	v58 =	vperm.xlane v17, v10  }
0x216: {  	[tilespmem:v18+s9+$0x0] =	vst.idx.add.f32.msk $0xff, v19  }
0x217: {  	v18 =	vshll.u32 v58, $0x3;
	[tilespmem:v57+s11+$0x0] =	vst.idx.add.f32.msk vm0, v19  }
0x218: {  	v18 =	vadd.s32 v2, v18;
	v19 =	vld [tilespmem:$0x810];
	_ =	sdelay $0x3  }
0x219: {  	v59 =	vperm.xlane v17, v11  }
0x21a: {  	[tilespmem:v18+s9+$0x0] =	vst.idx.add.f32.msk $0xff, v19  }
0x21b: {  	v18 =	vshll.u32 v59, $0x3;
	[tilespmem:v58+s11+$0x0] =	vst.idx.add.f32.msk vm0, v19  }
0x21c: {  	v18 =	vadd.s32 v2, v18;
	v19 =	vld [tilespmem:$0x820];
	_ =	sdelay $0x3  }
0x21d: {  	v60 =	vperm.xlane v17, v12  }
0x21e: {  	[tilespmem:v18+s9+$0x0] =	vst.idx.add.f32.msk $0xff, v19  }
0x21f: {  	v18 =	vshll.u32 v60, $0x3;
	[tilespmem:v59+s11+$0x0] =	vst.idx.add.f32.msk vm0, v19  }
0x220: {  	v18 =	vadd.s32 v2, v18;
	v19 =	vld [tilespmem:$0x830];
	_ =	sdelay $0x3  }
0x221: {  	v61 =	vperm.xlane v17, v13  }
0x222: {  	[tilespmem:v18+s9+$0x0] =	vst.idx.add.f32.msk $0xff, v19  }
0x223: {  	v18 =	vshll.u32 v61, $0x3;
	[tilespmem:v60+s11+$0x0] =	vst.idx.add.f32.msk vm0, v19  }
0x224: {  	v18 =	vadd.s32 v2, v18;
	v19 =	vld [tilespmem:$0x840];
	_ =	sdelay $0x3  }
0x225: {  	v62 =	vperm.xlane v17, v14  }
0x226: {  	[tilespmem:v18+s9+$0x0] =	vst.idx.add.f32.msk $0xff, v19  }
0x227: {  	v18 =	vshll.u32 v62, $0x3;
	[tilespmem:v61+s11+$0x0] =	vst.idx.add.f32.msk vm0, v19  }
0x228: {  	v18 =	vadd.s32 v2, v18;
	v19 =	vld [tilespmem:$0x850];
	_ =	sdelay $0x3  }
0x229: {  	v63 =	vperm.xlane v17, v15  }
0x22a: {  	[tilespmem:v18+s9+$0x0] =	vst.idx.add.f32.msk $0xff, v19  }
0x22b: {  	v18 =	vshll.u32 v63, $0x3;
	[tilespmem:v62+s11+$0x0] =	vst.idx.add.f32.msk vm0, v19  }
0x22c: {  	v18 =	vadd.s32 v2, v18;
	v19 =	vld [tilespmem:$0x860];
	_ =	sdelay $0x3  }
0x22d: {  	v17 =	vperm.xlane v17, v16  }
0x22e: {  	[tilespmem:v18+s9+$0x0] =	vst.idx.add.f32.msk $0xff, v19  }
0x22f: {  	v18 =	vshll.u32 v17, $0x3;
	[tilespmem:v63+s11+$0x0] =	vst.idx.add.f32.msk vm0, v19  }
0x230: {  	v18 =	vadd.s32 v2, v18;
	v19 =	vld [tilespmem:$0x870]  }
0x231: {  	p0 =	sne.s32 s16, $0x270  }
.Ltmp0:
0x232: {  	_ = 	snop;
	(pc) =	sbr.rel @p0 .LBB2_2-.Ltmp0, $3  }
0x233: {  	_ =	sdelay $0x1  }
0x234: {  	[tilespmem:v18+s9+$0x0] =	vst.idx.add.f32.msk $0xff, v19  }
0x235: {  	s16 =	sadd.s32 $0x10, s16;
	s15 =	sadd.s32 $0x100, s15;
	[tilespmem:v17+s11+$0x0] =	vst.idx.add.f32.msk vm0, v19  }
0x236: {  	[hbm4b:s4+s12] =	stream.strided.scatter [tilespmem:s9], [sflag:$0x1], $0x14000, s13, s12, $0x38;
	[tilespmem:$0x17080] =	vst v63  }
0x237: {  	s14 =	sadd.s32 $0x1, s14;
	_ =	swait.ge [sflag:s10], $0x14000  }
0x238: {  	p0 =	sne.s32 s14, s6;
	[sflag:s10] =	ssyncset.done $0x0  }
.Ltmp1:
0x239: {  	[sflag:s10] =	ssyncadd.s32 $0xFFFEC000;
	(pc) =	sbr.rel @p0 .LBB2_1-.Ltmp1, $4  }
0x23a: {  	[hbm4b:s5+s12] =	stream.strided.scatter [tilespmem:s11], [sflag:$0x1], $0x2800, s13, s12, $0x38;
	[tilespmem:$0x17080] =	vst v63  }
0x23b: {  	_ =	swait.ge [sflag:s10], $0x2800  }
0x23c: {  	[sflag:s10] =	ssyncset.done $0x0  }
0x23d: {  	[sflag:s10] =	ssyncadd.s32 $0xFFFFD800  }
0x23e: {  	_ =	sfence.sel $0x180000  }
0x23f: {  	[bflag:$0x0] =	sbarrier.arrive $0xFFFF  }
0x240: {  	p0 =	sne.s32 s0, $0x0;
	_ =	strace $0x9000004A  }
0x241: {  	s0 =	sadd.s32 @!p0 $0x100000, s1;
	[bflag:$0x2] =	sbarrier.arrive $0xFFFF  }
0x242: {  	[sflag:s0] =	ssyncadd.tile.s32 @!p0 $0x1;
	_ =	shalt  }
.Lfunc_end2:
_tile_overlayer_lowered:
.L_overlay_start_2:
0x243: {  	(tag) =	ssettag $0x2  }
0x244: {  	s0 =	rddreg [dreg:$0x0];
	s2 =	stileid.u32  }
0x245: {  	s1 =	rddreg [dreg:$0x1];
	p0 =	sne.s32 s2, $0x0  }
0x246: {  	s3 =	rddreg [dreg:$0x2];
	[bflag:$0x3] =	sbarrier.arrive $0xFFFF;
	s2 =	simm.s32 @!p0 $0x1C01  }
0x247: {  	[timem:s3], [sflag:s2] =	dma.local @!p0 [hbm:s0], s1  }
0x248: {  	s0 =	simm.s32 @!p0 $0x1  }
0x249: {  	_ =	swait.ge @!p0 [sflag:s0], s1  }
0x24a: {  	s1 =	ssub.s32 @!p0 $0x0, s1;
	[sflag:s0] =	ssyncset.done @!p0 $0x0  }
0x24b: {  	[sflag:s0] =	ssyncadd.s32 @!p0 s1  }
0x24c: {  	[bflag:$0x3] =	sbarrier.arrive $0xFFFF  }
0x24d: {  	_ =	shalt  }

// kernel: kernel.7.cloned.1.call-start
scs
__scs_entry_jumppad:
0x0: {  	(pc) =	sbr.rel $0x88, $3  }
0x1: {  	(tag) =	ssettag $0x0;
	lr =	simm.s32 $0x1  }
0x2: {  	[smem:$0x3F95] =	sst lr;
	_ =	strace $0xD0000000  }
0x3: {  	_ = 	snop  }
0x4: {  	_ = 	snop  }
0x5: {  	_ = 	snop  }
0x6: {  	_ = 	snop  }
0x7: {  	_ = 	snop  }
__scs_overlays_trampoline_lowered:
0x8: {  	[smem:$0x3FA4] =	sst s0  }
0x9: {  	[smem:$0x3FA5] =	sst s1  }
0xa: {  	[smem:$0x3FA6] =	sst s2  }
0xb: {  	[smem:$0x3FA7] =	sst s3  }
0xc: {  	[smem:$0x3FA8] =	sst s4  }
0xd: {  	[smem:$0x3FA9] =	sst s5  }
0xe: {  	[smem:$0x3FAA] =	sst s6  }
0xf: {  	[smem:$0x3FAB] =	sst s7  }
0x10: {  	[smem:$0x3FAC] =	sst s8  }
0x11: {  	[smem:$0x3FAD] =	sst s9;
	s0 =	simm.s32 @!p0 $0x0  }
0x12: {  	s1 =	sld [smem:$0x3F93];
	s0 =	simm.s32 @p0 $0x1  }
0x13: {  	[smem:$0x3FAE] =	sst s0;
	s0 =	simm.s32 @!p1 $0x0  }
0x14: {  	s2 =	sld [smem:$0x3F92];
	s0 =	simm.s32 @p1 $0x1  }
0x15: {  	[smem:$0x3FAF] =	sst s0;
	s0 =	simm.s32 @!p2 $0x0  }
0x16: {  	s3 =	sld [smem:$0x3FDB];
	s0 =	simm.s32 @p2 $0x1  }
0x17: {  	s4 =	simm.s32 $0x1BF5;
	[smem:$0x3FB1] =	sst s0  }
0x18: {  	s0 =	sld [smem:$0x3F94];
	_ =	swait.ge [sflag:s4], $0x0  }
0x19: {  	s7 =	sld [smem:$0x3F95]  }
0x1a: {  	s8 =	sadd.s32 $0xFFFFE003, lr  }
0x1b: {  	s9 =	sadd.s32 $0xFFFFFEF7, lr;
	s5 =	simm.s32 $0xFFFFFFFF;
	p2 =	slt.u32 s8, $0xFFFFF086  }
0x1c: {  	p1 =	slt.u32 s9, $0xF7A;
	s5 =	simm.s32 @!p2 $0x0  }
0x1d: {  	s5 =	simm.s32 @p1 $0x1;
	p0 =	seq.s32 s7, s2  }
0x1e: {  	s7 =	smul.u32 @!p0 $0xF7A, s2;
	p2 =	seq.s32 @!p0 s5, $0x0  }
0x1f: {  	s9 =	smul.u32 $0xF7A, s1;
	s8 =	simm.s32 @!p0 $0x1BF5;
	p2 =	por !p2, p0  }
0x20: {  	[sflag:s8] =	ssyncset.s32 @!p0 $0xFFFFF086;
	s6 =	sadd.s32 @!p0 s3, s7;
	s7 =	simm.s32 @!p0 $0x108  }
0x21: {  	s3 =	sadd.s32 s3, s9;
	s6 =	sadd.s32 @!p0 $0x88, s6;
	s7 =	simm.s32 @p2 $0x1082  }
0x22: {  	[simem:s7], [sflag:s8] =	dma.local @!p0 [hbm:s6], $0xF7A  }
0x23: {  	s9 =	sor.u32 $0xD0000000, s2;
	s6 =	simm.s32 $0x108;
	_ =	swait.ge @!p0 [sflag:s8], $0x0  }
0x24: {  	s3 =	sadd.s32 $0x88, s3;
	s6 =	simm.s32 @!p1 $0x1082;
	[sflag:s4] =	ssyncset.s32 $0xFFFFF086  }
0x25: {  	[simem:s6], [sflag:s4] =	dma.local [hbm:s3], $0xF7A  }
0x26: {  	[smem:$0x3F95] =	sst s1;
	(tag) =	ssettag s2;
	_ =	strace s9  }
0x27: {  	s1 =	sld [smem:$0x3FA5]  }
0x28: {  	s2 =	sld [smem:$0x3FA6]  }
0x29: {  	s4 =	sld [smem:$0x3FA8]  }
0x2a: {  	p0 =	seq.s32 s5, $0x0;
	s5 =	sld [smem:$0x3FA9]  }
0x2b: {  	s6 =	sld [smem:$0x3FAA]  }
0x2c: {  	s7 =	sld [smem:$0x3FAB]  }
0x2d: {  	s3 =	simm.s32 $0x108;
	s8 =	sld [smem:$0x3FAC]  }
0x2e: {  	s3 =	simm.s32 @!p0 $0x1082;
	s9 =	sld [smem:$0x3FAD]  }
0x2f: {  	lr =	sadd.s32 s0, s3;
	s0 =	sld [smem:$0x3FA4]  }
0x30: {  	s3 =	sld [smem:$0x3FA7]  }
0x31: {  	[smem:$0x3FB0] =	sst s10  }
0x32: {  	s10 =	sld [smem:$0x3FAE];
	_ =	sdelay $0x3  }
0x33: {  	p0 =	seq.s32 s10, $0x1;
	s10 =	sld [smem:$0x3FB0];
	_ =	sdelay $0x3  }
0x34: {  	[smem:$0x3FB0] =	sst s10  }
0x35: {  	s10 =	sld [smem:$0x3FAF];
	_ =	sdelay $0x3  }
0x36: {  	p1 =	seq.s32 s10, $0x1;
	s10 =	sld [smem:$0x3FB0];
	_ =	sdelay $0x3  }
0x37: {  	[smem:$0x3FB0] =	sst s10  }
0x38: {  	s10 =	sld [smem:$0x3FB1]  }
0x39: {  	_ = 	snop;
	(pc) =	sbr.ind lr, $3  }
0x3a: {  	_ = 	snop  }
0x3b: {  	_ = 	snop  }
0x3c: {  	p2 =	seq.s32 s10, $0x1;
	s10 =	sld [smem:$0x3FB0]  }
0x3d: {  	_ =	shalt  }
0x3e: {  	_ =	shalt  }
0x3f: {  	_ =	shalt  }
0x40: {  	_ =	shalt  }
0x41: {  	_ =	shalt  }
0x42: {  	_ =	shalt  }
0x43: {  	_ =	shalt  }
0x44: {  	_ =	shalt  }
0x45: {  	_ =	shalt  }
0x46: {  	_ =	shalt  }
0x47: {  	_ =	shalt  }
0x48: {  	_ =	shalt  }
0x49: {  	_ =	shalt  }
0x4a: {  	_ =	shalt  }
0x4b: {  	_ =	shalt  }
0x4c: {  	_ =	shalt  }
0x4d: {  	_ =	shalt  }
0x4e: {  	_ =	shalt  }
0x4f: {  	_ =	shalt  }
0x50: {  	_ =	shalt  }
0x51: {  	_ =	shalt  }
0x52: {  	_ =	shalt  }
0x53: {  	_ =	shalt  }
0x54: {  	_ =	shalt  }
0x55: {  	_ =	shalt  }
0x56: {  	_ =	shalt  }
0x57: {  	_ =	shalt  }
0x58: {  	_ =	shalt  }
0x59: {  	_ =	shalt  }
0x5a: {  	_ =	shalt  }
0x5b: {  	_ =	shalt  }
0x5c: {  	_ =	shalt  }
0x5d: {  	_ =	shalt  }
0x5e: {  	_ =	shalt  }
0x5f: {  	_ =	shalt  }
0x60: {  	_ =	shalt  }
0x61: {  	_ =	shalt  }
0x62: {  	_ =	shalt  }
0x63: {  	_ =	shalt  }
0x64: {  	_ =	shalt  }
0x65: {  	_ =	shalt  }
0x66: {  	_ =	shalt  }
0x67: {  	_ =	shalt  }
0x68: {  	_ =	shalt  }
0x69: {  	_ =	shalt  }
0x6a: {  	_ =	shalt  }
0x6b: {  	_ =	shalt  }
0x6c: {  	_ =	shalt  }
0x6d: {  	_ =	shalt  }
0x6e: {  	_ =	shalt  }
0x6f: {  	_ =	shalt  }
0x70: {  	_ =	shalt  }
0x71: {  	_ =	shalt  }
0x72: {  	_ =	shalt  }
0x73: {  	_ =	shalt  }
0x74: {  	_ =	shalt  }
0x75: {  	_ =	shalt  }
0x76: {  	_ =	shalt  }
0x77: {  	_ =	shalt  }
0x78: {  	_ =	shalt  }
0x79: {  	_ =	shalt  }
0x7a: {  	_ =	shalt  }
0x7b: {  	_ =	shalt  }
0x7c: {  	_ =	shalt  }
0x7d: {  	_ =	shalt  }
0x7e: {  	_ =	shalt  }
0x7f: {  	_ =	shalt  }
0x80: {  	_ =	shalt  }
0x81: {  	_ =	shalt  }
0x82: {  	_ =	shalt  }
0x83: {  	_ =	shalt  }
0x84: {  	_ =	shalt  }
0x85: {  	_ =	shalt  }
0x86: {  	_ =	shalt  }
0x87: {  	_ =	shalt  }
.Lfunc_end0:
.L_simem_size_0:
called_computation_lowered:
.L_overlay_start_0:
0x88: {  	s2 =	sld [smem:$0x3FD9]  }
0x89: {  	s3 =	sld [smem:$0x3FFE];
	_ =	sdelay $0x1  }
0x8a: {  	s1 =	srdreg.scid  }
0x8b: {  	s0 =	sand.u32 $0x1, s1  }
0x8c: {  	s17 =	sshll.u32 s0, $0xA;
	s2 =	sadd.s32 s3, s2  }
0x8d: {  	s2 =	sadd.s32 s2, s17  }
0x8e: {  	[smem:$0x3FBC] =	sst s2  }
0x8f: {  	_ = 	snop  }
0x90: {  	s2 =	sld [smem:$0x3FC9];
	(tm) =	ssettm $0x1  }
0x91: {  	s18 =	sld [smem:$0x3FFB];
	_ =	sdelay $0x3  }
0x92: {  	_ =	strace s18  }
0x93: {  	s3 =	sld [smem:$0x3FFC];
	_ =	sdelay $0x3  }
0x94: {  	_ =	strace s3  }
0x95: {  	s3 =	sld [smem:$0x3FFD];
	_ =	sdelay $0x3  }
0x96: {  	_ =	strace s3  }
0x97: {  	_ =	strace $0x8FFFFFFF  }
0x98: {  	s19 =	sld [smem:$0x3FDB];
	_ =	sdelay $0x1  }
0x99: {  	s4 =	simm.s32 $_scs_section_size  }
0x9a: {  	s5 =	simm.s32 $_size__tile_overlayer_lowered;
	s6 =	simm.s32 $_tile_overlayer_lowered  }
0x9b: {  	s22 =	simm.s32 $0x1BFF;
	s21 =	sshll.u32 s6, $0x1;
	s3 =	sadd.s32 s4, s19  }
0x9c: {  	s7 =	simm.s32 $0x0;
	s20 =	sshll.u32 s5, $0x1;
	s5 =	sadd.s32 s21, s3  }
0x9d: {  	[timem:s7], [sflag:s22] =	dma.local [hbm:s5], s20  }
0x9e: {  	_ =	swait.ge [sflag:s22], s20  }
0x9f: {  	s4 =	ssub.s32 $0x0, s20;
	[sflag:s22] =	ssyncset.done $0x0  }
0xa0: {  	[sflag:s22] =	ssyncadd.s32 s4;
	_ =	sdelay $0x1  }
0xa1: {  	s23 =	simm.s32 $0x1B8B  }
0xa2: {  	_ =	swait.ge [sflag:s23], $0x1  }
0xa3: {  	[sflag:s23] =	ssyncset.done $0x0  }
0xa4: {  	s25 =	simm.s32 $0x1B8E;
	s24 =	sld [smem:$0x3FFE];
	[sflag:s23] =	ssyncadd.s32 $0xFFFFFFFF  }
0xa5: {  	s26 =	simm.s32 $execute0_lowered;
	[smem:$0x3FD2] =	sst s25  }
0xa6: {  	s5 =	sshll.u32 s26, $0x1;
	_ =	strace $0x80000046;
	[dreg:$0x1] =	wrdreg $0xFFFFFFFF  }
0xa7: {  	s28 =	simm.s32 $_size_execute0_lowered;
	s3 =	sadd.s32 s3, s5;
	[dreg:$0x0] =	wrdreg $0x0  }
0xa8: {  	s5 =	sshll.u32 s28, $0x1;
	[dreg:$0x2] =	wrdreg s3  }
0xa9: {  	[dreg:$0x3] =	wrdreg s5  }
0xaa: {  	[dreg:$0x4] =	wrdreg $0xC0  }
0xab: {  	_ =	task [dreg:s7], $0x5FFFF  }
0xac: {  	[dreg:$0x1] =	wrdreg $0xFFFFFFFF  }
0xad: {  	[dreg:$0x0] =	wrdreg $0x60  }
0xae: {  	[dreg:$0x2] =	wrdreg s2  }
0xaf: {  	[dreg:$0x3] =	wrdreg s24  }
0xb0: {  	[dreg:$0x4] =	wrdreg $0x9  }
0xb1: {  	_ =	task.clear_ibuf [dreg:s7], $0x5FFFF;
	_ =	strace $0x90000046  }
0xb2: {  	s29 =	simm.s32 $0x9;
	_ =	strace $0x80000048  }
0xb3: {  	_ =	swait.ge [sflag:s29], $0x1  }
0xb4: {  	[sflag:s29] =	ssyncadd.s32 $0xFFFFFFFF  }
0xb5: {  	_ =	strace $0x90000048  }
0xb6: {  	_ =	sfence  }
0xb7: {  	s30 =	sld [smem:$0x0];
	_ =	sdelay $0x2  }
0xb8: {  	s31 =	sshll.u32 s1, $0xD;
	s1 =	sshrl.u32 s1, $0x2  }
0xb9: {  	s3 =	sand.u32 $0x4000, s31;
	s1 =	sadd.s32 s1, s30  }
0xba: {  	s0 =	sor.u32 s3, s0;
	s1 =	sshll.u32 s1, $0x11  }
0xbb: {  	s0 =	sor.u32 s1, s0  }
0xbc: {  	s0 =	sadd.s32 $0x8F2B, s0  }
0xbd: {  	[sflag:s0] =	ssyncadd.remote.s32 $0x1  }
0xbe: {  	_ =	sfence.sel $0xFFFF  }
0xbf: {  	[dreg:$0x0] =	wrdreg $0xFFFFFFFF;
	(pc) =	sbr.abs _section_cstart, $3  }
0xc0: {  	[dreg:$0x1] =	wrdreg $0xFFFFFFFF  }
0xc1: {  	_ =	task.clear_ibuf [dreg:s7], $0x2FFFF;
	_ =	strace $0x9FFFFFFF  }
0xc2: {  	(tm) =	ssettm $0x7FFFFFFF  }
0xc3: {  	_ =	shalt  }
tec
execute0_lowered:
.L_overlay_start_1:
0x0: {  	(tag) =	ssettag $0x1  }
0x1: {  	s2 =	rddreg [dreg:$0x0]  }
0x2: {  	s4 =	rddreg [dreg:$0x1]  }
0x3: {  	s0 =	rddreg [dreg:$0x2];
	s1 =	stileid.u32  }
0x4: {  	s5 =	srdreg.scid;
	s3 =	simm.s32 $0x0;
	s6 =	smul.u32 $0x2800, s1  }
0x5: {  	s10 =	simm.s32 $0x0;
	s5 =	sand.u32 $0x1, s5;
	s8 =	smul.u32 $0x28000, s1  }
0x6: {  	[smem:$0x7FF] =	sst s3;
	s7 =	smul.u32 $0x1400, s5;
	s9 =	ssub.s32 $0x2, s5  }
0x7: {  	_ =	strace $0x80000047;
	s5 =	smul.u32 $0x14000, s5;
	s31 =	sshrl.u32 s9, $0x1  }
0x8: {  	s8 =	sadd.s32 s8, s4;
	s6 =	sadd.s32 s7, s6;
	s7 =	ssub.s32 s9, s31  }
0x9: {  	s5 =	sadd.s32 s5, s8;
	s8 =	simm.s32 $0x80;
	s6 =	sshrl.u32 s6, $0x3  }
0xa: {  	s9 =	simm.s32 $0x1;
	s5 =	sadd.s32 $0xC400, s5;
	s6 =	sadd.s32 s6, s4  }
0xb: {  	s4 =	smax.u32 s7, $0x1;
	s7 =	simm.s32 $0x2;
	s6 =	sadd.s32 $0x7400, s6  }
.LBB2_1:
0xc: {  	s11 =	sadd.s32 $0x0, s6  }
0xd: {  	[tilespmem:s3], [sflag:$0x2] =	stream.linear.gather [hbm4b:s11+s3], $0x80, $0x38;
	[tilespmem:$0x4080] =	vst v63  }
0xe: {  	_ =	swait.ge [sflag:s7], $0x80  }
0xf: {  	[sflag:s7] =	ssyncset.done $0x0  }
0x10: {  	[sflag:s7] =	ssyncadd.s32 $0xFFFFFF80  }
0x11: {  	[tilespmem:s8], [sflag:$0x1] =	stream.indirect.gather [hbm4b:s2+s8], $0x80, s3, s8, $0xb8;
	[tilespmem:$0x4080] =	vst v63  }
0x12: {  	_ =	swait.ge [sflag:s9], $0x4000  }
0x13: {  	[sflag:s9] =	ssyncset.done $0x0  }
0x14: {  	[sflag:s9] =	ssyncadd.s32 $0xFFFFC000  }
0x15: {  	[hbm4b:s5+s3] =	stream.linear.scatter [tilespmem:s8], [sflag:$0x2], $0x4000, $0x38;
	[tilespmem:$0x4080] =	vst v63  }
0x16: {  	s12 =	simm.s32 $0x10;
	_ =	swait.ge [sflag:s7], $0x4000  }
0x17: {  	s13 =	simm.s32 $0x20;
	s11 =	sadd.s32 $0x800, s5;
	[sflag:s7] =	ssyncset.done $0x0  }
.LBB2_2:
0x18: {  	s14 =	sadd.s32 s12, s6  }
0x19: {  	[sflag:s7] =	ssyncadd.s32 $0xFFFFC000;
	s12 =	smov.u32 s13;
	s15 =	sadd.s32 $0x10, s13  }
0x1a: {  	[tilespmem:s3], [sflag:$0x2] =	stream.linear.gather [hbm4b:s14+s3], $0x80, $0x38;
	[tilespmem:$0x4080] =	vst v63  }
0x1b: {  	p0 =	sne.s32 s13, $0x270;
	_ =	swait.ge [sflag:s7], $0x80  }
0x1c: {  	[sflag:s7] =	ssyncset.done $0x0  }
0x1d: {  	[sflag:s7] =	ssyncadd.s32 $0xFFFFFF80  }
0x1e: {  	[tilespmem:s8], [sflag:$0x1] =	stream.indirect.gather [hbm4b:s2+s8], $0x80, s3, s8, $0xb8;
	[tilespmem:$0x4080] =	vst v63  }
0x1f: {  	_ =	swait.ge [sflag:s9], $0x4000  }
.Ltmp0:
0x20: {  	[sflag:s9] =	ssyncset.done $0x0;
	(pc) =	sbr.rel @p0 .LBB2_2-.Ltmp0, $4  }
0x21: {  	[sflag:s9] =	ssyncadd.s32 $0xFFFFC000  }
0x22: {  	[hbm4b:s11+s3] =	stream.linear.scatter [tilespmem:s8], [sflag:$0x2], $0x4000, $0x38;
	[tilespmem:$0x4080] =	vst v63  }
0x23: {  	_ =	swait.ge [sflag:s7], $0x4000  }
0x24: {  	s13 =	smov.u32 s15;
	s11 =	sadd.s32 $0x800, s11;
	[sflag:s7] =	ssyncset.done $0x0  }
0x25: {  	s12 =	sadd.s32 s12, s6;
	[sflag:s7] =	ssyncadd.s32 $0xFFFFC000  }
0x26: {  	[tilespmem:s3], [sflag:$0x2] =	stream.linear.gather [hbm4b:s12+s3], $0x80, $0x38;
	[tilespmem:$0x4080] =	vst v63  }
0x27: {  	_ =	swait.ge [sflag:s7], $0x80  }
0x28: {  	[sflag:s7] =	ssyncset.done $0x0  }
0x29: {  	[sflag:s7] =	ssyncadd.s32 $0xFFFFFF80  }
0x2a: {  	[tilespmem:s8], [sflag:$0x1] =	stream.indirect.gather [hbm4b:s2+s8], $0x80, s3, s8, $0xb8;
	[tilespmem:$0x4080] =	vst v63  }
0x2b: {  	s10 =	sadd.s32 $0x1, s10;
	_ =	swait.ge [sflag:s9], $0x4000  }
0x2c: {  	p0 =	sne.s32 s10, s4;
	[sflag:s9] =	ssyncset.done $0x0  }
.Ltmp1:
0x2d: {  	[sflag:s9] =	ssyncadd.s32 $0xFFFFC000;
	(pc) =	sbr.rel @p0 .LBB2_1-.Ltmp1, $4  }
0x2e: {  	[hbm4b:s11+s3] =	stream.linear.scatter [tilespmem:s8], [sflag:$0x2], $0x4000, $0x38;
	[tilespmem:$0x4080] =	vst v63  }
0x2f: {  	_ =	swait.ge [sflag:s7], $0x4000  }
0x30: {  	[sflag:s7] =	ssyncset.done $0x0  }
0x31: {  	[sflag:s7] =	ssyncadd.s32 $0xFFFFC000  }
0x32: {  	_ =	sfence.sel $0x180000  }
0x33: {  	[bflag:$0x0] =	sbarrier.arrive $0xFFFF  }
0x34: {  	p0 =	sne.s32 s1, $0x0;
	_ =	strace $0x90000047  }
0x35: {  	s0 =	sadd.s32 @!p0 $0x100000, s0;
	[bflag:$0x2] =	sbarrier.arrive $0xFFFF  }
0x36: {  	[sflag:s0] =	ssyncadd.tile.s32 @!p0 $0x1;
	_ =	shalt  }
.Lfunc_end2:
_tile_overlayer_lowered:
.L_overlay_start_2:
0x37: {  	(tag) =	ssettag $0x2  }
0x38: {  	s0 =	rddreg [dreg:$0x0];
	s2 =	stileid.u32  }
0x39: {  	s1 =	rddreg [dreg:$0x1];
	p0 =	sne.s32 s2, $0x0  }
0x3a: {  	s3 =	rddreg [dreg:$0x2];
	[bflag:$0x3] =	sbarrier.arrive $0xFFFF;
	s2 =	simm.s32 @!p0 $0x1C02  }
0x3b: {  	[timem:s3], [sflag:s2] =	dma.local @!p0 [hbm:s0], s1  }
0x3c: {  	s0 =	simm.s32 @!p0 $0x2  }
0x3d: {  	_ =	swait.ge @!p0 [sflag:s0], s1  }
0x3e: {  	s1 =	ssub.s32 @!p0 $0x0, s1;
	[sflag:s0] =	ssyncset.done @!p0 $0x0  }
0x3f: {  	[sflag:s0] =	ssyncadd.s32 @!p0 s1  }
0x40: {  	[bflag:$0x3] =	sbarrier.arrive $0xFFFF  }
0x41: {  	_ =	shalt  }

</sc_bundles>
